<compile_context>
chip_gen: v7x
topology: tpu7x:2x2x1
jax: 0.10.2.dev20260603
libtpu: 0.0.44.dev20260713+nightly
codegen_flags: <defaults>
</compile_context>

<pallas_src>
import math

import jax
import jax.numpy as jnp
import numpy as np
from jax import lax
from jax.experimental import pallas as pl
from jax.experimental.pallas import tpu as pltpu
from jax.experimental.pallas import tpu_sc as plsc

NC = 2
NS = 16
NW = NC * NS
K = 80


def _zero_acc(acc, zsrc, s, npt, tail):
    for j in range(npt // K):
        pltpu.sync_copy(zsrc, acc.at[pl.ds(s * npt + j * K, K)])
    rem = npt % K
    if rem:
        pltpu.sync_copy(zsrc.at[pl.ds(0, rem)],
                        acc.at[pl.ds(s * npt + (npt // K) * K, rem)])
    if tail:
        @pl.when(s == NS - 1)
        def _():
            pltpu.sync_copy(zsrc.at[pl.ds(0, tail)],
                            acc.at[pl.ds(NS * npt, tail)])


def _write_out(acc, out_hbm, c, s, npt, tail):
    pltpu.sync_copy(acc.at[pl.ds(s * npt, npt)],
                    out_hbm.at[c, pl.ds(s * npt, npt)])
    if tail:
        @pl.when(s == NS - 1)
        def _():
            pltpu.sync_copy(acc.at[pl.ds(NS * npt, tail)],
                            out_hbm.at[c, pl.ds(NS * npt, tail)])


def _make_deg_kernel(n, e):
    ept = e // NW
    nb = ept // K
    npad = ((n + NS * 128 - 1) // (NS * 128)) * (NS * 128)
    npr = npad // NS
    assert K % 16 == 0

    def body(dst3_hbm, out_hbm, dst_v, hist, red_v, sum_v, stage):
        c = lax.axis_index("c")
        s = lax.axis_index("s")
        wid = c * NS + s

        pltpu.sync_copy(dst3_hbm.at[wid], dst_v)
        zero = jnp.zeros((16,), jnp.float32)

        def fz(i, _):
            hist[pl.ds(i * 16, 16)] = zero
            return 0
        lax.fori_loop(0, npad // 16, fz, 0)

        one = jnp.ones((16,), jnp.float32)

        def step(j, _):
            for i in range(K // 16):
                iv = dst_v[j, pl.ds(16 * i, 16)]
                plsc.addupdate_scatter(hist, [iv], one)
            return 0
        lax.fori_loop(0, nb, step, 0)

        pltpu.sync_copy(hist, stage.at[s])
        plsc.subcore_barrier()

        for r in range(NS):
            pltpu.sync_copy(stage.at[r, pl.ds(s * npr, npr)], red_v.at[r])

        def red(j, _):
            acc16 = red_v[0, pl.ds(16 * j, 16)]
            for r in range(1, NS):
                acc16 = acc16 + red_v[r, pl.ds(16 * j, 16)]
            sum_v[pl.ds(16 * j, 16)] = acc16
            return 0
        lax.fori_loop(0, npr // 16, red, 0)

        pltpu.sync_copy(sum_v, out_hbm.at[c, pl.ds(s * npr, npr)])

    return pl.kernel(
        body,
        out_type=jax.ShapeDtypeStruct((NC, npad), jnp.float32),
        compiler_params=pltpu.CompilerParams(needs_layout_passes=False),
        mesh=plsc.VectorSubcoreMesh(core_axis_name="c", subcore_axis_name="s"),
        scratch_types=[
            pltpu.VMEM((nb, K), jnp.int32),
            pltpu.VMEM((npad,), jnp.float32),
            pltpu.VMEM((NS, npad // NS), jnp.float32),
            pltpu.VMEM((npad // NS,), jnp.float32),
            pltpu.VMEM_SHARED((NS, npad), jnp.float32),
        ],
    )


def _make_agg_kernel(n, e, d):
    assert d == 128
    ept = e // NW
    nb = ept // K
    npt = (n // NS) & ~7
    tail = n - NS * npt
    ch = ((nb // 2 + 23) // 24) * 24
    triples = nb // 3
    rest = nb - 3 * triples
    assert ch % 24 == 0 and nb - ch <= ch and rest == 2

    def body(hp_hbm, src_hbm, dst3_hbm, zeros_hbm, out_hbm,
             src_v, dst_v, rows_a, rows_b, rows_c,
             acc, sem_a, sem_b, sem_c):
        c = lax.axis_index("c")
        s = lax.axis_index("s")
        wid = c * NS + s
        rows = (rows_a, rows_b, rows_c)
        sems = (sem_a, sem_b, sem_c)

        d1 = pltpu.async_copy(src_hbm.at[pl.ds(wid * ept, ept)], src_v,
                              sem_a)
        d2 = pltpu.async_copy(dst3_hbm.at[wid, pl.ds(0, ch)], dst_v, sem_b)
        pltpu.sync_copy(zeros_hbm.at[pl.ds(s * npt, npt)],
                        acc.at[pl.ds(s * npt, npt)])
        if tail:
            @pl.when(s == NS - 1)
            def _():
                pltpu.sync_copy(zeros_hbm.at[pl.ds(NS * npt, tail)],
                                acc.at[pl.ds(NS * npt, tail)])
        d1.wait()
        d2.wait()
        plsc.subcore_barrier()

        def gather(b, buf, sem):
            pltpu.async_copy(hp_hbm.at[src_v.at[pl.ds(b * K, K)]],
                             rows[buf], sems[sem])

        def drain(buf, sem):
            pltpu.make_async_copy(hp_hbm.at[pl.ds(0, K)], rows[buf],
                                  sems[sem]).wait()

        def scatter(b, buf):
            j = jnp.where(b >= ch, b - ch, b)
            pltpu.sync_copy(rows[buf], acc.at[dst_v.at[j]], add=True)

        gather(0, 0, 0)
        gather(1, 1, 1)

        def triple(p, _):
            b = 3 * p

            @pl.when(b == ch)
            def _():
                pltpu.sync_copy(dst3_hbm.at[wid, pl.ds(ch, nb - ch)],
                                dst_v.at[pl.ds(0, nb - ch)])
            for i in range(3):
                drain(i, i)
                gather(b + i + 2, (i + 2) % 3, (i + 2) % 3)
                scatter(b + i, i)
            return 0
        lax.fori_loop(0, triples, triple, 0)
        for i in range(rest):
            b = 3 * triples + i
            drain(b % 3, b % 3)
            scatter(b, b % 3)

        plsc.subcore_barrier()
        _write_out(acc, out_hbm, c, s, npt, tail)

    return pl.kernel(
        body,
        out_type=jax.ShapeDtypeStruct((NC, n, d), jnp.float32),
        mesh=plsc.VectorSubcoreMesh(core_axis_name="c", subcore_axis_name="s"),
        scratch_types=[
            pltpu.VMEM((ept,), jnp.int32),
            pltpu.VMEM((ch, K), jnp.int32),
            pltpu.VMEM((K, d), jnp.float32),
            pltpu.VMEM((K, d), jnp.float32),
            pltpu.VMEM((K, d), jnp.float32),
            pltpu.VMEM_SHARED((n, d), jnp.float32),
            pltpu.SemaphoreType.DMA,
            pltpu.SemaphoreType.DMA,
            pltpu.SemaphoreType.DMA,
        ],
    )


def _dense_first_body(x_ref, w_ref, degp_ref, hp_ref, dinv_ref):
    deg = degp_ref[0] + degp_ref[1] + 1.0
    dinv = lax.rsqrt(deg)
    t = jnp.dot(x_ref[...], w_ref[...], preferred_element_type=jnp.float32)
    hp_ref[...] = t * dinv
    dinv_ref[...] = dinv


def _dense_mid_body(p_ref, hp_ref, dinv_ref, b_ref, g_ref, bt_ref, w_ref,
                    o_ref):
    dinv = dinv_ref[...]
    agg = (p_ref[0] + p_ref[1] + hp_ref[...]) * dinv + b_ref[...]
    scale = g_ref[...] * np.float32(1.0 / math.sqrt(1.0 + 1e-5))
    h = jnp.maximum(agg * scale + bt_ref[...], 0.0)
    o_ref[...] = jnp.dot(h, w_ref[...],
                         preferred_element_type=jnp.float32) * dinv


def _dense_last_body(p_ref, hp_ref, dinv_ref, b_ref, o_ref):
    o_ref[...] = (p_ref[0] + p_ref[1] + hp_ref[...]) * dinv_ref[...] \
        + b_ref[...]


def kernel(x, edge_index, W1, b1, g1, bt1, W2, b2, g2, bt2, W3, b3):
    n, d_in = x.shape
    e = edge_index.shape[1]
    d_h = W1.shape[1]
    d_out = W3.shape[1]
    src = edge_index[0]
    dst = edge_index[1]
    ept = e // NW
    dst3 = dst.reshape(NW, ept // K, K)

    deg_k = _make_deg_kernel(n, e)
    agg_k = _make_agg_kernel(n, e, d_h)
    zerosd = jnp.zeros((n, d_h), jnp.float32)

    f32 = jnp.float32
    degp = deg_k(dst3)
    hp1, dinv = pl.pallas_call(
        _dense_first_body,
        out_shape=(jax.ShapeDtypeStruct((n, d_h), f32),
                   jax.ShapeDtypeStruct((n, 1), f32)),
    )(x, W1, degp[:, :n, None])

    p1 = agg_k(hp1, src, dst3, zerosd)

    hp2 = pl.pallas_call(
        _dense_mid_body,
        out_shape=jax.ShapeDtypeStruct((n, d_h), f32),
    )(p1, hp1, dinv, b1.reshape(1, -1), g1.reshape(1, -1),
      bt1.reshape(1, -1), W2)

    p2 = agg_k(hp2, src, dst3, zerosd)

    hp3 = pl.pallas_call(
        _dense_mid_body,
        out_shape=jax.ShapeDtypeStruct((n, d_out), f32),
    )(p2, hp2, dinv, b2.reshape(1, -1), g2.reshape(1, -1),
      bt2.reshape(1, -1), W3)

    p3 = agg_k(hp3, src, dst3, zerosd)

    out = pl.pallas_call(
        _dense_last_body,
        out_shape=jax.ShapeDtypeStruct((n, d_out), f32),
    )(p3, hp3, dinv, b3.reshape(1, -1))

    return out

# --- scband reference (transcript-rebuilt; emitter-appended) ---
"""Pipeline reference for scband-graph-jepa-20744692040093 (READ-ONLY COPY).

The authoritative reference and input builder live on the scoring server;
editing this copy changes nothing except your own understanding.
"""

import jax, jax.numpy as jnp
import numpy as np

N = 10000
E = 320000
D_IN = 128
D_H = 128
D_OUT = 128


def setup_inputs(seed: int = 0) -> dict:
    key = jax.random.key(seed)
    ks = jax.random.split(key, 16)
    x = jax.random.normal(ks[0], (N, D_IN), dtype=jnp.float32)
    edge_index = jax.random.randint(ks[1], (2, E), 0, N, dtype=jnp.int32)
    s1 = 1.0 / np.sqrt(D_IN)
    s2 = 1.0 / np.sqrt(D_H)
    W1 = jax.random.normal(ks[2], (D_IN, D_H), dtype=jnp.float32) * s1
    b1 = jnp.zeros((D_H,), dtype=jnp.float32)
    g1 = jnp.ones((D_H,), dtype=jnp.float32)
    bt1 = jnp.zeros((D_H,), dtype=jnp.float32)
    W2 = jax.random.normal(ks[3], (D_H, D_H), dtype=jnp.float32) * s2
    b2 = jnp.zeros((D_H,), dtype=jnp.float32)
    g2 = jnp.ones((D_H,), dtype=jnp.float32)
    bt2 = jnp.zeros((D_H,), dtype=jnp.float32)
    W3 = jax.random.normal(ks[4], (D_H, D_OUT), dtype=jnp.float32) * s2
    b3 = jnp.zeros((D_OUT,), dtype=jnp.float32)
    return {"x": x, "edge_index": edge_index, "W1": W1, "b1": b1, "g1": g1, "bt1": bt1, "W2": W2, "b2": b2, "g2": g2, "bt2": bt2, "W3": W3, "b3": b3}


def _gcn_conv(x, W, b, src, dst, n):
    # GCNConv: add self-loops, symmetric normalization, scatter-add aggregation
    loop = jnp.arange(n, dtype=src.dtype)
    src2 = jnp.concatenate([src, loop])
    dst2 = jnp.concatenate([dst, loop])
    deg = jax.ops.segment_sum(jnp.ones_like(dst2, dtype=x.dtype), dst2, num_segments=n)
    dinv = jnp.where(deg > 0, jax.lax.rsqrt(deg), 0.0)
    norm = dinv[src2] * dinv[dst2]
    h = x @ W
    msg = h[src2] * norm[:, None]
    out = jax.ops.segment_sum(msg, dst2, num_segments=n)
    return out + b


def _bn_eval(x, gamma, beta):
    # BatchNorm1d in eval mode with running_mean=0, running_var=1
    return x * (gamma / jnp.sqrt(1.0 + 1e-5)) + beta


def reference(x, edge_index, W1, b1, g1, bt1, W2, b2, g2, bt2, W3, b3):
    # ContextEncoder: 3-layer SimpleGNN (GCNConv -> BN -> ReLU x2, then GCNConv), eval mode (dropout off)
    src = edge_index[0]
    dst = edge_index[1]
    n = x.shape[0]
    h = _gcn_conv(x, W1, b1, src, dst, n)
    h = jax.nn.relu(_bn_eval(h, g1, bt1))
    h = _gcn_conv(h, W2, b2, src, dst, n)
    h = jax.nn.relu(_bn_eval(h, g2, bt2))
    out = _gcn_conv(h, W3, b3, src, dst, n)
    return out

if __name__ == "__main__":
    import jax
    _d = setup_inputs()
    print(jax.jit(kernel)(*tuple(_d.values())))

</pallas_src>

<mosaic_0001>
#map = affine_map<(d0, d1) -> (0, 0)>
#map1 = affine_map<(d0, d1) -> (0)>
#map2 = affine_map<(d0, d1) -> (0, 0, 0)>
module attributes {stable_mosaic.version = 14 : i64} {
  func.func @body(%arg0: i32, %arg1: i32, %arg2: memref<10000x128xf32, #tpu.memory_space<hbm>>, %arg3: memref<320000xi32, #tpu.memory_space<hbm>>, %arg4: memref<32x125x80xi32, #tpu.memory_space<hbm>>, %arg5: memref<10000x128xf32, #tpu.memory_space<hbm>>, %arg6: memref<2x10000x128xf32, #tpu.memory_space<hbm>>, %arg7: memref<10000xi32, #tpu.memory_space<vmem>>, %arg8: memref<72x80xi32, #tpu.memory_space<vmem>>, %arg9: memref<80x128xf32, #tpu.memory_space<vmem>>, %arg10: memref<80x128xf32, #tpu.memory_space<vmem>>, %arg11: memref<80x128xf32, #tpu.memory_space<vmem>>, %arg12: memref<10000x128xf32, #tpu.memory_space<vmem_shared>>, %arg13: memref<!tpu.dma_semaphore, #tpu.memory_space<semaphore_mem>>, %arg14: memref<!tpu.dma_semaphore, #tpu.memory_space<semaphore_mem>>, %arg15: memref<!tpu.dma_semaphore, #tpu.memory_space<semaphore_mem>>) attributes {dimension_semantics = [#tpu.dimension_semantics<core_parallel>, #tpu.dimension_semantics<subcore_parallel>], iteration_bounds = array<i64: 2, 16>, scalar_prefetch = 0 : i64, scratch_operands = 9 : i64, tpu.core_type = #tpu.core_type<sc_vector_subcore>, window_params = [{transform_indices = #map}, {transform_indices = #map1}, {transform_indices = #map2}, {transform_indices = #map}, {transform_indices = #map2}]} {
    %mul3A = arith.constant 16 : i32
    %mul3A_0 = arith.muli %arg0, %mul3A : i32
    %add3A = arith.addi %mul3A_0, %arg1 : i32
    %mul3A_1 = arith.constant 10000 : i32
    %mul3A_2 = arith.muli %add3A, %mul3A_1 : i32
    %dma_start3A = tpu.memref_slice %arg3[%mul3A_2] : memref<320000xi32, #tpu.memory_space<hbm>> -> memref<10000xi32, #tpu.memory_space<hbm>>
    %dma_start3A_3 = tpu.memref_slice %arg3[%mul3A_2] : memref<320000xi32, #tpu.memory_space<hbm>> -> memref<10000xi32, #tpu.memory_space<hbm>>
    tpu.enqueue_dma source(%dma_start3A_3 : memref<10000xi32, #tpu.memory_space<hbm>>) target(%arg7 : memref<10000xi32, #tpu.memory_space<vmem>>) target_semaphore(%arg13 : memref<!tpu.dma_semaphore, #tpu.memory_space<semaphore_mem>>)
    %dma_start3A_4 = arith.constant 0 : i32
    %dma_start3A_5 = arith.constant 0 : i32
    %dma_start3A_6 = tpu.memref_slice %arg4[%add3A, %dma_start3A_4, %dma_start3A_5] : memref<32x125x80xi32, #tpu.memory_space<hbm>> -> memref<1x72x80xi32, #tpu.memory_space<hbm>>
    %dma_start3A_7 = tpu.memref_squeeze %dma_start3A_6 : memref<1x72x80xi32, #tpu.memory_space<hbm>> -> memref<72x80xi32, #tpu.memory_space<hbm>>
    %dma_start3A_8 = arith.constant 0 : i32
    %dma_start3A_9 = arith.constant 0 : i32
    %dma_start3A_10 = tpu.memref_slice %arg4[%add3A, %dma_start3A_8, %dma_start3A_9] : memref<32x125x80xi32, #tpu.memory_space<hbm>> -> memref<1x72x80xi32, #tpu.memory_space<hbm>>
    %dma_start3A_11 = tpu.memref_squeeze %dma_start3A_10 : memref<1x72x80xi32, #tpu.memory_space<hbm>> -> memref<72x80xi32, #tpu.memory_space<hbm>>
    tpu.enqueue_dma source(%dma_start3A_11 : memref<72x80xi32, #tpu.memory_space<hbm>>) target(%arg8 : memref<72x80xi32, #tpu.memory_space<vmem>>) target_semaphore(%arg14 : memref<!tpu.dma_semaphore, #tpu.memory_space<semaphore_mem>>)
    %mul3A_12 = arith.constant 624 : i32
    %mul3A_13 = arith.muli %arg1, %mul3A_12 : i32
    %mul3A_14 = arith.constant 624 : i32
    %mul3A_15 = arith.muli %arg1, %mul3A_14 : i32
    "tpu.region"() ({
      %run_scoped3A = tpu.sem_alloc : memref<!tpu.dma_semaphore, #tpu.memory_space<semaphore_mem>>
      %dma_start3A_71 = arith.constant 0 : i32
      %dma_start3A_72 = tpu.memref_slice %arg12[%mul3A_15, %dma_start3A_71] : memref<10000x128xf32, #tpu.memory_space<vmem_shared>> -> memref<624x128xf32, #tpu.memory_space<vmem_shared>>
      %dma_start3A_73 = arith.constant 0 : i32
      %dma_start3A_74 = tpu.memref_slice %arg5[%mul3A_13, %dma_start3A_73] : memref<10000x128xf32, #tpu.memory_space<hbm>> -> memref<624x128xf32, #tpu.memory_space<hbm>>
      tpu.enqueue_dma source(%dma_start3A_74 : memref<624x128xf32, #tpu.memory_space<hbm>>) target(%dma_start3A_72 : memref<624x128xf32, #tpu.memory_space<vmem_shared>>) target_semaphore(%run_scoped3A : memref<!tpu.dma_semaphore, #tpu.memory_space<semaphore_mem>>)
      %dma_wait3A_75 = arith.constant 0 : i32
      %dma_wait3A_76 = tpu.memref_slice %arg12[%mul3A_15, %dma_wait3A_75] : memref<10000x128xf32, #tpu.memory_space<vmem_shared>> -> memref<624x128xf32, #tpu.memory_space<vmem_shared>>
      %dma_wait3A_77 = arith.constant 0 : i32
      %dma_wait3A_78 = tpu.memref_slice %arg5[%mul3A_13, %dma_wait3A_77] : memref<10000x128xf32, #tpu.memory_space<hbm>> -> memref<624x128xf32, #tpu.memory_space<hbm>>
      tpu.wait_dma2 semaphore(%run_scoped3A : memref<!tpu.dma_semaphore, #tpu.memory_space<semaphore_mem>>) src(%dma_wait3A_78 : memref<624x128xf32, #tpu.memory_space<hbm>>) dst(%dma_wait3A_76 : memref<624x128xf32, #tpu.memory_space<vmem_shared>>)
      tpu.yield
    }) : () -> ()
    %eq3A = arith.constant 15 : i32
    %eq3A_16 = arith.cmpi eq, %arg1, %eq3A : i32
    %convert_element_type3A = arith.extui %eq3A_16 : i1 to i32
    %cond3A = arith.constant 0 : i32
    %cond3A_17 = arith.cmpi ne, %convert_element_type3A, %cond3A : i32
    scf.if %cond3A_17 {
      "tpu.region"() ({
        %run_scoped3A = tpu.sem_alloc : memref<!tpu.dma_semaphore, #tpu.memory_space<semaphore_mem>>
        %dma_start3A_71 = arith.constant 9984 : i32
        %dma_start3A_72 = arith.constant 0 : i32
        %dma_start3A_73 = tpu.memref_slice %arg12[%dma_start3A_71, %dma_start3A_72] : memref<10000x128xf32, #tpu.memory_space<vmem_shared>> -> memref<16x128xf32, #tpu.memory_space<vmem_shared>>
        %dma_start3A_74 = arith.constant 9984 : i32
        %dma_start3A_75 = arith.constant 0 : i32
        %dma_start3A_76 = tpu.memref_slice %arg5[%dma_start3A_74, %dma_start3A_75] : memref<10000x128xf32, #tpu.memory_space<hbm>> -> memref<16x128xf32, #tpu.memory_space<hbm>>
        tpu.enqueue_dma source(%dma_start3A_76 : memref<16x128xf32, #tpu.memory_space<hbm>>) target(%dma_start3A_73 : memref<16x128xf32, #tpu.memory_space<vmem_shared>>) target_semaphore(%run_scoped3A : memref<!tpu.dma_semaphore, #tpu.memory_space<semaphore_mem>>)
        %dma_wait3A_77 = arith.constant 9984 : i32
        %dma_wait3A_78 = arith.constant 0 : i32
        %dma_wait3A_79 = tpu.memref_slice %arg12[%dma_wait3A_77, %dma_wait3A_78] : memref<10000x128xf32, #tpu.memory_space<vmem_shared>> -> memref<16x128xf32, #tpu.memory_space<vmem_shared>>
        %dma_wait3A_80 = arith.constant 9984 : i32
        %dma_wait3A_81 = arith.constant 0 : i32
        %dma_wait3A_82 = tpu.memref_slice %arg5[%dma_wait3A_80, %dma_wait3A_81] : memref<10000x128xf32, #tpu.memory_space<hbm>> -> memref<16x128xf32, #tpu.memory_space<hbm>>
        tpu.wait_dma2 semaphore(%run_scoped3A : memref<!tpu.dma_semaphore, #tpu.memory_space<semaphore_mem>>) src(%dma_wait3A_82 : memref<16x128xf32, #tpu.memory_space<hbm>>) dst(%dma_wait3A_79 : memref<16x128xf32, #tpu.memory_space<vmem_shared>>)
        tpu.yield
      }) : () -> ()
    } else {
    }
    %dma_wait3A = tpu.memref_slice %arg3[%mul3A_2] : memref<320000xi32, #tpu.memory_space<hbm>> -> memref<10000xi32, #tpu.memory_space<hbm>>
    %dma_wait3A_18 = tpu.memref_slice %arg3[%mul3A_2] : memref<320000xi32, #tpu.memory_space<hbm>> -> memref<10000xi32, #tpu.memory_space<hbm>>
    tpu.wait_dma2 semaphore(%arg13 : memref<!tpu.dma_semaphore, #tpu.memory_space<semaphore_mem>>) src(%dma_wait3A_18 : memref<10000xi32, #tpu.memory_space<hbm>>) dst(%arg7 : memref<10000xi32, #tpu.memory_space<vmem>>)
    %dma_wait3A_19 = arith.constant 0 : i32
    %dma_wait3A_20 = arith.constant 0 : i32
    %dma_wait3A_21 = tpu.memref_slice %arg4[%add3A, %dma_wait3A_19, %dma_wait3A_20] : memref<32x125x80xi32, #tpu.memory_space<hbm>> -> memref<1x72x80xi32, #tpu.memory_space<hbm>>
    %dma_wait3A_22 = tpu.memref_squeeze %dma_wait3A_21 : memref<1x72x80xi32, #tpu.memory_space<hbm>> -> memref<72x80xi32, #tpu.memory_space<hbm>>
    %dma_wait3A_23 = arith.constant 0 : i32
    %dma_wait3A_24 = arith.constant 0 : i32
    %dma_wait3A_25 = tpu.memref_slice %arg4[%add3A, %dma_wait3A_23, %dma_wait3A_24] : memref<32x125x80xi32, #tpu.memory_space<hbm>> -> memref<1x72x80xi32, #tpu.memory_space<hbm>>
    %dma_wait3A_26 = tpu.memref_squeeze %dma_wait3A_25 : memref<1x72x80xi32, #tpu.memory_space<hbm>> -> memref<72x80xi32, #tpu.memory_space<hbm>>
    tpu.wait_dma2 semaphore(%arg14 : memref<!tpu.dma_semaphore, #tpu.memory_space<semaphore_mem>>) src(%dma_wait3A_26 : memref<72x80xi32, #tpu.memory_space<hbm>>) dst(%arg8 : memref<72x80xi32, #tpu.memory_space<vmem>>)
    %barrier3A = arith.constant 0 : index
    tpu.barrier barrier_id(%barrier3A)
    %dma_start3A_27 = arith.constant 0 : i32
    %dma_start3A_28 = tpu.memref_slice %arg7[%dma_start3A_27] : memref<10000xi32, #tpu.memory_space<vmem>> -> memref<80xi32, #tpu.memory_space<vmem>>
    %dma_start3A_29 = arith.constant 0 : i32
    %dma_start3A_30 = arith.constant 0 : i32
    %dma_start3A_31 = tpu.memref_slice %arg2[%dma_start3A_29, %dma_start3A_30] : memref<10000x128xf32, #tpu.memory_space<hbm>> -> memref<10000x128xf32, #tpu.memory_space<hbm>>
    tpu.enqueue_indirect_dma source(%dma_start3A_31 : memref<10000x128xf32, #tpu.memory_space<hbm>>) target(%arg9 : memref<80x128xf32, #tpu.memory_space<vmem>>) offsets(%dma_start3A_28 : memref<80xi32, #tpu.memory_space<vmem>>) semaphore(%arg13 : memref<!tpu.dma_semaphore, #tpu.memory_space<semaphore_mem>>)
    %dma_start3A_32 = arith.constant 80 : i32
    %dma_start3A_33 = tpu.memref_slice %arg7[%dma_start3A_32] : memref<10000xi32, #tpu.memory_space<vmem>> -> memref<80xi32, #tpu.memory_space<vmem>>
    %dma_start3A_34 = arith.constant 0 : i32
    %dma_start3A_35 = arith.constant 0 : i32
    %dma_start3A_36 = tpu.memref_slice %arg2[%dma_start3A_34, %dma_start3A_35] : memref<10000x128xf32, #tpu.memory_space<hbm>> -> memref<10000x128xf32, #tpu.memory_space<hbm>>
    tpu.enqueue_indirect_dma source(%dma_start3A_36 : memref<10000x128xf32, #tpu.memory_space<hbm>>) target(%arg10 : memref<80x128xf32, #tpu.memory_space<vmem>>) offsets(%dma_start3A_33 : memref<80xi32, #tpu.memory_space<vmem>>) semaphore(%arg14 : memref<!tpu.dma_semaphore, #tpu.memory_space<semaphore_mem>>)
    %scan3A = arith.constant 0 : i32
    %scan3A_37 = arith.constant 0 : i32
    %scan3A_38 = arith.constant 41 : i32
    %scan3A_39 = arith.addi %scan3A_37, %scan3A_38 : i32
    %scan3A_40 = arith.constant 1 : i32
    %scan3A_41 = scf.for %scan3A_71 = %scan3A_37 to %scan3A_39 step %scan3A_40 iter_args(%scan3A_72 = %scan3A) -> (i32)  : i32 {
      %mul3A_73 = arith.constant 3 : i32
      %mul3A_74 = arith.muli %mul3A_73, %scan3A_71 : i32
      %eq3A_75 = arith.constant 72 : i32
      %eq3A_76 = arith.cmpi eq, %mul3A_74, %eq3A_75 : i32
      %convert_element_type3A_77 = arith.extui %eq3A_76 : i1 to i32
      %cond3A_78 = arith.constant 0 : i32
      %cond3A_79 = arith.cmpi ne, %convert_element_type3A_77, %cond3A_78 : i32
      scf.if %cond3A_79 {
        "tpu.region"() ({
          %run_scoped3A = tpu.sem_alloc : memref<!tpu.dma_semaphore, #tpu.memory_space<semaphore_mem>>
          %dma_start3A_148 = arith.constant 0 : i32
          %dma_start3A_149 = arith.constant 0 : i32
          %dma_start3A_150 = tpu.memref_slice %arg8[%dma_start3A_148, %dma_start3A_149] : memref<72x80xi32, #tpu.memory_space<vmem>> -> memref<53x80xi32, #tpu.memory_space<vmem>>
          %dma_start3A_151 = arith.constant 72 : i32
          %dma_start3A_152 = arith.constant 0 : i32
          %dma_start3A_153 = tpu.memref_slice %arg4[%add3A, %dma_start3A_151, %dma_start3A_152] : memref<32x125x80xi32, #tpu.memory_space<hbm>> -> memref<1x53x80xi32, #tpu.memory_space<hbm>>
          %dma_start3A_154 = tpu.memref_squeeze %dma_start3A_153 : memref<1x53x80xi32, #tpu.memory_space<hbm>> -> memref<53x80xi32, #tpu.memory_space<hbm>>
          %dma_start3A_155 = arith.constant 0 : i32
          %dma_start3A_156 = arith.constant 0 : i32
          %dma_start3A_157 = tpu.memref_slice %arg8[%dma_start3A_155, %dma_start3A_156] : memref<72x80xi32, #tpu.memory_space<vmem>> -> memref<53x80xi32, #tpu.memory_space<vmem>>
          %dma_start3A_158 = arith.constant 72 : i32
          %dma_start3A_159 = arith.constant 0 : i32
          %dma_start3A_160 = tpu.memref_slice %arg4[%add3A, %dma_start3A_158, %dma_start3A_159] : memref<32x125x80xi32, #tpu.memory_space<hbm>> -> memref<1x53x80xi32, #tpu.memory_space<hbm>>
          %dma_start3A_161 = tpu.memref_squeeze %dma_start3A_160 : memref<1x53x80xi32, #tpu.memory_space<hbm>> -> memref<53x80xi32, #tpu.memory_space<hbm>>
          tpu.enqueue_dma source(%dma_start3A_161 : memref<53x80xi32, #tpu.memory_space<hbm>>) target(%dma_start3A_157 : memref<53x80xi32, #tpu.memory_space<vmem>>) target_semaphore(%run_scoped3A : memref<!tpu.dma_semaphore, #tpu.memory_space<semaphore_mem>>)
          %dma_wait3A_162 = arith.constant 0 : i32
          %dma_wait3A_163 = arith.constant 0 : i32
          %dma_wait3A_164 = tpu.memref_slice %arg8[%dma_wait3A_162, %dma_wait3A_163] : memref<72x80xi32, #tpu.memory_space<vmem>> -> memref<53x80xi32, #tpu.memory_space<vmem>>
          %dma_wait3A_165 = arith.constant 72 : i32
          %dma_wait3A_166 = arith.constant 0 : i32
          %dma_wait3A_167 = tpu.memref_slice %arg4[%add3A, %dma_wait3A_165, %dma_wait3A_166] : memref<32x125x80xi32, #tpu.memory_space<hbm>> -> memref<1x53x80xi32, #tpu.memory_space<hbm>>
          %dma_wait3A_168 = tpu.memref_squeeze %dma_wait3A_167 : memref<1x53x80xi32, #tpu.memory_space<hbm>> -> memref<53x80xi32, #tpu.memory_space<hbm>>
          %dma_wait3A_169 = arith.constant 0 : i32
          %dma_wait3A_170 = arith.constant 0 : i32
          %dma_wait3A_171 = tpu.memref_slice %arg8[%dma_wait3A_169, %dma_wait3A_170] : memref<72x80xi32, #tpu.memory_space<vmem>> -> memref<53x80xi32, #tpu.memory_space<vmem>>
          %dma_wait3A_172 = arith.constant 72 : i32
          %dma_wait3A_173 = arith.constant 0 : i32
          %dma_wait3A_174 = tpu.memref_slice %arg4[%add3A, %dma_wait3A_172, %dma_wait3A_173] : memref<32x125x80xi32, #tpu.memory_space<hbm>> -> memref<1x53x80xi32, #tpu.memory_space<hbm>>
          %dma_wait3A_175 = tpu.memref_squeeze %dma_wait3A_174 : memref<1x53x80xi32, #tpu.memory_space<hbm>> -> memref<53x80xi32, #tpu.memory_space<hbm>>
          tpu.wait_dma2 semaphore(%run_scoped3A : memref<!tpu.dma_semaphore, #tpu.memory_space<semaphore_mem>>) src(%dma_wait3A_175 : memref<53x80xi32, #tpu.memory_space<hbm>>) dst(%dma_wait3A_171 : memref<53x80xi32, #tpu.memory_space<vmem>>)
          tpu.yield
        }) : () -> ()
      } else {
      }
      %dma_wait3A_80 = arith.constant 0 : i32
      %dma_wait3A_81 = arith.constant 0 : i32
      %dma_wait3A_82 = tpu.memref_slice %arg2[%dma_wait3A_80, %dma_wait3A_81] : memref<10000x128xf32, #tpu.memory_space<hbm>> -> memref<80x128xf32, #tpu.memory_space<hbm>>
      %dma_wait3A_83 = arith.constant 0 : i32
      %dma_wait3A_84 = arith.constant 0 : i32
      %dma_wait3A_85 = tpu.memref_slice %arg2[%dma_wait3A_83, %dma_wait3A_84] : memref<10000x128xf32, #tpu.memory_space<hbm>> -> memref<80x128xf32, #tpu.memory_space<hbm>>
      tpu.wait_dma2 semaphore(%arg13 : memref<!tpu.dma_semaphore, #tpu.memory_space<semaphore_mem>>) src(%dma_wait3A_85 : memref<80x128xf32, #tpu.memory_space<hbm>>) dst(%arg9 : memref<80x128xf32, #tpu.memory_space<vmem>>)
      %add3A_86 = arith.constant 0 : i32
      %add3A_87 = arith.addi %mul3A_74, %add3A_86 : i32
      %add3A_88 = arith.constant 2 : i32
      %add3A_89 = arith.addi %add3A_87, %add3A_88 : i32
      %mul3A_90 = arith.constant 80 : i32
      %mul3A_91 = arith.muli %add3A_89, %mul3A_90 : i32
      %dma_start3A_92 = tpu.memref_slice %arg7[%mul3A_91] : memref<10000xi32, #tpu.memory_space<vmem>> -> memref<80xi32, #tpu.memory_space<vmem>>
      %dma_start3A_93 = arith.constant 0 : i32
      %dma_start3A_94 = arith.constant 0 : i32
      %dma_start3A_95 = tpu.memref_slice %arg2[%dma_start3A_93, %dma_start3A_94] : memref<10000x128xf32, #tpu.memory_space<hbm>> -> memref<10000x128xf32, #tpu.memory_space<hbm>>
      tpu.enqueue_indirect_dma source(%dma_start3A_95 : memref<10000x128xf32, #tpu.memory_space<hbm>>) target(%arg11 : memref<80x128xf32, #tpu.memory_space<vmem>>) offsets(%dma_start3A_92 : memref<80xi32, #tpu.memory_space<vmem>>) semaphore(%arg15 : memref<!tpu.dma_semaphore, #tpu.memory_space<semaphore_mem>>)
      %add3A_96 = arith.constant 0 : i32
      %add3A_97 = arith.addi %mul3A_74, %add3A_96 : i32
      %ge3A = arith.constant 72 : i32
      %ge3A_98 = arith.cmpi sge, %add3A_97, %ge3A : i32
      %sub3A = arith.constant 72 : i32
      %sub3A_99 = arith.subi %add3A_97, %sub3A : i32
      %select_n3A_100 = arith.select %ge3A_98, %sub3A_99, %add3A_97 : i32
      "tpu.region"() ({
        %run_scoped3A = tpu.sem_alloc : memref<!tpu.dma_semaphore, #tpu.memory_space<semaphore_mem>>
        %dma_start3A_148 = arith.constant 0 : i32
        %dma_start3A_149 = tpu.memref_slice %arg8[%select_n3A_100, %dma_start3A_148] : memref<72x80xi32, #tpu.memory_space<vmem>> -> memref<1x80xi32, #tpu.memory_space<vmem>>
        %dma_start3A_150 = tpu.memref_squeeze %dma_start3A_149 : memref<1x80xi32, #tpu.memory_space<vmem>> -> memref<80xi32, #tpu.memory_space<vmem>>
        %dma_start3A_151 = arith.constant 0 : i32
        %dma_start3A_152 = arith.constant 0 : i32
        %dma_start3A_153 = tpu.memref_slice %arg12[%dma_start3A_151, %dma_start3A_152] : memref<10000x128xf32, #tpu.memory_space<vmem_shared>> -> memref<10000x128xf32, #tpu.memory_space<vmem_shared>>
        tpu.enqueue_indirect_dma source(%arg9 : memref<80x128xf32, #tpu.memory_space<vmem>>) target(%dma_start3A_153 : memref<10000x128xf32, #tpu.memory_space<vmem_shared>>) offsets(%dma_start3A_150 : memref<80xi32, #tpu.memory_space<vmem>>) semaphore(%run_scoped3A : memref<!tpu.dma_semaphore, #tpu.memory_space<semaphore_mem>>) {add = true}
        %dma_wait3A_154 = arith.constant 0 : i32
        %dma_wait3A_155 = tpu.memref_slice %arg8[%select_n3A_100, %dma_wait3A_154] : memref<72x80xi32, #tpu.memory_space<vmem>> -> memref<1x80xi32, #tpu.memory_space<vmem>>
        %dma_wait3A_156 = tpu.memref_squeeze %dma_wait3A_155 : memref<1x80xi32, #tpu.memory_space<vmem>> -> memref<80xi32, #tpu.memory_space<vmem>>
        %dma_wait3A_157 = arith.constant 0 : i32
        %dma_wait3A_158 = arith.constant 0 : i32
        %dma_wait3A_159 = tpu.memref_slice %arg12[%dma_wait3A_157, %dma_wait3A_158] : memref<10000x128xf32, #tpu.memory_space<vmem_shared>> -> memref<10000x128xf32, #tpu.memory_space<vmem_shared>>
        tpu.wait_indirect_dma semaphore(%run_scoped3A : memref<!tpu.dma_semaphore, #tpu.memory_space<semaphore_mem>>) src(%arg9 : memref<80x128xf32, #tpu.memory_space<vmem>>) dst(%dma_wait3A_159 : memref<10000x128xf32, #tpu.memory_space<vmem_shared>>)
        tpu.yield
      }) : () -> ()
      %dma_wait3A_101 = arith.constant 0 : i32
      %dma_wait3A_102 = arith.constant 0 : i32
      %dma_wait3A_103 = tpu.memref_slice %arg2[%dma_wait3A_101, %dma_wait3A_102] : memref<10000x128xf32, #tpu.memory_space<hbm>> -> memref<80x128xf32, #tpu.memory_space<hbm>>
      %dma_wait3A_104 = arith.constant 0 : i32
      %dma_wait3A_105 = arith.constant 0 : i32
      %dma_wait3A_106 = tpu.memref_slice %arg2[%dma_wait3A_104, %dma_wait3A_105] : memref<10000x128xf32, #tpu.memory_space<hbm>> -> memref<80x128xf32, #tpu.memory_space<hbm>>
      tpu.wait_dma2 semaphore(%arg14 : memref<!tpu.dma_semaphore, #tpu.memory_space<semaphore_mem>>) src(%dma_wait3A_106 : memref<80x128xf32, #tpu.memory_space<hbm>>) dst(%arg10 : memref<80x128xf32, #tpu.memory_space<vmem>>)
      %add3A_107 = arith.constant 1 : i32
      %add3A_108 = arith.addi %mul3A_74, %add3A_107 : i32
      %add3A_109 = arith.constant 2 : i32
      %add3A_110 = arith.addi %add3A_108, %add3A_109 : i32
      %mul3A_111 = arith.constant 80 : i32
      %mul3A_112 = arith.muli %add3A_110, %mul3A_111 : i32
      %dma_start3A_113 = tpu.memref_slice %arg7[%mul3A_112] : memref<10000xi32, #tpu.memory_space<vmem>> -> memref<80xi32, #tpu.memory_space<vmem>>
      %dma_start3A_114 = arith.constant 0 : i32
      %dma_start3A_115 = arith.constant 0 : i32
      %dma_start3A_116 = tpu.memref_slice %arg2[%dma_start3A_114, %dma_start3A_115] : memref<10000x128xf32, #tpu.memory_space<hbm>> -> memref<10000x128xf32, #tpu.memory_space<hbm>>
      tpu.enqueue_indirect_dma source(%dma_start3A_116 : memref<10000x128xf32, #tpu.memory_space<hbm>>) target(%arg9 : memref<80x128xf32, #tpu.memory_space<vmem>>) offsets(%dma_start3A_113 : memref<80xi32, #tpu.memory_space<vmem>>) semaphore(%arg13 : memref<!tpu.dma_semaphore, #tpu.memory_space<semaphore_mem>>)
      %add3A_117 = arith.constant 1 : i32
      %add3A_118 = arith.addi %mul3A_74, %add3A_117 : i32
      %ge3A_119 = arith.constant 72 : i32
      %ge3A_120 = arith.cmpi sge, %add3A_118, %ge3A_119 : i32
      %sub3A_121 = arith.constant 72 : i32
      %sub3A_122 = arith.subi %add3A_118, %sub3A_121 : i32
      %select_n3A_123 = arith.select %ge3A_120, %sub3A_122, %add3A_118 : i32
      "tpu.region"() ({
        %run_scoped3A = tpu.sem_alloc : memref<!tpu.dma_semaphore, #tpu.memory_space<semaphore_mem>>
        %dma_start3A_148 = arith.constant 0 : i32
        %dma_start3A_149 = tpu.memref_slice %arg8[%select_n3A_123, %dma_start3A_148] : memref<72x80xi32, #tpu.memory_space<vmem>> -> memref<1x80xi32, #tpu.memory_space<vmem>>
        %dma_start3A_150 = tpu.memref_squeeze %dma_start3A_149 : memref<1x80xi32, #tpu.memory_space<vmem>> -> memref<80xi32, #tpu.memory_space<vmem>>
        %dma_start3A_151 = arith.constant 0 : i32
        %dma_start3A_152 = arith.constant 0 : i32
        %dma_start3A_153 = tpu.memref_slice %arg12[%dma_start3A_151, %dma_start3A_152] : memref<10000x128xf32, #tpu.memory_space<vmem_shared>> -> memref<10000x128xf32, #tpu.memory_space<vmem_shared>>
        tpu.enqueue_indirect_dma source(%arg10 : memref<80x128xf32, #tpu.memory_space<vmem>>) target(%dma_start3A_153 : memref<10000x128xf32, #tpu.memory_space<vmem_shared>>) offsets(%dma_start3A_150 : memref<80xi32, #tpu.memory_space<vmem>>) semaphore(%run_scoped3A : memref<!tpu.dma_semaphore, #tpu.memory_space<semaphore_mem>>) {add = true}
        %dma_wait3A_154 = arith.constant 0 : i32
        %dma_wait3A_155 = tpu.memref_slice %arg8[%select_n3A_123, %dma_wait3A_154] : memref<72x80xi32, #tpu.memory_space<vmem>> -> memref<1x80xi32, #tpu.memory_space<vmem>>
        %dma_wait3A_156 = tpu.memref_squeeze %dma_wait3A_155 : memref<1x80xi32, #tpu.memory_space<vmem>> -> memref<80xi32, #tpu.memory_space<vmem>>
        %dma_wait3A_157 = arith.constant 0 : i32
        %dma_wait3A_158 = arith.constant 0 : i32
        %dma_wait3A_159 = tpu.memref_slice %arg12[%dma_wait3A_157, %dma_wait3A_158] : memref<10000x128xf32, #tpu.memory_space<vmem_shared>> -> memref<10000x128xf32, #tpu.memory_space<vmem_shared>>
        tpu.wait_indirect_dma semaphore(%run_scoped3A : memref<!tpu.dma_semaphore, #tpu.memory_space<semaphore_mem>>) src(%arg10 : memref<80x128xf32, #tpu.memory_space<vmem>>) dst(%dma_wait3A_159 : memref<10000x128xf32, #tpu.memory_space<vmem_shared>>)
        tpu.yield
      }) : () -> ()
      %dma_wait3A_124 = arith.constant 0 : i32
      %dma_wait3A_125 = arith.constant 0 : i32
      %dma_wait3A_126 = tpu.memref_slice %arg2[%dma_wait3A_124, %dma_wait3A_125] : memref<10000x128xf32, #tpu.memory_space<hbm>> -> memref<80x128xf32, #tpu.memory_space<hbm>>
      %dma_wait3A_127 = arith.constant 0 : i32
      %dma_wait3A_128 = arith.constant 0 : i32
      %dma_wait3A_129 = tpu.memref_slice %arg2[%dma_wait3A_127, %dma_wait3A_128] : memref<10000x128xf32, #tpu.memory_space<hbm>> -> memref<80x128xf32, #tpu.memory_space<hbm>>
      tpu.wait_dma2 semaphore(%arg15 : memref<!tpu.dma_semaphore, #tpu.memory_space<semaphore_mem>>) src(%dma_wait3A_129 : memref<80x128xf32, #tpu.memory_space<hbm>>) dst(%arg11 : memref<80x128xf32, #tpu.memory_space<vmem>>)
      %add3A_130 = arith.constant 2 : i32
      %add3A_131 = arith.addi %mul3A_74, %add3A_130 : i32
      %add3A_132 = arith.constant 2 : i32
      %add3A_133 = arith.addi %add3A_131, %add3A_132 : i32
      %mul3A_134 = arith.constant 80 : i32
      %mul3A_135 = arith.muli %add3A_133, %mul3A_134 : i32
      %dma_start3A_136 = tpu.memref_slice %arg7[%mul3A_135] : memref<10000xi32, #tpu.memory_space<vmem>> -> memref<80xi32, #tpu.memory_space<vmem>>
      %dma_start3A_137 = arith.constant 0 : i32
      %dma_start3A_138 = arith.constant 0 : i32
      %dma_start3A_139 = tpu.memref_slice %arg2[%dma_start3A_137, %dma_start3A_138] : memref<10000x128xf32, #tpu.memory_space<hbm>> -> memref<10000x128xf32, #tpu.memory_space<hbm>>
      tpu.enqueue_indirect_dma source(%dma_start3A_139 : memref<10000x128xf32, #tpu.memory_space<hbm>>) target(%arg10 : memref<80x128xf32, #tpu.memory_space<vmem>>) offsets(%dma_start3A_136 : memref<80xi32, #tpu.memory_space<vmem>>) semaphore(%arg14 : memref<!tpu.dma_semaphore, #tpu.memory_space<semaphore_mem>>)
      %add3A_140 = arith.constant 2 : i32
      %add3A_141 = arith.addi %mul3A_74, %add3A_140 : i32
      %ge3A_142 = arith.constant 72 : i32
      %ge3A_143 = arith.cmpi sge, %add3A_141, %ge3A_142 : i32
      %sub3A_144 = arith.constant 72 : i32
      %sub3A_145 = arith.subi %add3A_141, %sub3A_144 : i32
      %select_n3A_146 = arith.select %ge3A_143, %sub3A_145, %add3A_141 : i32
      "tpu.region"() ({
        %run_scoped3A = tpu.sem_alloc : memref<!tpu.dma_semaphore, #tpu.memory_space<semaphore_mem>>
        %dma_start3A_148 = arith.constant 0 : i32
        %dma_start3A_149 = tpu.memref_slice %arg8[%select_n3A_146, %dma_start3A_148] : memref<72x80xi32, #tpu.memory_space<vmem>> -> memref<1x80xi32, #tpu.memory_space<vmem>>
        %dma_start3A_150 = tpu.memref_squeeze %dma_start3A_149 : memref<1x80xi32, #tpu.memory_space<vmem>> -> memref<80xi32, #tpu.memory_space<vmem>>
        %dma_start3A_151 = arith.constant 0 : i32
        %dma_start3A_152 = arith.constant 0 : i32
        %dma_start3A_153 = tpu.memref_slice %arg12[%dma_start3A_151, %dma_start3A_152] : memref<10000x128xf32, #tpu.memory_space<vmem_shared>> -> memref<10000x128xf32, #tpu.memory_space<vmem_shared>>
        tpu.enqueue_indirect_dma source(%arg11 : memref<80x128xf32, #tpu.memory_space<vmem>>) target(%dma_start3A_153 : memref<10000x128xf32, #tpu.memory_space<vmem_shared>>) offsets(%dma_start3A_150 : memref<80xi32, #tpu.memory_space<vmem>>) semaphore(%run_scoped3A : memref<!tpu.dma_semaphore, #tpu.memory_space<semaphore_mem>>) {add = true}
        %dma_wait3A_154 = arith.constant 0 : i32
        %dma_wait3A_155 = tpu.memref_slice %arg8[%select_n3A_146, %dma_wait3A_154] : memref<72x80xi32, #tpu.memory_space<vmem>> -> memref<1x80xi32, #tpu.memory_space<vmem>>
        %dma_wait3A_156 = tpu.memref_squeeze %dma_wait3A_155 : memref<1x80xi32, #tpu.memory_space<vmem>> -> memref<80xi32, #tpu.memory_space<vmem>>
        %dma_wait3A_157 = arith.constant 0 : i32
        %dma_wait3A_158 = arith.constant 0 : i32
        %dma_wait3A_159 = tpu.memref_slice %arg12[%dma_wait3A_157, %dma_wait3A_158] : memref<10000x128xf32, #tpu.memory_space<vmem_shared>> -> memref<10000x128xf32, #tpu.memory_space<vmem_shared>>
        tpu.wait_indirect_dma semaphore(%run_scoped3A : memref<!tpu.dma_semaphore, #tpu.memory_space<semaphore_mem>>) src(%arg11 : memref<80x128xf32, #tpu.memory_space<vmem>>) dst(%dma_wait3A_159 : memref<10000x128xf32, #tpu.memory_space<vmem_shared>>)
        tpu.yield
      }) : () -> ()
      %scan3A_147 = arith.constant 0 : i32
      scf.yield %scan3A_147 : i32
    }
    %scan3A_42 = arith.constant 41 : i32
    %dma_wait3A_43 = arith.constant 0 : i32
    %dma_wait3A_44 = arith.constant 0 : i32
    %dma_wait3A_45 = tpu.memref_slice %arg2[%dma_wait3A_43, %dma_wait3A_44] : memref<10000x128xf32, #tpu.memory_space<hbm>> -> memref<80x128xf32, #tpu.memory_space<hbm>>
    %dma_wait3A_46 = arith.constant 0 : i32
    %dma_wait3A_47 = arith.constant 0 : i32
    %dma_wait3A_48 = tpu.memref_slice %arg2[%dma_wait3A_46, %dma_wait3A_47] : memref<10000x128xf32, #tpu.memory_space<hbm>> -> memref<80x128xf32, #tpu.memory_space<hbm>>
    tpu.wait_dma2 semaphore(%arg13 : memref<!tpu.dma_semaphore, #tpu.memory_space<semaphore_mem>>) src(%dma_wait3A_48 : memref<80x128xf32, #tpu.memory_space<hbm>>) dst(%arg9 : memref<80x128xf32, #tpu.memory_space<vmem>>)
    %jit3A = arith.constant true
    %jit3A_49 = arith.constant 51 : i32
    %jit3A_50 = arith.constant 123 : i32
    %select_n3A = arith.select %jit3A, %jit3A_49, %jit3A_50 : i32
    "tpu.region"() ({
      %run_scoped3A = tpu.sem_alloc : memref<!tpu.dma_semaphore, #tpu.memory_space<semaphore_mem>>
      %dma_start3A_71 = arith.constant 0 : i32
      %dma_start3A_72 = tpu.memref_slice %arg8[%select_n3A, %dma_start3A_71] : memref<72x80xi32, #tpu.memory_space<vmem>> -> memref<1x80xi32, #tpu.memory_space<vmem>>
      %dma_start3A_73 = tpu.memref_squeeze %dma_start3A_72 : memref<1x80xi32, #tpu.memory_space<vmem>> -> memref<80xi32, #tpu.memory_space<vmem>>
      %dma_start3A_74 = arith.constant 0 : i32
      %dma_start3A_75 = arith.constant 0 : i32
      %dma_start3A_76 = tpu.memref_slice %arg12[%dma_start3A_74, %dma_start3A_75] : memref<10000x128xf32, #tpu.memory_space<vmem_shared>> -> memref<10000x128xf32, #tpu.memory_space<vmem_shared>>
      tpu.enqueue_indirect_dma source(%arg9 : memref<80x128xf32, #tpu.memory_space<vmem>>) target(%dma_start3A_76 : memref<10000x128xf32, #tpu.memory_space<vmem_shared>>) offsets(%dma_start3A_73 : memref<80xi32, #tpu.memory_space<vmem>>) semaphore(%run_scoped3A : memref<!tpu.dma_semaphore, #tpu.memory_space<semaphore_mem>>) {add = true}
      %dma_wait3A_77 = arith.constant 0 : i32
      %dma_wait3A_78 = tpu.memref_slice %arg8[%select_n3A, %dma_wait3A_77] : memref<72x80xi32, #tpu.memory_space<vmem>> -> memref<1x80xi32, #tpu.memory_space<vmem>>
      %dma_wait3A_79 = tpu.memref_squeeze %dma_wait3A_78 : memref<1x80xi32, #tpu.memory_space<vmem>> -> memref<80xi32, #tpu.memory_space<vmem>>
      %dma_wait3A_80 = arith.constant 0 : i32
      %dma_wait3A_81 = arith.constant 0 : i32
      %dma_wait3A_82 = tpu.memref_slice %arg12[%dma_wait3A_80, %dma_wait3A_81] : memref<10000x128xf32, #tpu.memory_space<vmem_shared>> -> memref<10000x128xf32, #tpu.memory_space<vmem_shared>>
      tpu.wait_indirect_dma semaphore(%run_scoped3A : memref<!tpu.dma_semaphore, #tpu.memory_space<semaphore_mem>>) src(%arg9 : memref<80x128xf32, #tpu.memory_space<vmem>>) dst(%dma_wait3A_82 : memref<10000x128xf32, #tpu.memory_space<vmem_shared>>)
      tpu.yield
    }) : () -> ()
    %dma_wait3A_51 = arith.constant 0 : i32
    %dma_wait3A_52 = arith.constant 0 : i32
    %dma_wait3A_53 = tpu.memref_slice %arg2[%dma_wait3A_51, %dma_wait3A_52] : memref<10000x128xf32, #tpu.memory_space<hbm>> -> memref<80x128xf32, #tpu.memory_space<hbm>>
    %dma_wait3A_54 = arith.constant 0 : i32
    %dma_wait3A_55 = arith.constant 0 : i32
    %dma_wait3A_56 = tpu.memref_slice %arg2[%dma_wait3A_54, %dma_wait3A_55] : memref<10000x128xf32, #tpu.memory_space<hbm>> -> memref<80x128xf32, #tpu.memory_space<hbm>>
    tpu.wait_dma2 semaphore(%arg14 : memref<!tpu.dma_semaphore, #tpu.memory_space<semaphore_mem>>) src(%dma_wait3A_56 : memref<80x128xf32, #tpu.memory_space<hbm>>) dst(%arg10 : memref<80x128xf32, #tpu.memory_space<vmem>>)
    %jit3A_57 = arith.constant true
    %jit3A_58 = arith.constant 52 : i32
    %jit3A_59 = arith.constant 124 : i32
    %select_n3A_60 = arith.select %jit3A_57, %jit3A_58, %jit3A_59 : i32
    "tpu.region"() ({
      %run_scoped3A = tpu.sem_alloc : memref<!tpu.dma_semaphore, #tpu.memory_space<semaphore_mem>>
      %dma_start3A_71 = arith.constant 0 : i32
      %dma_start3A_72 = tpu.memref_slice %arg8[%select_n3A_60, %dma_start3A_71] : memref<72x80xi32, #tpu.memory_space<vmem>> -> memref<1x80xi32, #tpu.memory_space<vmem>>
      %dma_start3A_73 = tpu.memref_squeeze %dma_start3A_72 : memref<1x80xi32, #tpu.memory_space<vmem>> -> memref<80xi32, #tpu.memory_space<vmem>>
      %dma_start3A_74 = arith.constant 0 : i32
      %dma_start3A_75 = arith.constant 0 : i32
      %dma_start3A_76 = tpu.memref_slice %arg12[%dma_start3A_74, %dma_start3A_75] : memref<10000x128xf32, #tpu.memory_space<vmem_shared>> -> memref<10000x128xf32, #tpu.memory_space<vmem_shared>>
      tpu.enqueue_indirect_dma source(%arg10 : memref<80x128xf32, #tpu.memory_space<vmem>>) target(%dma_start3A_76 : memref<10000x128xf32, #tpu.memory_space<vmem_shared>>) offsets(%dma_start3A_73 : memref<80xi32, #tpu.memory_space<vmem>>) semaphore(%run_scoped3A : memref<!tpu.dma_semaphore, #tpu.memory_space<semaphore_mem>>) {add = true}
      %dma_wait3A_77 = arith.constant 0 : i32
      %dma_wait3A_78 = tpu.memref_slice %arg8[%select_n3A_60, %dma_wait3A_77] : memref<72x80xi32, #tpu.memory_space<vmem>> -> memref<1x80xi32, #tpu.memory_space<vmem>>
      %dma_wait3A_79 = tpu.memref_squeeze %dma_wait3A_78 : memref<1x80xi32, #tpu.memory_space<vmem>> -> memref<80xi32, #tpu.memory_space<vmem>>
      %dma_wait3A_80 = arith.constant 0 : i32
      %dma_wait3A_81 = arith.constant 0 : i32
      %dma_wait3A_82 = tpu.memref_slice %arg12[%dma_wait3A_80, %dma_wait3A_81] : memref<10000x128xf32, #tpu.memory_space<vmem_shared>> -> memref<10000x128xf32, #tpu.memory_space<vmem_shared>>
      tpu.wait_indirect_dma semaphore(%run_scoped3A : memref<!tpu.dma_semaphore, #tpu.memory_space<semaphore_mem>>) src(%arg10 : memref<80x128xf32, #tpu.memory_space<vmem>>) dst(%dma_wait3A_82 : memref<10000x128xf32, #tpu.memory_space<vmem_shared>>)
      tpu.yield
    }) : () -> ()
    %barrier3A_61 = arith.constant 0 : index
    tpu.barrier barrier_id(%barrier3A_61)
    %mul3A_62 = arith.constant 624 : i32
    %mul3A_63 = arith.muli %arg1, %mul3A_62 : i32
    %mul3A_64 = arith.constant 624 : i32
    %mul3A_65 = arith.muli %arg1, %mul3A_64 : i32
    "tpu.region"() ({
      %run_scoped3A = tpu.sem_alloc : memref<!tpu.dma_semaphore, #tpu.memory_space<semaphore_mem>>
      %dma_start3A_71 = arith.constant 0 : i32
      %dma_start3A_72 = tpu.memref_slice %arg6[%arg0, %mul3A_65, %dma_start3A_71] : memref<2x10000x128xf32, #tpu.memory_space<hbm>> -> memref<1x624x128xf32, #tpu.memory_space<hbm>>
      %dma_start3A_73 = tpu.memref_squeeze %dma_start3A_72 : memref<1x624x128xf32, #tpu.memory_space<hbm>> -> memref<624x128xf32, #tpu.memory_space<hbm>>
      %dma_start3A_74 = arith.constant 0 : i32
      %dma_start3A_75 = tpu.memref_slice %arg12[%mul3A_63, %dma_start3A_74] : memref<10000x128xf32, #tpu.memory_space<vmem_shared>> -> memref<624x128xf32, #tpu.memory_space<vmem_shared>>
      tpu.enqueue_dma source(%dma_start3A_75 : memref<624x128xf32, #tpu.memory_space<vmem_shared>>) target(%dma_start3A_73 : memref<624x128xf32, #tpu.memory_space<hbm>>) target_semaphore(%run_scoped3A : memref<!tpu.dma_semaphore, #tpu.memory_space<semaphore_mem>>)
      %dma_wait3A_76 = arith.constant 0 : i32
      %dma_wait3A_77 = tpu.memref_slice %arg6[%arg0, %mul3A_65, %dma_wait3A_76] : memref<2x10000x128xf32, #tpu.memory_space<hbm>> -> memref<1x624x128xf32, #tpu.memory_space<hbm>>
      %dma_wait3A_78 = tpu.memref_squeeze %dma_wait3A_77 : memref<1x624x128xf32, #tpu.memory_space<hbm>> -> memref<624x128xf32, #tpu.memory_space<hbm>>
      %dma_wait3A_79 = arith.constant 0 : i32
      %dma_wait3A_80 = tpu.memref_slice %arg12[%mul3A_63, %dma_wait3A_79] : memref<10000x128xf32, #tpu.memory_space<vmem_shared>> -> memref<624x128xf32, #tpu.memory_space<vmem_shared>>
      tpu.wait_dma2 semaphore(%run_scoped3A : memref<!tpu.dma_semaphore, #tpu.memory_space<semaphore_mem>>) src(%dma_wait3A_80 : memref<624x128xf32, #tpu.memory_space<vmem_shared>>) dst(%dma_wait3A_78 : memref<624x128xf32, #tpu.memory_space<hbm>>)
      tpu.yield
    }) : () -> ()
    %eq3A_66 = arith.constant 15 : i32
    %eq3A_67 = arith.cmpi eq, %arg1, %eq3A_66 : i32
    %convert_element_type3A_68 = arith.extui %eq3A_67 : i1 to i32
    %cond3A_69 = arith.constant 0 : i32
    %cond3A_70 = arith.cmpi ne, %convert_element_type3A_68, %cond3A_69 : i32
    scf.if %cond3A_70 {
      "tpu.region"() ({
        %run_scoped3A = tpu.sem_alloc : memref<!tpu.dma_semaphore, #tpu.memory_space<semaphore_mem>>
        %dma_start3A_71 = arith.constant 9984 : i32
        %dma_start3A_72 = arith.constant 0 : i32
        %dma_start3A_73 = tpu.memref_slice %arg6[%arg0, %dma_start3A_71, %dma_start3A_72] : memref<2x10000x128xf32, #tpu.memory_space<hbm>> -> memref<1x16x128xf32, #tpu.memory_space<hbm>>
        %dma_start3A_74 = tpu.memref_squeeze %dma_start3A_73 : memref<1x16x128xf32, #tpu.memory_space<hbm>> -> memref<16x128xf32, #tpu.memory_space<hbm>>
        %dma_start3A_75 = arith.constant 9984 : i32
        %dma_start3A_76 = arith.constant 0 : i32
        %dma_start3A_77 = tpu.memref_slice %arg12[%dma_start3A_75, %dma_start3A_76] : memref<10000x128xf32, #tpu.memory_space<vmem_shared>> -> memref<16x128xf32, #tpu.memory_space<vmem_shared>>
        tpu.enqueue_dma source(%dma_start3A_77 : memref<16x128xf32, #tpu.memory_space<vmem_shared>>) target(%dma_start3A_74 : memref<16x128xf32, #tpu.memory_space<hbm>>) target_semaphore(%run_scoped3A : memref<!tpu.dma_semaphore, #tpu.memory_space<semaphore_mem>>)
        %dma_wait3A_78 = arith.constant 9984 : i32
        %dma_wait3A_79 = arith.constant 0 : i32
        %dma_wait3A_80 = tpu.memref_slice %arg6[%arg0, %dma_wait3A_78, %dma_wait3A_79] : memref<2x10000x128xf32, #tpu.memory_space<hbm>> -> memref<1x16x128xf32, #tpu.memory_space<hbm>>
        %dma_wait3A_81 = tpu.memref_squeeze %dma_wait3A_80 : memref<1x16x128xf32, #tpu.memory_space<hbm>> -> memref<16x128xf32, #tpu.memory_space<hbm>>
        %dma_wait3A_82 = arith.constant 9984 : i32
        %dma_wait3A_83 = arith.constant 0 : i32
        %dma_wait3A_84 = tpu.memref_slice %arg12[%dma_wait3A_82, %dma_wait3A_83] : memref<10000x128xf32, #tpu.memory_space<vmem_shared>> -> memref<16x128xf32, #tpu.memory_space<vmem_shared>>
        tpu.wait_dma2 semaphore(%run_scoped3A : memref<!tpu.dma_semaphore, #tpu.memory_space<semaphore_mem>>) src(%dma_wait3A_84 : memref<16x128xf32, #tpu.memory_space<vmem_shared>>) dst(%dma_wait3A_81 : memref<16x128xf32, #tpu.memory_space<hbm>>)
        tpu.yield
      }) : () -> ()
    } else {
    }
    return
  }
}

#map = affine_map<(d0, d1) -> (0, 0, 0)>
#map1 = affine_map<(d0, d1) -> (0, 0)>
module attributes {stable_mosaic.version = 14 : i64} {
  func.func @body(%arg0: i32, %arg1: i32, %arg2: memref<32x125x80xi32, #tpu.memory_space<hbm>>, %arg3: memref<2x10240xf32, #tpu.memory_space<hbm>>, %arg4: memref<125x80xi32, #tpu.memory_space<vmem>>, %arg5: memref<10240xf32, #tpu.memory_space<vmem>>, %arg6: memref<16x640xf32, #tpu.memory_space<vmem>>, %arg7: memref<640xf32, #tpu.memory_space<vmem>>, %arg8: memref<16x10240xf32, #tpu.memory_space<vmem_shared>>) attributes {dimension_semantics = [#tpu.dimension_semantics<core_parallel>, #tpu.dimension_semantics<subcore_parallel>], iteration_bounds = array<i64: 2, 16>, scalar_prefetch = 0 : i64, scratch_operands = 5 : i64, tpu.core_type = #tpu.core_type<sc_vector_subcore>, window_params = [{transform_indices = #map}, {transform_indices = #map1}]} {
    %mul3A = arith.constant 16 : i32
    %mul3A_0 = arith.muli %arg0, %mul3A : i32
    %add3A = arith.addi %mul3A_0, %arg1 : i32
    "tpu.region"() ({
      %run_scoped3A_89 = tpu.sem_alloc : memref<!tpu.dma_semaphore, #tpu.memory_space<semaphore_mem>>
      %dma_start3A = arith.constant 0 : i32
      %dma_start3A_90 = arith.constant 0 : i32
      %dma_start3A_91 = tpu.memref_slice %arg2[%add3A, %dma_start3A, %dma_start3A_90] : memref<32x125x80xi32, #tpu.memory_space<hbm>> -> memref<1x125x80xi32, #tpu.memory_space<hbm>>
      %dma_start3A_92 = tpu.memref_squeeze %dma_start3A_91 : memref<1x125x80xi32, #tpu.memory_space<hbm>> -> memref<125x80xi32, #tpu.memory_space<hbm>>
      %dma_start3A_93 = arith.constant 0 : i32
      %dma_start3A_94 = arith.constant 0 : i32
      %dma_start3A_95 = tpu.memref_slice %arg2[%add3A, %dma_start3A_93, %dma_start3A_94] : memref<32x125x80xi32, #tpu.memory_space<hbm>> -> memref<1x125x80xi32, #tpu.memory_space<hbm>>
      %dma_start3A_96 = tpu.memref_squeeze %dma_start3A_95 : memref<1x125x80xi32, #tpu.memory_space<hbm>> -> memref<125x80xi32, #tpu.memory_space<hbm>>
      tpu.enqueue_dma source(%dma_start3A_96 : memref<125x80xi32, #tpu.memory_space<hbm>>) target(%arg4 : memref<125x80xi32, #tpu.memory_space<vmem>>) target_semaphore(%run_scoped3A_89 : memref<!tpu.dma_semaphore, #tpu.memory_space<semaphore_mem>>)
      %dma_wait3A = arith.constant 0 : i32
      %dma_wait3A_97 = arith.constant 0 : i32
      %dma_wait3A_98 = tpu.memref_slice %arg2[%add3A, %dma_wait3A, %dma_wait3A_97] : memref<32x125x80xi32, #tpu.memory_space<hbm>> -> memref<1x125x80xi32, #tpu.memory_space<hbm>>
      %dma_wait3A_99 = tpu.memref_squeeze %dma_wait3A_98 : memref<1x125x80xi32, #tpu.memory_space<hbm>> -> memref<125x80xi32, #tpu.memory_space<hbm>>
      %dma_wait3A_100 = arith.constant 0 : i32
      %dma_wait3A_101 = arith.constant 0 : i32
      %dma_wait3A_102 = tpu.memref_slice %arg2[%add3A, %dma_wait3A_100, %dma_wait3A_101] : memref<32x125x80xi32, #tpu.memory_space<hbm>> -> memref<1x125x80xi32, #tpu.memory_space<hbm>>
      %dma_wait3A_103 = tpu.memref_squeeze %dma_wait3A_102 : memref<1x125x80xi32, #tpu.memory_space<hbm>> -> memref<125x80xi32, #tpu.memory_space<hbm>>
      tpu.wait_dma2 semaphore(%run_scoped3A_89 : memref<!tpu.dma_semaphore, #tpu.memory_space<semaphore_mem>>) src(%dma_wait3A_103 : memref<125x80xi32, #tpu.memory_space<hbm>>) dst(%arg4 : memref<125x80xi32, #tpu.memory_space<vmem>>)
      tpu.yield
    }) : () -> ()
    %broadcast_in_dim3A = arith.constant 0.000000e+00 : f32
    %broadcast_in_dim3A_1 = vector.broadcast %broadcast_in_dim3A : f32 to vector<16xf32>
    %scan3A = arith.constant 0 : i32
    %scan3A_2 = arith.constant 0 : i32
    %scan3A_3 = arith.constant 640 : i32
    %scan3A_4 = arith.addi %scan3A_2, %scan3A_3 : i32
    %scan3A_5 = arith.constant 1 : i32
    %scan3A_6 = scf.for %scan3A_89 = %scan3A_2 to %scan3A_4 step %scan3A_5 iter_args(%scan3A_90 = %scan3A) -> (i32)  : i32 {
      %mul3A_91 = arith.constant 16 : i32
      %mul3A_92 = arith.muli %scan3A_89, %mul3A_91 : i32
      %swap3A = arith.index_cast %mul3A_92 : i32 to index
      %swap3A_93 = tpu.vector_load %arg5[%swap3A] {strides = array<i32>} : memref<10240xf32, #tpu.memory_space<vmem>>, vector<16xf32>,
      tpu.vector_store %arg5[%swap3A], %broadcast_in_dim3A_1 {strides = array<i32>} : memref<10240xf32, #tpu.memory_space<vmem>>, vector<16xf32>,
      %scan3A_94 = arith.constant 0 : i32
      scf.yield %scan3A_94 : i32
    }
    %scan3A_7 = arith.constant 640 : i32
    %broadcast_in_dim3A_8 = arith.constant 1.000000e+00 : f32
    %broadcast_in_dim3A_9 = vector.broadcast %broadcast_in_dim3A_8 : f32 to vector<16xf32>
    %scan3A_10 = arith.constant 0 : i32
    %scan3A_11 = arith.constant 0 : i32
    %scan3A_12 = arith.constant 125 : i32
    %scan3A_13 = arith.addi %scan3A_11, %scan3A_12 : i32
    %scan3A_14 = arith.constant 1 : i32
    %scan3A_15 = scf.for %scan3A_89 = %scan3A_11 to %scan3A_13 step %scan3A_14 iter_args(%scan3A_90 = %scan3A_10) -> (i32)  : i32 {
      %get3A = arith.index_cast %scan3A_89 : i32 to index
      %get3A_91 = arith.constant 0 : index
      %get3A_92 = tpu.vector_load %arg4[%get3A, %get3A_91] {strides = array<i32>} : memref<125x80xi32, #tpu.memory_space<vmem>>, vector<16xi32>,
      tpu.vector_store_idx %arg5[%get3A_92], %broadcast_in_dim3A_9 {add = true} : memref<10240xf32, #tpu.memory_space<vmem>>[vector<16xi32>], vector<16xf32>,
      %get3A_93 = arith.index_cast %scan3A_89 : i32 to index
      %get3A_94 = arith.constant 16 : index
      %get3A_95 = tpu.vector_load %arg4[%get3A_93, %get3A_94] {strides = array<i32>} : memref<125x80xi32, #tpu.memory_space<vmem>>, vector<16xi32>,
      tpu.vector_store_idx %arg5[%get3A_95], %broadcast_in_dim3A_9 {add = true} : memref<10240xf32, #tpu.memory_space<vmem>>[vector<16xi32>], vector<16xf32>,
      %get3A_96 = arith.index_cast %scan3A_89 : i32 to index
      %get3A_97 = arith.constant 32 : index
      %get3A_98 = tpu.vector_load %arg4[%get3A_96, %get3A_97] {strides = array<i32>} : memref<125x80xi32, #tpu.memory_space<vmem>>, vector<16xi32>,
      tpu.vector_store_idx %arg5[%get3A_98], %broadcast_in_dim3A_9 {add = true} : memref<10240xf32, #tpu.memory_space<vmem>>[vector<16xi32>], vector<16xf32>,
      %get3A_99 = arith.index_cast %scan3A_89 : i32 to index
      %get3A_100 = arith.constant 48 : index
      %get3A_101 = tpu.vector_load %arg4[%get3A_99, %get3A_100] {strides = array<i32>} : memref<125x80xi32, #tpu.memory_space<vmem>>, vector<16xi32>,
      tpu.vector_store_idx %arg5[%get3A_101], %broadcast_in_dim3A_9 {add = true} : memref<10240xf32, #tpu.memory_space<vmem>>[vector<16xi32>], vector<16xf32>,
      %get3A_102 = arith.index_cast %scan3A_89 : i32 to index
      %get3A_103 = arith.constant 64 : index
      %get3A_104 = tpu.vector_load %arg4[%get3A_102, %get3A_103] {strides = array<i32>} : memref<125x80xi32, #tpu.memory_space<vmem>>, vector<16xi32>,
      tpu.vector_store_idx %arg5[%get3A_104], %broadcast_in_dim3A_9 {add = true} : memref<10240xf32, #tpu.memory_space<vmem>>[vector<16xi32>], vector<16xf32>,
      %scan3A_105 = arith.constant 0 : i32
      scf.yield %scan3A_105 : i32
    }
    %scan3A_16 = arith.constant 125 : i32
    "tpu.region"() ({
      %run_scoped3A_89 = tpu.sem_alloc : memref<!tpu.dma_semaphore, #tpu.memory_space<semaphore_mem>>
      %dma_start3A = arith.constant 0 : i32
      %dma_start3A_90 = tpu.memref_slice %arg8[%arg1, %dma_start3A] : memref<16x10240xf32, #tpu.memory_space<vmem_shared>> -> memref<1x10240xf32, #tpu.memory_space<vmem_shared>>
      %dma_start3A_91 = tpu.memref_squeeze %dma_start3A_90 : memref<1x10240xf32, #tpu.memory_space<vmem_shared>> -> memref<10240xf32, #tpu.memory_space<vmem_shared>>
      %dma_start3A_92 = arith.constant 0 : i32
      %dma_start3A_93 = tpu.memref_slice %arg8[%arg1, %dma_start3A_92] : memref<16x10240xf32, #tpu.memory_space<vmem_shared>> -> memref<1x10240xf32, #tpu.memory_space<vmem_shared>>
      %dma_start3A_94 = tpu.memref_squeeze %dma_start3A_93 : memref<1x10240xf32, #tpu.memory_space<vmem_shared>> -> memref<10240xf32, #tpu.memory_space<vmem_shared>>
      tpu.enqueue_dma source(%arg5 : memref<10240xf32, #tpu.memory_space<vmem>>) target(%dma_start3A_94 : memref<10240xf32, #tpu.memory_space<vmem_shared>>) target_semaphore(%run_scoped3A_89 : memref<!tpu.dma_semaphore, #tpu.memory_space<semaphore_mem>>)
      %dma_wait3A = arith.constant 0 : i32
      %dma_wait3A_95 = tpu.memref_slice %arg8[%arg1, %dma_wait3A] : memref<16x10240xf32, #tpu.memory_space<vmem_shared>> -> memref<1x10240xf32, #tpu.memory_space<vmem_shared>>
      %dma_wait3A_96 = tpu.memref_squeeze %dma_wait3A_95 : memref<1x10240xf32, #tpu.memory_space<vmem_shared>> -> memref<10240xf32, #tpu.memory_space<vmem_shared>>
      %dma_wait3A_97 = arith.constant 0 : i32
      %dma_wait3A_98 = tpu.memref_slice %arg8[%arg1, %dma_wait3A_97] : memref<16x10240xf32, #tpu.memory_space<vmem_shared>> -> memref<1x10240xf32, #tpu.memory_space<vmem_shared>>
      %dma_wait3A_99 = tpu.memref_squeeze %dma_wait3A_98 : memref<1x10240xf32, #tpu.memory_space<vmem_shared>> -> memref<10240xf32, #tpu.memory_space<vmem_shared>>
      tpu.wait_dma2 semaphore(%run_scoped3A_89 : memref<!tpu.dma_semaphore, #tpu.memory_space<semaphore_mem>>) src(%arg5 : memref<10240xf32, #tpu.memory_space<vmem>>) dst(%dma_wait3A_99 : memref<10240xf32, #tpu.memory_space<vmem_shared>>)
      tpu.yield
    }) : () -> ()
    %barrier3A = arith.constant 0 : index
    tpu.barrier barrier_id(%barrier3A)
    %mul3A_17 = arith.constant 640 : i32
    %mul3A_18 = arith.muli %arg1, %mul3A_17 : i32
    %run_scoped3A = arith.constant 0 : i32
    %run_scoped3A_19 = arith.constant 0 : i32
    "tpu.region"() ({
      %run_scoped3A_89 = tpu.sem_alloc : memref<!tpu.dma_semaphore, #tpu.memory_space<semaphore_mem>>
      %dma_start3A = arith.constant 0 : i32
      %dma_start3A_90 = tpu.memref_slice %arg6[%run_scoped3A_19, %dma_start3A] : memref<16x640xf32, #tpu.memory_space<vmem>> -> memref<1x640xf32, #tpu.memory_space<vmem>>
      %dma_start3A_91 = tpu.memref_squeeze %dma_start3A_90 : memref<1x640xf32, #tpu.memory_space<vmem>> -> memref<640xf32, #tpu.memory_space<vmem>>
      %dma_start3A_92 = tpu.memref_slice %arg8[%run_scoped3A, %mul3A_18] : memref<16x10240xf32, #tpu.memory_space<vmem_shared>> -> memref<1x640xf32, #tpu.memory_space<vmem_shared>>
      %dma_start3A_93 = tpu.memref_squeeze %dma_start3A_92 : memref<1x640xf32, #tpu.memory_space<vmem_shared>> -> memref<640xf32, #tpu.memory_space<vmem_shared>>
      %dma_start3A_94 = arith.constant 0 : i32
      %dma_start3A_95 = tpu.memref_slice %arg6[%run_scoped3A_19, %dma_start3A_94] : memref<16x640xf32, #tpu.memory_space<vmem>> -> memref<1x640xf32, #tpu.memory_space<vmem>>
      %dma_start3A_96 = tpu.memref_squeeze %dma_start3A_95 : memref<1x640xf32, #tpu.memory_space<vmem>> -> memref<640xf32, #tpu.memory_space<vmem>>
      %dma_start3A_97 = tpu.memref_slice %arg8[%run_scoped3A, %mul3A_18] : memref<16x10240xf32, #tpu.memory_space<vmem_shared>> -> memref<1x640xf32, #tpu.memory_space<vmem_shared>>
      %dma_start3A_98 = tpu.memref_squeeze %dma_start3A_97 : memref<1x640xf32, #tpu.memory_space<vmem_shared>> -> memref<640xf32, #tpu.memory_space<vmem_shared>>
      tpu.enqueue_dma source(%dma_start3A_98 : memref<640xf32, #tpu.memory_space<vmem_shared>>) target(%dma_start3A_96 : memref<640xf32, #tpu.memory_space<vmem>>) target_semaphore(%run_scoped3A_89 : memref<!tpu.dma_semaphore, #tpu.memory_space<semaphore_mem>>)
      %dma_wait3A = arith.constant 0 : i32
      %dma_wait3A_99 = tpu.memref_slice %arg6[%run_scoped3A_19, %dma_wait3A] : memref<16x640xf32, #tpu.memory_space<vmem>> -> memref<1x640xf32, #tpu.memory_space<vmem>>
      %dma_wait3A_100 = tpu.memref_squeeze %dma_wait3A_99 : memref<1x640xf32, #tpu.memory_space<vmem>> -> memref<640xf32, #tpu.memory_space<vmem>>
      %dma_wait3A_101 = tpu.memref_slice %arg8[%run_scoped3A, %mul3A_18] : memref<16x10240xf32, #tpu.memory_space<vmem_shared>> -> memref<1x640xf32, #tpu.memory_space<vmem_shared>>
      %dma_wait3A_102 = tpu.memref_squeeze %dma_wait3A_101 : memref<1x640xf32, #tpu.memory_space<vmem_shared>> -> memref<640xf32, #tpu.memory_space<vmem_shared>>
      %dma_wait3A_103 = arith.constant 0 : i32
      %dma_wait3A_104 = tpu.memref_slice %arg6[%run_scoped3A_19, %dma_wait3A_103] : memref<16x640xf32, #tpu.memory_space<vmem>> -> memref<1x640xf32, #tpu.memory_space<vmem>>
      %dma_wait3A_105 = tpu.memref_squeeze %dma_wait3A_104 : memref<1x640xf32, #tpu.memory_space<vmem>> -> memref<640xf32, #tpu.memory_space<vmem>>
      %dma_wait3A_106 = tpu.memref_slice %arg8[%run_scoped3A, %mul3A_18] : memref<16x10240xf32, #tpu.memory_space<vmem_shared>> -> memref<1x640xf32, #tpu.memory_space<vmem_shared>>
      %dma_wait3A_107 = tpu.memref_squeeze %dma_wait3A_106 : memref<1x640xf32, #tpu.memory_space<vmem_shared>> -> memref<640xf32, #tpu.memory_space<vmem_shared>>
      tpu.wait_dma2 semaphore(%run_scoped3A_89 : memref<!tpu.dma_semaphore, #tpu.memory_space<semaphore_mem>>) src(%dma_wait3A_107 : memref<640xf32, #tpu.memory_space<vmem_shared>>) dst(%dma_wait3A_105 : memref<640xf32, #tpu.memory_space<vmem>>)
      tpu.yield
    }) : () -> ()
    %mul3A_20 = arith.constant 640 : i32
    %mul3A_21 = arith.muli %arg1, %mul3A_20 : i32
    %run_scoped3A_22 = arith.constant 1 : i32
    %run_scoped3A_23 = arith.constant 1 : i32
    "tpu.region"() ({
      %run_scoped3A_89 = tpu.sem_alloc : memref<!tpu.dma_semaphore, #tpu.memory_space<semaphore_mem>>
      %dma_start3A = arith.constant 0 : i32
      %dma_start3A_90 = tpu.memref_slice %arg6[%run_scoped3A_23, %dma_start3A] : memref<16x640xf32, #tpu.memory_space<vmem>> -> memref<1x640xf32, #tpu.memory_space<vmem>>
      %dma_start3A_91 = tpu.memref_squeeze %dma_start3A_90 : memref<1x640xf32, #tpu.memory_space<vmem>> -> memref<640xf32, #tpu.memory_space<vmem>>
      %dma_start3A_92 = tpu.memref_slice %arg8[%run_scoped3A_22, %mul3A_21] : memref<16x10240xf32, #tpu.memory_space<vmem_shared>> -> memref<1x640xf32, #tpu.memory_space<vmem_shared>>
      %dma_start3A_93 = tpu.memref_squeeze %dma_start3A_92 : memref<1x640xf32, #tpu.memory_space<vmem_shared>> -> memref<640xf32, #tpu.memory_space<vmem_shared>>
      %dma_start3A_94 = arith.constant 0 : i32
      %dma_start3A_95 = tpu.memref_slice %arg6[%run_scoped3A_23, %dma_start3A_94] : memref<16x640xf32, #tpu.memory_space<vmem>> -> memref<1x640xf32, #tpu.memory_space<vmem>>
      %dma_start3A_96 = tpu.memref_squeeze %dma_start3A_95 : memref<1x640xf32, #tpu.memory_space<vmem>> -> memref<640xf32, #tpu.memory_space<vmem>>
      %dma_start3A_97 = tpu.memref_slice %arg8[%run_scoped3A_22, %mul3A_21] : memref<16x10240xf32, #tpu.memory_space<vmem_shared>> -> memref<1x640xf32, #tpu.memory_space<vmem_shared>>
      %dma_start3A_98 = tpu.memref_squeeze %dma_start3A_97 : memref<1x640xf32, #tpu.memory_space<vmem_shared>> -> memref<640xf32, #tpu.memory_space<vmem_shared>>
      tpu.enqueue_dma source(%dma_start3A_98 : memref<640xf32, #tpu.memory_space<vmem_shared>>) target(%dma_start3A_96 : memref<640xf32, #tpu.memory_space<vmem>>) target_semaphore(%run_scoped3A_89 : memref<!tpu.dma_semaphore, #tpu.memory_space<semaphore_mem>>)
      %dma_wait3A = arith.constant 0 : i32
      %dma_wait3A_99 = tpu.memref_slice %arg6[%run_scoped3A_23, %dma_wait3A] : memref<16x640xf32, #tpu.memory_space<vmem>> -> memref<1x640xf32, #tpu.memory_space<vmem>>
      %dma_wait3A_100 = tpu.memref_squeeze %dma_wait3A_99 : memref<1x640xf32, #tpu.memory_space<vmem>> -> memref<640xf32, #tpu.memory_space<vmem>>
      %dma_wait3A_101 = tpu.memref_slice %arg8[%run_scoped3A_22, %mul3A_21] : memref<16x10240xf32, #tpu.memory_space<vmem_shared>> -> memref<1x640xf32, #tpu.memory_space<vmem_shared>>
      %dma_wait3A_102 = tpu.memref_squeeze %dma_wait3A_101 : memref<1x640xf32, #tpu.memory_space<vmem_shared>> -> memref<640xf32, #tpu.memory_space<vmem_shared>>
      %dma_wait3A_103 = arith.constant 0 : i32
      %dma_wait3A_104 = tpu.memref_slice %arg6[%run_scoped3A_23, %dma_wait3A_103] : memref<16x640xf32, #tpu.memory_space<vmem>> -> memref<1x640xf32, #tpu.memory_space<vmem>>
      %dma_wait3A_105 = tpu.memref_squeeze %dma_wait3A_104 : memref<1x640xf32, #tpu.memory_space<vmem>> -> memref<640xf32, #tpu.memory_space<vmem>>
      %dma_wait3A_106 = tpu.memref_slice %arg8[%run_scoped3A_22, %mul3A_21] : memref<16x10240xf32, #tpu.memory_space<vmem_shared>> -> memref<1x640xf32, #tpu.memory_space<vmem_shared>>
      %dma_wait3A_107 = tpu.memref_squeeze %dma_wait3A_106 : memref<1x640xf32, #tpu.memory_space<vmem_shared>> -> memref<640xf32, #tpu.memory_space<vmem_shared>>
      tpu.wait_dma2 semaphore(%run_scoped3A_89 : memref<!tpu.dma_semaphore, #tpu.memory_space<semaphore_mem>>) src(%dma_wait3A_107 : memref<640xf32, #tpu.memory_space<vmem_shared>>) dst(%dma_wait3A_105 : memref<640xf32, #tpu.memory_space<vmem>>)
      tpu.yield
    }) : () -> ()
    %mul3A_24 = arith.constant 640 : i32
    %mul3A_25 = arith.muli %arg1, %mul3A_24 : i32
    %run_scoped3A_26 = arith.constant 2 : i32
    %run_scoped3A_27 = arith.constant 2 : i32
    "tpu.region"() ({
      %run_scoped3A_89 = tpu.sem_alloc : memref<!tpu.dma_semaphore, #tpu.memory_space<semaphore_mem>>
      %dma_start3A = arith.constant 0 : i32
      %dma_start3A_90 = tpu.memref_slice %arg6[%run_scoped3A_27, %dma_start3A] : memref<16x640xf32, #tpu.memory_space<vmem>> -> memref<1x640xf32, #tpu.memory_space<vmem>>
      %dma_start3A_91 = tpu.memref_squeeze %dma_start3A_90 : memref<1x640xf32, #tpu.memory_space<vmem>> -> memref<640xf32, #tpu.memory_space<vmem>>
      %dma_start3A_92 = tpu.memref_slice %arg8[%run_scoped3A_26, %mul3A_25] : memref<16x10240xf32, #tpu.memory_space<vmem_shared>> -> memref<1x640xf32, #tpu.memory_space<vmem_shared>>
      %dma_start3A_93 = tpu.memref_squeeze %dma_start3A_92 : memref<1x640xf32, #tpu.memory_space<vmem_shared>> -> memref<640xf32, #tpu.memory_space<vmem_shared>>
      %dma_start3A_94 = arith.constant 0 : i32
      %dma_start3A_95 = tpu.memref_slice %arg6[%run_scoped3A_27, %dma_start3A_94] : memref<16x640xf32, #tpu.memory_space<vmem>> -> memref<1x640xf32, #tpu.memory_space<vmem>>
      %dma_start3A_96 = tpu.memref_squeeze %dma_start3A_95 : memref<1x640xf32, #tpu.memory_space<vmem>> -> memref<640xf32, #tpu.memory_space<vmem>>
      %dma_start3A_97 = tpu.memref_slice %arg8[%run_scoped3A_26, %mul3A_25] : memref<16x10240xf32, #tpu.memory_space<vmem_shared>> -> memref<1x640xf32, #tpu.memory_space<vmem_shared>>
      %dma_start3A_98 = tpu.memref_squeeze %dma_start3A_97 : memref<1x640xf32, #tpu.memory_space<vmem_shared>> -> memref<640xf32, #tpu.memory_space<vmem_shared>>
      tpu.enqueue_dma source(%dma_start3A_98 : memref<640xf32, #tpu.memory_space<vmem_shared>>) target(%dma_start3A_96 : memref<640xf32, #tpu.memory_space<vmem>>) target_semaphore(%run_scoped3A_89 : memref<!tpu.dma_semaphore, #tpu.memory_space<semaphore_mem>>)
      %dma_wait3A = arith.constant 0 : i32
      %dma_wait3A_99 = tpu.memref_slice %arg6[%run_scoped3A_27, %dma_wait3A] : memref<16x640xf32, #tpu.memory_space<vmem>> -> memref<1x640xf32, #tpu.memory_space<vmem>>
      %dma_wait3A_100 = tpu.memref_squeeze %dma_wait3A_99 : memref<1x640xf32, #tpu.memory_space<vmem>> -> memref<640xf32, #tpu.memory_space<vmem>>
      %dma_wait3A_101 = tpu.memref_slice %arg8[%run_scoped3A_26, %mul3A_25] : memref<16x10240xf32, #tpu.memory_space<vmem_shared>> -> memref<1x640xf32, #tpu.memory_space<vmem_shared>>
      %dma_wait3A_102 = tpu.memref_squeeze %dma_wait3A_101 : memref<1x640xf32, #tpu.memory_space<vmem_shared>> -> memref<640xf32, #tpu.memory_space<vmem_shared>>
      %dma_wait3A_103 = arith.constant 0 : i32
      %dma_wait3A_104 = tpu.memref_slice %arg6[%run_scoped3A_27, %dma_wait3A_103] : memref<16x640xf32, #tpu.memory_space<vmem>> -> memref<1x640xf32, #tpu.memory_space<vmem>>
      %dma_wait3A_105 = tpu.memref_squeeze %dma_wait3A_104 : memref<1x640xf32, #tpu.memory_space<vmem>> -> memref<640xf32, #tpu.memory_space<vmem>>
      %dma_wait3A_106 = tpu.memref_slice %arg8[%run_scoped3A_26, %mul3A_25] : memref<16x10240xf32, #tpu.memory_space<vmem_shared>> -> memref<1x640xf32, #tpu.memory_space<vmem_shared>>
      %dma_wait3A_107 = tpu.memref_squeeze %dma_wait3A_106 : memref<1x640xf32, #tpu.memory_space<vmem_shared>> -> memref<640xf32, #tpu.memory_space<vmem_shared>>
      tpu.wait_dma2 semaphore(%run_scoped3A_89 : memref<!tpu.dma_semaphore, #tpu.memory_space<semaphore_mem>>) src(%dma_wait3A_107 : memref<640xf32, #tpu.memory_space<vmem_shared>>) dst(%dma_wait3A_105 : memref<640xf32, #tpu.memory_space<vmem>>)
      tpu.yield
    }) : () -> ()
    %mul3A_28 = arith.constant 640 : i32
    %mul3A_29 = arith.muli %arg1, %mul3A_28 : i32
    %run_scoped3A_30 = arith.constant 3 : i32
    %run_scoped3A_31 = arith.constant 3 : i32
    "tpu.region"() ({
      %run_scoped3A_89 = tpu.sem_alloc : memref<!tpu.dma_semaphore, #tpu.memory_space<semaphore_mem>>
      %dma_start3A = arith.constant 0 : i32
      %dma_start3A_90 = tpu.memref_slice %arg6[%run_scoped3A_31, %dma_start3A] : memref<16x640xf32, #tpu.memory_space<vmem>> -> memref<1x640xf32, #tpu.memory_space<vmem>>
      %dma_start3A_91 = tpu.memref_squeeze %dma_start3A_90 : memref<1x640xf32, #tpu.memory_space<vmem>> -> memref<640xf32, #tpu.memory_space<vmem>>
      %dma_start3A_92 = tpu.memref_slice %arg8[%run_scoped3A_30, %mul3A_29] : memref<16x10240xf32, #tpu.memory_space<vmem_shared>> -> memref<1x640xf32, #tpu.memory_space<vmem_shared>>
      %dma_start3A_93 = tpu.memref_squeeze %dma_start3A_92 : memref<1x640xf32, #tpu.memory_space<vmem_shared>> -> memref<640xf32, #tpu.memory_space<vmem_shared>>
      %dma_start3A_94 = arith.constant 0 : i32
      %dma_start3A_95 = tpu.memref_slice %arg6[%run_scoped3A_31, %dma_start3A_94] : memref<16x640xf32, #tpu.memory_space<vmem>> -> memref<1x640xf32, #tpu.memory_space<vmem>>
      %dma_start3A_96 = tpu.memref_squeeze %dma_start3A_95 : memref<1x640xf32, #tpu.memory_space<vmem>> -> memref<640xf32, #tpu.memory_space<vmem>>
      %dma_start3A_97 = tpu.memref_slice %arg8[%run_scoped3A_30, %mul3A_29] : memref<16x10240xf32, #tpu.memory_space<vmem_shared>> -> memref<1x640xf32, #tpu.memory_space<vmem_shared>>
      %dma_start3A_98 = tpu.memref_squeeze %dma_start3A_97 : memref<1x640xf32, #tpu.memory_space<vmem_shared>> -> memref<640xf32, #tpu.memory_space<vmem_shared>>
      tpu.enqueue_dma source(%dma_start3A_98 : memref<640xf32, #tpu.memory_space<vmem_shared>>) target(%dma_start3A_96 : memref<640xf32, #tpu.memory_space<vmem>>) target_semaphore(%run_scoped3A_89 : memref<!tpu.dma_semaphore, #tpu.memory_space<semaphore_mem>>)
      %dma_wait3A = arith.constant 0 : i32
      %dma_wait3A_99 = tpu.memref_slice %arg6[%run_scoped3A_31, %dma_wait3A] : memref<16x640xf32, #tpu.memory_space<vmem>> -> memref<1x640xf32, #tpu.memory_space<vmem>>
      %dma_wait3A_100 = tpu.memref_squeeze %dma_wait3A_99 : memref<1x640xf32, #tpu.memory_space<vmem>> -> memref<640xf32, #tpu.memory_space<vmem>>
      %dma_wait3A_101 = tpu.memref_slice %arg8[%run_scoped3A_30, %mul3A_29] : memref<16x10240xf32, #tpu.memory_space<vmem_shared>> -> memref<1x640xf32, #tpu.memory_space<vmem_shared>>
      %dma_wait3A_102 = tpu.memref_squeeze %dma_wait3A_101 : memref<1x640xf32, #tpu.memory_space<vmem_shared>> -> memref<640xf32, #tpu.memory_space<vmem_shared>>
      %dma_wait3A_103 = arith.constant 0 : i32
      %dma_wait3A_104 = tpu.memref_slice %arg6[%run_scoped3A_31, %dma_wait3A_103] : memref<16x640xf32, #tpu.memory_space<vmem>> -> memref<1x640xf32, #tpu.memory_space<vmem>>
      %dma_wait3A_105 = tpu.memref_squeeze %dma_wait3A_104 : memref<1x640xf32, #tpu.memory_space<vmem>> -> memref<640xf32, #tpu.memory_space<vmem>>
      %dma_wait3A_106 = tpu.memref_slice %arg8[%run_scoped3A_30, %mul3A_29] : memref<16x10240xf32, #tpu.memory_space<vmem_shared>> -> memref<1x640xf32, #tpu.memory_space<vmem_shared>>
      %dma_wait3A_107 = tpu.memref_squeeze %dma_wait3A_106 : memref<1x640xf32, #tpu.memory_space<vmem_shared>> -> memref<640xf32, #tpu.memory_space<vmem_shared>>
      tpu.wait_dma2 semaphore(%run_scoped3A_89 : memref<!tpu.dma_semaphore, #tpu.memory_space<semaphore_mem>>) src(%dma_wait3A_107 : memref<640xf32, #tpu.memory_space<vmem_shared>>) dst(%dma_wait3A_105 : memref<640xf32, #tpu.memory_space<vmem>>)
      tpu.yield
    }) : () -> ()
    %mul3A_32 = arith.constant 640 : i32
    %mul3A_33 = arith.muli %arg1, %mul3A_32 : i32
    %run_scoped3A_34 = arith.constant 4 : i32
    %run_scoped3A_35 = arith.constant 4 : i32
    "tpu.region"() ({
      %run_scoped3A_89 = tpu.sem_alloc : memref<!tpu.dma_semaphore, #tpu.memory_space<semaphore_mem>>
      %dma_start3A = arith.constant 0 : i32
      %dma_start3A_90 = tpu.memref_slice %arg6[%run_scoped3A_35, %dma_start3A] : memref<16x640xf32, #tpu.memory_space<vmem>> -> memref<1x640xf32, #tpu.memory_space<vmem>>
      %dma_start3A_91 = tpu.memref_squeeze %dma_start3A_90 : memref<1x640xf32, #tpu.memory_space<vmem>> -> memref<640xf32, #tpu.memory_space<vmem>>
      %dma_start3A_92 = tpu.memref_slice %arg8[%run_scoped3A_34, %mul3A_33] : memref<16x10240xf32, #tpu.memory_space<vmem_shared>> -> memref<1x640xf32, #tpu.memory_space<vmem_shared>>
      %dma_start3A_93 = tpu.memref_squeeze %dma_start3A_92 : memref<1x640xf32, #tpu.memory_space<vmem_shared>> -> memref<640xf32, #tpu.memory_space<vmem_shared>>
      %dma_start3A_94 = arith.constant 0 : i32
      %dma_start3A_95 = tpu.memref_slice %arg6[%run_scoped3A_35, %dma_start3A_94] : memref<16x640xf32, #tpu.memory_space<vmem>> -> memref<1x640xf32, #tpu.memory_space<vmem>>
      %dma_start3A_96 = tpu.memref_squeeze %dma_start3A_95 : memref<1x640xf32, #tpu.memory_space<vmem>> -> memref<640xf32, #tpu.memory_space<vmem>>
      %dma_start3A_97 = tpu.memref_slice %arg8[%run_scoped3A_34, %mul3A_33] : memref<16x10240xf32, #tpu.memory_space<vmem_shared>> -> memref<1x640xf32, #tpu.memory_space<vmem_shared>>
      %dma_start3A_98 = tpu.memref_squeeze %dma_start3A_97 : memref<1x640xf32, #tpu.memory_space<vmem_shared>> -> memref<640xf32, #tpu.memory_space<vmem_shared>>
      tpu.enqueue_dma source(%dma_start3A_98 : memref<640xf32, #tpu.memory_space<vmem_shared>>) target(%dma_start3A_96 : memref<640xf32, #tpu.memory_space<vmem>>) target_semaphore(%run_scoped3A_89 : memref<!tpu.dma_semaphore, #tpu.memory_space<semaphore_mem>>)
      %dma_wait3A = arith.constant 0 : i32
      %dma_wait3A_99 = tpu.memref_slice %arg6[%run_scoped3A_35, %dma_wait3A] : memref<16x640xf32, #tpu.memory_space<vmem>> -> memref<1x640xf32, #tpu.memory_space<vmem>>
      %dma_wait3A_100 = tpu.memref_squeeze %dma_wait3A_99 : memref<1x640xf32, #tpu.memory_space<vmem>> -> memref<640xf32, #tpu.memory_space<vmem>>
      %dma_wait3A_101 = tpu.memref_slice %arg8[%run_scoped3A_34, %mul3A_33] : memref<16x10240xf32, #tpu.memory_space<vmem_shared>> -> memref<1x640xf32, #tpu.memory_space<vmem_shared>>
      %dma_wait3A_102 = tpu.memref_squeeze %dma_wait3A_101 : memref<1x640xf32, #tpu.memory_space<vmem_shared>> -> memref<640xf32, #tpu.memory_space<vmem_shared>>
      %dma_wait3A_103 = arith.constant 0 : i32
      %dma_wait3A_104 = tpu.memref_slice %arg6[%run_scoped3A_35, %dma_wait3A_103] : memref<16x640xf32, #tpu.memory_space<vmem>> -> memref<1x640xf32, #tpu.memory_space<vmem>>
      %dma_wait3A_105 = tpu.memref_squeeze %dma_wait3A_104 : memref<1x640xf32, #tpu.memory_space<vmem>> -> memref<640xf32, #tpu.memory_space<vmem>>
      %dma_wait3A_106 = tpu.memref_slice %arg8[%run_scoped3A_34, %mul3A_33] : memref<16x10240xf32, #tpu.memory_space<vmem_shared>> -> memref<1x640xf32, #tpu.memory_space<vmem_shared>>
      %dma_wait3A_107 = tpu.memref_squeeze %dma_wait3A_106 : memref<1x640xf32, #tpu.memory_space<vmem_shared>> -> memref<640xf32, #tpu.memory_space<vmem_shared>>
      tpu.wait_dma2 semaphore(%run_scoped3A_89 : memref<!tpu.dma_semaphore, #tpu.memory_space<semaphore_mem>>) src(%dma_wait3A_107 : memref<640xf32, #tpu.memory_space<vmem_shared>>) dst(%dma_wait3A_105 : memref<640xf32, #tpu.memory_space<vmem>>)
      tpu.yield
    }) : () -> ()
    %mul3A_36 = arith.constant 640 : i32
    %mul3A_37 = arith.muli %arg1, %mul3A_36 : i32
    %run_scoped3A_38 = arith.constant 5 : i32
    %run_scoped3A_39 = arith.constant 5 : i32
    "tpu.region"() ({
      %run_scoped3A_89 = tpu.sem_alloc : memref<!tpu.dma_semaphore, #tpu.memory_space<semaphore_mem>>
      %dma_start3A = arith.constant 0 : i32
      %dma_start3A_90 = tpu.memref_slice %arg6[%run_scoped3A_39, %dma_start3A] : memref<16x640xf32, #tpu.memory_space<vmem>> -> memref<1x640xf32, #tpu.memory_space<vmem>>
      %dma_start3A_91 = tpu.memref_squeeze %dma_start3A_90 : memref<1x640xf32, #tpu.memory_space<vmem>> -> memref<640xf32, #tpu.memory_space<vmem>>
      %dma_start3A_92 = tpu.memref_slice %arg8[%run_scoped3A_38, %mul3A_37] : memref<16x10240xf32, #tpu.memory_space<vmem_shared>> -> memref<1x640xf32, #tpu.memory_space<vmem_shared>>
      %dma_start3A_93 = tpu.memref_squeeze %dma_start3A_92 : memref<1x640xf32, #tpu.memory_space<vmem_shared>> -> memref<640xf32, #tpu.memory_space<vmem_shared>>
      %dma_start3A_94 = arith.constant 0 : i32
      %dma_start3A_95 = tpu.memref_slice %arg6[%run_scoped3A_39, %dma_start3A_94] : memref<16x640xf32, #tpu.memory_space<vmem>> -> memref<1x640xf32, #tpu.memory_space<vmem>>
      %dma_start3A_96 = tpu.memref_squeeze %dma_start3A_95 : memref<1x640xf32, #tpu.memory_space<vmem>> -> memref<640xf32, #tpu.memory_space<vmem>>
      %dma_start3A_97 = tpu.memref_slice %arg8[%run_scoped3A_38, %mul3A_37] : memref<16x10240xf32, #tpu.memory_space<vmem_shared>> -> memref<1x640xf32, #tpu.memory_space<vmem_shared>>
      %dma_start3A_98 = tpu.memref_squeeze %dma_start3A_97 : memref<1x640xf32, #tpu.memory_space<vmem_shared>> -> memref<640xf32, #tpu.memory_space<vmem_shared>>
      tpu.enqueue_dma source(%dma_start3A_98 : memref<640xf32, #tpu.memory_space<vmem_shared>>) target(%dma_start3A_96 : memref<640xf32, #tpu.memory_space<vmem>>) target_semaphore(%run_scoped3A_89 : memref<!tpu.dma_semaphore, #tpu.memory_space<semaphore_mem>>)
      %dma_wait3A = arith.constant 0 : i32
      %dma_wait3A_99 = tpu.memref_slice %arg6[%run_scoped3A_39, %dma_wait3A] : memref<16x640xf32, #tpu.memory_space<vmem>> -> memref<1x640xf32, #tpu.memory_space<vmem>>
      %dma_wait3A_100 = tpu.memref_squeeze %dma_wait3A_99 : memref<1x640xf32, #tpu.memory_space<vmem>> -> memref<640xf32, #tpu.memory_space<vmem>>
      %dma_wait3A_101 = tpu.memref_slice %arg8[%run_scoped3A_38, %mul3A_37] : memref<16x10240xf32, #tpu.memory_space<vmem_shared>> -> memref<1x640xf32, #tpu.memory_space<vmem_shared>>
      %dma_wait3A_102 = tpu.memref_squeeze %dma_wait3A_101 : memref<1x640xf32, #tpu.memory_space<vmem_shared>> -> memref<640xf32, #tpu.memory_space<vmem_shared>>
      %dma_wait3A_103 = arith.constant 0 : i32
      %dma_wait3A_104 = tpu.memref_slice %arg6[%run_scoped3A_39, %dma_wait3A_103] : memref<16x640xf32, #tpu.memory_space<vmem>> -> memref<1x640xf32, #tpu.memory_space<vmem>>
      %dma_wait3A_105 = tpu.memref_squeeze %dma_wait3A_104 : memref<1x640xf32, #tpu.memory_space<vmem>> -> memref<640xf32, #tpu.memory_space<vmem>>
      %dma_wait3A_106 = tpu.memref_slice %arg8[%run_scoped3A_38, %mul3A_37] : memref<16x10240xf32, #tpu.memory_space<vmem_shared>> -> memref<1x640xf32, #tpu.memory_space<vmem_shared>>
      %dma_wait3A_107 = tpu.memref_squeeze %dma_wait3A_106 : memref<1x640xf32, #tpu.memory_space<vmem_shared>> -> memref<640xf32, #tpu.memory_space<vmem_shared>>
      tpu.wait_dma2 semaphore(%run_scoped3A_89 : memref<!tpu.dma_semaphore, #tpu.memory_space<semaphore_mem>>) src(%dma_wait3A_107 : memref<640xf32, #tpu.memory_space<vmem_shared>>) dst(%dma_wait3A_105 : memref<640xf32, #tpu.memory_space<vmem>>)
      tpu.yield
    }) : () -> ()
    %mul3A_40 = arith.constant 640 : i32
    %mul3A_41 = arith.muli %arg1, %mul3A_40 : i32
    %run_scoped3A_42 = arith.constant 6 : i32
    %run_scoped3A_43 = arith.constant 6 : i32
    "tpu.region"() ({
      %run_scoped3A_89 = tpu.sem_alloc : memref<!tpu.dma_semaphore, #tpu.memory_space<semaphore_mem>>
      %dma_start3A = arith.constant 0 : i32
      %dma_start3A_90 = tpu.memref_slice %arg6[%run_scoped3A_43, %dma_start3A] : memref<16x640xf32, #tpu.memory_space<vmem>> -> memref<1x640xf32, #tpu.memory_space<vmem>>
      %dma_start3A_91 = tpu.memref_squeeze %dma_start3A_90 : memref<1x640xf32, #tpu.memory_space<vmem>> -> memref<640xf32, #tpu.memory_space<vmem>>
      %dma_start3A_92 = tpu.memref_slice %arg8[%run_scoped3A_42, %mul3A_41] : memref<16x10240xf32, #tpu.memory_space<vmem_shared>> -> memref<1x640xf32, #tpu.memory_space<vmem_shared>>
      %dma_start3A_93 = tpu.memref_squeeze %dma_start3A_92 : memref<1x640xf32, #tpu.memory_space<vmem_shared>> -> memref<640xf32, #tpu.memory_space<vmem_shared>>
      %dma_start3A_94 = arith.constant 0 : i32
      %dma_start3A_95 = tpu.memref_slice %arg6[%run_scoped3A_43, %dma_start3A_94] : memref<16x640xf32, #tpu.memory_space<vmem>> -> memref<1x640xf32, #tpu.memory_space<vmem>>
      %dma_start3A_96 = tpu.memref_squeeze %dma_start3A_95 : memref<1x640xf32, #tpu.memory_space<vmem>> -> memref<640xf32, #tpu.memory_space<vmem>>
      %dma_start3A_97 = tpu.memref_slice %arg8[%run_scoped3A_42, %mul3A_41] : memref<16x10240xf32, #tpu.memory_space<vmem_shared>> -> memref<1x640xf32, #tpu.memory_space<vmem_shared>>
      %dma_start3A_98 = tpu.memref_squeeze %dma_start3A_97 : memref<1x640xf32, #tpu.memory_space<vmem_shared>> -> memref<640xf32, #tpu.memory_space<vmem_shared>>
      tpu.enqueue_dma source(%dma_start3A_98 : memref<640xf32, #tpu.memory_space<vmem_shared>>) target(%dma_start3A_96 : memref<640xf32, #tpu.memory_space<vmem>>) target_semaphore(%run_scoped3A_89 : memref<!tpu.dma_semaphore, #tpu.memory_space<semaphore_mem>>)
      %dma_wait3A = arith.constant 0 : i32
      %dma_wait3A_99 = tpu.memref_slice %arg6[%run_scoped3A_43, %dma_wait3A] : memref<16x640xf32, #tpu.memory_space<vmem>> -> memref<1x640xf32, #tpu.memory_space<vmem>>
      %dma_wait3A_100 = tpu.memref_squeeze %dma_wait3A_99 : memref<1x640xf32, #tpu.memory_space<vmem>> -> memref<640xf32, #tpu.memory_space<vmem>>
      %dma_wait3A_101 = tpu.memref_slice %arg8[%run_scoped3A_42, %mul3A_41] : memref<16x10240xf32, #tpu.memory_space<vmem_shared>> -> memref<1x640xf32, #tpu.memory_space<vmem_shared>>
      %dma_wait3A_102 = tpu.memref_squeeze %dma_wait3A_101 : memref<1x640xf32, #tpu.memory_space<vmem_shared>> -> memref<640xf32, #tpu.memory_space<vmem_shared>>
      %dma_wait3A_103 = arith.constant 0 : i32
      %dma_wait3A_104 = tpu.memref_slice %arg6[%run_scoped3A_43, %dma_wait3A_103] : memref<16x640xf32, #tpu.memory_space<vmem>> -> memref<1x640xf32, #tpu.memory_space<vmem>>
      %dma_wait3A_105 = tpu.memref_squeeze %dma_wait3A_104 : memref<1x640xf32, #tpu.memory_space<vmem>> -> memref<640xf32, #tpu.memory_space<vmem>>
      %dma_wait3A_106 = tpu.memref_slice %arg8[%run_scoped3A_42, %mul3A_41] : memref<16x10240xf32, #tpu.memory_space<vmem_shared>> -> memref<1x640xf32, #tpu.memory_space<vmem_shared>>
      %dma_wait3A_107 = tpu.memref_squeeze %dma_wait3A_106 : memref<1x640xf32, #tpu.memory_space<vmem_shared>> -> memref<640xf32, #tpu.memory_space<vmem_shared>>
      tpu.wait_dma2 semaphore(%run_scoped3A_89 : memref<!tpu.dma_semaphore, #tpu.memory_space<semaphore_mem>>) src(%dma_wait3A_107 : memref<640xf32, #tpu.memory_space<vmem_shared>>) dst(%dma_wait3A_105 : memref<640xf32, #tpu.memory_space<vmem>>)
      tpu.yield
    }) : () -> ()
    %mul3A_44 = arith.constant 640 : i32
    %mul3A_45 = arith.muli %arg1, %mul3A_44 : i32
    %run_scoped3A_46 = arith.constant 7 : i32
    %run_scoped3A_47 = arith.constant 7 : i32
    "tpu.region"() ({
      %run_scoped3A_89 = tpu.sem_alloc : memref<!tpu.dma_semaphore, #tpu.memory_space<semaphore_mem>>
      %dma_start3A = arith.constant 0 : i32
      %dma_start3A_90 = tpu.memref_slice %arg6[%run_scoped3A_47, %dma_start3A] : memref<16x640xf32, #tpu.memory_space<vmem>> -> memref<1x640xf32, #tpu.memory_space<vmem>>
      %dma_start3A_91 = tpu.memref_squeeze %dma_start3A_90 : memref<1x640xf32, #tpu.memory_space<vmem>> -> memref<640xf32, #tpu.memory_space<vmem>>
      %dma_start3A_92 = tpu.memref_slice %arg8[%run_scoped3A_46, %mul3A_45] : memref<16x10240xf32, #tpu.memory_space<vmem_shared>> -> memref<1x640xf32, #tpu.memory_space<vmem_shared>>
      %dma_start3A_93 = tpu.memref_squeeze %dma_start3A_92 : memref<1x640xf32, #tpu.memory_space<vmem_shared>> -> memref<640xf32, #tpu.memory_space<vmem_shared>>
      %dma_start3A_94 = arith.constant 0 : i32
      %dma_start3A_95 = tpu.memref_slice %arg6[%run_scoped3A_47, %dma_start3A_94] : memref<16x640xf32, #tpu.memory_space<vmem>> -> memref<1x640xf32, #tpu.memory_space<vmem>>
      %dma_start3A_96 = tpu.memref_squeeze %dma_start3A_95 : memref<1x640xf32, #tpu.memory_space<vmem>> -> memref<640xf32, #tpu.memory_space<vmem>>
      %dma_start3A_97 = tpu.memref_slice %arg8[%run_scoped3A_46, %mul3A_45] : memref<16x10240xf32, #tpu.memory_space<vmem_shared>> -> memref<1x640xf32, #tpu.memory_space<vmem_shared>>
      %dma_start3A_98 = tpu.memref_squeeze %dma_start3A_97 : memref<1x640xf32, #tpu.memory_space<vmem_shared>> -> memref<640xf32, #tpu.memory_space<vmem_shared>>
      tpu.enqueue_dma source(%dma_start3A_98 : memref<640xf32, #tpu.memory_space<vmem_shared>>) target(%dma_start3A_96 : memref<640xf32, #tpu.memory_space<vmem>>) target_semaphore(%run_scoped3A_89 : memref<!tpu.dma_semaphore, #tpu.memory_space<semaphore_mem>>)
      %dma_wait3A = arith.constant 0 : i32
      %dma_wait3A_99 = tpu.memref_slice %arg6[%run_scoped3A_47, %dma_wait3A] : memref<16x640xf32, #tpu.memory_space<vmem>> -> memref<1x640xf32, #tpu.memory_space<vmem>>
      %dma_wait3A_100 = tpu.memref_squeeze %dma_wait3A_99 : memref<1x640xf32, #tpu.memory_space<vmem>> -> memref<640xf32, #tpu.memory_space<vmem>>
      %dma_wait3A_101 = tpu.memref_slice %arg8[%run_scoped3A_46, %mul3A_45] : memref<16x10240xf32, #tpu.memory_space<vmem_shared>> -> memref<1x640xf32, #tpu.memory_space<vmem_shared>>
      %dma_wait3A_102 = tpu.memref_squeeze %dma_wait3A_101 : memref<1x640xf32, #tpu.memory_space<vmem_shared>> -> memref<640xf32, #tpu.memory_space<vmem_shared>>
      %dma_wait3A_103 = arith.constant 0 : i32
      %dma_wait3A_104 = tpu.memref_slice %arg6[%run_scoped3A_47, %dma_wait3A_103] : memref<16x640xf32, #tpu.memory_space<vmem>> -> memref<1x640xf32, #tpu.memory_space<vmem>>
      %dma_wait3A_105 = tpu.memref_squeeze %dma_wait3A_104 : memref<1x640xf32, #tpu.memory_space<vmem>> -> memref<640xf32, #tpu.memory_space<vmem>>
      %dma_wait3A_106 = tpu.memref_slice %arg8[%run_scoped3A_46, %mul3A_45] : memref<16x10240xf32, #tpu.memory_space<vmem_shared>> -> memref<1x640xf32, #tpu.memory_space<vmem_shared>>
      %dma_wait3A_107 = tpu.memref_squeeze %dma_wait3A_106 : memref<1x640xf32, #tpu.memory_space<vmem_shared>> -> memref<640xf32, #tpu.memory_space<vmem_shared>>
      tpu.wait_dma2 semaphore(%run_scoped3A_89 : memref<!tpu.dma_semaphore, #tpu.memory_space<semaphore_mem>>) src(%dma_wait3A_107 : memref<640xf32, #tpu.memory_space<vmem_shared>>) dst(%dma_wait3A_105 : memref<640xf32, #tpu.memory_space<vmem>>)
      tpu.yield
    }) : () -> ()
    %mul3A_48 = arith.constant 640 : i32
    %mul3A_49 = arith.muli %arg1, %mul3A_48 : i32
    %run_scoped3A_50 = arith.constant 8 : i32
    %run_scoped3A_51 = arith.constant 8 : i32
    "tpu.region"() ({
      %run_scoped3A_89 = tpu.sem_alloc : memref<!tpu.dma_semaphore, #tpu.memory_space<semaphore_mem>>
      %dma_start3A = arith.constant 0 : i32
      %dma_start3A_90 = tpu.memref_slice %arg6[%run_scoped3A_51, %dma_start3A] : memref<16x640xf32, #tpu.memory_space<vmem>> -> memref<1x640xf32, #tpu.memory_space<vmem>>
      %dma_start3A_91 = tpu.memref_squeeze %dma_start3A_90 : memref<1x640xf32, #tpu.memory_space<vmem>> -> memref<640xf32, #tpu.memory_space<vmem>>
      %dma_start3A_92 = tpu.memref_slice %arg8[%run_scoped3A_50, %mul3A_49] : memref<16x10240xf32, #tpu.memory_space<vmem_shared>> -> memref<1x640xf32, #tpu.memory_space<vmem_shared>>
      %dma_start3A_93 = tpu.memref_squeeze %dma_start3A_92 : memref<1x640xf32, #tpu.memory_space<vmem_shared>> -> memref<640xf32, #tpu.memory_space<vmem_shared>>
      %dma_start3A_94 = arith.constant 0 : i32
      %dma_start3A_95 = tpu.memref_slice %arg6[%run_scoped3A_51, %dma_start3A_94] : memref<16x640xf32, #tpu.memory_space<vmem>> -> memref<1x640xf32, #tpu.memory_space<vmem>>
      %dma_start3A_96 = tpu.memref_squeeze %dma_start3A_95 : memref<1x640xf32, #tpu.memory_space<vmem>> -> memref<640xf32, #tpu.memory_space<vmem>>
      %dma_start3A_97 = tpu.memref_slice %arg8[%run_scoped3A_50, %mul3A_49] : memref<16x10240xf32, #tpu.memory_space<vmem_shared>> -> memref<1x640xf32, #tpu.memory_space<vmem_shared>>
      %dma_start3A_98 = tpu.memref_squeeze %dma_start3A_97 : memref<1x640xf32, #tpu.memory_space<vmem_shared>> -> memref<640xf32, #tpu.memory_space<vmem_shared>>
      tpu.enqueue_dma source(%dma_start3A_98 : memref<640xf32, #tpu.memory_space<vmem_shared>>) target(%dma_start3A_96 : memref<640xf32, #tpu.memory_space<vmem>>) target_semaphore(%run_scoped3A_89 : memref<!tpu.dma_semaphore, #tpu.memory_space<semaphore_mem>>)
      %dma_wait3A = arith.constant 0 : i32
      %dma_wait3A_99 = tpu.memref_slice %arg6[%run_scoped3A_51, %dma_wait3A] : memref<16x640xf32, #tpu.memory_space<vmem>> -> memref<1x640xf32, #tpu.memory_space<vmem>>
      %dma_wait3A_100 = tpu.memref_squeeze %dma_wait3A_99 : memref<1x640xf32, #tpu.memory_space<vmem>> -> memref<640xf32, #tpu.memory_space<vmem>>
      %dma_wait3A_101 = tpu.memref_slice %arg8[%run_scoped3A_50, %mul3A_49] : memref<16x10240xf32, #tpu.memory_space<vmem_shared>> -> memref<1x640xf32, #tpu.memory_space<vmem_shared>>
      %dma_wait3A_102 = tpu.memref_squeeze %dma_wait3A_101 : memref<1x640xf32, #tpu.memory_space<vmem_shared>> -> memref<640xf32, #tpu.memory_space<vmem_shared>>
      %dma_wait3A_103 = arith.constant 0 : i32
      %dma_wait3A_104 = tpu.memref_slice %arg6[%run_scoped3A_51, %dma_wait3A_103] : memref<16x640xf32, #tpu.memory_space<vmem>> -> memref<1x640xf32, #tpu.memory_space<vmem>>
      %dma_wait3A_105 = tpu.memref_squeeze %dma_wait3A_104 : memref<1x640xf32, #tpu.memory_space<vmem>> -> memref<640xf32, #tpu.memory_space<vmem>>
      %dma_wait3A_106 = tpu.memref_slice %arg8[%run_scoped3A_50, %mul3A_49] : memref<16x10240xf32, #tpu.memory_space<vmem_shared>> -> memref<1x640xf32, #tpu.memory_space<vmem_shared>>
      %dma_wait3A_107 = tpu.memref_squeeze %dma_wait3A_106 : memref<1x640xf32, #tpu.memory_space<vmem_shared>> -> memref<640xf32, #tpu.memory_space<vmem_shared>>
      tpu.wait_dma2 semaphore(%run_scoped3A_89 : memref<!tpu.dma_semaphore, #tpu.memory_space<semaphore_mem>>) src(%dma_wait3A_107 : memref<640xf32, #tpu.memory_space<vmem_shared>>) dst(%dma_wait3A_105 : memref<640xf32, #tpu.memory_space<vmem>>)
      tpu.yield
    }) : () -> ()
    %mul3A_52 = arith.constant 640 : i32
    %mul3A_53 = arith.muli %arg1, %mul3A_52 : i32
    %run_scoped3A_54 = arith.constant 9 : i32
    %run_scoped3A_55 = arith.constant 9 : i32
    "tpu.region"() ({
      %run_scoped3A_89 = tpu.sem_alloc : memref<!tpu.dma_semaphore, #tpu.memory_space<semaphore_mem>>
      %dma_start3A = arith.constant 0 : i32
      %dma_start3A_90 = tpu.memref_slice %arg6[%run_scoped3A_55, %dma_start3A] : memref<16x640xf32, #tpu.memory_space<vmem>> -> memref<1x640xf32, #tpu.memory_space<vmem>>
      %dma_start3A_91 = tpu.memref_squeeze %dma_start3A_90 : memref<1x640xf32, #tpu.memory_space<vmem>> -> memref<640xf32, #tpu.memory_space<vmem>>
      %dma_start3A_92 = tpu.memref_slice %arg8[%run_scoped3A_54, %mul3A_53] : memref<16x10240xf32, #tpu.memory_space<vmem_shared>> -> memref<1x640xf32, #tpu.memory_space<vmem_shared>>
      %dma_start3A_93 = tpu.memref_squeeze %dma_start3A_92 : memref<1x640xf32, #tpu.memory_space<vmem_shared>> -> memref<640xf32, #tpu.memory_space<vmem_shared>>
      %dma_start3A_94 = arith.constant 0 : i32
      %dma_start3A_95 = tpu.memref_slice %arg6[%run_scoped3A_55, %dma_start3A_94] : memref<16x640xf32, #tpu.memory_space<vmem>> -> memref<1x640xf32, #tpu.memory_space<vmem>>
      %dma_start3A_96 = tpu.memref_squeeze %dma_start3A_95 : memref<1x640xf32, #tpu.memory_space<vmem>> -> memref<640xf32, #tpu.memory_space<vmem>>
      %dma_start3A_97 = tpu.memref_slice %arg8[%run_scoped3A_54, %mul3A_53] : memref<16x10240xf32, #tpu.memory_space<vmem_shared>> -> memref<1x640xf32, #tpu.memory_space<vmem_shared>>
      %dma_start3A_98 = tpu.memref_squeeze %dma_start3A_97 : memref<1x640xf32, #tpu.memory_space<vmem_shared>> -> memref<640xf32, #tpu.memory_space<vmem_shared>>
      tpu.enqueue_dma source(%dma_start3A_98 : memref<640xf32, #tpu.memory_space<vmem_shared>>) target(%dma_start3A_96 : memref<640xf32, #tpu.memory_space<vmem>>) target_semaphore(%run_scoped3A_89 : memref<!tpu.dma_semaphore, #tpu.memory_space<semaphore_mem>>)
      %dma_wait3A = arith.constant 0 : i32
      %dma_wait3A_99 = tpu.memref_slice %arg6[%run_scoped3A_55, %dma_wait3A] : memref<16x640xf32, #tpu.memory_space<vmem>> -> memref<1x640xf32, #tpu.memory_space<vmem>>
      %dma_wait3A_100 = tpu.memref_squeeze %dma_wait3A_99 : memref<1x640xf32, #tpu.memory_space<vmem>> -> memref<640xf32, #tpu.memory_space<vmem>>
      %dma_wait3A_101 = tpu.memref_slice %arg8[%run_scoped3A_54, %mul3A_53] : memref<16x10240xf32, #tpu.memory_space<vmem_shared>> -> memref<1x640xf32, #tpu.memory_space<vmem_shared>>
      %dma_wait3A_102 = tpu.memref_squeeze %dma_wait3A_101 : memref<1x640xf32, #tpu.memory_space<vmem_shared>> -> memref<640xf32, #tpu.memory_space<vmem_shared>>
      %dma_wait3A_103 = arith.constant 0 : i32
      %dma_wait3A_104 = tpu.memref_slice %arg6[%run_scoped3A_55, %dma_wait3A_103] : memref<16x640xf32, #tpu.memory_space<vmem>> -> memref<1x640xf32, #tpu.memory_space<vmem>>
      %dma_wait3A_105 = tpu.memref_squeeze %dma_wait3A_104 : memref<1x640xf32, #tpu.memory_space<vmem>> -> memref<640xf32, #tpu.memory_space<vmem>>
      %dma_wait3A_106 = tpu.memref_slice %arg8[%run_scoped3A_54, %mul3A_53] : memref<16x10240xf32, #tpu.memory_space<vmem_shared>> -> memref<1x640xf32, #tpu.memory_space<vmem_shared>>
      %dma_wait3A_107 = tpu.memref_squeeze %dma_wait3A_106 : memref<1x640xf32, #tpu.memory_space<vmem_shared>> -> memref<640xf32, #tpu.memory_space<vmem_shared>>
      tpu.wait_dma2 semaphore(%run_scoped3A_89 : memref<!tpu.dma_semaphore, #tpu.memory_space<semaphore_mem>>) src(%dma_wait3A_107 : memref<640xf32, #tpu.memory_space<vmem_shared>>) dst(%dma_wait3A_105 : memref<640xf32, #tpu.memory_space<vmem>>)
      tpu.yield
    }) : () -> ()
    %mul3A_56 = arith.constant 640 : i32
    %mul3A_57 = arith.muli %arg1, %mul3A_56 : i32
    %run_scoped3A_58 = arith.constant 10 : i32
    %run_scoped3A_59 = arith.constant 10 : i32
    "tpu.region"() ({
      %run_scoped3A_89 = tpu.sem_alloc : memref<!tpu.dma_semaphore, #tpu.memory_space<semaphore_mem>>
      %dma_start3A = arith.constant 0 : i32
      %dma_start3A_90 = tpu.memref_slice %arg6[%run_scoped3A_59, %dma_start3A] : memref<16x640xf32, #tpu.memory_space<vmem>> -> memref<1x640xf32, #tpu.memory_space<vmem>>
      %dma_start3A_91 = tpu.memref_squeeze %dma_start3A_90 : memref<1x640xf32, #tpu.memory_space<vmem>> -> memref<640xf32, #tpu.memory_space<vmem>>
      %dma_start3A_92 = tpu.memref_slice %arg8[%run_scoped3A_58, %mul3A_57] : memref<16x10240xf32, #tpu.memory_space<vmem_shared>> -> memref<1x640xf32, #tpu.memory_space<vmem_shared>>
      %dma_start3A_93 = tpu.memref_squeeze %dma_start3A_92 : memref<1x640xf32, #tpu.memory_space<vmem_shared>> -> memref<640xf32, #tpu.memory_space<vmem_shared>>
      %dma_start3A_94 = arith.constant 0 : i32
      %dma_start3A_95 = tpu.memref_slice %arg6[%run_scoped3A_59, %dma_start3A_94] : memref<16x640xf32, #tpu.memory_space<vmem>> -> memref<1x640xf32, #tpu.memory_space<vmem>>
      %dma_start3A_96 = tpu.memref_squeeze %dma_start3A_95 : memref<1x640xf32, #tpu.memory_space<vmem>> -> memref<640xf32, #tpu.memory_space<vmem>>
      %dma_start3A_97 = tpu.memref_slice %arg8[%run_scoped3A_58, %mul3A_57] : memref<16x10240xf32, #tpu.memory_space<vmem_shared>> -> memref<1x640xf32, #tpu.memory_space<vmem_shared>>
      %dma_start3A_98 = tpu.memref_squeeze %dma_start3A_97 : memref<1x640xf32, #tpu.memory_space<vmem_shared>> -> memref<640xf32, #tpu.memory_space<vmem_shared>>
      tpu.enqueue_dma source(%dma_start3A_98 : memref<640xf32, #tpu.memory_space<vmem_shared>>) target(%dma_start3A_96 : memref<640xf32, #tpu.memory_space<vmem>>) target_semaphore(%run_scoped3A_89 : memref<!tpu.dma_semaphore, #tpu.memory_space<semaphore_mem>>)
      %dma_wait3A = arith.constant 0 : i32
      %dma_wait3A_99 = tpu.memref_slice %arg6[%run_scoped3A_59, %dma_wait3A] : memref<16x640xf32, #tpu.memory_space<vmem>> -> memref<1x640xf32, #tpu.memory_space<vmem>>
      %dma_wait3A_100 = tpu.memref_squeeze %dma_wait3A_99 : memref<1x640xf32, #tpu.memory_space<vmem>> -> memref<640xf32, #tpu.memory_space<vmem>>
      %dma_wait3A_101 = tpu.memref_slice %arg8[%run_scoped3A_58, %mul3A_57] : memref<16x10240xf32, #tpu.memory_space<vmem_shared>> -> memref<1x640xf32, #tpu.memory_space<vmem_shared>>
      %dma_wait3A_102 = tpu.memref_squeeze %dma_wait3A_101 : memref<1x640xf32, #tpu.memory_space<vmem_shared>> -> memref<640xf32, #tpu.memory_space<vmem_shared>>
      %dma_wait3A_103 = arith.constant 0 : i32
      %dma_wait3A_104 = tpu.memref_slice %arg6[%run_scoped3A_59, %dma_wait3A_103] : memref<16x640xf32, #tpu.memory_space<vmem>> -> memref<1x640xf32, #tpu.memory_space<vmem>>
      %dma_wait3A_105 = tpu.memref_squeeze %dma_wait3A_104 : memref<1x640xf32, #tpu.memory_space<vmem>> -> memref<640xf32, #tpu.memory_space<vmem>>
      %dma_wait3A_106 = tpu.memref_slice %arg8[%run_scoped3A_58, %mul3A_57] : memref<16x10240xf32, #tpu.memory_space<vmem_shared>> -> memref<1x640xf32, #tpu.memory_space<vmem_shared>>
      %dma_wait3A_107 = tpu.memref_squeeze %dma_wait3A_106 : memref<1x640xf32, #tpu.memory_space<vmem_shared>> -> memref<640xf32, #tpu.memory_space<vmem_shared>>
      tpu.wait_dma2 semaphore(%run_scoped3A_89 : memref<!tpu.dma_semaphore, #tpu.memory_space<semaphore_mem>>) src(%dma_wait3A_107 : memref<640xf32, #tpu.memory_space<vmem_shared>>) dst(%dma_wait3A_105 : memref<640xf32, #tpu.memory_space<vmem>>)
      tpu.yield
    }) : () -> ()
    %mul3A_60 = arith.constant 640 : i32
    %mul3A_61 = arith.muli %arg1, %mul3A_60 : i32
    %run_scoped3A_62 = arith.constant 11 : i32
    %run_scoped3A_63 = arith.constant 11 : i32
    "tpu.region"() ({
      %run_scoped3A_89 = tpu.sem_alloc : memref<!tpu.dma_semaphore, #tpu.memory_space<semaphore_mem>>
      %dma_start3A = arith.constant 0 : i32
      %dma_start3A_90 = tpu.memref_slice %arg6[%run_scoped3A_63, %dma_start3A] : memref<16x640xf32, #tpu.memory_space<vmem>> -> memref<1x640xf32, #tpu.memory_space<vmem>>
      %dma_start3A_91 = tpu.memref_squeeze %dma_start3A_90 : memref<1x640xf32, #tpu.memory_space<vmem>> -> memref<640xf32, #tpu.memory_space<vmem>>
      %dma_start3A_92 = tpu.memref_slice %arg8[%run_scoped3A_62, %mul3A_61] : memref<16x10240xf32, #tpu.memory_space<vmem_shared>> -> memref<1x640xf32, #tpu.memory_space<vmem_shared>>
      %dma_start3A_93 = tpu.memref_squeeze %dma_start3A_92 : memref<1x640xf32, #tpu.memory_space<vmem_shared>> -> memref<640xf32, #tpu.memory_space<vmem_shared>>
      %dma_start3A_94 = arith.constant 0 : i32
      %dma_start3A_95 = tpu.memref_slice %arg6[%run_scoped3A_63, %dma_start3A_94] : memref<16x640xf32, #tpu.memory_space<vmem>> -> memref<1x640xf32, #tpu.memory_space<vmem>>
      %dma_start3A_96 = tpu.memref_squeeze %dma_start3A_95 : memref<1x640xf32, #tpu.memory_space<vmem>> -> memref<640xf32, #tpu.memory_space<vmem>>
      %dma_start3A_97 = tpu.memref_slice %arg8[%run_scoped3A_62, %mul3A_61] : memref<16x10240xf32, #tpu.memory_space<vmem_shared>> -> memref<1x640xf32, #tpu.memory_space<vmem_shared>>
      %dma_start3A_98 = tpu.memref_squeeze %dma_start3A_97 : memref<1x640xf32, #tpu.memory_space<vmem_shared>> -> memref<640xf32, #tpu.memory_space<vmem_shared>>
      tpu.enqueue_dma source(%dma_start3A_98 : memref<640xf32, #tpu.memory_space<vmem_shared>>) target(%dma_start3A_96 : memref<640xf32, #tpu.memory_space<vmem>>) target_semaphore(%run_scoped3A_89 : memref<!tpu.dma_semaphore, #tpu.memory_space<semaphore_mem>>)
      %dma_wait3A = arith.constant 0 : i32
      %dma_wait3A_99 = tpu.memref_slice %arg6[%run_scoped3A_63, %dma_wait3A] : memref<16x640xf32, #tpu.memory_space<vmem>> -> memref<1x640xf32, #tpu.memory_space<vmem>>
      %dma_wait3A_100 = tpu.memref_squeeze %dma_wait3A_99 : memref<1x640xf32, #tpu.memory_space<vmem>> -> memref<640xf32, #tpu.memory_space<vmem>>
      %dma_wait3A_101 = tpu.memref_slice %arg8[%run_scoped3A_62, %mul3A_61] : memref<16x10240xf32, #tpu.memory_space<vmem_shared>> -> memref<1x640xf32, #tpu.memory_space<vmem_shared>>
      %dma_wait3A_102 = tpu.memref_squeeze %dma_wait3A_101 : memref<1x640xf32, #tpu.memory_space<vmem_shared>> -> memref<640xf32, #tpu.memory_space<vmem_shared>>
      %dma_wait3A_103 = arith.constant 0 : i32
      %dma_wait3A_104 = tpu.memref_slice %arg6[%run_scoped3A_63, %dma_wait3A_103] : memref<16x640xf32, #tpu.memory_space<vmem>> -> memref<1x640xf32, #tpu.memory_space<vmem>>
      %dma_wait3A_105 = tpu.memref_squeeze %dma_wait3A_104 : memref<1x640xf32, #tpu.memory_space<vmem>> -> memref<640xf32, #tpu.memory_space<vmem>>
      %dma_wait3A_106 = tpu.memref_slice %arg8[%run_scoped3A_62, %mul3A_61] : memref<16x10240xf32, #tpu.memory_space<vmem_shared>> -> memref<1x640xf32, #tpu.memory_space<vmem_shared>>
      %dma_wait3A_107 = tpu.memref_squeeze %dma_wait3A_106 : memref<1x640xf32, #tpu.memory_space<vmem_shared>> -> memref<640xf32, #tpu.memory_space<vmem_shared>>
      tpu.wait_dma2 semaphore(%run_scoped3A_89 : memref<!tpu.dma_semaphore, #tpu.memory_space<semaphore_mem>>) src(%dma_wait3A_107 : memref<640xf32, #tpu.memory_space<vmem_shared>>) dst(%dma_wait3A_105 : memref<640xf32, #tpu.memory_space<vmem>>)
      tpu.yield
    }) : () -> ()
    %mul3A_64 = arith.constant 640 : i32
    %mul3A_65 = arith.muli %arg1, %mul3A_64 : i32
    %run_scoped3A_66 = arith.constant 12 : i32
    %run_scoped3A_67 = arith.constant 12 : i32
    "tpu.region"() ({
      %run_scoped3A_89 = tpu.sem_alloc : memref<!tpu.dma_semaphore, #tpu.memory_space<semaphore_mem>>
      %dma_start3A = arith.constant 0 : i32
      %dma_start3A_90 = tpu.memref_slice %arg6[%run_scoped3A_67, %dma_start3A] : memref<16x640xf32, #tpu.memory_space<vmem>> -> memref<1x640xf32, #tpu.memory_space<vmem>>
      %dma_start3A_91 = tpu.memref_squeeze %dma_start3A_90 : memref<1x640xf32, #tpu.memory_space<vmem>> -> memref<640xf32, #tpu.memory_space<vmem>>
      %dma_start3A_92 = tpu.memref_slice %arg8[%run_scoped3A_66, %mul3A_65] : memref<16x10240xf32, #tpu.memory_space<vmem_shared>> -> memref<1x640xf32, #tpu.memory_space<vmem_shared>>
      %dma_start3A_93 = tpu.memref_squeeze %dma_start3A_92 : memref<1x640xf32, #tpu.memory_space<vmem_shared>> -> memref<640xf32, #tpu.memory_space<vmem_shared>>
      %dma_start3A_94 = arith.constant 0 : i32
      %dma_start3A_95 = tpu.memref_slice %arg6[%run_scoped3A_67, %dma_start3A_94] : memref<16x640xf32, #tpu.memory_space<vmem>> -> memref<1x640xf32, #tpu.memory_space<vmem>>
      %dma_start3A_96 = tpu.memref_squeeze %dma_start3A_95 : memref<1x640xf32, #tpu.memory_space<vmem>> -> memref<640xf32, #tpu.memory_space<vmem>>
      %dma_start3A_97 = tpu.memref_slice %arg8[%run_scoped3A_66, %mul3A_65] : memref<16x10240xf32, #tpu.memory_space<vmem_shared>> -> memref<1x640xf32, #tpu.memory_space<vmem_shared>>
      %dma_start3A_98 = tpu.memref_squeeze %dma_start3A_97 : memref<1x640xf32, #tpu.memory_space<vmem_shared>> -> memref<640xf32, #tpu.memory_space<vmem_shared>>
      tpu.enqueue_dma source(%dma_start3A_98 : memref<640xf32, #tpu.memory_space<vmem_shared>>) target(%dma_start3A_96 : memref<640xf32, #tpu.memory_space<vmem>>) target_semaphore(%run_scoped3A_89 : memref<!tpu.dma_semaphore, #tpu.memory_space<semaphore_mem>>)
      %dma_wait3A = arith.constant 0 : i32
      %dma_wait3A_99 = tpu.memref_slice %arg6[%run_scoped3A_67, %dma_wait3A] : memref<16x640xf32, #tpu.memory_space<vmem>> -> memref<1x640xf32, #tpu.memory_space<vmem>>
      %dma_wait3A_100 = tpu.memref_squeeze %dma_wait3A_99 : memref<1x640xf32, #tpu.memory_space<vmem>> -> memref<640xf32, #tpu.memory_space<vmem>>
      %dma_wait3A_101 = tpu.memref_slice %arg8[%run_scoped3A_66, %mul3A_65] : memref<16x10240xf32, #tpu.memory_space<vmem_shared>> -> memref<1x640xf32, #tpu.memory_space<vmem_shared>>
      %dma_wait3A_102 = tpu.memref_squeeze %dma_wait3A_101 : memref<1x640xf32, #tpu.memory_space<vmem_shared>> -> memref<640xf32, #tpu.memory_space<vmem_shared>>
      %dma_wait3A_103 = arith.constant 0 : i32
      %dma_wait3A_104 = tpu.memref_slice %arg6[%run_scoped3A_67, %dma_wait3A_103] : memref<16x640xf32, #tpu.memory_space<vmem>> -> memref<1x640xf32, #tpu.memory_space<vmem>>
      %dma_wait3A_105 = tpu.memref_squeeze %dma_wait3A_104 : memref<1x640xf32, #tpu.memory_space<vmem>> -> memref<640xf32, #tpu.memory_space<vmem>>
      %dma_wait3A_106 = tpu.memref_slice %arg8[%run_scoped3A_66, %mul3A_65] : memref<16x10240xf32, #tpu.memory_space<vmem_shared>> -> memref<1x640xf32, #tpu.memory_space<vmem_shared>>
      %dma_wait3A_107 = tpu.memref_squeeze %dma_wait3A_106 : memref<1x640xf32, #tpu.memory_space<vmem_shared>> -> memref<640xf32, #tpu.memory_space<vmem_shared>>
      tpu.wait_dma2 semaphore(%run_scoped3A_89 : memref<!tpu.dma_semaphore, #tpu.memory_space<semaphore_mem>>) src(%dma_wait3A_107 : memref<640xf32, #tpu.memory_space<vmem_shared>>) dst(%dma_wait3A_105 : memref<640xf32, #tpu.memory_space<vmem>>)
      tpu.yield
    }) : () -> ()
    %mul3A_68 = arith.constant 640 : i32
    %mul3A_69 = arith.muli %arg1, %mul3A_68 : i32
    %run_scoped3A_70 = arith.constant 13 : i32
    %run_scoped3A_71 = arith.constant 13 : i32
    "tpu.region"() ({
      %run_scoped3A_89 = tpu.sem_alloc : memref<!tpu.dma_semaphore, #tpu.memory_space<semaphore_mem>>
      %dma_start3A = arith.constant 0 : i32
      %dma_start3A_90 = tpu.memref_slice %arg6[%run_scoped3A_71, %dma_start3A] : memref<16x640xf32, #tpu.memory_space<vmem>> -> memref<1x640xf32, #tpu.memory_space<vmem>>
      %dma_start3A_91 = tpu.memref_squeeze %dma_start3A_90 : memref<1x640xf32, #tpu.memory_space<vmem>> -> memref<640xf32, #tpu.memory_space<vmem>>
      %dma_start3A_92 = tpu.memref_slice %arg8[%run_scoped3A_70, %mul3A_69] : memref<16x10240xf32, #tpu.memory_space<vmem_shared>> -> memref<1x640xf32, #tpu.memory_space<vmem_shared>>
      %dma_start3A_93 = tpu.memref_squeeze %dma_start3A_92 : memref<1x640xf32, #tpu.memory_space<vmem_shared>> -> memref<640xf32, #tpu.memory_space<vmem_shared>>
      %dma_start3A_94 = arith.constant 0 : i32
      %dma_start3A_95 = tpu.memref_slice %arg6[%run_scoped3A_71, %dma_start3A_94] : memref<16x640xf32, #tpu.memory_space<vmem>> -> memref<1x640xf32, #tpu.memory_space<vmem>>
      %dma_start3A_96 = tpu.memref_squeeze %dma_start3A_95 : memref<1x640xf32, #tpu.memory_space<vmem>> -> memref<640xf32, #tpu.memory_space<vmem>>
      %dma_start3A_97 = tpu.memref_slice %arg8[%run_scoped3A_70, %mul3A_69] : memref<16x10240xf32, #tpu.memory_space<vmem_shared>> -> memref<1x640xf32, #tpu.memory_space<vmem_shared>>
      %dma_start3A_98 = tpu.memref_squeeze %dma_start3A_97 : memref<1x640xf32, #tpu.memory_space<vmem_shared>> -> memref<640xf32, #tpu.memory_space<vmem_shared>>
      tpu.enqueue_dma source(%dma_start3A_98 : memref<640xf32, #tpu.memory_space<vmem_shared>>) target(%dma_start3A_96 : memref<640xf32, #tpu.memory_space<vmem>>) target_semaphore(%run_scoped3A_89 : memref<!tpu.dma_semaphore, #tpu.memory_space<semaphore_mem>>)
      %dma_wait3A = arith.constant 0 : i32
      %dma_wait3A_99 = tpu.memref_slice %arg6[%run_scoped3A_71, %dma_wait3A] : memref<16x640xf32, #tpu.memory_space<vmem>> -> memref<1x640xf32, #tpu.memory_space<vmem>>
      %dma_wait3A_100 = tpu.memref_squeeze %dma_wait3A_99 : memref<1x640xf32, #tpu.memory_space<vmem>> -> memref<640xf32, #tpu.memory_space<vmem>>
      %dma_wait3A_101 = tpu.memref_slice %arg8[%run_scoped3A_70, %mul3A_69] : memref<16x10240xf32, #tpu.memory_space<vmem_shared>> -> memref<1x640xf32, #tpu.memory_space<vmem_shared>>
      %dma_wait3A_102 = tpu.memref_squeeze %dma_wait3A_101 : memref<1x640xf32, #tpu.memory_space<vmem_shared>> -> memref<640xf32, #tpu.memory_space<vmem_shared>>
      %dma_wait3A_103 = arith.constant 0 : i32
      %dma_wait3A_104 = tpu.memref_slice %arg6[%run_scoped3A_71, %dma_wait3A_103] : memref<16x640xf32, #tpu.memory_space<vmem>> -> memref<1x640xf32, #tpu.memory_space<vmem>>
      %dma_wait3A_105 = tpu.memref_squeeze %dma_wait3A_104 : memref<1x640xf32, #tpu.memory_space<vmem>> -> memref<640xf32, #tpu.memory_space<vmem>>
      %dma_wait3A_106 = tpu.memref_slice %arg8[%run_scoped3A_70, %mul3A_69] : memref<16x10240xf32, #tpu.memory_space<vmem_shared>> -> memref<1x640xf32, #tpu.memory_space<vmem_shared>>
      %dma_wait3A_107 = tpu.memref_squeeze %dma_wait3A_106 : memref<1x640xf32, #tpu.memory_space<vmem_shared>> -> memref<640xf32, #tpu.memory_space<vmem_shared>>
      tpu.wait_dma2 semaphore(%run_scoped3A_89 : memref<!tpu.dma_semaphore, #tpu.memory_space<semaphore_mem>>) src(%dma_wait3A_107 : memref<640xf32, #tpu.memory_space<vmem_shared>>) dst(%dma_wait3A_105 : memref<640xf32, #tpu.memory_space<vmem>>)
      tpu.yield
    }) : () -> ()
    %mul3A_72 = arith.constant 640 : i32
    %mul3A_73 = arith.muli %arg1, %mul3A_72 : i32
    %run_scoped3A_74 = arith.constant 14 : i32
    %run_scoped3A_75 = arith.constant 14 : i32
    "tpu.region"() ({
      %run_scoped3A_89 = tpu.sem_alloc : memref<!tpu.dma_semaphore, #tpu.memory_space<semaphore_mem>>
      %dma_start3A = arith.constant 0 : i32
      %dma_start3A_90 = tpu.memref_slice %arg6[%run_scoped3A_75, %dma_start3A] : memref<16x640xf32, #tpu.memory_space<vmem>> -> memref<1x640xf32, #tpu.memory_space<vmem>>
      %dma_start3A_91 = tpu.memref_squeeze %dma_start3A_90 : memref<1x640xf32, #tpu.memory_space<vmem>> -> memref<640xf32, #tpu.memory_space<vmem>>
      %dma_start3A_92 = tpu.memref_slice %arg8[%run_scoped3A_74, %mul3A_73] : memref<16x10240xf32, #tpu.memory_space<vmem_shared>> -> memref<1x640xf32, #tpu.memory_space<vmem_shared>>
      %dma_start3A_93 = tpu.memref_squeeze %dma_start3A_92 : memref<1x640xf32, #tpu.memory_space<vmem_shared>> -> memref<640xf32, #tpu.memory_space<vmem_shared>>
      %dma_start3A_94 = arith.constant 0 : i32
      %dma_start3A_95 = tpu.memref_slice %arg6[%run_scoped3A_75, %dma_start3A_94] : memref<16x640xf32, #tpu.memory_space<vmem>> -> memref<1x640xf32, #tpu.memory_space<vmem>>
      %dma_start3A_96 = tpu.memref_squeeze %dma_start3A_95 : memref<1x640xf32, #tpu.memory_space<vmem>> -> memref<640xf32, #tpu.memory_space<vmem>>
      %dma_start3A_97 = tpu.memref_slice %arg8[%run_scoped3A_74, %mul3A_73] : memref<16x10240xf32, #tpu.memory_space<vmem_shared>> -> memref<1x640xf32, #tpu.memory_space<vmem_shared>>
      %dma_start3A_98 = tpu.memref_squeeze %dma_start3A_97 : memref<1x640xf32, #tpu.memory_space<vmem_shared>> -> memref<640xf32, #tpu.memory_space<vmem_shared>>
      tpu.enqueue_dma source(%dma_start3A_98 : memref<640xf32, #tpu.memory_space<vmem_shared>>) target(%dma_start3A_96 : memref<640xf32, #tpu.memory_space<vmem>>) target_semaphore(%run_scoped3A_89 : memref<!tpu.dma_semaphore, #tpu.memory_space<semaphore_mem>>)
      %dma_wait3A = arith.constant 0 : i32
      %dma_wait3A_99 = tpu.memref_slice %arg6[%run_scoped3A_75, %dma_wait3A] : memref<16x640xf32, #tpu.memory_space<vmem>> -> memref<1x640xf32, #tpu.memory_space<vmem>>
      %dma_wait3A_100 = tpu.memref_squeeze %dma_wait3A_99 : memref<1x640xf32, #tpu.memory_space<vmem>> -> memref<640xf32, #tpu.memory_space<vmem>>
      %dma_wait3A_101 = tpu.memref_slice %arg8[%run_scoped3A_74, %mul3A_73] : memref<16x10240xf32, #tpu.memory_space<vmem_shared>> -> memref<1x640xf32, #tpu.memory_space<vmem_shared>>
      %dma_wait3A_102 = tpu.memref_squeeze %dma_wait3A_101 : memref<1x640xf32, #tpu.memory_space<vmem_shared>> -> memref<640xf32, #tpu.memory_space<vmem_shared>>
      %dma_wait3A_103 = arith.constant 0 : i32
      %dma_wait3A_104 = tpu.memref_slice %arg6[%run_scoped3A_75, %dma_wait3A_103] : memref<16x640xf32, #tpu.memory_space<vmem>> -> memref<1x640xf32, #tpu.memory_space<vmem>>
      %dma_wait3A_105 = tpu.memref_squeeze %dma_wait3A_104 : memref<1x640xf32, #tpu.memory_space<vmem>> -> memref<640xf32, #tpu.memory_space<vmem>>
      %dma_wait3A_106 = tpu.memref_slice %arg8[%run_scoped3A_74, %mul3A_73] : memref<16x10240xf32, #tpu.memory_space<vmem_shared>> -> memref<1x640xf32, #tpu.memory_space<vmem_shared>>
      %dma_wait3A_107 = tpu.memref_squeeze %dma_wait3A_106 : memref<1x640xf32, #tpu.memory_space<vmem_shared>> -> memref<640xf32, #tpu.memory_space<vmem_shared>>
      tpu.wait_dma2 semaphore(%run_scoped3A_89 : memref<!tpu.dma_semaphore, #tpu.memory_space<semaphore_mem>>) src(%dma_wait3A_107 : memref<640xf32, #tpu.memory_space<vmem_shared>>) dst(%dma_wait3A_105 : memref<640xf32, #tpu.memory_space<vmem>>)
      tpu.yield
    }) : () -> ()
    %mul3A_76 = arith.constant 640 : i32
    %mul3A_77 = arith.muli %arg1, %mul3A_76 : i32
    %run_scoped3A_78 = arith.constant 15 : i32
    %run_scoped3A_79 = arith.constant 15 : i32
    "tpu.region"() ({
      %run_scoped3A_89 = tpu.sem_alloc : memref<!tpu.dma_semaphore, #tpu.memory_space<semaphore_mem>>
      %dma_start3A = arith.constant 0 : i32
      %dma_start3A_90 = tpu.memref_slice %arg6[%run_scoped3A_79, %dma_start3A] : memref<16x640xf32, #tpu.memory_space<vmem>> -> memref<1x640xf32, #tpu.memory_space<vmem>>
      %dma_start3A_91 = tpu.memref_squeeze %dma_start3A_90 : memref<1x640xf32, #tpu.memory_space<vmem>> -> memref<640xf32, #tpu.memory_space<vmem>>
      %dma_start3A_92 = tpu.memref_slice %arg8[%run_scoped3A_78, %mul3A_77] : memref<16x10240xf32, #tpu.memory_space<vmem_shared>> -> memref<1x640xf32, #tpu.memory_space<vmem_shared>>
      %dma_start3A_93 = tpu.memref_squeeze %dma_start3A_92 : memref<1x640xf32, #tpu.memory_space<vmem_shared>> -> memref<640xf32, #tpu.memory_space<vmem_shared>>
      %dma_start3A_94 = arith.constant 0 : i32
      %dma_start3A_95 = tpu.memref_slice %arg6[%run_scoped3A_79, %dma_start3A_94] : memref<16x640xf32, #tpu.memory_space<vmem>> -> memref<1x640xf32, #tpu.memory_space<vmem>>
      %dma_start3A_96 = tpu.memref_squeeze %dma_start3A_95 : memref<1x640xf32, #tpu.memory_space<vmem>> -> memref<640xf32, #tpu.memory_space<vmem>>
      %dma_start3A_97 = tpu.memref_slice %arg8[%run_scoped3A_78, %mul3A_77] : memref<16x10240xf32, #tpu.memory_space<vmem_shared>> -> memref<1x640xf32, #tpu.memory_space<vmem_shared>>
      %dma_start3A_98 = tpu.memref_squeeze %dma_start3A_97 : memref<1x640xf32, #tpu.memory_space<vmem_shared>> -> memref<640xf32, #tpu.memory_space<vmem_shared>>
      tpu.enqueue_dma source(%dma_start3A_98 : memref<640xf32, #tpu.memory_space<vmem_shared>>) target(%dma_start3A_96 : memref<640xf32, #tpu.memory_space<vmem>>) target_semaphore(%run_scoped3A_89 : memref<!tpu.dma_semaphore, #tpu.memory_space<semaphore_mem>>)
      %dma_wait3A = arith.constant 0 : i32
      %dma_wait3A_99 = tpu.memref_slice %arg6[%run_scoped3A_79, %dma_wait3A] : memref<16x640xf32, #tpu.memory_space<vmem>> -> memref<1x640xf32, #tpu.memory_space<vmem>>
      %dma_wait3A_100 = tpu.memref_squeeze %dma_wait3A_99 : memref<1x640xf32, #tpu.memory_space<vmem>> -> memref<640xf32, #tpu.memory_space<vmem>>
      %dma_wait3A_101 = tpu.memref_slice %arg8[%run_scoped3A_78, %mul3A_77] : memref<16x10240xf32, #tpu.memory_space<vmem_shared>> -> memref<1x640xf32, #tpu.memory_space<vmem_shared>>
      %dma_wait3A_102 = tpu.memref_squeeze %dma_wait3A_101 : memref<1x640xf32, #tpu.memory_space<vmem_shared>> -> memref<640xf32, #tpu.memory_space<vmem_shared>>
      %dma_wait3A_103 = arith.constant 0 : i32
      %dma_wait3A_104 = tpu.memref_slice %arg6[%run_scoped3A_79, %dma_wait3A_103] : memref<16x640xf32, #tpu.memory_space<vmem>> -> memref<1x640xf32, #tpu.memory_space<vmem>>
      %dma_wait3A_105 = tpu.memref_squeeze %dma_wait3A_104 : memref<1x640xf32, #tpu.memory_space<vmem>> -> memref<640xf32, #tpu.memory_space<vmem>>
      %dma_wait3A_106 = tpu.memref_slice %arg8[%run_scoped3A_78, %mul3A_77] : memref<16x10240xf32, #tpu.memory_space<vmem_shared>> -> memref<1x640xf32, #tpu.memory_space<vmem_shared>>
      %dma_wait3A_107 = tpu.memref_squeeze %dma_wait3A_106 : memref<1x640xf32, #tpu.memory_space<vmem_shared>> -> memref<640xf32, #tpu.memory_space<vmem_shared>>
      tpu.wait_dma2 semaphore(%run_scoped3A_89 : memref<!tpu.dma_semaphore, #tpu.memory_space<semaphore_mem>>) src(%dma_wait3A_107 : memref<640xf32, #tpu.memory_space<vmem_shared>>) dst(%dma_wait3A_105 : memref<640xf32, #tpu.memory_space<vmem>>)
      tpu.yield
    }) : () -> ()
    %scan3A_80 = arith.constant 0 : i32
    %scan3A_81 = arith.constant 0 : i32
    %scan3A_82 = arith.constant 40 : i32
    %scan3A_83 = arith.addi %scan3A_81, %scan3A_82 : i32
    %scan3A_84 = arith.constant 1 : i32
    %scan3A_85 = scf.for %scan3A_89 = %scan3A_81 to %scan3A_83 step %scan3A_84 iter_args(%scan3A_90 = %scan3A_80) -> (i32)  : i32 {
      %mul3A_91 = arith.constant 16 : i32
      %mul3A_92 = arith.muli %mul3A_91, %scan3A_89 : i32
      %get3A = arith.constant 0 : i32
      %get3A_93 = arith.index_cast %get3A : i32 to index
      %get3A_94 = arith.index_cast %mul3A_92 : i32 to index
      %get3A_95 = tpu.vector_load %arg6[%get3A_93, %get3A_94] {strides = array<i32>} : memref<16x640xf32, #tpu.memory_space<vmem>>, vector<16xf32>,
      %mul3A_96 = arith.constant 16 : i32
      %mul3A_97 = arith.muli %mul3A_96, %scan3A_89 : i32
      %get3A_98 = arith.constant 1 : i32
      %get3A_99 = arith.index_cast %get3A_98 : i32 to index
      %get3A_100 = arith.index_cast %mul3A_97 : i32 to index
      %get3A_101 = tpu.vector_load %arg6[%get3A_99, %get3A_100] {strides = array<i32>} : memref<16x640xf32, #tpu.memory_space<vmem>>, vector<16xf32>,
      %add3A_102 = arith.addf %get3A_95, %get3A_101 : vector<16xf32>
      %mul3A_103 = arith.constant 16 : i32
      %mul3A_104 = arith.muli %mul3A_103, %scan3A_89 : i32
      %get3A_105 = arith.constant 2 : i32
      %get3A_106 = arith.index_cast %get3A_105 : i32 to index
      %get3A_107 = arith.index_cast %mul3A_104 : i32 to index
      %get3A_108 = tpu.vector_load %arg6[%get3A_106, %get3A_107] {strides = array<i32>} : memref<16x640xf32, #tpu.memory_space<vmem>>, vector<16xf32>,
      %add3A_109 = arith.addf %add3A_102, %get3A_108 : vector<16xf32>
      %mul3A_110 = arith.constant 16 : i32
      %mul3A_111 = arith.muli %mul3A_110, %scan3A_89 : i32
      %get3A_112 = arith.constant 3 : i32
      %get3A_113 = arith.index_cast %get3A_112 : i32 to index
      %get3A_114 = arith.index_cast %mul3A_111 : i32 to index
      %get3A_115 = tpu.vector_load %arg6[%get3A_113, %get3A_114] {strides = array<i32>} : memref<16x640xf32, #tpu.memory_space<vmem>>, vector<16xf32>,
      %add3A_116 = arith.addf %add3A_109, %get3A_115 : vector<16xf32>
      %mul3A_117 = arith.constant 16 : i32
      %mul3A_118 = arith.muli %mul3A_117, %scan3A_89 : i32
      %get3A_119 = arith.constant 4 : i32
      %get3A_120 = arith.index_cast %get3A_119 : i32 to index
      %get3A_121 = arith.index_cast %mul3A_118 : i32 to index
      %get3A_122 = tpu.vector_load %arg6[%get3A_120, %get3A_121] {strides = array<i32>} : memref<16x640xf32, #tpu.memory_space<vmem>>, vector<16xf32>,
      %add3A_123 = arith.addf %add3A_116, %get3A_122 : vector<16xf32>
      %mul3A_124 = arith.constant 16 : i32
      %mul3A_125 = arith.muli %mul3A_124, %scan3A_89 : i32
      %get3A_126 = arith.constant 5 : i32
      %get3A_127 = arith.index_cast %get3A_126 : i32 to index
      %get3A_128 = arith.index_cast %mul3A_125 : i32 to index
      %get3A_129 = tpu.vector_load %arg6[%get3A_127, %get3A_128] {strides = array<i32>} : memref<16x640xf32, #tpu.memory_space<vmem>>, vector<16xf32>,
      %add3A_130 = arith.addf %add3A_123, %get3A_129 : vector<16xf32>
      %mul3A_131 = arith.constant 16 : i32
      %mul3A_132 = arith.muli %mul3A_131, %scan3A_89 : i32
      %get3A_133 = arith.constant 6 : i32
      %get3A_134 = arith.index_cast %get3A_133 : i32 to index
      %get3A_135 = arith.index_cast %mul3A_132 : i32 to index
      %get3A_136 = tpu.vector_load %arg6[%get3A_134, %get3A_135] {strides = array<i32>} : memref<16x640xf32, #tpu.memory_space<vmem>>, vector<16xf32>,
      %add3A_137 = arith.addf %add3A_130, %get3A_136 : vector<16xf32>
      %mul3A_138 = arith.constant 16 : i32
      %mul3A_139 = arith.muli %mul3A_138, %scan3A_89 : i32
      %get3A_140 = arith.constant 7 : i32
      %get3A_141 = arith.index_cast %get3A_140 : i32 to index
      %get3A_142 = arith.index_cast %mul3A_139 : i32 to index
      %get3A_143 = tpu.vector_load %arg6[%get3A_141, %get3A_142] {strides = array<i32>} : memref<16x640xf32, #tpu.memory_space<vmem>>, vector<16xf32>,
      %add3A_144 = arith.addf %add3A_137, %get3A_143 : vector<16xf32>
      %mul3A_145 = arith.constant 16 : i32
      %mul3A_146 = arith.muli %mul3A_145, %scan3A_89 : i32
      %get3A_147 = arith.constant 8 : i32
      %get3A_148 = arith.index_cast %get3A_147 : i32 to index
      %get3A_149 = arith.index_cast %mul3A_146 : i32 to index
      %get3A_150 = tpu.vector_load %arg6[%get3A_148, %get3A_149] {strides = array<i32>} : memref<16x640xf32, #tpu.memory_space<vmem>>, vector<16xf32>,
      %add3A_151 = arith.addf %add3A_144, %get3A_150 : vector<16xf32>
      %mul3A_152 = arith.constant 16 : i32
      %mul3A_153 = arith.muli %mul3A_152, %scan3A_89 : i32
      %get3A_154 = arith.constant 9 : i32
      %get3A_155 = arith.index_cast %get3A_154 : i32 to index
      %get3A_156 = arith.index_cast %mul3A_153 : i32 to index
      %get3A_157 = tpu.vector_load %arg6[%get3A_155, %get3A_156] {strides = array<i32>} : memref<16x640xf32, #tpu.memory_space<vmem>>, vector<16xf32>,
      %add3A_158 = arith.addf %add3A_151, %get3A_157 : vector<16xf32>
      %mul3A_159 = arith.constant 16 : i32
      %mul3A_160 = arith.muli %mul3A_159, %scan3A_89 : i32
      %get3A_161 = arith.constant 10 : i32
      %get3A_162 = arith.index_cast %get3A_161 : i32 to index
      %get3A_163 = arith.index_cast %mul3A_160 : i32 to index
      %get3A_164 = tpu.vector_load %arg6[%get3A_162, %get3A_163] {strides = array<i32>} : memref<16x640xf32, #tpu.memory_space<vmem>>, vector<16xf32>,
      %add3A_165 = arith.addf %add3A_158, %get3A_164 : vector<16xf32>
      %mul3A_166 = arith.constant 16 : i32
      %mul3A_167 = arith.muli %mul3A_166, %scan3A_89 : i32
      %get3A_168 = arith.constant 11 : i32
      %get3A_169 = arith.index_cast %get3A_168 : i32 to index
      %get3A_170 = arith.index_cast %mul3A_167 : i32 to index
      %get3A_171 = tpu.vector_load %arg6[%get3A_169, %get3A_170] {strides = array<i32>} : memref<16x640xf32, #tpu.memory_space<vmem>>, vector<16xf32>,
      %add3A_172 = arith.addf %add3A_165, %get3A_171 : vector<16xf32>
      %mul3A_173 = arith.constant 16 : i32
      %mul3A_174 = arith.muli %mul3A_173, %scan3A_89 : i32
      %get3A_175 = arith.constant 12 : i32
      %get3A_176 = arith.index_cast %get3A_175 : i32 to index
      %get3A_177 = arith.index_cast %mul3A_174 : i32 to index
      %get3A_178 = tpu.vector_load %arg6[%get3A_176, %get3A_177] {strides = array<i32>} : memref<16x640xf32, #tpu.memory_space<vmem>>, vector<16xf32>,
      %add3A_179 = arith.addf %add3A_172, %get3A_178 : vector<16xf32>
      %mul3A_180 = arith.constant 16 : i32
      %mul3A_181 = arith.muli %mul3A_180, %scan3A_89 : i32
      %get3A_182 = arith.constant 13 : i32
      %get3A_183 = arith.index_cast %get3A_182 : i32 to index
      %get3A_184 = arith.index_cast %mul3A_181 : i32 to index
      %get3A_185 = tpu.vector_load %arg6[%get3A_183, %get3A_184] {strides = array<i32>} : memref<16x640xf32, #tpu.memory_space<vmem>>, vector<16xf32>,
      %add3A_186 = arith.addf %add3A_179, %get3A_185 : vector<16xf32>
      %mul3A_187 = arith.constant 16 : i32
      %mul3A_188 = arith.muli %mul3A_187, %scan3A_89 : i32
      %get3A_189 = arith.constant 14 : i32
      %get3A_190 = arith.index_cast %get3A_189 : i32 to index
      %get3A_191 = arith.index_cast %mul3A_188 : i32 to index
      %get3A_192 = tpu.vector_load %arg6[%get3A_190, %get3A_191] {strides = array<i32>} : memref<16x640xf32, #tpu.memory_space<vmem>>, vector<16xf32>,
      %add3A_193 = arith.addf %add3A_186, %get3A_192 : vector<16xf32>
      %mul3A_194 = arith.constant 16 : i32
      %mul3A_195 = arith.muli %mul3A_194, %scan3A_89 : i32
      %get3A_196 = arith.constant 15 : i32
      %get3A_197 = arith.index_cast %get3A_196 : i32 to index
      %get3A_198 = arith.index_cast %mul3A_195 : i32 to index
      %get3A_199 = tpu.vector_load %arg6[%get3A_197, %get3A_198] {strides = array<i32>} : memref<16x640xf32, #tpu.memory_space<vmem>>, vector<16xf32>,
      %add3A_200 = arith.addf %add3A_193, %get3A_199 : vector<16xf32>
      %mul3A_201 = arith.constant 16 : i32
      %mul3A_202 = arith.muli %mul3A_201, %scan3A_89 : i32
      %swap3A = arith.index_cast %mul3A_202 : i32 to index
      %swap3A_203 = tpu.vector_load %arg7[%swap3A] {strides = array<i32>} : memref<640xf32, #tpu.memory_space<vmem>>, vector<16xf32>,
      tpu.vector_store %arg7[%swap3A], %add3A_200 {strides = array<i32>} : memref<640xf32, #tpu.memory_space<vmem>>, vector<16xf32>,
      %scan3A_204 = arith.constant 0 : i32
      scf.yield %scan3A_204 : i32
    }
    %scan3A_86 = arith.constant 40 : i32
    %mul3A_87 = arith.constant 640 : i32
    %mul3A_88 = arith.muli %arg1, %mul3A_87 : i32
    "tpu.region"() ({
      %run_scoped3A_89 = tpu.sem_alloc : memref<!tpu.dma_semaphore, #tpu.memory_space<semaphore_mem>>
      %dma_start3A = tpu.memref_slice %arg3[%arg0, %mul3A_88] : memref<2x10240xf32, #tpu.memory_space<hbm>> -> memref<1x640xf32, #tpu.memory_space<hbm>>
      %dma_start3A_90 = tpu.memref_squeeze %dma_start3A : memref<1x640xf32, #tpu.memory_space<hbm>> -> memref<640xf32, #tpu.memory_space<hbm>>
      %dma_start3A_91 = tpu.memref_slice %arg3[%arg0, %mul3A_88] : memref<2x10240xf32, #tpu.memory_space<hbm>> -> memref<1x640xf32, #tpu.memory_space<hbm>>
      %dma_start3A_92 = tpu.memref_squeeze %dma_start3A_91 : memref<1x640xf32, #tpu.memory_space<hbm>> -> memref<640xf32, #tpu.memory_space<hbm>>
      tpu.enqueue_dma source(%arg7 : memref<640xf32, #tpu.memory_space<vmem>>) target(%dma_start3A_92 : memref<640xf32, #tpu.memory_space<hbm>>) target_semaphore(%run_scoped3A_89 : memref<!tpu.dma_semaphore, #tpu.memory_space<semaphore_mem>>)
      %dma_wait3A = tpu.memref_slice %arg3[%arg0, %mul3A_88] : memref<2x10240xf32, #tpu.memory_space<hbm>> -> memref<1x640xf32, #tpu.memory_space<hbm>>
      %dma_wait3A_93 = tpu.memref_squeeze %dma_wait3A : memref<1x640xf32, #tpu.memory_space<hbm>> -> memref<640xf32, #tpu.memory_space<hbm>>
      %dma_wait3A_94 = tpu.memref_slice %arg3[%arg0, %mul3A_88] : memref<2x10240xf32, #tpu.memory_space<hbm>> -> memref<1x640xf32, #tpu.memory_space<hbm>>
      %dma_wait3A_95 = tpu.memref_squeeze %dma_wait3A_94 : memref<1x640xf32, #tpu.memory_space<hbm>> -> memref<640xf32, #tpu.memory_space<hbm>>
      tpu.wait_dma2 semaphore(%run_scoped3A_89 : memref<!tpu.dma_semaphore, #tpu.memory_space<semaphore_mem>>) src(%arg7 : memref<640xf32, #tpu.memory_space<vmem>>) dst(%dma_wait3A_95 : memref<640xf32, #tpu.memory_space<hbm>>)
      tpu.yield
    }) : () -> ()
    return
  }
}

#map = affine_map<(d0, d1) -> (0, 0)>
#map1 = affine_map<(d0, d1) -> (0)>
#map2 = affine_map<(d0, d1) -> (0, 0, 0)>
module attributes {stable_mosaic.version = 14 : i64} {
  func.func @body(%arg0: i32, %arg1: i32, %arg2: memref<10000x128xf32, #tpu.memory_space<hbm>>, %arg3: memref<320000xi32, #tpu.memory_space<hbm>>, %arg4: memref<32x125x80xi32, #tpu.memory_space<hbm>>, %arg5: memref<10000x128xf32, #tpu.memory_space<hbm>>, %arg6: memref<2x10000x128xf32, #tpu.memory_space<hbm>>, %arg7: memref<10000xi32, #tpu.memory_space<vmem>>, %arg8: memref<72x80xi32, #tpu.memory_space<vmem>>, %arg9: memref<80x128xf32, #tpu.memory_space<vmem>>, %arg10: memref<80x128xf32, #tpu.memory_space<vmem>>, %arg11: memref<80x128xf32, #tpu.memory_space<vmem>>, %arg12: memref<10000x128xf32, #tpu.memory_space<vmem_shared>>, %arg13: memref<!tpu.dma_semaphore, #tpu.memory_space<semaphore_mem>>, %arg14: memref<!tpu.dma_semaphore, #tpu.memory_space<semaphore_mem>>, %arg15: memref<!tpu.dma_semaphore, #tpu.memory_space<semaphore_mem>>) attributes {dimension_semantics = [#tpu.dimension_semantics<core_parallel>, #tpu.dimension_semantics<subcore_parallel>], iteration_bounds = array<i64: 2, 16>, scalar_prefetch = 0 : i64, scratch_operands = 9 : i64, tpu.core_type = #tpu.core_type<sc_vector_subcore>, window_params = [{transform_indices = #map}, {transform_indices = #map1}, {transform_indices = #map2}, {transform_indices = #map}, {transform_indices = #map2}]} {
    %mul3A = arith.constant 16 : i32
    %mul3A_0 = arith.muli %arg0, %mul3A : i32
    %add3A = arith.addi %mul3A_0, %arg1 : i32
    %mul3A_1 = arith.constant 10000 : i32
    %mul3A_2 = arith.muli %add3A, %mul3A_1 : i32
    %dma_start3A = tpu.memref_slice %arg3[%mul3A_2] : memref<320000xi32, #tpu.memory_space<hbm>> -> memref<10000xi32, #tpu.memory_space<hbm>>
    %dma_start3A_3 = tpu.memref_slice %arg3[%mul3A_2] : memref<320000xi32, #tpu.memory_space<hbm>> -> memref<10000xi32, #tpu.memory_space<hbm>>
    tpu.enqueue_dma source(%dma_start3A_3 : memref<10000xi32, #tpu.memory_space<hbm>>) target(%arg7 : memref<10000xi32, #tpu.memory_space<vmem>>) target_semaphore(%arg13 : memref<!tpu.dma_semaphore, #tpu.memory_space<semaphore_mem>>)
    %dma_start3A_4 = arith.constant 0 : i32
    %dma_start3A_5 = arith.constant 0 : i32
    %dma_start3A_6 = tpu.memref_slice %arg4[%add3A, %dma_start3A_4, %dma_start3A_5] : memref<32x125x80xi32, #tpu.memory_space<hbm>> -> memref<1x72x80xi32, #tpu.memory_space<hbm>>
    %dma_start3A_7 = tpu.memref_squeeze %dma_start3A_6 : memref<1x72x80xi32, #tpu.memory_space<hbm>> -> memref<72x80xi32, #tpu.memory_space<hbm>>
    %dma_start3A_8 = arith.constant 0 : i32
    %dma_start3A_9 = arith.constant 0 : i32
    %dma_start3A_10 = tpu.memref_slice %arg4[%add3A, %dma_start3A_8, %dma_start3A_9] : memref<32x125x80xi32, #tpu.memory_space<hbm>> -> memref<1x72x80xi32, #tpu.memory_space<hbm>>
    %dma_start3A_11 = tpu.memref_squeeze %dma_start3A_10 : memref<1x72x80xi32, #tpu.memory_space<hbm>> -> memref<72x80xi32, #tpu.memory_space<hbm>>
    tpu.enqueue_dma source(%dma_start3A_11 : memref<72x80xi32, #tpu.memory_space<hbm>>) target(%arg8 : memref<72x80xi32, #tpu.memory_space<vmem>>) target_semaphore(%arg14 : memref<!tpu.dma_semaphore, #tpu.memory_space<semaphore_mem>>)
    %mul3A_12 = arith.constant 624 : i32
    %mul3A_13 = arith.muli %arg1, %mul3A_12 : i32
    %mul3A_14 = arith.constant 624 : i32
    %mul3A_15 = arith.muli %arg1, %mul3A_14 : i32
    "tpu.region"() ({
      %run_scoped3A = tpu.sem_alloc : memref<!tpu.dma_semaphore, #tpu.memory_space<semaphore_mem>>
      %dma_start3A_71 = arith.constant 0 : i32
      %dma_start3A_72 = tpu.memref_slice %arg12[%mul3A_15, %dma_start3A_71] : memref<10000x128xf32, #tpu.memory_space<vmem_shared>> -> memref<624x128xf32, #tpu.memory_space<vmem_shared>>
      %dma_start3A_73 = arith.constant 0 : i32
      %dma_start3A_74 = tpu.memref_slice %arg5[%mul3A_13, %dma_start3A_73] : memref<10000x128xf32, #tpu.memory_space<hbm>> -> memref<624x128xf32, #tpu.memory_space<hbm>>
      tpu.enqueue_dma source(%dma_start3A_74 : memref<624x128xf32, #tpu.memory_space<hbm>>) target(%dma_start3A_72 : memref<624x128xf32, #tpu.memory_space<vmem_shared>>) target_semaphore(%run_scoped3A : memref<!tpu.dma_semaphore, #tpu.memory_space<semaphore_mem>>)
      %dma_wait3A_75 = arith.constant 0 : i32
      %dma_wait3A_76 = tpu.memref_slice %arg12[%mul3A_15, %dma_wait3A_75] : memref<10000x128xf32, #tpu.memory_space<vmem_shared>> -> memref<624x128xf32, #tpu.memory_space<vmem_shared>>
      %dma_wait3A_77 = arith.constant 0 : i32
      %dma_wait3A_78 = tpu.memref_slice %arg5[%mul3A_13, %dma_wait3A_77] : memref<10000x128xf32, #tpu.memory_space<hbm>> -> memref<624x128xf32, #tpu.memory_space<hbm>>
      tpu.wait_dma2 semaphore(%run_scoped3A : memref<!tpu.dma_semaphore, #tpu.memory_space<semaphore_mem>>) src(%dma_wait3A_78 : memref<624x128xf32, #tpu.memory_space<hbm>>) dst(%dma_wait3A_76 : memref<624x128xf32, #tpu.memory_space<vmem_shared>>)
      tpu.yield
    }) : () -> ()
    %eq3A = arith.constant 15 : i32
    %eq3A_16 = arith.cmpi eq, %arg1, %eq3A : i32
    %convert_element_type3A = arith.extui %eq3A_16 : i1 to i32
    %cond3A = arith.constant 0 : i32
    %cond3A_17 = arith.cmpi ne, %convert_element_type3A, %cond3A : i32
    scf.if %cond3A_17 {
      "tpu.region"() ({
        %run_scoped3A = tpu.sem_alloc : memref<!tpu.dma_semaphore, #tpu.memory_space<semaphore_mem>>
        %dma_start3A_71 = arith.constant 9984 : i32
        %dma_start3A_72 = arith.constant 0 : i32
        %dma_start3A_73 = tpu.memref_slice %arg12[%dma_start3A_71, %dma_start3A_72] : memref<10000x128xf32, #tpu.memory_space<vmem_shared>> -> memref<16x128xf32, #tpu.memory_space<vmem_shared>>
        %dma_start3A_74 = arith.constant 9984 : i32
        %dma_start3A_75 = arith.constant 0 : i32
        %dma_start3A_76 = tpu.memref_slice %arg5[%dma_start3A_74, %dma_start3A_75] : memref<10000x128xf32, #tpu.memory_space<hbm>> -> memref<16x128xf32, #tpu.memory_space<hbm>>
        tpu.enqueue_dma source(%dma_start3A_76 : memref<16x128xf32, #tpu.memory_space<hbm>>) target(%dma_start3A_73 : memref<16x128xf32, #tpu.memory_space<vmem_shared>>) target_semaphore(%run_scoped3A : memref<!tpu.dma_semaphore, #tpu.memory_space<semaphore_mem>>)
        %dma_wait3A_77 = arith.constant 9984 : i32
        %dma_wait3A_78 = arith.constant 0 : i32
        %dma_wait3A_79 = tpu.memref_slice %arg12[%dma_wait3A_77, %dma_wait3A_78] : memref<10000x128xf32, #tpu.memory_space<vmem_shared>> -> memref<16x128xf32, #tpu.memory_space<vmem_shared>>
        %dma_wait3A_80 = arith.constant 9984 : i32
        %dma_wait3A_81 = arith.constant 0 : i32
        %dma_wait3A_82 = tpu.memref_slice %arg5[%dma_wait3A_80, %dma_wait3A_81] : memref<10000x128xf32, #tpu.memory_space<hbm>> -> memref<16x128xf32, #tpu.memory_space<hbm>>
        tpu.wait_dma2 semaphore(%run_scoped3A : memref<!tpu.dma_semaphore, #tpu.memory_space<semaphore_mem>>) src(%dma_wait3A_82 : memref<16x128xf32, #tpu.memory_space<hbm>>) dst(%dma_wait3A_79 : memref<16x128xf32, #tpu.memory_space<vmem_shared>>)
        tpu.yield
      }) : () -> ()
    } else {
    }
    %dma_wait3A = tpu.memref_slice %arg3[%mul3A_2] : memref<320000xi32, #tpu.memory_space<hbm>> -> memref<10000xi32, #tpu.memory_space<hbm>>
    %dma_wait3A_18 = tpu.memref_slice %arg3[%mul3A_2] : memref<320000xi32, #tpu.memory_space<hbm>> -> memref<10000xi32, #tpu.memory_space<hbm>>
    tpu.wait_dma2 semaphore(%arg13 : memref<!tpu.dma_semaphore, #tpu.memory_space<semaphore_mem>>) src(%dma_wait3A_18 : memref<10000xi32, #tpu.memory_space<hbm>>) dst(%arg7 : memref<10000xi32, #tpu.memory_space<vmem>>)
    %dma_wait3A_19 = arith.constant 0 : i32
    %dma_wait3A_20 = arith.constant 0 : i32
    %dma_wait3A_21 = tpu.memref_slice %arg4[%add3A, %dma_wait3A_19, %dma_wait3A_20] : memref<32x125x80xi32, #tpu.memory_space<hbm>> -> memref<1x72x80xi32, #tpu.memory_space<hbm>>
    %dma_wait3A_22 = tpu.memref_squeeze %dma_wait3A_21 : memref<1x72x80xi32, #tpu.memory_space<hbm>> -> memref<72x80xi32, #tpu.memory_space<hbm>>
    %dma_wait3A_23 = arith.constant 0 : i32
    %dma_wait3A_24 = arith.constant 0 : i32
    %dma_wait3A_25 = tpu.memref_slice %arg4[%add3A, %dma_wait3A_23, %dma_wait3A_24] : memref<32x125x80xi32, #tpu.memory_space<hbm>> -> memref<1x72x80xi32, #tpu.memory_space<hbm>>
    %dma_wait3A_26 = tpu.memref_squeeze %dma_wait3A_25 : memref<1x72x80xi32, #tpu.memory_space<hbm>> -> memref<72x80xi32, #tpu.memory_space<hbm>>
    tpu.wait_dma2 semaphore(%arg14 : memref<!tpu.dma_semaphore, #tpu.memory_space<semaphore_mem>>) src(%dma_wait3A_26 : memref<72x80xi32, #tpu.memory_space<hbm>>) dst(%arg8 : memref<72x80xi32, #tpu.memory_space<vmem>>)
    %barrier3A = arith.constant 0 : index
    tpu.barrier barrier_id(%barrier3A)
    %dma_start3A_27 = arith.constant 0 : i32
    %dma_start3A_28 = tpu.memref_slice %arg7[%dma_start3A_27] : memref<10000xi32, #tpu.memory_space<vmem>> -> memref<80xi32, #tpu.memory_space<vmem>>
    %dma_start3A_29 = arith.constant 0 : i32
    %dma_start3A_30 = arith.constant 0 : i32
    %dma_start3A_31 = tpu.memref_slice %arg2[%dma_start3A_29, %dma_start3A_30] : memref<10000x128xf32, #tpu.memory_space<hbm>> -> memref<10000x128xf32, #tpu.memory_space<hbm>>
    tpu.enqueue_indirect_dma source(%dma_start3A_31 : memref<10000x128xf32, #tpu.memory_space<hbm>>) target(%arg9 : memref<80x128xf32, #tpu.memory_space<vmem>>) offsets(%dma_start3A_28 : memref<80xi32, #tpu.memory_space<vmem>>) semaphore(%arg13 : memref<!tpu.dma_semaphore, #tpu.memory_space<semaphore_mem>>)
    %dma_start3A_32 = arith.constant 80 : i32
    %dma_start3A_33 = tpu.memref_slice %arg7[%dma_start3A_32] : memref<10000xi32, #tpu.memory_space<vmem>> -> memref<80xi32, #tpu.memory_space<vmem>>
    %dma_start3A_34 = arith.constant 0 : i32
    %dma_start3A_35 = arith.constant 0 : i32
    %dma_start3A_36 = tpu.memref_slice %arg2[%dma_start3A_34, %dma_start3A_35] : memref<10000x128xf32, #tpu.memory_space<hbm>> -> memref<10000x128xf32, #tpu.memory_space<hbm>>
    tpu.enqueue_indirect_dma source(%dma_start3A_36 : memref<10000x128xf32, #tpu.memory_space<hbm>>) target(%arg10 : memref<80x128xf32, #tpu.memory_space<vmem>>) offsets(%dma_start3A_33 : memref<80xi32, #tpu.memory_space<vmem>>) semaphore(%arg14 : memref<!tpu.dma_semaphore, #tpu.memory_space<semaphore_mem>>)
    %scan3A = arith.constant 0 : i32
    %scan3A_37 = arith.constant 0 : i32
    %scan3A_38 = arith.constant 41 : i32
    %scan3A_39 = arith.addi %scan3A_37, %scan3A_38 : i32
    %scan3A_40 = arith.constant 1 : i32
    %scan3A_41 = scf.for %scan3A_71 = %scan3A_37 to %scan3A_39 step %scan3A_40 iter_args(%scan3A_72 = %scan3A) -> (i32)  : i32 {
      %mul3A_73 = arith.constant 3 : i32
      %mul3A_74 = arith.muli %mul3A_73, %scan3A_71 : i32
      %eq3A_75 = arith.constant 72 : i32
      %eq3A_76 = arith.cmpi eq, %mul3A_74, %eq3A_75 : i32
      %convert_element_type3A_77 = arith.extui %eq3A_76 : i1 to i32
      %cond3A_78 = arith.constant 0 : i32
      %cond3A_79 = arith.cmpi ne, %convert_element_type3A_77, %cond3A_78 : i32
      scf.if %cond3A_79 {
        "tpu.region"() ({
          %run_scoped3A = tpu.sem_alloc : memref<!tpu.dma_semaphore, #tpu.memory_space<semaphore_mem>>
          %dma_start3A_148 = arith.constant 0 : i32
          %dma_start3A_149 = arith.constant 0 : i32
          %dma_start3A_150 = tpu.memref_slice %arg8[%dma_start3A_148, %dma_start3A_149] : memref<72x80xi32, #tpu.memory_space<vmem>> -> memref<53x80xi32, #tpu.memory_space<vmem>>
          %dma_start3A_151 = arith.constant 72 : i32
          %dma_start3A_152 = arith.constant 0 : i32
          %dma_start3A_153 = tpu.memref_slice %arg4[%add3A, %dma_start3A_151, %dma_start3A_152] : memref<32x125x80xi32, #tpu.memory_space<hbm>> -> memref<1x53x80xi32, #tpu.memory_space<hbm>>
          %dma_start3A_154 = tpu.memref_squeeze %dma_start3A_153 : memref<1x53x80xi32, #tpu.memory_space<hbm>> -> memref<53x80xi32, #tpu.memory_space<hbm>>
          %dma_start3A_155 = arith.constant 0 : i32
          %dma_start3A_156 = arith.constant 0 : i32
          %dma_start3A_157 = tpu.memref_slice %arg8[%dma_start3A_155, %dma_start3A_156] : memref<72x80xi32, #tpu.memory_space<vmem>> -> memref<53x80xi32, #tpu.memory_space<vmem>>
          %dma_start3A_158 = arith.constant 72 : i32
          %dma_start3A_159 = arith.constant 0 : i32
          %dma_start3A_160 = tpu.memref_slice %arg4[%add3A, %dma_start3A_158, %dma_start3A_159] : memref<32x125x80xi32, #tpu.memory_space<hbm>> -> memref<1x53x80xi32, #tpu.memory_space<hbm>>
          %dma_start3A_161 = tpu.memref_squeeze %dma_start3A_160 : memref<1x53x80xi32, #tpu.memory_space<hbm>> -> memref<53x80xi32, #tpu.memory_space<hbm>>
          tpu.enqueue_dma source(%dma_start3A_161 : memref<53x80xi32, #tpu.memory_space<hbm>>) target(%dma_start3A_157 : memref<53x80xi32, #tpu.memory_space<vmem>>) target_semaphore(%run_scoped3A : memref<!tpu.dma_semaphore, #tpu.memory_space<semaphore_mem>>)
          %dma_wait3A_162 = arith.constant 0 : i32
          %dma_wait3A_163 = arith.constant 0 : i32
          %dma_wait3A_164 = tpu.memref_slice %arg8[%dma_wait3A_162, %dma_wait3A_163] : memref<72x80xi32, #tpu.memory_space<vmem>> -> memref<53x80xi32, #tpu.memory_space<vmem>>
          %dma_wait3A_165 = arith.constant 72 : i32
          %dma_wait3A_166 = arith.constant 0 : i32
          %dma_wait3A_167 = tpu.memref_slice %arg4[%add3A, %dma_wait3A_165, %dma_wait3A_166] : memref<32x125x80xi32, #tpu.memory_space<hbm>> -> memref<1x53x80xi32, #tpu.memory_space<hbm>>
          %dma_wait3A_168 = tpu.memref_squeeze %dma_wait3A_167 : memref<1x53x80xi32, #tpu.memory_space<hbm>> -> memref<53x80xi32, #tpu.memory_space<hbm>>
          %dma_wait3A_169 = arith.constant 0 : i32
          %dma_wait3A_170 = arith.constant 0 : i32
          %dma_wait3A_171 = tpu.memref_slice %arg8[%dma_wait3A_169, %dma_wait3A_170] : memref<72x80xi32, #tpu.memory_space<vmem>> -> memref<53x80xi32, #tpu.memory_space<vmem>>
          %dma_wait3A_172 = arith.constant 72 : i32
          %dma_wait3A_173 = arith.constant 0 : i32
          %dma_wait3A_174 = tpu.memref_slice %arg4[%add3A, %dma_wait3A_172, %dma_wait3A_173] : memref<32x125x80xi32, #tpu.memory_space<hbm>> -> memref<1x53x80xi32, #tpu.memory_space<hbm>>
          %dma_wait3A_175 = tpu.memref_squeeze %dma_wait3A_174 : memref<1x53x80xi32, #tpu.memory_space<hbm>> -> memref<53x80xi32, #tpu.memory_space<hbm>>
          tpu.wait_dma2 semaphore(%run_scoped3A : memref<!tpu.dma_semaphore, #tpu.memory_space<semaphore_mem>>) src(%dma_wait3A_175 : memref<53x80xi32, #tpu.memory_space<hbm>>) dst(%dma_wait3A_171 : memref<53x80xi32, #tpu.memory_space<vmem>>)
          tpu.yield
        }) : () -> ()
      } else {
      }
      %dma_wait3A_80 = arith.constant 0 : i32
      %dma_wait3A_81 = arith.constant 0 : i32
      %dma_wait3A_82 = tpu.memref_slice %arg2[%dma_wait3A_80, %dma_wait3A_81] : memref<10000x128xf32, #tpu.memory_space<hbm>> -> memref<80x128xf32, #tpu.memory_space<hbm>>
      %dma_wait3A_83 = arith.constant 0 : i32
      %dma_wait3A_84 = arith.constant 0 : i32
      %dma_wait3A_85 = tpu.memref_slice %arg2[%dma_wait3A_83, %dma_wait3A_84] : memref<10000x128xf32, #tpu.memory_space<hbm>> -> memref<80x128xf32, #tpu.memory_space<hbm>>
      tpu.wait_dma2 semaphore(%arg13 : memref<!tpu.dma_semaphore, #tpu.memory_space<semaphore_mem>>) src(%dma_wait3A_85 : memref<80x128xf32, #tpu.memory_space<hbm>>) dst(%arg9 : memref<80x128xf32, #tpu.memory_space<vmem>>)
      %add3A_86 = arith.constant 0 : i32
      %add3A_87 = arith.addi %mul3A_74, %add3A_86 : i32
      %add3A_88 = arith.constant 2 : i32
      %add3A_89 = arith.addi %add3A_87, %add3A_88 : i32
      %mul3A_90 = arith.constant 80 : i32
      %mul3A_91 = arith.muli %add3A_89, %mul3A_90 : i32
      %dma_start3A_92 = tpu.memref_slice %arg7[%mul3A_91] : memref<10000xi32, #tpu.memory_space<vmem>> -> memref<80xi32, #tpu.memory_space<vmem>>
      %dma_start3A_93 = arith.constant 0 : i32
      %dma_start3A_94 = arith.constant 0 : i32
      %dma_start3A_95 = tpu.memref_slice %arg2[%dma_start3A_93, %dma_start3A_94] : memref<10000x128xf32, #tpu.memory_space<hbm>> -> memref<10000x128xf32, #tpu.memory_space<hbm>>
      tpu.enqueue_indirect_dma source(%dma_start3A_95 : memref<10000x128xf32, #tpu.memory_space<hbm>>) target(%arg11 : memref<80x128xf32, #tpu.memory_space<vmem>>) offsets(%dma_start3A_92 : memref<80xi32, #tpu.memory_space<vmem>>) semaphore(%arg15 : memref<!tpu.dma_semaphore, #tpu.memory_space<semaphore_mem>>)
      %add3A_96 = arith.constant 0 : i32
      %add3A_97 = arith.addi %mul3A_74, %add3A_96 : i32
      %ge3A = arith.constant 72 : i32
      %ge3A_98 = arith.cmpi sge, %add3A_97, %ge3A : i32
      %sub3A = arith.constant 72 : i32
      %sub3A_99 = arith.subi %add3A_97, %sub3A : i32
      %select_n3A_100 = arith.select %ge3A_98, %sub3A_99, %add3A_97 : i32
      "tpu.region"() ({
        %run_scoped3A = tpu.sem_alloc : memref<!tpu.dma_semaphore, #tpu.memory_space<semaphore_mem>>
        %dma_start3A_148 = arith.constant 0 : i32
        %dma_start3A_149 = tpu.memref_slice %arg8[%select_n3A_100, %dma_start3A_148] : memref<72x80xi32, #tpu.memory_space<vmem>> -> memref<1x80xi32, #tpu.memory_space<vmem>>
        %dma_start3A_150 = tpu.memref_squeeze %dma_start3A_149 : memref<1x80xi32, #tpu.memory_space<vmem>> -> memref<80xi32, #tpu.memory_space<vmem>>
        %dma_start3A_151 = arith.constant 0 : i32
        %dma_start3A_152 = arith.constant 0 : i32
        %dma_start3A_153 = tpu.memref_slice %arg12[%dma_start3A_151, %dma_start3A_152] : memref<10000x128xf32, #tpu.memory_space<vmem_shared>> -> memref<10000x128xf32, #tpu.memory_space<vmem_shared>>
        tpu.enqueue_indirect_dma source(%arg9 : memref<80x128xf32, #tpu.memory_space<vmem>>) target(%dma_start3A_153 : memref<10000x128xf32, #tpu.memory_space<vmem_shared>>) offsets(%dma_start3A_150 : memref<80xi32, #tpu.memory_space<vmem>>) semaphore(%run_scoped3A : memref<!tpu.dma_semaphore, #tpu.memory_space<semaphore_mem>>) {add = true}
        %dma_wait3A_154 = arith.constant 0 : i32
        %dma_wait3A_155 = tpu.memref_slice %arg8[%select_n3A_100, %dma_wait3A_154] : memref<72x80xi32, #tpu.memory_space<vmem>> -> memref<1x80xi32, #tpu.memory_space<vmem>>
        %dma_wait3A_156 = tpu.memref_squeeze %dma_wait3A_155 : memref<1x80xi32, #tpu.memory_space<vmem>> -> memref<80xi32, #tpu.memory_space<vmem>>
        %dma_wait3A_157 = arith.constant 0 : i32
        %dma_wait3A_158 = arith.constant 0 : i32
        %dma_wait3A_159 = tpu.memref_slice %arg12[%dma_wait3A_157, %dma_wait3A_158] : memref<10000x128xf32, #tpu.memory_space<vmem_shared>> -> memref<10000x128xf32, #tpu.memory_space<vmem_shared>>
        tpu.wait_indirect_dma semaphore(%run_scoped3A : memref<!tpu.dma_semaphore, #tpu.memory_space<semaphore_mem>>) src(%arg9 : memref<80x128xf32, #tpu.memory_space<vmem>>) dst(%dma_wait3A_159 : memref<10000x128xf32, #tpu.memory_space<vmem_shared>>)
        tpu.yield
      }) : () -> ()
      %dma_wait3A_101 = arith.constant 0 : i32
      %dma_wait3A_102 = arith.constant 0 : i32
      %dma_wait3A_103 = tpu.memref_slice %arg2[%dma_wait3A_101, %dma_wait3A_102] : memref<10000x128xf32, #tpu.memory_space<hbm>> -> memref<80x128xf32, #tpu.memory_space<hbm>>
      %dma_wait3A_104 = arith.constant 0 : i32
      %dma_wait3A_105 = arith.constant 0 : i32
      %dma_wait3A_106 = tpu.memref_slice %arg2[%dma_wait3A_104, %dma_wait3A_105] : memref<10000x128xf32, #tpu.memory_space<hbm>> -> memref<80x128xf32, #tpu.memory_space<hbm>>
      tpu.wait_dma2 semaphore(%arg14 : memref<!tpu.dma_semaphore, #tpu.memory_space<semaphore_mem>>) src(%dma_wait3A_106 : memref<80x128xf32, #tpu.memory_space<hbm>>) dst(%arg10 : memref<80x128xf32, #tpu.memory_space<vmem>>)
      %add3A_107 = arith.constant 1 : i32
      %add3A_108 = arith.addi %mul3A_74, %add3A_107 : i32
      %add3A_109 = arith.constant 2 : i32
      %add3A_110 = arith.addi %add3A_108, %add3A_109 : i32
      %mul3A_111 = arith.constant 80 : i32
      %mul3A_112 = arith.muli %add3A_110, %mul3A_111 : i32
      %dma_start3A_113 = tpu.memref_slice %arg7[%mul3A_112] : memref<10000xi32, #tpu.memory_space<vmem>> -> memref<80xi32, #tpu.memory_space<vmem>>
      %dma_start3A_114 = arith.constant 0 : i32
      %dma_start3A_115 = arith.constant 0 : i32
      %dma_start3A_116 = tpu.memref_slice %arg2[%dma_start3A_114, %dma_start3A_115] : memref<10000x128xf32, #tpu.memory_space<hbm>> -> memref<10000x128xf32, #tpu.memory_space<hbm>>
      tpu.enqueue_indirect_dma source(%dma_start3A_116 : memref<10000x128xf32, #tpu.memory_space<hbm>>) target(%arg9 : memref<80x128xf32, #tpu.memory_space<vmem>>) offsets(%dma_start3A_113 : memref<80xi32, #tpu.memory_space<vmem>>) semaphore(%arg13 : memref<!tpu.dma_semaphore, #tpu.memory_space<semaphore_mem>>)
      %add3A_117 = arith.constant 1 : i32
      %add3A_118 = arith.addi %mul3A_74, %add3A_117 : i32
      %ge3A_119 = arith.constant 72 : i32
      %ge3A_120 = arith.cmpi sge, %add3A_118, %ge3A_119 : i32
      %sub3A_121 = arith.constant 72 : i32
      %sub3A_122 = arith.subi %add3A_118, %sub3A_121 : i32
      %select_n3A_123 = arith.select %ge3A_120, %sub3A_122, %add3A_118 : i32
      "tpu.region"() ({
        %run_scoped3A = tpu.sem_alloc : memref<!tpu.dma_semaphore, #tpu.memory_space<semaphore_mem>>
        %dma_start3A_148 = arith.constant 0 : i32
        %dma_start3A_149 = tpu.memref_slice %arg8[%select_n3A_123, %dma_start3A_148] : memref<72x80xi32, #tpu.memory_space<vmem>> -> memref<1x80xi32, #tpu.memory_space<vmem>>
        %dma_start3A_150 = tpu.memref_squeeze %dma_start3A_149 : memref<1x80xi32, #tpu.memory_space<vmem>> -> memref<80xi32, #tpu.memory_space<vmem>>
        %dma_start3A_151 = arith.constant 0 : i32
        %dma_start3A_152 = arith.constant 0 : i32
        %dma_start3A_153 = tpu.memref_slice %arg12[%dma_start3A_151, %dma_start3A_152] : memref<10000x128xf32, #tpu.memory_space<vmem_shared>> -> memref<10000x128xf32, #tpu.memory_space<vmem_shared>>
        tpu.enqueue_indirect_dma source(%arg10 : memref<80x128xf32, #tpu.memory_space<vmem>>) target(%dma_start3A_153 : memref<10000x128xf32, #tpu.memory_space<vmem_shared>>) offsets(%dma_start3A_150 : memref<80xi32, #tpu.memory_space<vmem>>) semaphore(%run_scoped3A : memref<!tpu.dma_semaphore, #tpu.memory_space<semaphore_mem>>) {add = true}
        %dma_wait3A_154 = arith.constant 0 : i32
        %dma_wait3A_155 = tpu.memref_slice %arg8[%select_n3A_123, %dma_wait3A_154] : memref<72x80xi32, #tpu.memory_space<vmem>> -> memref<1x80xi32, #tpu.memory_space<vmem>>
        %dma_wait3A_156 = tpu.memref_squeeze %dma_wait3A_155 : memref<1x80xi32, #tpu.memory_space<vmem>> -> memref<80xi32, #tpu.memory_space<vmem>>
        %dma_wait3A_157 = arith.constant 0 : i32
        %dma_wait3A_158 = arith.constant 0 : i32
        %dma_wait3A_159 = tpu.memref_slice %arg12[%dma_wait3A_157, %dma_wait3A_158] : memref<10000x128xf32, #tpu.memory_space<vmem_shared>> -> memref<10000x128xf32, #tpu.memory_space<vmem_shared>>
        tpu.wait_indirect_dma semaphore(%run_scoped3A : memref<!tpu.dma_semaphore, #tpu.memory_space<semaphore_mem>>) src(%arg10 : memref<80x128xf32, #tpu.memory_space<vmem>>) dst(%dma_wait3A_159 : memref<10000x128xf32, #tpu.memory_space<vmem_shared>>)
        tpu.yield
      }) : () -> ()
      %dma_wait3A_124 = arith.constant 0 : i32
      %dma_wait3A_125 = arith.constant 0 : i32
      %dma_wait3A_126 = tpu.memref_slice %arg2[%dma_wait3A_124, %dma_wait3A_125] : memref<10000x128xf32, #tpu.memory_space<hbm>> -> memref<80x128xf32, #tpu.memory_space<hbm>>
      %dma_wait3A_127 = arith.constant 0 : i32
      %dma_wait3A_128 = arith.constant 0 : i32
      %dma_wait3A_129 = tpu.memref_slice %arg2[%dma_wait3A_127, %dma_wait3A_128] : memref<10000x128xf32, #tpu.memory_space<hbm>> -> memref<80x128xf32, #tpu.memory_space<hbm>>
      tpu.wait_dma2 semaphore(%arg15 : memref<!tpu.dma_semaphore, #tpu.memory_space<semaphore_mem>>) src(%dma_wait3A_129 : memref<80x128xf32, #tpu.memory_space<hbm>>) dst(%arg11 : memref<80x128xf32, #tpu.memory_space<vmem>>)
      %add3A_130 = arith.constant 2 : i32
      %add3A_131 = arith.addi %mul3A_74, %add3A_130 : i32
      %add3A_132 = arith.constant 2 : i32
      %add3A_133 = arith.addi %add3A_131, %add3A_132 : i32
      %mul3A_134 = arith.constant 80 : i32
      %mul3A_135 = arith.muli %add3A_133, %mul3A_134 : i32
      %dma_start3A_136 = tpu.memref_slice %arg7[%mul3A_135] : memref<10000xi32, #tpu.memory_space<vmem>> -> memref<80xi32, #tpu.memory_space<vmem>>
      %dma_start3A_137 = arith.constant 0 : i32
      %dma_start3A_138 = arith.constant 0 : i32
      %dma_start3A_139 = tpu.memref_slice %arg2[%dma_start3A_137, %dma_start3A_138] : memref<10000x128xf32, #tpu.memory_space<hbm>> -> memref<10000x128xf32, #tpu.memory_space<hbm>>
      tpu.enqueue_indirect_dma source(%dma_start3A_139 : memref<10000x128xf32, #tpu.memory_space<hbm>>) target(%arg10 : memref<80x128xf32, #tpu.memory_space<vmem>>) offsets(%dma_start3A_136 : memref<80xi32, #tpu.memory_space<vmem>>) semaphore(%arg14 : memref<!tpu.dma_semaphore, #tpu.memory_space<semaphore_mem>>)
      %add3A_140 = arith.constant 2 : i32
      %add3A_141 = arith.addi %mul3A_74, %add3A_140 : i32
      %ge3A_142 = arith.constant 72 : i32
      %ge3A_143 = arith.cmpi sge, %add3A_141, %ge3A_142 : i32
      %sub3A_144 = arith.constant 72 : i32
      %sub3A_145 = arith.subi %add3A_141, %sub3A_144 : i32
      %select_n3A_146 = arith.select %ge3A_143, %sub3A_145, %add3A_141 : i32
      "tpu.region"() ({
        %run_scoped3A = tpu.sem_alloc : memref<!tpu.dma_semaphore, #tpu.memory_space<semaphore_mem>>
        %dma_start3A_148 = arith.constant 0 : i32
        %dma_start3A_149 = tpu.memref_slice %arg8[%select_n3A_146, %dma_start3A_148] : memref<72x80xi32, #tpu.memory_space<vmem>> -> memref<1x80xi32, #tpu.memory_space<vmem>>
        %dma_start3A_150 = tpu.memref_squeeze %dma_start3A_149 : memref<1x80xi32, #tpu.memory_space<vmem>> -> memref<80xi32, #tpu.memory_space<vmem>>
        %dma_start3A_151 = arith.constant 0 : i32
        %dma_start3A_152 = arith.constant 0 : i32
        %dma_start3A_153 = tpu.memref_slice %arg12[%dma_start3A_151, %dma_start3A_152] : memref<10000x128xf32, #tpu.memory_space<vmem_shared>> -> memref<10000x128xf32, #tpu.memory_space<vmem_shared>>
        tpu.enqueue_indirect_dma source(%arg11 : memref<80x128xf32, #tpu.memory_space<vmem>>) target(%dma_start3A_153 : memref<10000x128xf32, #tpu.memory_space<vmem_shared>>) offsets(%dma_start3A_150 : memref<80xi32, #tpu.memory_space<vmem>>) semaphore(%run_scoped3A : memref<!tpu.dma_semaphore, #tpu.memory_space<semaphore_mem>>) {add = true}
        %dma_wait3A_154 = arith.constant 0 : i32
        %dma_wait3A_155 = tpu.memref_slice %arg8[%select_n3A_146, %dma_wait3A_154] : memref<72x80xi32, #tpu.memory_space<vmem>> -> memref<1x80xi32, #tpu.memory_space<vmem>>
        %dma_wait3A_156 = tpu.memref_squeeze %dma_wait3A_155 : memref<1x80xi32, #tpu.memory_space<vmem>> -> memref<80xi32, #tpu.memory_space<vmem>>
        %dma_wait3A_157 = arith.constant 0 : i32
        %dma_wait3A_158 = arith.constant 0 : i32
        %dma_wait3A_159 = tpu.memref_slice %arg12[%dma_wait3A_157, %dma_wait3A_158] : memref<10000x128xf32, #tpu.memory_space<vmem_shared>> -> memref<10000x128xf32, #tpu.memory_space<vmem_shared>>
        tpu.wait_indirect_dma semaphore(%run_scoped3A : memref<!tpu.dma_semaphore, #tpu.memory_space<semaphore_mem>>) src(%arg11 : memref<80x128xf32, #tpu.memory_space<vmem>>) dst(%dma_wait3A_159 : memref<10000x128xf32, #tpu.memory_space<vmem_shared>>)
        tpu.yield
      }) : () -> ()
      %scan3A_147 = arith.constant 0 : i32
      scf.yield %scan3A_147 : i32
    }
    %scan3A_42 = arith.constant 41 : i32
    %dma_wait3A_43 = arith.constant 0 : i32
    %dma_wait3A_44 = arith.constant 0 : i32
    %dma_wait3A_45 = tpu.memref_slice %arg2[%dma_wait3A_43, %dma_wait3A_44] : memref<10000x128xf32, #tpu.memory_space<hbm>> -> memref<80x128xf32, #tpu.memory_space<hbm>>
    %dma_wait3A_46 = arith.constant 0 : i32
    %dma_wait3A_47 = arith.constant 0 : i32
    %dma_wait3A_48 = tpu.memref_slice %arg2[%dma_wait3A_46, %dma_wait3A_47] : memref<10000x128xf32, #tpu.memory_space<hbm>> -> memref<80x128xf32, #tpu.memory_space<hbm>>
    tpu.wait_dma2 semaphore(%arg13 : memref<!tpu.dma_semaphore, #tpu.memory_space<semaphore_mem>>) src(%dma_wait3A_48 : memref<80x128xf32, #tpu.memory_space<hbm>>) dst(%arg9 : memref<80x128xf32, #tpu.memory_space<vmem>>)
    %jit3A = arith.constant true
    %jit3A_49 = arith.constant 51 : i32
    %jit3A_50 = arith.constant 123 : i32
    %select_n3A = arith.select %jit3A, %jit3A_49, %jit3A_50 : i32
    "tpu.region"() ({
      %run_scoped3A = tpu.sem_alloc : memref<!tpu.dma_semaphore, #tpu.memory_space<semaphore_mem>>
      %dma_start3A_71 = arith.constant 0 : i32
      %dma_start3A_72 = tpu.memref_slice %arg8[%select_n3A, %dma_start3A_71] : memref<72x80xi32, #tpu.memory_space<vmem>> -> memref<1x80xi32, #tpu.memory_space<vmem>>
      %dma_start3A_73 = tpu.memref_squeeze %dma_start3A_72 : memref<1x80xi32, #tpu.memory_space<vmem>> -> memref<80xi32, #tpu.memory_space<vmem>>
      %dma_start3A_74 = arith.constant 0 : i32
      %dma_start3A_75 = arith.constant 0 : i32
      %dma_start3A_76 = tpu.memref_slice %arg12[%dma_start3A_74, %dma_start3A_75] : memref<10000x128xf32, #tpu.memory_space<vmem_shared>> -> memref<10000x128xf32, #tpu.memory_space<vmem_shared>>
      tpu.enqueue_indirect_dma source(%arg9 : memref<80x128xf32, #tpu.memory_space<vmem>>) target(%dma_start3A_76 : memref<10000x128xf32, #tpu.memory_space<vmem_shared>>) offsets(%dma_start3A_73 : memref<80xi32, #tpu.memory_space<vmem>>) semaphore(%run_scoped3A : memref<!tpu.dma_semaphore, #tpu.memory_space<semaphore_mem>>) {add = true}
      %dma_wait3A_77 = arith.constant 0 : i32
      %dma_wait3A_78 = tpu.memref_slice %arg8[%select_n3A, %dma_wait3A_77] : memref<72x80xi32, #tpu.memory_space<vmem>> -> memref<1x80xi32, #tpu.memory_space<vmem>>
      %dma_wait3A_79 = tpu.memref_squeeze %dma_wait3A_78 : memref<1x80xi32, #tpu.memory_space<vmem>> -> memref<80xi32, #tpu.memory_space<vmem>>
      %dma_wait3A_80 = arith.constant 0 : i32
      %dma_wait3A_81 = arith.constant 0 : i32
      %dma_wait3A_82 = tpu.memref_slice %arg12[%dma_wait3A_80, %dma_wait3A_81] : memref<10000x128xf32, #tpu.memory_space<vmem_shared>> -> memref<10000x128xf32, #tpu.memory_space<vmem_shared>>
      tpu.wait_indirect_dma semaphore(%run_scoped3A : memref<!tpu.dma_semaphore, #tpu.memory_space<semaphore_mem>>) src(%arg9 : memref<80x128xf32, #tpu.memory_space<vmem>>) dst(%dma_wait3A_82 : memref<10000x128xf32, #tpu.memory_space<vmem_shared>>)
      tpu.yield
    }) : () -> ()
    %dma_wait3A_51 = arith.constant 0 : i32
    %dma_wait3A_52 = arith.constant 0 : i32
    %dma_wait3A_53 = tpu.memref_slice %arg2[%dma_wait3A_51, %dma_wait3A_52] : memref<10000x128xf32, #tpu.memory_space<hbm>> -> memref<80x128xf32, #tpu.memory_space<hbm>>
    %dma_wait3A_54 = arith.constant 0 : i32
    %dma_wait3A_55 = arith.constant 0 : i32
    %dma_wait3A_56 = tpu.memref_slice %arg2[%dma_wait3A_54, %dma_wait3A_55] : memref<10000x128xf32, #tpu.memory_space<hbm>> -> memref<80x128xf32, #tpu.memory_space<hbm>>
    tpu.wait_dma2 semaphore(%arg14 : memref<!tpu.dma_semaphore, #tpu.memory_space<semaphore_mem>>) src(%dma_wait3A_56 : memref<80x128xf32, #tpu.memory_space<hbm>>) dst(%arg10 : memref<80x128xf32, #tpu.memory_space<vmem>>)
    %jit3A_57 = arith.constant true
    %jit3A_58 = arith.constant 52 : i32
    %jit3A_59 = arith.constant 124 : i32
    %select_n3A_60 = arith.select %jit3A_57, %jit3A_58, %jit3A_59 : i32
    "tpu.region"() ({
      %run_scoped3A = tpu.sem_alloc : memref<!tpu.dma_semaphore, #tpu.memory_space<semaphore_mem>>
      %dma_start3A_71 = arith.constant 0 : i32
      %dma_start3A_72 = tpu.memref_slice %arg8[%select_n3A_60, %dma_start3A_71] : memref<72x80xi32, #tpu.memory_space<vmem>> -> memref<1x80xi32, #tpu.memory_space<vmem>>
      %dma_start3A_73 = tpu.memref_squeeze %dma_start3A_72 : memref<1x80xi32, #tpu.memory_space<vmem>> -> memref<80xi32, #tpu.memory_space<vmem>>
      %dma_start3A_74 = arith.constant 0 : i32
      %dma_start3A_75 = arith.constant 0 : i32
      %dma_start3A_76 = tpu.memref_slice %arg12[%dma_start3A_74, %dma_start3A_75] : memref<10000x128xf32, #tpu.memory_space<vmem_shared>> -> memref<10000x128xf32, #tpu.memory_space<vmem_shared>>
      tpu.enqueue_indirect_dma source(%arg10 : memref<80x128xf32, #tpu.memory_space<vmem>>) target(%dma_start3A_76 : memref<10000x128xf32, #tpu.memory_space<vmem_shared>>) offsets(%dma_start3A_73 : memref<80xi32, #tpu.memory_space<vmem>>) semaphore(%run_scoped3A : memref<!tpu.dma_semaphore, #tpu.memory_space<semaphore_mem>>) {add = true}
      %dma_wait3A_77 = arith.constant 0 : i32
      %dma_wait3A_78 = tpu.memref_slice %arg8[%select_n3A_60, %dma_wait3A_77] : memref<72x80xi32, #tpu.memory_space<vmem>> -> memref<1x80xi32, #tpu.memory_space<vmem>>
      %dma_wait3A_79 = tpu.memref_squeeze %dma_wait3A_78 : memref<1x80xi32, #tpu.memory_space<vmem>> -> memref<80xi32, #tpu.memory_space<vmem>>
      %dma_wait3A_80 = arith.constant 0 : i32
      %dma_wait3A_81 = arith.constant 0 : i32
      %dma_wait3A_82 = tpu.memref_slice %arg12[%dma_wait3A_80, %dma_wait3A_81] : memref<10000x128xf32, #tpu.memory_space<vmem_shared>> -> memref<10000x128xf32, #tpu.memory_space<vmem_shared>>
      tpu.wait_indirect_dma semaphore(%run_scoped3A : memref<!tpu.dma_semaphore, #tpu.memory_space<semaphore_mem>>) src(%arg10 : memref<80x128xf32, #tpu.memory_space<vmem>>) dst(%dma_wait3A_82 : memref<10000x128xf32, #tpu.memory_space<vmem_shared>>)
      tpu.yield
    }) : () -> ()
    %barrier3A_61 = arith.constant 0 : index
    tpu.barrier barrier_id(%barrier3A_61)
    %mul3A_62 = arith.constant 624 : i32
    %mul3A_63 = arith.muli %arg1, %mul3A_62 : i32
    %mul3A_64 = arith.constant 624 : i32
    %mul3A_65 = arith.muli %arg1, %mul3A_64 : i32
    "tpu.region"() ({
      %run_scoped3A = tpu.sem_alloc : memref<!tpu.dma_semaphore, #tpu.memory_space<semaphore_mem>>
      %dma_start3A_71 = arith.constant 0 : i32
      %dma_start3A_72 = tpu.memref_slice %arg6[%arg0, %mul3A_65, %dma_start3A_71] : memref<2x10000x128xf32, #tpu.memory_space<hbm>> -> memref<1x624x128xf32, #tpu.memory_space<hbm>>
      %dma_start3A_73 = tpu.memref_squeeze %dma_start3A_72 : memref<1x624x128xf32, #tpu.memory_space<hbm>> -> memref<624x128xf32, #tpu.memory_space<hbm>>
      %dma_start3A_74 = arith.constant 0 : i32
      %dma_start3A_75 = tpu.memref_slice %arg12[%mul3A_63, %dma_start3A_74] : memref<10000x128xf32, #tpu.memory_space<vmem_shared>> -> memref<624x128xf32, #tpu.memory_space<vmem_shared>>
      tpu.enqueue_dma source(%dma_start3A_75 : memref<624x128xf32, #tpu.memory_space<vmem_shared>>) target(%dma_start3A_73 : memref<624x128xf32, #tpu.memory_space<hbm>>) target_semaphore(%run_scoped3A : memref<!tpu.dma_semaphore, #tpu.memory_space<semaphore_mem>>)
      %dma_wait3A_76 = arith.constant 0 : i32
      %dma_wait3A_77 = tpu.memref_slice %arg6[%arg0, %mul3A_65, %dma_wait3A_76] : memref<2x10000x128xf32, #tpu.memory_space<hbm>> -> memref<1x624x128xf32, #tpu.memory_space<hbm>>
      %dma_wait3A_78 = tpu.memref_squeeze %dma_wait3A_77 : memref<1x624x128xf32, #tpu.memory_space<hbm>> -> memref<624x128xf32, #tpu.memory_space<hbm>>
      %dma_wait3A_79 = arith.constant 0 : i32
      %dma_wait3A_80 = tpu.memref_slice %arg12[%mul3A_63, %dma_wait3A_79] : memref<10000x128xf32, #tpu.memory_space<vmem_shared>> -> memref<624x128xf32, #tpu.memory_space<vmem_shared>>
      tpu.wait_dma2 semaphore(%run_scoped3A : memref<!tpu.dma_semaphore, #tpu.memory_space<semaphore_mem>>) src(%dma_wait3A_80 : memref<624x128xf32, #tpu.memory_space<vmem_shared>>) dst(%dma_wait3A_78 : memref<624x128xf32, #tpu.memory_space<hbm>>)
      tpu.yield
    }) : () -> ()
    %eq3A_66 = arith.constant 15 : i32
    %eq3A_67 = arith.cmpi eq, %arg1, %eq3A_66 : i32
    %convert_element_type3A_68 = arith.extui %eq3A_67 : i1 to i32
    %cond3A_69 = arith.constant 0 : i32
    %cond3A_70 = arith.cmpi ne, %convert_element_type3A_68, %cond3A_69 : i32
    scf.if %cond3A_70 {
      "tpu.region"() ({
        %run_scoped3A = tpu.sem_alloc : memref<!tpu.dma_semaphore, #tpu.memory_space<semaphore_mem>>
        %dma_start3A_71 = arith.constant 9984 : i32
        %dma_start3A_72 = arith.constant 0 : i32
        %dma_start3A_73 = tpu.memref_slice %arg6[%arg0, %dma_start3A_71, %dma_start3A_72] : memref<2x10000x128xf32, #tpu.memory_space<hbm>> -> memref<1x16x128xf32, #tpu.memory_space<hbm>>
        %dma_start3A_74 = tpu.memref_squeeze %dma_start3A_73 : memref<1x16x128xf32, #tpu.memory_space<hbm>> -> memref<16x128xf32, #tpu.memory_space<hbm>>
        %dma_start3A_75 = arith.constant 9984 : i32
        %dma_start3A_76 = arith.constant 0 : i32
        %dma_start3A_77 = tpu.memref_slice %arg12[%dma_start3A_75, %dma_start3A_76] : memref<10000x128xf32, #tpu.memory_space<vmem_shared>> -> memref<16x128xf32, #tpu.memory_space<vmem_shared>>
        tpu.enqueue_dma source(%dma_start3A_77 : memref<16x128xf32, #tpu.memory_space<vmem_shared>>) target(%dma_start3A_74 : memref<16x128xf32, #tpu.memory_space<hbm>>) target_semaphore(%run_scoped3A : memref<!tpu.dma_semaphore, #tpu.memory_space<semaphore_mem>>)
        %dma_wait3A_78 = arith.constant 9984 : i32
        %dma_wait3A_79 = arith.constant 0 : i32
        %dma_wait3A_80 = tpu.memref_slice %arg6[%arg0, %dma_wait3A_78, %dma_wait3A_79] : memref<2x10000x128xf32, #tpu.memory_space<hbm>> -> memref<1x16x128xf32, #tpu.memory_space<hbm>>
        %dma_wait3A_81 = tpu.memref_squeeze %dma_wait3A_80 : memref<1x16x128xf32, #tpu.memory_space<hbm>> -> memref<16x128xf32, #tpu.memory_space<hbm>>
        %dma_wait3A_82 = arith.constant 9984 : i32
        %dma_wait3A_83 = arith.constant 0 : i32
        %dma_wait3A_84 = tpu.memref_slice %arg12[%dma_wait3A_82, %dma_wait3A_83] : memref<10000x128xf32, #tpu.memory_space<vmem_shared>> -> memref<16x128xf32, #tpu.memory_space<vmem_shared>>
        tpu.wait_dma2 semaphore(%run_scoped3A : memref<!tpu.dma_semaphore, #tpu.memory_space<semaphore_mem>>) src(%dma_wait3A_84 : memref<16x128xf32, #tpu.memory_space<vmem_shared>>) dst(%dma_wait3A_81 : memref<16x128xf32, #tpu.memory_space<hbm>>)
        tpu.yield
      }) : () -> ()
    } else {
    }
    return
  }
}

#map = affine_map<(d0, d1) -> (0, 0)>
#map1 = affine_map<(d0, d1) -> (0)>
#map2 = affine_map<(d0, d1) -> (0, 0, 0)>
module attributes {stable_mosaic.version = 14 : i64} {
  func.func @body(%arg0: i32, %arg1: i32, %arg2: memref<10000x128xf32, #tpu.memory_space<hbm>>, %arg3: memref<320000xi32, #tpu.memory_space<hbm>>, %arg4: memref<32x125x80xi32, #tpu.memory_space<hbm>>, %arg5: memref<10000x128xf32, #tpu.memory_space<hbm>>, %arg6: memref<2x10000x128xf32, #tpu.memory_space<hbm>>, %arg7: memref<10000xi32, #tpu.memory_space<vmem>>, %arg8: memref<72x80xi32, #tpu.memory_space<vmem>>, %arg9: memref<80x128xf32, #tpu.memory_space<vmem>>, %arg10: memref<80x128xf32, #tpu.memory_space<vmem>>, %arg11: memref<80x128xf32, #tpu.memory_space<vmem>>, %arg12: memref<10000x128xf32, #tpu.memory_space<vmem_shared>>, %arg13: memref<!tpu.dma_semaphore, #tpu.memory_space<semaphore_mem>>, %arg14: memref<!tpu.dma_semaphore, #tpu.memory_space<semaphore_mem>>, %arg15: memref<!tpu.dma_semaphore, #tpu.memory_space<semaphore_mem>>) attributes {dimension_semantics = [#tpu.dimension_semantics<core_parallel>, #tpu.dimension_semantics<subcore_parallel>], iteration_bounds = array<i64: 2, 16>, scalar_prefetch = 0 : i64, scratch_operands = 9 : i64, tpu.core_type = #tpu.core_type<sc_vector_subcore>, window_params = [{transform_indices = #map}, {transform_indices = #map1}, {transform_indices = #map2}, {transform_indices = #map}, {transform_indices = #map2}]} {
    %mul3A = arith.constant 16 : i32
    %mul3A_0 = arith.muli %arg0, %mul3A : i32
    %add3A = arith.addi %mul3A_0, %arg1 : i32
    %mul3A_1 = arith.constant 10000 : i32
    %mul3A_2 = arith.muli %add3A, %mul3A_1 : i32
    %dma_start3A = tpu.memref_slice %arg3[%mul3A_2] : memref<320000xi32, #tpu.memory_space<hbm>> -> memref<10000xi32, #tpu.memory_space<hbm>>
    %dma_start3A_3 = tpu.memref_slice %arg3[%mul3A_2] : memref<320000xi32, #tpu.memory_space<hbm>> -> memref<10000xi32, #tpu.memory_space<hbm>>
    tpu.enqueue_dma source(%dma_start3A_3 : memref<10000xi32, #tpu.memory_space<hbm>>) target(%arg7 : memref<10000xi32, #tpu.memory_space<vmem>>) target_semaphore(%arg13 : memref<!tpu.dma_semaphore, #tpu.memory_space<semaphore_mem>>)
    %dma_start3A_4 = arith.constant 0 : i32
    %dma_start3A_5 = arith.constant 0 : i32
    %dma_start3A_6 = tpu.memref_slice %arg4[%add3A, %dma_start3A_4, %dma_start3A_5] : memref<32x125x80xi32, #tpu.memory_space<hbm>> -> memref<1x72x80xi32, #tpu.memory_space<hbm>>
    %dma_start3A_7 = tpu.memref_squeeze %dma_start3A_6 : memref<1x72x80xi32, #tpu.memory_space<hbm>> -> memref<72x80xi32, #tpu.memory_space<hbm>>
    %dma_start3A_8 = arith.constant 0 : i32
    %dma_start3A_9 = arith.constant 0 : i32
    %dma_start3A_10 = tpu.memref_slice %arg4[%add3A, %dma_start3A_8, %dma_start3A_9] : memref<32x125x80xi32, #tpu.memory_space<hbm>> -> memref<1x72x80xi32, #tpu.memory_space<hbm>>
    %dma_start3A_11 = tpu.memref_squeeze %dma_start3A_10 : memref<1x72x80xi32, #tpu.memory_space<hbm>> -> memref<72x80xi32, #tpu.memory_space<hbm>>
    tpu.enqueue_dma source(%dma_start3A_11 : memref<72x80xi32, #tpu.memory_space<hbm>>) target(%arg8 : memref<72x80xi32, #tpu.memory_space<vmem>>) target_semaphore(%arg14 : memref<!tpu.dma_semaphore, #tpu.memory_space<semaphore_mem>>)
    %mul3A_12 = arith.constant 624 : i32
    %mul3A_13 = arith.muli %arg1, %mul3A_12 : i32
    %mul3A_14 = arith.constant 624 : i32
    %mul3A_15 = arith.muli %arg1, %mul3A_14 : i32
    "tpu.region"() ({
      %run_scoped3A = tpu.sem_alloc : memref<!tpu.dma_semaphore, #tpu.memory_space<semaphore_mem>>
      %dma_start3A_71 = arith.constant 0 : i32
      %dma_start3A_72 = tpu.memref_slice %arg12[%mul3A_15, %dma_start3A_71] : memref<10000x128xf32, #tpu.memory_space<vmem_shared>> -> memref<624x128xf32, #tpu.memory_space<vmem_shared>>
      %dma_start3A_73 = arith.constant 0 : i32
      %dma_start3A_74 = tpu.memref_slice %arg5[%mul3A_13, %dma_start3A_73] : memref<10000x128xf32, #tpu.memory_space<hbm>> -> memref<624x128xf32, #tpu.memory_space<hbm>>
      tpu.enqueue_dma source(%dma_start3A_74 : memref<624x128xf32, #tpu.memory_space<hbm>>) target(%dma_start3A_72 : memref<624x128xf32, #tpu.memory_space<vmem_shared>>) target_semaphore(%run_scoped3A : memref<!tpu.dma_semaphore, #tpu.memory_space<semaphore_mem>>)
      %dma_wait3A_75 = arith.constant 0 : i32
      %dma_wait3A_76 = tpu.memref_slice %arg12[%mul3A_15, %dma_wait3A_75] : memref<10000x128xf32, #tpu.memory_space<vmem_shared>> -> memref<624x128xf32, #tpu.memory_space<vmem_shared>>
      %dma_wait3A_77 = arith.constant 0 : i32
      %dma_wait3A_78 = tpu.memref_slice %arg5[%mul3A_13, %dma_wait3A_77] : memref<10000x128xf32, #tpu.memory_space<hbm>> -> memref<624x128xf32, #tpu.memory_space<hbm>>
      tpu.wait_dma2 semaphore(%run_scoped3A : memref<!tpu.dma_semaphore, #tpu.memory_space<semaphore_mem>>) src(%dma_wait3A_78 : memref<624x128xf32, #tpu.memory_space<hbm>>) dst(%dma_wait3A_76 : memref<624x128xf32, #tpu.memory_space<vmem_shared>>)
      tpu.yield
    }) : () -> ()
    %eq3A = arith.constant 15 : i32
    %eq3A_16 = arith.cmpi eq, %arg1, %eq3A : i32
    %convert_element_type3A = arith.extui %eq3A_16 : i1 to i32
    %cond3A = arith.constant 0 : i32
    %cond3A_17 = arith.cmpi ne, %convert_element_type3A, %cond3A : i32
    scf.if %cond3A_17 {
      "tpu.region"() ({
        %run_scoped3A = tpu.sem_alloc : memref<!tpu.dma_semaphore, #tpu.memory_space<semaphore_mem>>
        %dma_start3A_71 = arith.constant 9984 : i32
        %dma_start3A_72 = arith.constant 0 : i32
        %dma_start3A_73 = tpu.memref_slice %arg12[%dma_start3A_71, %dma_start3A_72] : memref<10000x128xf32, #tpu.memory_space<vmem_shared>> -> memref<16x128xf32, #tpu.memory_space<vmem_shared>>
        %dma_start3A_74 = arith.constant 9984 : i32
        %dma_start3A_75 = arith.constant 0 : i32
        %dma_start3A_76 = tpu.memref_slice %arg5[%dma_start3A_74, %dma_start3A_75] : memref<10000x128xf32, #tpu.memory_space<hbm>> -> memref<16x128xf32, #tpu.memory_space<hbm>>
        tpu.enqueue_dma source(%dma_start3A_76 : memref<16x128xf32, #tpu.memory_space<hbm>>) target(%dma_start3A_73 : memref<16x128xf32, #tpu.memory_space<vmem_shared>>) target_semaphore(%run_scoped3A : memref<!tpu.dma_semaphore, #tpu.memory_space<semaphore_mem>>)
        %dma_wait3A_77 = arith.constant 9984 : i32
        %dma_wait3A_78 = arith.constant 0 : i32
        %dma_wait3A_79 = tpu.memref_slice %arg12[%dma_wait3A_77, %dma_wait3A_78] : memref<10000x128xf32, #tpu.memory_space<vmem_shared>> -> memref<16x128xf32, #tpu.memory_space<vmem_shared>>
        %dma_wait3A_80 = arith.constant 9984 : i32
        %dma_wait3A_81 = arith.constant 0 : i32
        %dma_wait3A_82 = tpu.memref_slice %arg5[%dma_wait3A_80, %dma_wait3A_81] : memref<10000x128xf32, #tpu.memory_space<hbm>> -> memref<16x128xf32, #tpu.memory_space<hbm>>
        tpu.wait_dma2 semaphore(%run_scoped3A : memref<!tpu.dma_semaphore, #tpu.memory_space<semaphore_mem>>) src(%dma_wait3A_82 : memref<16x128xf32, #tpu.memory_space<hbm>>) dst(%dma_wait3A_79 : memref<16x128xf32, #tpu.memory_space<vmem_shared>>)
        tpu.yield
      }) : () -> ()
    } else {
    }
    %dma_wait3A = tpu.memref_slice %arg3[%mul3A_2] : memref<320000xi32, #tpu.memory_space<hbm>> -> memref<10000xi32, #tpu.memory_space<hbm>>
    %dma_wait3A_18 = tpu.memref_slice %arg3[%mul3A_2] : memref<320000xi32, #tpu.memory_space<hbm>> -> memref<10000xi32, #tpu.memory_space<hbm>>
    tpu.wait_dma2 semaphore(%arg13 : memref<!tpu.dma_semaphore, #tpu.memory_space<semaphore_mem>>) src(%dma_wait3A_18 : memref<10000xi32, #tpu.memory_space<hbm>>) dst(%arg7 : memref<10000xi32, #tpu.memory_space<vmem>>)
    %dma_wait3A_19 = arith.constant 0 : i32
    %dma_wait3A_20 = arith.constant 0 : i32
    %dma_wait3A_21 = tpu.memref_slice %arg4[%add3A, %dma_wait3A_19, %dma_wait3A_20] : memref<32x125x80xi32, #tpu.memory_space<hbm>> -> memref<1x72x80xi32, #tpu.memory_space<hbm>>
    %dma_wait3A_22 = tpu.memref_squeeze %dma_wait3A_21 : memref<1x72x80xi32, #tpu.memory_space<hbm>> -> memref<72x80xi32, #tpu.memory_space<hbm>>
    %dma_wait3A_23 = arith.constant 0 : i32
    %dma_wait3A_24 = arith.constant 0 : i32
    %dma_wait3A_25 = tpu.memref_slice %arg4[%add3A, %dma_wait3A_23, %dma_wait3A_24] : memref<32x125x80xi32, #tpu.memory_space<hbm>> -> memref<1x72x80xi32, #tpu.memory_space<hbm>>
    %dma_wait3A_26 = tpu.memref_squeeze %dma_wait3A_25 : memref<1x72x80xi32, #tpu.memory_space<hbm>> -> memref<72x80xi32, #tpu.memory_space<hbm>>
    tpu.wait_dma2 semaphore(%arg14 : memref<!tpu.dma_semaphore, #tpu.memory_space<semaphore_mem>>) src(%dma_wait3A_26 : memref<72x80xi32, #tpu.memory_space<hbm>>) dst(%arg8 : memref<72x80xi32, #tpu.memory_space<vmem>>)
    %barrier3A = arith.constant 0 : index
    tpu.barrier barrier_id(%barrier3A)
    %dma_start3A_27 = arith.constant 0 : i32
    %dma_start3A_28 = tpu.memref_slice %arg7[%dma_start3A_27] : memref<10000xi32, #tpu.memory_space<vmem>> -> memref<80xi32, #tpu.memory_space<vmem>>
    %dma_start3A_29 = arith.constant 0 : i32
    %dma_start3A_30 = arith.constant 0 : i32
    %dma_start3A_31 = tpu.memref_slice %arg2[%dma_start3A_29, %dma_start3A_30] : memref<10000x128xf32, #tpu.memory_space<hbm>> -> memref<10000x128xf32, #tpu.memory_space<hbm>>
    tpu.enqueue_indirect_dma source(%dma_start3A_31 : memref<10000x128xf32, #tpu.memory_space<hbm>>) target(%arg9 : memref<80x128xf32, #tpu.memory_space<vmem>>) offsets(%dma_start3A_28 : memref<80xi32, #tpu.memory_space<vmem>>) semaphore(%arg13 : memref<!tpu.dma_semaphore, #tpu.memory_space<semaphore_mem>>)
    %dma_start3A_32 = arith.constant 80 : i32
    %dma_start3A_33 = tpu.memref_slice %arg7[%dma_start3A_32] : memref<10000xi32, #tpu.memory_space<vmem>> -> memref<80xi32, #tpu.memory_space<vmem>>
    %dma_start3A_34 = arith.constant 0 : i32
    %dma_start3A_35 = arith.constant 0 : i32
    %dma_start3A_36 = tpu.memref_slice %arg2[%dma_start3A_34, %dma_start3A_35] : memref<10000x128xf32, #tpu.memory_space<hbm>> -> memref<10000x128xf32, #tpu.memory_space<hbm>>
    tpu.enqueue_indirect_dma source(%dma_start3A_36 : memref<10000x128xf32, #tpu.memory_space<hbm>>) target(%arg10 : memref<80x128xf32, #tpu.memory_space<vmem>>) offsets(%dma_start3A_33 : memref<80xi32, #tpu.memory_space<vmem>>) semaphore(%arg14 : memref<!tpu.dma_semaphore, #tpu.memory_space<semaphore_mem>>)
    %scan3A = arith.constant 0 : i32
    %scan3A_37 = arith.constant 0 : i32
    %scan3A_38 = arith.constant 41 : i32
    %scan3A_39 = arith.addi %scan3A_37, %scan3A_38 : i32
    %scan3A_40 = arith.constant 1 : i32
    %scan3A_41 = scf.for %scan3A_71 = %scan3A_37 to %scan3A_39 step %scan3A_40 iter_args(%scan3A_72 = %scan3A) -> (i32)  : i32 {
      %mul3A_73 = arith.constant 3 : i32
      %mul3A_74 = arith.muli %mul3A_73, %scan3A_71 : i32
      %eq3A_75 = arith.constant 72 : i32
      %eq3A_76 = arith.cmpi eq, %mul3A_74, %eq3A_75 : i32
      %convert_element_type3A_77 = arith.extui %eq3A_76 : i1 to i32
      %cond3A_78 = arith.constant 0 : i32
      %cond3A_79 = arith.cmpi ne, %convert_element_type3A_77, %cond3A_78 : i32
      scf.if %cond3A_79 {
        "tpu.region"() ({
          %run_scoped3A = tpu.sem_alloc : memref<!tpu.dma_semaphore, #tpu.memory_space<semaphore_mem>>
          %dma_start3A_148 = arith.constant 0 : i32
          %dma_start3A_149 = arith.constant 0 : i32
          %dma_start3A_150 = tpu.memref_slice %arg8[%dma_start3A_148, %dma_start3A_149] : memref<72x80xi32, #tpu.memory_space<vmem>> -> memref<53x80xi32, #tpu.memory_space<vmem>>
          %dma_start3A_151 = arith.constant 72 : i32
          %dma_start3A_152 = arith.constant 0 : i32
          %dma_start3A_153 = tpu.memref_slice %arg4[%add3A, %dma_start3A_151, %dma_start3A_152] : memref<32x125x80xi32, #tpu.memory_space<hbm>> -> memref<1x53x80xi32, #tpu.memory_space<hbm>>
          %dma_start3A_154 = tpu.memref_squeeze %dma_start3A_153 : memref<1x53x80xi32, #tpu.memory_space<hbm>> -> memref<53x80xi32, #tpu.memory_space<hbm>>
          %dma_start3A_155 = arith.constant 0 : i32
          %dma_start3A_156 = arith.constant 0 : i32
          %dma_start3A_157 = tpu.memref_slice %arg8[%dma_start3A_155, %dma_start3A_156] : memref<72x80xi32, #tpu.memory_space<vmem>> -> memref<53x80xi32, #tpu.memory_space<vmem>>
          %dma_start3A_158 = arith.constant 72 : i32
          %dma_start3A_159 = arith.constant 0 : i32
          %dma_start3A_160 = tpu.memref_slice %arg4[%add3A, %dma_start3A_158, %dma_start3A_159] : memref<32x125x80xi32, #tpu.memory_space<hbm>> -> memref<1x53x80xi32, #tpu.memory_space<hbm>>
          %dma_start3A_161 = tpu.memref_squeeze %dma_start3A_160 : memref<1x53x80xi32, #tpu.memory_space<hbm>> -> memref<53x80xi32, #tpu.memory_space<hbm>>
          tpu.enqueue_dma source(%dma_start3A_161 : memref<53x80xi32, #tpu.memory_space<hbm>>) target(%dma_start3A_157 : memref<53x80xi32, #tpu.memory_space<vmem>>) target_semaphore(%run_scoped3A : memref<!tpu.dma_semaphore, #tpu.memory_space<semaphore_mem>>)
          %dma_wait3A_162 = arith.constant 0 : i32
          %dma_wait3A_163 = arith.constant 0 : i32
          %dma_wait3A_164 = tpu.memref_slice %arg8[%dma_wait3A_162, %dma_wait3A_163] : memref<72x80xi32, #tpu.memory_space<vmem>> -> memref<53x80xi32, #tpu.memory_space<vmem>>
          %dma_wait3A_165 = arith.constant 72 : i32
          %dma_wait3A_166 = arith.constant 0 : i32
          %dma_wait3A_167 = tpu.memref_slice %arg4[%add3A, %dma_wait3A_165, %dma_wait3A_166] : memref<32x125x80xi32, #tpu.memory_space<hbm>> -> memref<1x53x80xi32, #tpu.memory_space<hbm>>
          %dma_wait3A_168 = tpu.memref_squeeze %dma_wait3A_167 : memref<1x53x80xi32, #tpu.memory_space<hbm>> -> memref<53x80xi32, #tpu.memory_space<hbm>>
          %dma_wait3A_169 = arith.constant 0 : i32
          %dma_wait3A_170 = arith.constant 0 : i32
          %dma_wait3A_171 = tpu.memref_slice %arg8[%dma_wait3A_169, %dma_wait3A_170] : memref<72x80xi32, #tpu.memory_space<vmem>> -> memref<53x80xi32, #tpu.memory_space<vmem>>
          %dma_wait3A_172 = arith.constant 72 : i32
          %dma_wait3A_173 = arith.constant 0 : i32
          %dma_wait3A_174 = tpu.memref_slice %arg4[%add3A, %dma_wait3A_172, %dma_wait3A_173] : memref<32x125x80xi32, #tpu.memory_space<hbm>> -> memref<1x53x80xi32, #tpu.memory_space<hbm>>
          %dma_wait3A_175 = tpu.memref_squeeze %dma_wait3A_174 : memref<1x53x80xi32, #tpu.memory_space<hbm>> -> memref<53x80xi32, #tpu.memory_space<hbm>>
          tpu.wait_dma2 semaphore(%run_scoped3A : memref<!tpu.dma_semaphore, #tpu.memory_space<semaphore_mem>>) src(%dma_wait3A_175 : memref<53x80xi32, #tpu.memory_space<hbm>>) dst(%dma_wait3A_171 : memref<53x80xi32, #tpu.memory_space<vmem>>)
          tpu.yield
        }) : () -> ()
      } else {
      }
      %dma_wait3A_80 = arith.constant 0 : i32
      %dma_wait3A_81 = arith.constant 0 : i32
      %dma_wait3A_82 = tpu.memref_slice %arg2[%dma_wait3A_80, %dma_wait3A_81] : memref<10000x128xf32, #tpu.memory_space<hbm>> -> memref<80x128xf32, #tpu.memory_space<hbm>>
      %dma_wait3A_83 = arith.constant 0 : i32
      %dma_wait3A_84 = arith.constant 0 : i32
      %dma_wait3A_85 = tpu.memref_slice %arg2[%dma_wait3A_83, %dma_wait3A_84] : memref<10000x128xf32, #tpu.memory_space<hbm>> -> memref<80x128xf32, #tpu.memory_space<hbm>>
      tpu.wait_dma2 semaphore(%arg13 : memref<!tpu.dma_semaphore, #tpu.memory_space<semaphore_mem>>) src(%dma_wait3A_85 : memref<80x128xf32, #tpu.memory_space<hbm>>) dst(%arg9 : memref<80x128xf32, #tpu.memory_space<vmem>>)
      %add3A_86 = arith.constant 0 : i32
      %add3A_87 = arith.addi %mul3A_74, %add3A_86 : i32
      %add3A_88 = arith.constant 2 : i32
      %add3A_89 = arith.addi %add3A_87, %add3A_88 : i32
      %mul3A_90 = arith.constant 80 : i32
      %mul3A_91 = arith.muli %add3A_89, %mul3A_90 : i32
      %dma_start3A_92 = tpu.memref_slice %arg7[%mul3A_91] : memref<10000xi32, #tpu.memory_space<vmem>> -> memref<80xi32, #tpu.memory_space<vmem>>
      %dma_start3A_93 = arith.constant 0 : i32
      %dma_start3A_94 = arith.constant 0 : i32
      %dma_start3A_95 = tpu.memref_slice %arg2[%dma_start3A_93, %dma_start3A_94] : memref<10000x128xf32, #tpu.memory_space<hbm>> -> memref<10000x128xf32, #tpu.memory_space<hbm>>
      tpu.enqueue_indirect_dma source(%dma_start3A_95 : memref<10000x128xf32, #tpu.memory_space<hbm>>) target(%arg11 : memref<80x128xf32, #tpu.memory_space<vmem>>) offsets(%dma_start3A_92 : memref<80xi32, #tpu.memory_space<vmem>>) semaphore(%arg15 : memref<!tpu.dma_semaphore, #tpu.memory_space<semaphore_mem>>)
      %add3A_96 = arith.constant 0 : i32
      %add3A_97 = arith.addi %mul3A_74, %add3A_96 : i32
      %ge3A = arith.constant 72 : i32
      %ge3A_98 = arith.cmpi sge, %add3A_97, %ge3A : i32
      %sub3A = arith.constant 72 : i32
      %sub3A_99 = arith.subi %add3A_97, %sub3A : i32
      %select_n3A_100 = arith.select %ge3A_98, %sub3A_99, %add3A_97 : i32
      "tpu.region"() ({
        %run_scoped3A = tpu.sem_alloc : memref<!tpu.dma_semaphore, #tpu.memory_space<semaphore_mem>>
        %dma_start3A_148 = arith.constant 0 : i32
        %dma_start3A_149 = tpu.memref_slice %arg8[%select_n3A_100, %dma_start3A_148] : memref<72x80xi32, #tpu.memory_space<vmem>> -> memref<1x80xi32, #tpu.memory_space<vmem>>
        %dma_start3A_150 = tpu.memref_squeeze %dma_start3A_149 : memref<1x80xi32, #tpu.memory_space<vmem>> -> memref<80xi32, #tpu.memory_space<vmem>>
        %dma_start3A_151 = arith.constant 0 : i32
        %dma_start3A_152 = arith.constant 0 : i32
        %dma_start3A_153 = tpu.memref_slice %arg12[%dma_start3A_151, %dma_start3A_152] : memref<10000x128xf32, #tpu.memory_space<vmem_shared>> -> memref<10000x128xf32, #tpu.memory_space<vmem_shared>>
        tpu.enqueue_indirect_dma source(%arg9 : memref<80x128xf32, #tpu.memory_space<vmem>>) target(%dma_start3A_153 : memref<10000x128xf32, #tpu.memory_space<vmem_shared>>) offsets(%dma_start3A_150 : memref<80xi32, #tpu.memory_space<vmem>>) semaphore(%run_scoped3A : memref<!tpu.dma_semaphore, #tpu.memory_space<semaphore_mem>>) {add = true}
        %dma_wait3A_154 = arith.constant 0 : i32
        %dma_wait3A_155 = tpu.memref_slice %arg8[%select_n3A_100, %dma_wait3A_154] : memref<72x80xi32, #tpu.memory_space<vmem>> -> memref<1x80xi32, #tpu.memory_space<vmem>>
        %dma_wait3A_156 = tpu.memref_squeeze %dma_wait3A_155 : memref<1x80xi32, #tpu.memory_space<vmem>> -> memref<80xi32, #tpu.memory_space<vmem>>
        %dma_wait3A_157 = arith.constant 0 : i32
        %dma_wait3A_158 = arith.constant 0 : i32
        %dma_wait3A_159 = tpu.memref_slice %arg12[%dma_wait3A_157, %dma_wait3A_158] : memref<10000x128xf32, #tpu.memory_space<vmem_shared>> -> memref<10000x128xf32, #tpu.memory_space<vmem_shared>>
        tpu.wait_indirect_dma semaphore(%run_scoped3A : memref<!tpu.dma_semaphore, #tpu.memory_space<semaphore_mem>>) src(%arg9 : memref<80x128xf32, #tpu.memory_space<vmem>>) dst(%dma_wait3A_159 : memref<10000x128xf32, #tpu.memory_space<vmem_shared>>)
        tpu.yield
      }) : () -> ()
      %dma_wait3A_101 = arith.constant 0 : i32
      %dma_wait3A_102 = arith.constant 0 : i32
      %dma_wait3A_103 = tpu.memref_slice %arg2[%dma_wait3A_101, %dma_wait3A_102] : memref<10000x128xf32, #tpu.memory_space<hbm>> -> memref<80x128xf32, #tpu.memory_space<hbm>>
      %dma_wait3A_104 = arith.constant 0 : i32
      %dma_wait3A_105 = arith.constant 0 : i32
      %dma_wait3A_106 = tpu.memref_slice %arg2[%dma_wait3A_104, %dma_wait3A_105] : memref<10000x128xf32, #tpu.memory_space<hbm>> -> memref<80x128xf32, #tpu.memory_space<hbm>>
      tpu.wait_dma2 semaphore(%arg14 : memref<!tpu.dma_semaphore, #tpu.memory_space<semaphore_mem>>) src(%dma_wait3A_106 : memref<80x128xf32, #tpu.memory_space<hbm>>) dst(%arg10 : memref<80x128xf32, #tpu.memory_space<vmem>>)
      %add3A_107 = arith.constant 1 : i32
      %add3A_108 = arith.addi %mul3A_74, %add3A_107 : i32
      %add3A_109 = arith.constant 2 : i32
      %add3A_110 = arith.addi %add3A_108, %add3A_109 : i32
      %mul3A_111 = arith.constant 80 : i32
      %mul3A_112 = arith.muli %add3A_110, %mul3A_111 : i32
      %dma_start3A_113 = tpu.memref_slice %arg7[%mul3A_112] : memref<10000xi32, #tpu.memory_space<vmem>> -> memref<80xi32, #tpu.memory_space<vmem>>
      %dma_start3A_114 = arith.constant 0 : i32
      %dma_start3A_115 = arith.constant 0 : i32
      %dma_start3A_116 = tpu.memref_slice %arg2[%dma_start3A_114, %dma_start3A_115] : memref<10000x128xf32, #tpu.memory_space<hbm>> -> memref<10000x128xf32, #tpu.memory_space<hbm>>
      tpu.enqueue_indirect_dma source(%dma_start3A_116 : memref<10000x128xf32, #tpu.memory_space<hbm>>) target(%arg9 : memref<80x128xf32, #tpu.memory_space<vmem>>) offsets(%dma_start3A_113 : memref<80xi32, #tpu.memory_space<vmem>>) semaphore(%arg13 : memref<!tpu.dma_semaphore, #tpu.memory_space<semaphore_mem>>)
      %add3A_117 = arith.constant 1 : i32
      %add3A_118 = arith.addi %mul3A_74, %add3A_117 : i32
      %ge3A_119 = arith.constant 72 : i32
      %ge3A_120 = arith.cmpi sge, %add3A_118, %ge3A_119 : i32
      %sub3A_121 = arith.constant 72 : i32
      %sub3A_122 = arith.subi %add3A_118, %sub3A_121 : i32
      %select_n3A_123 = arith.select %ge3A_120, %sub3A_122, %add3A_118 : i32
      "tpu.region"() ({
        %run_scoped3A = tpu.sem_alloc : memref<!tpu.dma_semaphore, #tpu.memory_space<semaphore_mem>>
        %dma_start3A_148 = arith.constant 0 : i32
        %dma_start3A_149 = tpu.memref_slice %arg8[%select_n3A_123, %dma_start3A_148] : memref<72x80xi32, #tpu.memory_space<vmem>> -> memref<1x80xi32, #tpu.memory_space<vmem>>
        %dma_start3A_150 = tpu.memref_squeeze %dma_start3A_149 : memref<1x80xi32, #tpu.memory_space<vmem>> -> memref<80xi32, #tpu.memory_space<vmem>>
        %dma_start3A_151 = arith.constant 0 : i32
        %dma_start3A_152 = arith.constant 0 : i32
        %dma_start3A_153 = tpu.memref_slice %arg12[%dma_start3A_151, %dma_start3A_152] : memref<10000x128xf32, #tpu.memory_space<vmem_shared>> -> memref<10000x128xf32, #tpu.memory_space<vmem_shared>>
        tpu.enqueue_indirect_dma source(%arg10 : memref<80x128xf32, #tpu.memory_space<vmem>>) target(%dma_start3A_153 : memref<10000x128xf32, #tpu.memory_space<vmem_shared>>) offsets(%dma_start3A_150 : memref<80xi32, #tpu.memory_space<vmem>>) semaphore(%run_scoped3A : memref<!tpu.dma_semaphore, #tpu.memory_space<semaphore_mem>>) {add = true}
        %dma_wait3A_154 = arith.constant 0 : i32
        %dma_wait3A_155 = tpu.memref_slice %arg8[%select_n3A_123, %dma_wait3A_154] : memref<72x80xi32, #tpu.memory_space<vmem>> -> memref<1x80xi32, #tpu.memory_space<vmem>>
        %dma_wait3A_156 = tpu.memref_squeeze %dma_wait3A_155 : memref<1x80xi32, #tpu.memory_space<vmem>> -> memref<80xi32, #tpu.memory_space<vmem>>
        %dma_wait3A_157 = arith.constant 0 : i32
        %dma_wait3A_158 = arith.constant 0 : i32
        %dma_wait3A_159 = tpu.memref_slice %arg12[%dma_wait3A_157, %dma_wait3A_158] : memref<10000x128xf32, #tpu.memory_space<vmem_shared>> -> memref<10000x128xf32, #tpu.memory_space<vmem_shared>>
        tpu.wait_indirect_dma semaphore(%run_scoped3A : memref<!tpu.dma_semaphore, #tpu.memory_space<semaphore_mem>>) src(%arg10 : memref<80x128xf32, #tpu.memory_space<vmem>>) dst(%dma_wait3A_159 : memref<10000x128xf32, #tpu.memory_space<vmem_shared>>)
        tpu.yield
      }) : () -> ()
      %dma_wait3A_124 = arith.constant 0 : i32
      %dma_wait3A_125 = arith.constant 0 : i32
      %dma_wait3A_126 = tpu.memref_slice %arg2[%dma_wait3A_124, %dma_wait3A_125] : memref<10000x128xf32, #tpu.memory_space<hbm>> -> memref<80x128xf32, #tpu.memory_space<hbm>>
      %dma_wait3A_127 = arith.constant 0 : i32
      %dma_wait3A_128 = arith.constant 0 : i32
      %dma_wait3A_129 = tpu.memref_slice %arg2[%dma_wait3A_127, %dma_wait3A_128] : memref<10000x128xf32, #tpu.memory_space<hbm>> -> memref<80x128xf32, #tpu.memory_space<hbm>>
      tpu.wait_dma2 semaphore(%arg15 : memref<!tpu.dma_semaphore, #tpu.memory_space<semaphore_mem>>) src(%dma_wait3A_129 : memref<80x128xf32, #tpu.memory_space<hbm>>) dst(%arg11 : memref<80x128xf32, #tpu.memory_space<vmem>>)
      %add3A_130 = arith.constant 2 : i32
      %add3A_131 = arith.addi %mul3A_74, %add3A_130 : i32
      %add3A_132 = arith.constant 2 : i32
      %add3A_133 = arith.addi %add3A_131, %add3A_132 : i32
      %mul3A_134 = arith.constant 80 : i32
      %mul3A_135 = arith.muli %add3A_133, %mul3A_134 : i32
      %dma_start3A_136 = tpu.memref_slice %arg7[%mul3A_135] : memref<10000xi32, #tpu.memory_space<vmem>> -> memref<80xi32, #tpu.memory_space<vmem>>
      %dma_start3A_137 = arith.constant 0 : i32
      %dma_start3A_138 = arith.constant 0 : i32
      %dma_start3A_139 = tpu.memref_slice %arg2[%dma_start3A_137, %dma_start3A_138] : memref<10000x128xf32, #tpu.memory_space<hbm>> -> memref<10000x128xf32, #tpu.memory_space<hbm>>
      tpu.enqueue_indirect_dma source(%dma_start3A_139 : memref<10000x128xf32, #tpu.memory_space<hbm>>) target(%arg10 : memref<80x128xf32, #tpu.memory_space<vmem>>) offsets(%dma_start3A_136 : memref<80xi32, #tpu.memory_space<vmem>>) semaphore(%arg14 : memref<!tpu.dma_semaphore, #tpu.memory_space<semaphore_mem>>)
      %add3A_140 = arith.constant 2 : i32
      %add3A_141 = arith.addi %mul3A_74, %add3A_140 : i32
      %ge3A_142 = arith.constant 72 : i32
      %ge3A_143 = arith.cmpi sge, %add3A_141, %ge3A_142 : i32
      %sub3A_144 = arith.constant 72 : i32
      %sub3A_145 = arith.subi %add3A_141, %sub3A_144 : i32
      %select_n3A_146 = arith.select %ge3A_143, %sub3A_145, %add3A_141 : i32
      "tpu.region"() ({
        %run_scoped3A = tpu.sem_alloc : memref<!tpu.dma_semaphore, #tpu.memory_space<semaphore_mem>>
        %dma_start3A_148 = arith.constant 0 : i32
        %dma_start3A_149 = tpu.memref_slice %arg8[%select_n3A_146, %dma_start3A_148] : memref<72x80xi32, #tpu.memory_space<vmem>> -> memref<1x80xi32, #tpu.memory_space<vmem>>
        %dma_start3A_150 = tpu.memref_squeeze %dma_start3A_149 : memref<1x80xi32, #tpu.memory_space<vmem>> -> memref<80xi32, #tpu.memory_space<vmem>>
        %dma_start3A_151 = arith.constant 0 : i32
        %dma_start3A_152 = arith.constant 0 : i32
        %dma_start3A_153 = tpu.memref_slice %arg12[%dma_start3A_151, %dma_start3A_152] : memref<10000x128xf32, #tpu.memory_space<vmem_shared>> -> memref<10000x128xf32, #tpu.memory_space<vmem_shared>>
        tpu.enqueue_indirect_dma source(%arg11 : memref<80x128xf32, #tpu.memory_space<vmem>>) target(%dma_start3A_153 : memref<10000x128xf32, #tpu.memory_space<vmem_shared>>) offsets(%dma_start3A_150 : memref<80xi32, #tpu.memory_space<vmem>>) semaphore(%run_scoped3A : memref<!tpu.dma_semaphore, #tpu.memory_space<semaphore_mem>>) {add = true}
        %dma_wait3A_154 = arith.constant 0 : i32
        %dma_wait3A_155 = tpu.memref_slice %arg8[%select_n3A_146, %dma_wait3A_154] : memref<72x80xi32, #tpu.memory_space<vmem>> -> memref<1x80xi32, #tpu.memory_space<vmem>>
        %dma_wait3A_156 = tpu.memref_squeeze %dma_wait3A_155 : memref<1x80xi32, #tpu.memory_space<vmem>> -> memref<80xi32, #tpu.memory_space<vmem>>
        %dma_wait3A_157 = arith.constant 0 : i32
        %dma_wait3A_158 = arith.constant 0 : i32
        %dma_wait3A_159 = tpu.memref_slice %arg12[%dma_wait3A_157, %dma_wait3A_158] : memref<10000x128xf32, #tpu.memory_space<vmem_shared>> -> memref<10000x128xf32, #tpu.memory_space<vmem_shared>>
        tpu.wait_indirect_dma semaphore(%run_scoped3A : memref<!tpu.dma_semaphore, #tpu.memory_space<semaphore_mem>>) src(%arg11 : memref<80x128xf32, #tpu.memory_space<vmem>>) dst(%dma_wait3A_159 : memref<10000x128xf32, #tpu.memory_space<vmem_shared>>)
        tpu.yield
      }) : () -> ()
      %scan3A_147 = arith.constant 0 : i32
      scf.yield %scan3A_147 : i32
    }
    %scan3A_42 = arith.constant 41 : i32
    %dma_wait3A_43 = arith.constant 0 : i32
    %dma_wait3A_44 = arith.constant 0 : i32
    %dma_wait3A_45 = tpu.memref_slice %arg2[%dma_wait3A_43, %dma_wait3A_44] : memref<10000x128xf32, #tpu.memory_space<hbm>> -> memref<80x128xf32, #tpu.memory_space<hbm>>
    %dma_wait3A_46 = arith.constant 0 : i32
    %dma_wait3A_47 = arith.constant 0 : i32
    %dma_wait3A_48 = tpu.memref_slice %arg2[%dma_wait3A_46, %dma_wait3A_47] : memref<10000x128xf32, #tpu.memory_space<hbm>> -> memref<80x128xf32, #tpu.memory_space<hbm>>
    tpu.wait_dma2 semaphore(%arg13 : memref<!tpu.dma_semaphore, #tpu.memory_space<semaphore_mem>>) src(%dma_wait3A_48 : memref<80x128xf32, #tpu.memory_space<hbm>>) dst(%arg9 : memref<80x128xf32, #tpu.memory_space<vmem>>)
    %jit3A = arith.constant true
    %jit3A_49 = arith.constant 51 : i32
    %jit3A_50 = arith.constant 123 : i32
    %select_n3A = arith.select %jit3A, %jit3A_49, %jit3A_50 : i32
    "tpu.region"() ({
      %run_scoped3A = tpu.sem_alloc : memref<!tpu.dma_semaphore, #tpu.memory_space<semaphore_mem>>
      %dma_start3A_71 = arith.constant 0 : i32
      %dma_start3A_72 = tpu.memref_slice %arg8[%select_n3A, %dma_start3A_71] : memref<72x80xi32, #tpu.memory_space<vmem>> -> memref<1x80xi32, #tpu.memory_space<vmem>>
      %dma_start3A_73 = tpu.memref_squeeze %dma_start3A_72 : memref<1x80xi32, #tpu.memory_space<vmem>> -> memref<80xi32, #tpu.memory_space<vmem>>
      %dma_start3A_74 = arith.constant 0 : i32
      %dma_start3A_75 = arith.constant 0 : i32
      %dma_start3A_76 = tpu.memref_slice %arg12[%dma_start3A_74, %dma_start3A_75] : memref<10000x128xf32, #tpu.memory_space<vmem_shared>> -> memref<10000x128xf32, #tpu.memory_space<vmem_shared>>
      tpu.enqueue_indirect_dma source(%arg9 : memref<80x128xf32, #tpu.memory_space<vmem>>) target(%dma_start3A_76 : memref<10000x128xf32, #tpu.memory_space<vmem_shared>>) offsets(%dma_start3A_73 : memref<80xi32, #tpu.memory_space<vmem>>) semaphore(%run_scoped3A : memref<!tpu.dma_semaphore, #tpu.memory_space<semaphore_mem>>) {add = true}
      %dma_wait3A_77 = arith.constant 0 : i32
      %dma_wait3A_78 = tpu.memref_slice %arg8[%select_n3A, %dma_wait3A_77] : memref<72x80xi32, #tpu.memory_space<vmem>> -> memref<1x80xi32, #tpu.memory_space<vmem>>
      %dma_wait3A_79 = tpu.memref_squeeze %dma_wait3A_78 : memref<1x80xi32, #tpu.memory_space<vmem>> -> memref<80xi32, #tpu.memory_space<vmem>>
      %dma_wait3A_80 = arith.constant 0 : i32
      %dma_wait3A_81 = arith.constant 0 : i32
      %dma_wait3A_82 = tpu.memref_slice %arg12[%dma_wait3A_80, %dma_wait3A_81] : memref<10000x128xf32, #tpu.memory_space<vmem_shared>> -> memref<10000x128xf32, #tpu.memory_space<vmem_shared>>
      tpu.wait_indirect_dma semaphore(%run_scoped3A : memref<!tpu.dma_semaphore, #tpu.memory_space<semaphore_mem>>) src(%arg9 : memref<80x128xf32, #tpu.memory_space<vmem>>) dst(%dma_wait3A_82 : memref<10000x128xf32, #tpu.memory_space<vmem_shared>>)
      tpu.yield
    }) : () -> ()
    %dma_wait3A_51 = arith.constant 0 : i32
    %dma_wait3A_52 = arith.constant 0 : i32
    %dma_wait3A_53 = tpu.memref_slice %arg2[%dma_wait3A_51, %dma_wait3A_52] : memref<10000x128xf32, #tpu.memory_space<hbm>> -> memref<80x128xf32, #tpu.memory_space<hbm>>
    %dma_wait3A_54 = arith.constant 0 : i32
    %dma_wait3A_55 = arith.constant 0 : i32
    %dma_wait3A_56 = tpu.memref_slice %arg2[%dma_wait3A_54, %dma_wait3A_55] : memref<10000x128xf32, #tpu.memory_space<hbm>> -> memref<80x128xf32, #tpu.memory_space<hbm>>
    tpu.wait_dma2 semaphore(%arg14 : memref<!tpu.dma_semaphore, #tpu.memory_space<semaphore_mem>>) src(%dma_wait3A_56 : memref<80x128xf32, #tpu.memory_space<hbm>>) dst(%arg10 : memref<80x128xf32, #tpu.memory_space<vmem>>)
    %jit3A_57 = arith.constant true
    %jit3A_58 = arith.constant 52 : i32
    %jit3A_59 = arith.constant 124 : i32
    %select_n3A_60 = arith.select %jit3A_57, %jit3A_58, %jit3A_59 : i32
    "tpu.region"() ({
      %run_scoped3A = tpu.sem_alloc : memref<!tpu.dma_semaphore, #tpu.memory_space<semaphore_mem>>
      %dma_start3A_71 = arith.constant 0 : i32
      %dma_start3A_72 = tpu.memref_slice %arg8[%select_n3A_60, %dma_start3A_71] : memref<72x80xi32, #tpu.memory_space<vmem>> -> memref<1x80xi32, #tpu.memory_space<vmem>>
      %dma_start3A_73 = tpu.memref_squeeze %dma_start3A_72 : memref<1x80xi32, #tpu.memory_space<vmem>> -> memref<80xi32, #tpu.memory_space<vmem>>
      %dma_start3A_74 = arith.constant 0 : i32
      %dma_start3A_75 = arith.constant 0 : i32
      %dma_start3A_76 = tpu.memref_slice %arg12[%dma_start3A_74, %dma_start3A_75] : memref<10000x128xf32, #tpu.memory_space<vmem_shared>> -> memref<10000x128xf32, #tpu.memory_space<vmem_shared>>
      tpu.enqueue_indirect_dma source(%arg10 : memref<80x128xf32, #tpu.memory_space<vmem>>) target(%dma_start3A_76 : memref<10000x128xf32, #tpu.memory_space<vmem_shared>>) offsets(%dma_start3A_73 : memref<80xi32, #tpu.memory_space<vmem>>) semaphore(%run_scoped3A : memref<!tpu.dma_semaphore, #tpu.memory_space<semaphore_mem>>) {add = true}
      %dma_wait3A_77 = arith.constant 0 : i32
      %dma_wait3A_78 = tpu.memref_slice %arg8[%select_n3A_60, %dma_wait3A_77] : memref<72x80xi32, #tpu.memory_space<vmem>> -> memref<1x80xi32, #tpu.memory_space<vmem>>
      %dma_wait3A_79 = tpu.memref_squeeze %dma_wait3A_78 : memref<1x80xi32, #tpu.memory_space<vmem>> -> memref<80xi32, #tpu.memory_space<vmem>>
      %dma_wait3A_80 = arith.constant 0 : i32
      %dma_wait3A_81 = arith.constant 0 : i32
      %dma_wait3A_82 = tpu.memref_slice %arg12[%dma_wait3A_80, %dma_wait3A_81] : memref<10000x128xf32, #tpu.memory_space<vmem_shared>> -> memref<10000x128xf32, #tpu.memory_space<vmem_shared>>
      tpu.wait_indirect_dma semaphore(%run_scoped3A : memref<!tpu.dma_semaphore, #tpu.memory_space<semaphore_mem>>) src(%arg10 : memref<80x128xf32, #tpu.memory_space<vmem>>) dst(%dma_wait3A_82 : memref<10000x128xf32, #tpu.memory_space<vmem_shared>>)
      tpu.yield
    }) : () -> ()
    %barrier3A_61 = arith.constant 0 : index
    tpu.barrier barrier_id(%barrier3A_61)
    %mul3A_62 = arith.constant 624 : i32
    %mul3A_63 = arith.muli %arg1, %mul3A_62 : i32
    %mul3A_64 = arith.constant 624 : i32
    %mul3A_65 = arith.muli %arg1, %mul3A_64 : i32
    "tpu.region"() ({
      %run_scoped3A = tpu.sem_alloc : memref<!tpu.dma_semaphore, #tpu.memory_space<semaphore_mem>>
      %dma_start3A_71 = arith.constant 0 : i32
      %dma_start3A_72 = tpu.memref_slice %arg6[%arg0, %mul3A_65, %dma_start3A_71] : memref<2x10000x128xf32, #tpu.memory_space<hbm>> -> memref<1x624x128xf32, #tpu.memory_space<hbm>>
      %dma_start3A_73 = tpu.memref_squeeze %dma_start3A_72 : memref<1x624x128xf32, #tpu.memory_space<hbm>> -> memref<624x128xf32, #tpu.memory_space<hbm>>
      %dma_start3A_74 = arith.constant 0 : i32
      %dma_start3A_75 = tpu.memref_slice %arg12[%mul3A_63, %dma_start3A_74] : memref<10000x128xf32, #tpu.memory_space<vmem_shared>> -> memref<624x128xf32, #tpu.memory_space<vmem_shared>>
      tpu.enqueue_dma source(%dma_start3A_75 : memref<624x128xf32, #tpu.memory_space<vmem_shared>>) target(%dma_start3A_73 : memref<624x128xf32, #tpu.memory_space<hbm>>) target_semaphore(%run_scoped3A : memref<!tpu.dma_semaphore, #tpu.memory_space<semaphore_mem>>)
      %dma_wait3A_76 = arith.constant 0 : i32
      %dma_wait3A_77 = tpu.memref_slice %arg6[%arg0, %mul3A_65, %dma_wait3A_76] : memref<2x10000x128xf32, #tpu.memory_space<hbm>> -> memref<1x624x128xf32, #tpu.memory_space<hbm>>
      %dma_wait3A_78 = tpu.memref_squeeze %dma_wait3A_77 : memref<1x624x128xf32, #tpu.memory_space<hbm>> -> memref<624x128xf32, #tpu.memory_space<hbm>>
      %dma_wait3A_79 = arith.constant 0 : i32
      %dma_wait3A_80 = tpu.memref_slice %arg12[%mul3A_63, %dma_wait3A_79] : memref<10000x128xf32, #tpu.memory_space<vmem_shared>> -> memref<624x128xf32, #tpu.memory_space<vmem_shared>>
      tpu.wait_dma2 semaphore(%run_scoped3A : memref<!tpu.dma_semaphore, #tpu.memory_space<semaphore_mem>>) src(%dma_wait3A_80 : memref<624x128xf32, #tpu.memory_space<vmem_shared>>) dst(%dma_wait3A_78 : memref<624x128xf32, #tpu.memory_space<hbm>>)
      tpu.yield
    }) : () -> ()
    %eq3A_66 = arith.constant 15 : i32
    %eq3A_67 = arith.cmpi eq, %arg1, %eq3A_66 : i32
    %convert_element_type3A_68 = arith.extui %eq3A_67 : i1 to i32
    %cond3A_69 = arith.constant 0 : i32
    %cond3A_70 = arith.cmpi ne, %convert_element_type3A_68, %cond3A_69 : i32
    scf.if %cond3A_70 {
      "tpu.region"() ({
        %run_scoped3A = tpu.sem_alloc : memref<!tpu.dma_semaphore, #tpu.memory_space<semaphore_mem>>
        %dma_start3A_71 = arith.constant 9984 : i32
        %dma_start3A_72 = arith.constant 0 : i32
        %dma_start3A_73 = tpu.memref_slice %arg6[%arg0, %dma_start3A_71, %dma_start3A_72] : memref<2x10000x128xf32, #tpu.memory_space<hbm>> -> memref<1x16x128xf32, #tpu.memory_space<hbm>>
        %dma_start3A_74 = tpu.memref_squeeze %dma_start3A_73 : memref<1x16x128xf32, #tpu.memory_space<hbm>> -> memref<16x128xf32, #tpu.memory_space<hbm>>
        %dma_start3A_75 = arith.constant 9984 : i32
        %dma_start3A_76 = arith.constant 0 : i32
        %dma_start3A_77 = tpu.memref_slice %arg12[%dma_start3A_75, %dma_start3A_76] : memref<10000x128xf32, #tpu.memory_space<vmem_shared>> -> memref<16x128xf32, #tpu.memory_space<vmem_shared>>
        tpu.enqueue_dma source(%dma_start3A_77 : memref<16x128xf32, #tpu.memory_space<vmem_shared>>) target(%dma_start3A_74 : memref<16x128xf32, #tpu.memory_space<hbm>>) target_semaphore(%run_scoped3A : memref<!tpu.dma_semaphore, #tpu.memory_space<semaphore_mem>>)
        %dma_wait3A_78 = arith.constant 9984 : i32
        %dma_wait3A_79 = arith.constant 0 : i32
        %dma_wait3A_80 = tpu.memref_slice %arg6[%arg0, %dma_wait3A_78, %dma_wait3A_79] : memref<2x10000x128xf32, #tpu.memory_space<hbm>> -> memref<1x16x128xf32, #tpu.memory_space<hbm>>
        %dma_wait3A_81 = tpu.memref_squeeze %dma_wait3A_80 : memref<1x16x128xf32, #tpu.memory_space<hbm>> -> memref<16x128xf32, #tpu.memory_space<hbm>>
        %dma_wait3A_82 = arith.constant 9984 : i32
        %dma_wait3A_83 = arith.constant 0 : i32
        %dma_wait3A_84 = tpu.memref_slice %arg12[%dma_wait3A_82, %dma_wait3A_83] : memref<10000x128xf32, #tpu.memory_space<vmem_shared>> -> memref<16x128xf32, #tpu.memory_space<vmem_shared>>
        tpu.wait_dma2 semaphore(%run_scoped3A : memref<!tpu.dma_semaphore, #tpu.memory_space<semaphore_mem>>) src(%dma_wait3A_84 : memref<16x128xf32, #tpu.memory_space<vmem_shared>>) dst(%dma_wait3A_81 : memref<16x128xf32, #tpu.memory_space<hbm>>)
        tpu.yield
      }) : () -> ()
    } else {
    }
    return
  }
}

module attributes {stable_mosaic.version = 14 : i64} {
  func.func @_dense_first_body(%arg0: memref<10000x128xf32, #tpu.memory_space<vmem>>, %arg1: memref<128x128xf32, #tpu.memory_space<vmem>>, %arg2: memref<2x10000x1xf32, #tpu.memory_space<vmem>>, %arg3: memref<10000x128xf32, #tpu.memory_space<vmem>>, %arg4: memref<10000x1xf32, #tpu.memory_space<vmem>>) attributes {dimension_semantics = [], scalar_prefetch = 0 : i64, scratch_operands = 0 : i64, tpu.core_type = #tpu.core_type<tc>} {
    %get3A = arith.constant 0 : index
    %get3A_0 = arith.constant 0 : index
    %get3A_1 = arith.constant 0 : index
    %get3A_2 = vector.load %arg2[%get3A, %get3A_0, %get3A_1] : memref<2x10000x1xf32, #tpu.memory_space<vmem>>, vector<1x10000x1xf32>
    %get3A_3 = vector.shape_cast %get3A_2 : vector<1x10000x1xf32> to vector<10000x1xf32>
    %get3A_4 = arith.constant 1 : index
    %get3A_5 = arith.constant 0 : index
    %get3A_6 = arith.constant 0 : index
    %get3A_7 = vector.load %arg2[%get3A_4, %get3A_5, %get3A_6] : memref<2x10000x1xf32, #tpu.memory_space<vmem>>, vector<1x10000x1xf32>
    %get3A_8 = vector.shape_cast %get3A_7 : vector<1x10000x1xf32> to vector<10000x1xf32>
    %add3A = arith.addf %get3A_3, %get3A_8 : vector<10000x1xf32>
    %add3A_9 = arith.constant 1.000000e+00 : f32
    %add3A_10 = vector.broadcast %add3A_9 : f32 to vector<10000x1xf32>
    %add3A_11 = arith.addf %add3A, %add3A_10 : vector<10000x1xf32>
    %rsqrt3A = math.rsqrt %add3A_11 : vector<10000x1xf32>
    %get3A_12 = arith.constant 0 : index
    %get3A_13 = arith.constant 0 : index
    %get3A_14 = vector.load %arg0[%get3A_12, %get3A_13] : memref<10000x128xf32, #tpu.memory_space<vmem>>, vector<10000x128xf32>
    %get3A_15 = arith.constant 0 : index
    %get3A_16 = arith.constant 0 : index
    %get3A_17 = vector.load %arg1[%get3A_15, %get3A_16] : memref<128x128xf32, #tpu.memory_space<vmem>>, vector<128x128xf32>
    %dot_general3A = arith.constant dense<0.000000e+00> : vector<10000x128xf32>
    %dot_general3A_18 = tpu.matmul %get3A_14, %get3A_17, %dot_general3A {dimension_numbers = #tpu.dot_dimension_numbers<[1], [0], [0], [1], [0, 0, 1, 1], [], []>, transpose_lhs_hint = false} : vector<10000x128xf32>, vector<128x128xf32>, vector<10000x128xf32> -> vector<10000x128xf32>
    %mul3A = vector.broadcast %rsqrt3A : vector<10000x1xf32> to vector<10000x128xf32>
    %mul3A_19 = arith.mulf %dot_general3A_18, %mul3A : vector<10000x128xf32>
    %swap3A = arith.constant 0 : index
    %swap3A_20 = arith.constant 0 : index
    %swap3A_21 = vector.load %arg3[%swap3A, %swap3A_20] : memref<10000x128xf32, #tpu.memory_space<vmem>>, vector<10000x128xf32>
    tpu.vector_store %arg3[%swap3A, %swap3A_20], %mul3A_19 {strides = array<i32>} : memref<10000x128xf32, #tpu.memory_space<vmem>>, vector<10000x128xf32>,
    %swap3A_22 = arith.constant 0 : index
    %swap3A_23 = arith.constant 0 : index
    %swap3A_24 = vector.load %arg4[%swap3A_22, %swap3A_23] : memref<10000x1xf32, #tpu.memory_space<vmem>>, vector<10000x1xf32>
    tpu.vector_store %arg4[%swap3A_22, %swap3A_23], %rsqrt3A {strides = array<i32>} : memref<10000x1xf32, #tpu.memory_space<vmem>>, vector<10000x1xf32>,
    return
  }
}

module attributes {stable_mosaic.version = 14 : i64} {
  func.func @_dense_mid_body(%arg0: memref<2x10000x128xf32, #tpu.memory_space<vmem>>, %arg1: memref<10000x128xf32, #tpu.memory_space<vmem>>, %arg2: memref<10000x1xf32, #tpu.memory_space<vmem>>, %arg3: memref<1x128xf32, #tpu.memory_space<vmem>>, %arg4: memref<1x128xf32, #tpu.memory_space<vmem>>, %arg5: memref<1x128xf32, #tpu.memory_space<vmem>>, %arg6: memref<128x128xf32, #tpu.memory_space<vmem>>, %arg7: memref<10000x128xf32, #tpu.memory_space<vmem>>) attributes {dimension_semantics = [], scalar_prefetch = 0 : i64, scratch_operands = 0 : i64, tpu.core_type = #tpu.core_type<tc>} {
    %get3A = arith.constant 0 : index
    %get3A_0 = arith.constant 0 : index
    %get3A_1 = vector.load %arg2[%get3A, %get3A_0] : memref<10000x1xf32, #tpu.memory_space<vmem>>, vector<10000x1xf32>
    %get3A_2 = arith.constant 0 : index
    %get3A_3 = arith.constant 0 : index
    %get3A_4 = arith.constant 0 : index
    %get3A_5 = vector.load %arg0[%get3A_2, %get3A_3, %get3A_4] : memref<2x10000x128xf32, #tpu.memory_space<vmem>>, vector<1x10000x128xf32>
    %get3A_6 = vector.shape_cast %get3A_5 : vector<1x10000x128xf32> to vector<10000x128xf32>
    %get3A_7 = arith.constant 1 : index
    %get3A_8 = arith.constant 0 : index
    %get3A_9 = arith.constant 0 : index
    %get3A_10 = vector.load %arg0[%get3A_7, %get3A_8, %get3A_9] : memref<2x10000x128xf32, #tpu.memory_space<vmem>>, vector<1x10000x128xf32>
    %get3A_11 = vector.shape_cast %get3A_10 : vector<1x10000x128xf32> to vector<10000x128xf32>
    %add3A = arith.addf %get3A_6, %get3A_11 : vector<10000x128xf32>
    %get3A_12 = arith.constant 0 : index
    %get3A_13 = arith.constant 0 : index
    %get3A_14 = vector.load %arg1[%get3A_12, %get3A_13] : memref<10000x128xf32, #tpu.memory_space<vmem>>, vector<10000x128xf32>
    %add3A_15 = arith.addf %add3A, %get3A_14 : vector<10000x128xf32>
    %mul3A = vector.broadcast %get3A_1 : vector<10000x1xf32> to vector<10000x128xf32>
    %mul3A_16 = arith.mulf %add3A_15, %mul3A : vector<10000x128xf32>
    %get3A_17 = arith.constant 0 : index
    %get3A_18 = arith.constant 0 : index
    %get3A_19 = vector.load %arg3[%get3A_17, %get3A_18] : memref<1x128xf32, #tpu.memory_space<vmem>>, vector<1x128xf32>
    %add3A_20 = vector.broadcast %get3A_19 : vector<1x128xf32> to vector<10000x128xf32>
    %add3A_21 = arith.addf %mul3A_16, %add3A_20 : vector<10000x128xf32>
    %get3A_22 = arith.constant 0 : index
    %get3A_23 = arith.constant 0 : index
    %get3A_24 = vector.load %arg4[%get3A_22, %get3A_23] : memref<1x128xf32, #tpu.memory_space<vmem>>, vector<1x128xf32>
    %mul3A_25 = arith.constant 0.999994993 : f32
    %mul3A_26 = vector.broadcast %mul3A_25 : f32 to vector<1x128xf32>
    %mul3A_27 = arith.mulf %get3A_24, %mul3A_26 : vector<1x128xf32>
    %mul3A_28 = vector.broadcast %mul3A_27 : vector<1x128xf32> to vector<10000x128xf32>
    %mul3A_29 = arith.mulf %add3A_21, %mul3A_28 : vector<10000x128xf32>
    %get3A_30 = arith.constant 0 : index
    %get3A_31 = arith.constant 0 : index
    %get3A_32 = vector.load %arg5[%get3A_30, %get3A_31] : memref<1x128xf32, #tpu.memory_space<vmem>>, vector<1x128xf32>
    %add3A_33 = vector.broadcast %get3A_32 : vector<1x128xf32> to vector<10000x128xf32>
    %add3A_34 = arith.addf %mul3A_29, %add3A_33 : vector<10000x128xf32>
    %max3A = arith.constant 0.000000e+00 : f32
    %max3A_35 = vector.broadcast %max3A : f32 to vector<10000x128xf32>
    %max3A_36 = arith.maximumf %add3A_34, %max3A_35 : vector<10000x128xf32>
    %get3A_37 = arith.constant 0 : index
    %get3A_38 = arith.constant 0 : index
    %get3A_39 = vector.load %arg6[%get3A_37, %get3A_38] : memref<128x128xf32, #tpu.memory_space<vmem>>, vector<128x128xf32>
    %dot_general3A = arith.constant dense<0.000000e+00> : vector<10000x128xf32>
    %dot_general3A_40 = tpu.matmul %max3A_36, %get3A_39, %dot_general3A {dimension_numbers = #tpu.dot_dimension_numbers<[1], [0], [0], [1], [0, 0, 1, 1], [], []>, transpose_lhs_hint = false} : vector<10000x128xf32>, vector<128x128xf32>, vector<10000x128xf32> -> vector<10000x128xf32>
    %mul3A_41 = vector.broadcast %get3A_1 : vector<10000x1xf32> to vector<10000x128xf32>
    %mul3A_42 = arith.mulf %dot_general3A_40, %mul3A_41 : vector<10000x128xf32>
    %swap3A = arith.constant 0 : index
    %swap3A_43 = arith.constant 0 : index
    %swap3A_44 = vector.load %arg7[%swap3A, %swap3A_43] : memref<10000x128xf32, #tpu.memory_space<vmem>>, vector<10000x128xf32>
    tpu.vector_store %arg7[%swap3A, %swap3A_43], %mul3A_42 {strides = array<i32>} : memref<10000x128xf32, #tpu.memory_space<vmem>>, vector<10000x128xf32>,
    return
  }
}

module attributes {stable_mosaic.version = 14 : i64} {
  func.func @_dense_last_body(%arg0: memref<2x10000x128xf32, #tpu.memory_space<vmem>>, %arg1: memref<10000x128xf32, #tpu.memory_space<vmem>>, %arg2: memref<10000x1xf32, #tpu.memory_space<vmem>>, %arg3: memref<1x128xf32, #tpu.memory_space<vmem>>, %arg4: memref<10000x128xf32, #tpu.memory_space<vmem>>) attributes {dimension_semantics = [], scalar_prefetch = 0 : i64, scratch_operands = 0 : i64, tpu.core_type = #tpu.core_type<tc>} {
    %get3A = arith.constant 0 : index
    %get3A_0 = arith.constant 0 : index
    %get3A_1 = arith.constant 0 : index
    %get3A_2 = vector.load %arg0[%get3A, %get3A_0, %get3A_1] : memref<2x10000x128xf32, #tpu.memory_space<vmem>>, vector<1x10000x128xf32>
    %get3A_3 = vector.shape_cast %get3A_2 : vector<1x10000x128xf32> to vector<10000x128xf32>
    %get3A_4 = arith.constant 1 : index
    %get3A_5 = arith.constant 0 : index
    %get3A_6 = arith.constant 0 : index
    %get3A_7 = vector.load %arg0[%get3A_4, %get3A_5, %get3A_6] : memref<2x10000x128xf32, #tpu.memory_space<vmem>>, vector<1x10000x128xf32>
    %get3A_8 = vector.shape_cast %get3A_7 : vector<1x10000x128xf32> to vector<10000x128xf32>
    %add3A = arith.addf %get3A_3, %get3A_8 : vector<10000x128xf32>
    %get3A_9 = arith.constant 0 : index
    %get3A_10 = arith.constant 0 : index
    %get3A_11 = vector.load %arg1[%get3A_9, %get3A_10] : memref<10000x128xf32, #tpu.memory_space<vmem>>, vector<10000x128xf32>
    %add3A_12 = arith.addf %add3A, %get3A_11 : vector<10000x128xf32>
    %get3A_13 = arith.constant 0 : index
    %get3A_14 = arith.constant 0 : index
    %get3A_15 = vector.load %arg2[%get3A_13, %get3A_14] : memref<10000x1xf32, #tpu.memory_space<vmem>>, vector<10000x1xf32>
    %mul3A = vector.broadcast %get3A_15 : vector<10000x1xf32> to vector<10000x128xf32>
    %mul3A_16 = arith.mulf %add3A_12, %mul3A : vector<10000x128xf32>
    %get3A_17 = arith.constant 0 : index
    %get3A_18 = arith.constant 0 : index
    %get3A_19 = vector.load %arg3[%get3A_17, %get3A_18] : memref<1x128xf32, #tpu.memory_space<vmem>>, vector<1x128xf32>
    %add3A_20 = vector.broadcast %get3A_19 : vector<1x128xf32> to vector<10000x128xf32>
    %add3A_21 = arith.addf %mul3A_16, %add3A_20 : vector<10000x128xf32>
    %swap3A = arith.constant 0 : index
    %swap3A_22 = arith.constant 0 : index
    %swap3A_23 = vector.load %arg4[%swap3A, %swap3A_22] : memref<10000x128xf32, #tpu.memory_space<vmem>>, vector<10000x128xf32>
    tpu.vector_store %arg4[%swap3A, %swap3A_22], %add3A_21 {strides = array<i32>} : memref<10000x128xf32, #tpu.memory_space<vmem>>, vector<10000x128xf32>,
    return
  }
}

</mosaic_0001>

<sc_bundles>
// kernel: kernel.10.cloned.1.call-start
scs
__scs_entry_jumppad:
0x0: {  	(pc) =	sbr.rel $0x88, $3  }
0x1: {  	(tag) =	ssettag $0x0;
	lr =	simm.s32 $0x1  }
0x2: {  	[smem:$0x3F95] =	sst lr;
	_ =	strace $0xD0000000  }
0x3: {  	_ = 	snop  }
0x4: {  	_ = 	snop  }
0x5: {  	_ = 	snop  }
0x6: {  	_ = 	snop  }
0x7: {  	_ = 	snop  }
__scs_overlays_trampoline_lowered:
0x8: {  	[smem:$0x3FA4] =	sst s0  }
0x9: {  	[smem:$0x3FA5] =	sst s1  }
0xa: {  	[smem:$0x3FA6] =	sst s2  }
0xb: {  	[smem:$0x3FA7] =	sst s3  }
0xc: {  	[smem:$0x3FA8] =	sst s4  }
0xd: {  	[smem:$0x3FA9] =	sst s5  }
0xe: {  	[smem:$0x3FAA] =	sst s6  }
0xf: {  	[smem:$0x3FAB] =	sst s7  }
0x10: {  	[smem:$0x3FAC] =	sst s8  }
0x11: {  	[smem:$0x3FAD] =	sst s9;
	s0 =	simm.s32 @!p0 $0x0  }
0x12: {  	s1 =	sld [smem:$0x3F93];
	s0 =	simm.s32 @p0 $0x1  }
0x13: {  	[smem:$0x3FAE] =	sst s0;
	s0 =	simm.s32 @!p1 $0x0  }
0x14: {  	s2 =	sld [smem:$0x3F92];
	s0 =	simm.s32 @p1 $0x1  }
0x15: {  	[smem:$0x3FAF] =	sst s0;
	s0 =	simm.s32 @!p2 $0x0  }
0x16: {  	s3 =	sld [smem:$0x3FDB];
	s0 =	simm.s32 @p2 $0x1  }
0x17: {  	s4 =	simm.s32 $0x1BF5;
	[smem:$0x3FB1] =	sst s0  }
0x18: {  	s0 =	sld [smem:$0x3F94];
	_ =	swait.ge [sflag:s4], $0x0  }
0x19: {  	s7 =	sld [smem:$0x3F95]  }
0x1a: {  	s8 =	sadd.s32 $0xFFFFE003, lr  }
0x1b: {  	s9 =	sadd.s32 $0xFFFFFEF7, lr;
	s5 =	simm.s32 $0xFFFFFFFF;
	p2 =	slt.u32 s8, $0xFFFFF086  }
0x1c: {  	p1 =	slt.u32 s9, $0xF7A;
	s5 =	simm.s32 @!p2 $0x0  }
0x1d: {  	s5 =	simm.s32 @p1 $0x1;
	p0 =	seq.s32 s7, s2  }
0x1e: {  	s7 =	smul.u32 @!p0 $0xF7A, s2;
	p2 =	seq.s32 @!p0 s5, $0x0  }
0x1f: {  	s9 =	smul.u32 $0xF7A, s1;
	s8 =	simm.s32 @!p0 $0x1BF5;
	p2 =	por !p2, p0  }
0x20: {  	[sflag:s8] =	ssyncset.s32 @!p0 $0xFFFFF086;
	s6 =	sadd.s32 @!p0 s3, s7;
	s7 =	simm.s32 @!p0 $0x108  }
0x21: {  	s3 =	sadd.s32 s3, s9;
	s6 =	sadd.s32 @!p0 $0x88, s6;
	s7 =	simm.s32 @p2 $0x1082  }
0x22: {  	[simem:s7], [sflag:s8] =	dma.local @!p0 [hbm:s6], $0xF7A  }
0x23: {  	s9 =	sor.u32 $0xD0000000, s2;
	s6 =	simm.s32 $0x108;
	_ =	swait.ge @!p0 [sflag:s8], $0x0  }
0x24: {  	s3 =	sadd.s32 $0x88, s3;
	s6 =	simm.s32 @!p1 $0x1082;
	[sflag:s4] =	ssyncset.s32 $0xFFFFF086  }
0x25: {  	[simem:s6], [sflag:s4] =	dma.local [hbm:s3], $0xF7A  }
0x26: {  	[smem:$0x3F95] =	sst s1;
	(tag) =	ssettag s2;
	_ =	strace s9  }
0x27: {  	s1 =	sld [smem:$0x3FA5]  }
0x28: {  	s2 =	sld [smem:$0x3FA6]  }
0x29: {  	s4 =	sld [smem:$0x3FA8]  }
0x2a: {  	p0 =	seq.s32 s5, $0x0;
	s5 =	sld [smem:$0x3FA9]  }
0x2b: {  	s6 =	sld [smem:$0x3FAA]  }
0x2c: {  	s7 =	sld [smem:$0x3FAB]  }
0x2d: {  	s3 =	simm.s32 $0x108;
	s8 =	sld [smem:$0x3FAC]  }
0x2e: {  	s3 =	simm.s32 @!p0 $0x1082;
	s9 =	sld [smem:$0x3FAD]  }
0x2f: {  	lr =	sadd.s32 s0, s3;
	s0 =	sld [smem:$0x3FA4]  }
0x30: {  	s3 =	sld [smem:$0x3FA7]  }
0x31: {  	[smem:$0x3FB0] =	sst s10  }
0x32: {  	s10 =	sld [smem:$0x3FAE];
	_ =	sdelay $0x3  }
0x33: {  	p0 =	seq.s32 s10, $0x1;
	s10 =	sld [smem:$0x3FB0];
	_ =	sdelay $0x3  }
0x34: {  	[smem:$0x3FB0] =	sst s10  }
0x35: {  	s10 =	sld [smem:$0x3FAF];
	_ =	sdelay $0x3  }
0x36: {  	p1 =	seq.s32 s10, $0x1;
	s10 =	sld [smem:$0x3FB0];
	_ =	sdelay $0x3  }
0x37: {  	[smem:$0x3FB0] =	sst s10  }
0x38: {  	s10 =	sld [smem:$0x3FB1]  }
0x39: {  	_ = 	snop;
	(pc) =	sbr.ind lr, $3  }
0x3a: {  	_ = 	snop  }
0x3b: {  	_ = 	snop  }
0x3c: {  	p2 =	seq.s32 s10, $0x1;
	s10 =	sld [smem:$0x3FB0]  }
0x3d: {  	_ =	shalt  }
0x3e: {  	_ =	shalt  }
0x3f: {  	_ =	shalt  }
0x40: {  	_ =	shalt  }
0x41: {  	_ =	shalt  }
0x42: {  	_ =	shalt  }
0x43: {  	_ =	shalt  }
0x44: {  	_ =	shalt  }
0x45: {  	_ =	shalt  }
0x46: {  	_ =	shalt  }
0x47: {  	_ =	shalt  }
0x48: {  	_ =	shalt  }
0x49: {  	_ =	shalt  }
0x4a: {  	_ =	shalt  }
0x4b: {  	_ =	shalt  }
0x4c: {  	_ =	shalt  }
0x4d: {  	_ =	shalt  }
0x4e: {  	_ =	shalt  }
0x4f: {  	_ =	shalt  }
0x50: {  	_ =	shalt  }
0x51: {  	_ =	shalt  }
0x52: {  	_ =	shalt  }
0x53: {  	_ =	shalt  }
0x54: {  	_ =	shalt  }
0x55: {  	_ =	shalt  }
0x56: {  	_ =	shalt  }
0x57: {  	_ =	shalt  }
0x58: {  	_ =	shalt  }
0x59: {  	_ =	shalt  }
0x5a: {  	_ =	shalt  }
0x5b: {  	_ =	shalt  }
0x5c: {  	_ =	shalt  }
0x5d: {  	_ =	shalt  }
0x5e: {  	_ =	shalt  }
0x5f: {  	_ =	shalt  }
0x60: {  	_ =	shalt  }
0x61: {  	_ =	shalt  }
0x62: {  	_ =	shalt  }
0x63: {  	_ =	shalt  }
0x64: {  	_ =	shalt  }
0x65: {  	_ =	shalt  }
0x66: {  	_ =	shalt  }
0x67: {  	_ =	shalt  }
0x68: {  	_ =	shalt  }
0x69: {  	_ =	shalt  }
0x6a: {  	_ =	shalt  }
0x6b: {  	_ =	shalt  }
0x6c: {  	_ =	shalt  }
0x6d: {  	_ =	shalt  }
0x6e: {  	_ =	shalt  }
0x6f: {  	_ =	shalt  }
0x70: {  	_ =	shalt  }
0x71: {  	_ =	shalt  }
0x72: {  	_ =	shalt  }
0x73: {  	_ =	shalt  }
0x74: {  	_ =	shalt  }
0x75: {  	_ =	shalt  }
0x76: {  	_ =	shalt  }
0x77: {  	_ =	shalt  }
0x78: {  	_ =	shalt  }
0x79: {  	_ =	shalt  }
0x7a: {  	_ =	shalt  }
0x7b: {  	_ =	shalt  }
0x7c: {  	_ =	shalt  }
0x7d: {  	_ =	shalt  }
0x7e: {  	_ =	shalt  }
0x7f: {  	_ =	shalt  }
0x80: {  	_ =	shalt  }
0x81: {  	_ =	shalt  }
0x82: {  	_ =	shalt  }
0x83: {  	_ =	shalt  }
0x84: {  	_ =	shalt  }
0x85: {  	_ =	shalt  }
0x86: {  	_ =	shalt  }
0x87: {  	_ =	shalt  }
.Lfunc_end0:
.L_simem_size_0:
called_computation_lowered:
.L_overlay_start_0:
0x88: {  	s2 =	sld [smem:$0x3FD9]  }
0x89: {  	s3 =	sld [smem:$0x3FFE];
	_ =	sdelay $0x1  }
0x8a: {  	s1 =	srdreg.scid  }
0x8b: {  	s0 =	sand.u32 $0x1, s1  }
0x8c: {  	s17 =	sshll.u32 s0, $0xA;
	s2 =	sadd.s32 s3, s2  }
0x8d: {  	s2 =	sadd.s32 s2, s17  }
0x8e: {  	[smem:$0x3FBC] =	sst s2  }
0x8f: {  	_ = 	snop  }
0x90: {  	s2 =	sld [smem:$0x3FD0];
	(tm) =	ssettm $0x1  }
0x91: {  	s18 =	sld [smem:$0x3FFB];
	_ =	sdelay $0x3  }
0x92: {  	_ =	strace s18  }
0x93: {  	s3 =	sld [smem:$0x3FFC];
	_ =	sdelay $0x3  }
0x94: {  	_ =	strace s3  }
0x95: {  	s3 =	sld [smem:$0x3FFD];
	_ =	sdelay $0x3  }
0x96: {  	_ =	strace s3  }
0x97: {  	_ =	strace $0x8FFFFFFF  }
0x98: {  	s19 =	sld [smem:$0x3FDB];
	_ =	sdelay $0x1  }
0x99: {  	s4 =	simm.s32 $_scs_section_size  }
0x9a: {  	s5 =	simm.s32 $_size__tile_overlayer_lowered;
	s6 =	simm.s32 $_tile_overlayer_lowered  }
0x9b: {  	s22 =	simm.s32 $0x1BFF;
	s21 =	sshll.u32 s6, $0x1;
	s3 =	sadd.s32 s4, s19  }
0x9c: {  	s7 =	simm.s32 $0x0;
	s20 =	sshll.u32 s5, $0x1;
	s5 =	sadd.s32 s21, s3  }
0x9d: {  	[timem:s7], [sflag:s22] =	dma.local [hbm:s5], s20  }
0x9e: {  	_ =	swait.ge [sflag:s22], s20  }
0x9f: {  	s4 =	ssub.s32 $0x0, s20;
	[sflag:s22] =	ssyncset.done $0x0  }
0xa0: {  	[sflag:s22] =	ssyncadd.s32 s4;
	_ =	sdelay $0x1  }
0xa1: {  	s23 =	simm.s32 $0x1B8B  }
0xa2: {  	_ =	swait.ge [sflag:s23], $0x1  }
0xa3: {  	[sflag:s23] =	ssyncset.done $0x0  }
0xa4: {  	s25 =	simm.s32 $0x1B8E;
	s24 =	sld [smem:$0x3FFE];
	[sflag:s23] =	ssyncadd.s32 $0xFFFFFFFF  }
0xa5: {  	s26 =	simm.s32 $execute0_lowered;
	[smem:$0x3FD2] =	sst s25  }
0xa6: {  	s5 =	sshll.u32 s26, $0x1;
	_ =	strace $0x80000046;
	[dreg:$0x1] =	wrdreg $0xFFFFFFFF  }
0xa7: {  	s28 =	simm.s32 $_size_execute0_lowered;
	s3 =	sadd.s32 s3, s5;
	[dreg:$0x0] =	wrdreg $0x0  }
0xa8: {  	s5 =	sshll.u32 s28, $0x1;
	[dreg:$0x2] =	wrdreg s3  }
0xa9: {  	[dreg:$0x3] =	wrdreg s5  }
0xaa: {  	[dreg:$0x4] =	wrdreg $0xC0  }
0xab: {  	_ =	task [dreg:s7], $0x5FFFF  }
0xac: {  	[dreg:$0x1] =	wrdreg $0xFFFFFFFF  }
0xad: {  	[dreg:$0x0] =	wrdreg $0x60  }
0xae: {  	[dreg:$0x2] =	wrdreg s24  }
0xaf: {  	[dreg:$0x3] =	wrdreg s2  }
0xb0: {  	[dreg:$0x4] =	wrdreg $0x92800  }
0xb1: {  	[dreg:$0x5] =	wrdreg $0x9  }
0xb2: {  	_ =	task.clear_ibuf [dreg:s7], $0x6FFFF;
	_ =	strace $0x90000046  }
0xb3: {  	s29 =	simm.s32 $0x9;
	_ =	strace $0x80000048  }
0xb4: {  	_ =	swait.ge [sflag:s29], $0x1  }
0xb5: {  	[sflag:s29] =	ssyncadd.s32 $0xFFFFFFFF  }
0xb6: {  	_ =	strace $0x90000048  }
0xb7: {  	_ =	sfence  }
0xb8: {  	s30 =	sld [smem:$0x0];
	_ =	sdelay $0x2  }
0xb9: {  	s31 =	sshll.u32 s1, $0xD;
	s1 =	sshrl.u32 s1, $0x2  }
0xba: {  	s3 =	sand.u32 $0x4000, s31;
	s1 =	sadd.s32 s1, s30  }
0xbb: {  	s0 =	sor.u32 s3, s0;
	s1 =	sshll.u32 s1, $0x11  }
0xbc: {  	s0 =	sor.u32 s1, s0  }
0xbd: {  	s0 =	sadd.s32 $0x8F2B, s0  }
0xbe: {  	[sflag:s0] =	ssyncadd.remote.s32 $0x1  }
0xbf: {  	_ =	sfence.sel $0xFFFF  }
0xc0: {  	[dreg:$0x0] =	wrdreg $0xFFFFFFFF;
	(pc) =	sbr.abs _section_cstart, $3  }
0xc1: {  	[dreg:$0x1] =	wrdreg $0xFFFFFFFF  }
0xc2: {  	_ =	task.clear_ibuf [dreg:s7], $0x2FFFF;
	_ =	strace $0x9FFFFFFF  }
0xc3: {  	(tm) =	ssettm $0x7FFFFFFF  }
tec
execute0_lowered:
.L_overlay_start_1:
0x0: {  	(tag) =	ssettag $0x1  }
0x1: {  	s0 =	rddreg [dreg:$0x0]  }
0x2: {  	s1 =	rddreg [dreg:$0x1]  }
0x3: {  	s2 =	rddreg [dreg:$0x2]  }
0x4: {  	s3 =	simm.s32 $0x0;
	s9 =	stileid.u32;
	s24 =	srdreg.scid  }
0x5: {  	[smem:$0x7FF] =	sst s3;
	s4 =	sshll.u32 s9, $0xB;
	s5 =	sand.u32 $0x1, s24  }
0x6: {  	s25 =	sshrl.u32 s9, $0x3;
	s8 =	smul.u32 $0x5000, s9;
	s0 =	sadd.s32 s4, s0  }
0x7: {  	s26 =	ssub.s32 $0x2, s5;
	s3 =	smul.u32 $0x50000, s25;
	s7 =	sshll.u32 s5, $0xF  }
0x8: {  	_ =	strace $0x80000047;
	s6 =	sshrl.u32 s26, $0x1;
	s0 =	sadd.s32 s7, s0  }
0x9: {  	s7 =	sshll.u32 s9, $0x7;
	s10 =	sshrl.u32 s8, $0x2;
	s4 =	ssub.s32 s26, s6  }
0xa: {  	s3 =	sshrl.u32 s3, $0x2;
	s6 =	sand.u32 $0x380, s7;
	s0 =	sadd.s32 $0xD200, s0  }
0xb: {  	s11 =	sadd.s32 s3, s2;
	[dreg:$0x4] =	wrdreg s0;
	s8 =	smax.u32 s4, $0x1  }
0xc: {  	s3 =	sadd.s32 s10, s2;
	s12 =	sadd.s32 s6, s11;
	[dreg:$0x16] =	wrdreg s8  }
0xd: {  	s13 =	sadd.s32 $0x80, s3;
	[dreg:$0x5] =	wrdreg s12  }
0xe: {  	s14 =	sadd.s32 $0x100, s3;
	[dreg:$0x6] =	wrdreg s13  }
0xf: {  	s15 =	sadd.s32 $0x180, s3;
	[dreg:$0x7] =	wrdreg s14  }
0x10: {  	s16 =	sadd.s32 $0x200, s3;
	[dreg:$0x8] =	wrdreg s15  }
0x11: {  	s17 =	sadd.s32 $0x280, s3;
	[dreg:$0x9] =	wrdreg s16  }
0x12: {  	s18 =	sadd.s32 $0x300, s3;
	[dreg:$0xa] =	wrdreg s17  }
0x13: {  	s19 =	sadd.s32 $0x380, s3;
	[dreg:$0xb] =	wrdreg s18  }
0x14: {  	s20 =	sadd.s32 $0x14000, s3;
	[dreg:$0xc] =	wrdreg s19  }
0x15: {  	s21 =	sadd.s32 $0x14080, s3;
	[dreg:$0xd] =	wrdreg s20  }
0x16: {  	s2 =	sadd.s32 $0x14100, s3;
	[dreg:$0xe] =	wrdreg s21  }
0x17: {  	s23 =	sadd.s32 $0x14180, s3;
	[dreg:$0xf] =	wrdreg s2  }
0x18: {  	s25 =	sadd.s32 $0x14200, s3;
	[dreg:$0x10] =	wrdreg s23  }
0x19: {  	s26 =	sadd.s32 $0x14280, s3;
	[dreg:$0x11] =	wrdreg s25  }
0x1a: {  	s6 =	sadd.s32 $0x14300, s3;
	[dreg:$0x12] =	wrdreg s26  }
0x1b: {  	s7 =	sadd.s32 $0x14380, s3;
	[dreg:$0x13] =	wrdreg s6  }
0x1c: {  	s22 =	smul.u32 $0x500, s9;
	s9 =	sadd.s32 $0x400, s3;
	[dreg:$0x14] =	wrdreg s7  }
0x1d: {  	s10 =	sadd.s32 $0x800, s3;
	[dreg:$0x17] =	wrdreg s9  }
0x1e: {  	s24 =	sshll.u32 s5, $0x7;
	s11 =	sadd.s32 $0xC00, s3;
	[dreg:$0x18] =	wrdreg s10  }
0x1f: {  	s0 =	sor.u32 s24, s22;
	s22 =	sadd.s32 $0x980, s3;
	[dreg:$0x19] =	wrdreg s11  }
0x20: {  	s24 =	sadd.s32 $0x1180, s3;
	[smem:$0x7E0] =	sst s22  }
0x21: {  	s4 =	sadd.s32 $0x680, s3;
	[smem:$0x7E2] =	sst s24  }
0x22: {  	s5 =	sadd.s32 $0xA80, s3;
	[smem:$0x7E7] =	sst s4  }
0x23: {  	s0 =	sshrl.u32 s0, $0x3;
	s8 =	sadd.s32 $0x700, s3;
	[smem:$0x7E8] =	sst s5  }
0x24: {  	s0 =	sadd.s32 s1, s0;
	[smem:$0x7EB] =	sst s8  }
0x25: {  	s12 =	sadd.s32 $0x1000, s3;
	[dreg:$0x15] =	wrdreg s0  }
0x26: {  	s13 =	sadd.s32 $0x480, s3;
	[dreg:$0x1a] =	wrdreg s12  }
0x27: {  	s14 =	sadd.s32 $0x880, s3;
	[dreg:$0x1b] =	wrdreg s13  }
0x28: {  	s15 =	sadd.s32 $0xC80, s3;
	[dreg:$0x1c] =	wrdreg s14  }
0x29: {  	s16 =	sadd.s32 $0x1080, s3;
	[dreg:$0x1d] =	wrdreg s15  }
0x2a: {  	s17 =	sadd.s32 $0x500, s3;
	[dreg:$0x1e] =	wrdreg s16  }
0x2b: {  	s18 =	sadd.s32 $0x900, s3;
	[dreg:$0x1f] =	wrdreg s17  }
0x2c: {  	s19 =	sadd.s32 $0xD00, s3;
	[smem:$0x7DC] =	sst s18  }
0x2d: {  	s20 =	sadd.s32 $0x1100, s3;
	[smem:$0x7DD] =	sst s19  }
0x2e: {  	s21 =	sadd.s32 $0x580, s3;
	[smem:$0x7DE] =	sst s20  }
0x2f: {  	s23 =	sadd.s32 $0xD80, s3;
	[smem:$0x7DF] =	sst s21  }
0x30: {  	s25 =	sadd.s32 $0x600, s3;
	[smem:$0x7E1] =	sst s23  }
0x31: {  	s26 =	sadd.s32 $0xA00, s3;
	[smem:$0x7E3] =	sst s25  }
0x32: {  	s1 =	sadd.s32 $0xE00, s3;
	[smem:$0x7E4] =	sst s26  }
0x33: {  	s2 =	sadd.s32 $0x1200, s3;
	[smem:$0x7E5] =	sst s1  }
0x34: {  	s6 =	sadd.s32 $0xE80, s3;
	[smem:$0x7E6] =	sst s2  }
0x35: {  	s7 =	sadd.s32 $0x1280, s3;
	[smem:$0x7E9] =	sst s6  }
0x36: {  	s9 =	sadd.s32 $0xB00, s3;
	[smem:$0x7EA] =	sst s7  }
0x37: {  	s10 =	sadd.s32 $0xF00, s3;
	[smem:$0x7EC] =	sst s9  }
0x38: {  	s11 =	sadd.s32 $0x1300, s3;
	[smem:$0x7ED] =	sst s10  }
0x39: {  	s22 =	sadd.s32 $0x14C80, s3;
	[smem:$0x7EE] =	sst s11  }
0x3a: {  	s24 =	sadd.s32 $0x14500, s3;
	[smem:$0x7F9] =	sst s22  }
0x3b: {  	s12 =	sadd.s32 $0x780, s3;
	[smem:$0x7FB] =	sst s24  }
0x3c: {  	s13 =	sadd.s32 $0xB80, s3;
	[smem:$0x7EF] =	sst s12  }
0x3d: {  	s28 =	simm.s32 $0x1;
	s14 =	sadd.s32 $0xF80, s3;
	[smem:$0x7F0] =	sst s13  }
0x3e: {  	s29 =	simm.s32 $0x4000;
	s15 =	sadd.s32 $0x1380, s3;
	[smem:$0x7F1] =	sst s14  }
0x3f: {  	s30 =	simm.s32 $0x80;
	s16 =	sadd.s32 $0x14400, s3;
	[smem:$0x7F2] =	sst s15  }
0x40: {  	s31 =	simm.s32 $0x0;
	s17 =	sadd.s32 $0x14800, s3;
	[smem:$0x7F3] =	sst s16  }
0x41: {  	s8 =	sadd.s32 $0x14980, s3;
	s18 =	sadd.s32 $0x14C00, s3;
	[smem:$0x7F4] =	sst s17  }
0x42: {  	s19 =	sadd.s32 $0x15000, s3;
	s20 =	sadd.s32 $0x14480, s3;
	[smem:$0x7F5] =	sst s18  }
0x43: {  	s21 =	sadd.s32 $0x14880, s3;
	s23 =	sadd.s32 $0x15080, s3;
	[smem:$0x7F6] =	sst s19  }
0x44: {  	s25 =	sadd.s32 $0x14900, s3;
	s26 =	sadd.s32 $0x14D00, s3;
	[smem:$0x7F7] =	sst s20  }
0x45: {  	s6 =	sadd.s32 $0x15100, s3;
	s7 =	sadd.s32 $0x14580, s3;
	[smem:$0x7F8] =	sst s21  }
0x46: {  	s9 =	sadd.s32 $0x14D80, s3;
	s10 =	sadd.s32 $0x15180, s3;
	[smem:$0x7FA] =	sst s23  }
0x47: {  	s11 =	sadd.s32 $0x14600, s3;
	s22 =	sadd.s32 $0x15300, s3;
	[smem:$0x7FC] =	sst s25  }
0x48: {  	s24 =	sadd.s32 $0x14B80, s3;
	[smem:$0x7FD] =	sst s26;
	s12 =	sadd.s32 $0x14A00, s3  }
0x49: {  	s13 =	sadd.s32 $0x14E00, s3;
	s14 =	sadd.s32 $0x15200, s3;
	s15 =	sadd.s32 $0x14680, s3  }
0x4a: {  	s16 =	sadd.s32 $0x14A80, s3;
	s17 =	sadd.s32 $0x14E80, s3;
	s18 =	sadd.s32 $0x15280, s3  }
0x4b: {  	s19 =	sadd.s32 $0x14700, s3;
	s20 =	sadd.s32 $0x14B00, s3;
	s21 =	sadd.s32 $0x14F00, s3  }
0x4c: {  	v0 =	vimm.f32 $0.0e+00;
	v1 =	vimm.f32 $1.000000000e+00;
	s23 =	sadd.s32 $0x14780, s3;
	s25 =	sadd.s32 $0x14F80, s3;
	s26 =	sadd.s32 $0x15380, s3  }
.LBB2_1:
0x4d: {  	s0 =	simm.s32 $0x0;
	s1 =	rddreg [dreg:$0x4]  }
0x4e: {  	[tilespmem:s0], [sflag:$0x1] =	stream.linear.gather [hbm4b:s1+s0], $0x3E80, $0x38;
	[tilespmem:$0xBA80] =	vst v63  }
0x4f: {  	_ =	swait.ge [sflag:s28], $0x3E80  }
0x50: {  	[sflag:s28] =	ssyncset.done $0x0  }
0x51: {  	s0 =	simm.s32 $0x0;
	[sflag:s28] =	ssyncadd.s32 $0xFFFFC180  }
.LBB2_2:
0x52: {  	p0 =	sne.s32 s0, $0x9FC0  }
.Ltmp0:
0x53: {  	_ = 	snop;
	(pc) =	sbr.rel @p0 .LBB2_2-.Ltmp0, $3  }
0x54: {  	_ =	sdelay $0x1  }
0x55: {  	s1 =	sshra.s32 s0, $0x2  }
0x56: {  	s0 =	sadd.s32 $0x40, s0;
	[tilespmem:s1+$0x4000] =	vst v0  }
0x57: {  	s0 =	simm.s32 $0x0  }
.LBB2_4:
0x58: {  	s1 =	sshra.s32 s0, $0x2  }
0x59: {  	v2 =	vld [tilespmem:s1+$0x0];
	_ =	sdelay $0x7  }
0x5a: {  	[tilespmem:v2+s29+$0x0] =	vst.idx.add.f32.msk $0xffff, v1  }
0x5b: {  	v2 =	vld [tilespmem:s1+$0x10];
	_ =	sdelay $0x7  }
0x5c: {  	[tilespmem:v2+s29+$0x0] =	vst.idx.add.f32.msk $0xffff, v1  }
0x5d: {  	v2 =	vld [tilespmem:s1+$0x20];
	_ =	sdelay $0x7  }
0x5e: {  	[tilespmem:v2+s29+$0x0] =	vst.idx.add.f32.msk $0xffff, v1  }
0x5f: {  	v2 =	vld [tilespmem:s1+$0x30];
	_ =	sdelay $0x7  }
0x60: {  	[tilespmem:v2+s29+$0x0] =	vst.idx.add.f32.msk $0xffff, v1  }
0x61: {  	v2 =	vld [tilespmem:s1+$0x40];
	_ =	sdelay $0x2  }
0x62: {  	p0 =	sne.s32 s0, $0xF800  }
.Ltmp1:
0x63: {  	_ = 	snop;
	(pc) =	sbr.rel @p0 .LBB2_4-.Ltmp1, $2  }
0x64: {  	_ =	sdelay $0x2  }
0x65: {  	s0 =	sadd.s32 $0x200, s0;
	[tilespmem:v2+s29+$0x0] =	vst.idx.add.f32.msk $0xffff, v1  }
0x66: {  	s0 =	rddreg [dreg:$0x5];
	s1 =	simm.s32 $0x400  }
0x67: {  	[spmem:s0] =	stream.strided.scatter [tilespmem:s29], [sflag:$0x1], $0x2800, s1, s30, $0x38;
	[tilespmem:$0xBA80] =	vst v63  }
0x68: {  	_ =	swait.ge [sflag:s28], $0x2800  }
0x69: {  	[sflag:s28] =	ssyncset.done $0x0  }
0x6a: {  	[sflag:s28] =	ssyncadd.s32 $0xFFFFD800  }
0x6b: {  	s2 =	simm.s32 $0x6800;
	[bflag:$0x0] =	sbarrier.arrive $0xFFFF  }
0x6c: {  	[tilespmem:s2], [sflag:$0x1] =	stream.linear.gather [spmem:s3], $0x80, $0x38;
	[tilespmem:$0xBA80] =	vst v63  }
0x6d: {  	s5 =	simm.s32 $0x6C00;
	s4 =	rddreg [dreg:$0x17]  }
0x6e: {  	[tilespmem:s5], [sflag:$0x1] =	stream.linear.gather [spmem:s4], $0x80, $0x38;
	[tilespmem:$0xBA80] =	vst v63  }
0x6f: {  	s1 =	rddreg [dreg:$0x18];
	s2 =	simm.s32 $0x7000  }
0x70: {  	[tilespmem:s2], [sflag:$0x1] =	stream.linear.gather [spmem:s1], $0x80, $0x38;
	[tilespmem:$0xBA80] =	vst v63  }
0x71: {  	s4 =	rddreg [dreg:$0x19];
	s5 =	simm.s32 $0x7400  }
0x72: {  	[tilespmem:s5], [sflag:$0x1] =	stream.linear.gather [spmem:s4], $0x80, $0x38;
	[tilespmem:$0xBA80] =	vst v63  }
0x73: {  	s1 =	rddreg [dreg:$0x1a];
	s2 =	simm.s32 $0x7800  }
0x74: {  	[tilespmem:s2], [sflag:$0x1] =	stream.linear.gather [spmem:s1], $0x80, $0x38;
	[tilespmem:$0xBA80] =	vst v63  }
0x75: {  	_ =	swait.ge [sflag:s28], $0x280  }
0x76: {  	[sflag:s28] =	ssyncset.done $0x0  }
0x77: {  	s5 =	simm.s32 $0x6880;
	s4 =	rddreg [dreg:$0x6];
	[sflag:s28] =	ssyncadd.s32 $0xFFFFFD80  }
0x78: {  	[tilespmem:s5], [sflag:$0x1] =	stream.linear.gather [spmem:s4], $0x80, $0x38;
	[tilespmem:$0xBA80] =	vst v63  }
0x79: {  	s2 =	simm.s32 $0x6C80;
	s1 =	rddreg [dreg:$0x1b]  }
0x7a: {  	[tilespmem:s2], [sflag:$0x1] =	stream.linear.gather [spmem:s1], $0x80, $0x38;
	[tilespmem:$0xBA80] =	vst v63  }
0x7b: {  	s4 =	rddreg [dreg:$0x1c];
	s5 =	simm.s32 $0x7080  }
0x7c: {  	[tilespmem:s5], [sflag:$0x1] =	stream.linear.gather [spmem:s4], $0x80, $0x38;
	[tilespmem:$0xBA80] =	vst v63  }
0x7d: {  	s1 =	rddreg [dreg:$0x1d];
	s2 =	simm.s32 $0x7480  }
0x7e: {  	[tilespmem:s2], [sflag:$0x1] =	stream.linear.gather [spmem:s1], $0x80, $0x38;
	[tilespmem:$0xBA80] =	vst v63  }
0x7f: {  	s4 =	rddreg [dreg:$0x1e];
	s5 =	simm.s32 $0x7880  }
0x80: {  	[tilespmem:s5], [sflag:$0x1] =	stream.linear.gather [spmem:s4], $0x80, $0x38;
	[tilespmem:$0xBA80] =	vst v63  }
0x81: {  	_ =	swait.ge [sflag:s28], $0x280  }
0x82: {  	[sflag:s28] =	ssyncset.done $0x0;
	s1 =	rddreg [dreg:$0x7]  }
0x83: {  	s2 =	simm.s32 $0x6900;
	s4 =	rddreg [dreg:$0x1f];
	[sflag:s28] =	ssyncadd.s32 $0xFFFFFD80  }
0x84: {  	[tilespmem:s2], [sflag:$0x1] =	stream.linear.gather [spmem:s1], $0x80, $0x38;
	[tilespmem:$0xBA80] =	vst v63  }
0x85: {  	s5 =	simm.s32 $0x6D00;
	s1 =	sld [smem:$0x7DC]  }
0x86: {  	[tilespmem:s5], [sflag:$0x1] =	stream.linear.gather [spmem:s4], $0x80, $0x38;
	[tilespmem:$0xBA80] =	vst v63  }
0x87: {  	s2 =	simm.s32 $0x7100;
	s4 =	sld [smem:$0x7DD]  }
0x88: {  	[tilespmem:s2], [sflag:$0x1] =	stream.linear.gather [spmem:s1], $0x80, $0x38;
	[tilespmem:$0xBA80] =	vst v63  }
0x89: {  	s5 =	simm.s32 $0x7500;
	s1 =	sld [smem:$0x7DE]  }
0x8a: {  	[tilespmem:s5], [sflag:$0x1] =	stream.linear.gather [spmem:s4], $0x80, $0x38;
	[tilespmem:$0xBA80] =	vst v63  }
0x8b: {  	s2 =	simm.s32 $0x7900  }
0x8c: {  	[tilespmem:s2], [sflag:$0x1] =	stream.linear.gather [spmem:s1], $0x80, $0x38;
	[tilespmem:$0xBA80] =	vst v63  }
0x8d: {  	_ =	swait.ge [sflag:s28], $0x280  }
0x8e: {  	[sflag:s28] =	ssyncset.done $0x0;
	s4 =	rddreg [dreg:$0x8]  }
0x8f: {  	s5 =	simm.s32 $0x6980;
	s1 =	sld [smem:$0x7DF];
	[sflag:s28] =	ssyncadd.s32 $0xFFFFFD80  }
0x90: {  	[tilespmem:s5], [sflag:$0x1] =	stream.linear.gather [spmem:s4], $0x80, $0x38;
	[tilespmem:$0xBA80] =	vst v63  }
0x91: {  	s2 =	simm.s32 $0x6D80;
	s4 =	sld [smem:$0x7E0]  }
0x92: {  	[tilespmem:s2], [sflag:$0x1] =	stream.linear.gather [spmem:s1], $0x80, $0x38;
	[tilespmem:$0xBA80] =	vst v63  }
0x93: {  	s5 =	simm.s32 $0x7180;
	s1 =	sld [smem:$0x7E1]  }
0x94: {  	[tilespmem:s5], [sflag:$0x1] =	stream.linear.gather [spmem:s4], $0x80, $0x38;
	[tilespmem:$0xBA80] =	vst v63  }
0x95: {  	s2 =	simm.s32 $0x7580;
	s4 =	sld [smem:$0x7E2]  }
0x96: {  	[tilespmem:s2], [sflag:$0x1] =	stream.linear.gather [spmem:s1], $0x80, $0x38;
	[tilespmem:$0xBA80] =	vst v63  }
0x97: {  	s5 =	simm.s32 $0x7980  }
0x98: {  	[tilespmem:s5], [sflag:$0x1] =	stream.linear.gather [spmem:s4], $0x80, $0x38;
	[tilespmem:$0xBA80] =	vst v63  }
0x99: {  	_ =	swait.ge [sflag:s28], $0x280  }
0x9a: {  	[sflag:s28] =	ssyncset.done $0x0;
	s1 =	rddreg [dreg:$0x9]  }
0x9b: {  	s2 =	simm.s32 $0x6A00;
	s4 =	sld [smem:$0x7E3];
	[sflag:s28] =	ssyncadd.s32 $0xFFFFFD80  }
0x9c: {  	[tilespmem:s2], [sflag:$0x1] =	stream.linear.gather [spmem:s1], $0x80, $0x38;
	[tilespmem:$0xBA80] =	vst v63  }
0x9d: {  	s5 =	simm.s32 $0x6E00;
	s1 =	sld [smem:$0x7E4]  }
0x9e: {  	[tilespmem:s5], [sflag:$0x1] =	stream.linear.gather [spmem:s4], $0x80, $0x38;
	[tilespmem:$0xBA80] =	vst v63  }
0x9f: {  	s2 =	simm.s32 $0x7200;
	s4 =	sld [smem:$0x7E5]  }
0xa0: {  	[tilespmem:s2], [sflag:$0x1] =	stream.linear.gather [spmem:s1], $0x80, $0x38;
	[tilespmem:$0xBA80] =	vst v63  }
0xa1: {  	s5 =	simm.s32 $0x7600;
	s1 =	sld [smem:$0x7E6]  }
0xa2: {  	[tilespmem:s5], [sflag:$0x1] =	stream.linear.gather [spmem:s4], $0x80, $0x38;
	[tilespmem:$0xBA80] =	vst v63  }
0xa3: {  	s2 =	simm.s32 $0x7A00  }
0xa4: {  	[tilespmem:s2], [sflag:$0x1] =	stream.linear.gather [spmem:s1], $0x80, $0x38;
	[tilespmem:$0xBA80] =	vst v63  }
0xa5: {  	_ =	swait.ge [sflag:s28], $0x280  }
0xa6: {  	[sflag:s28] =	ssyncset.done $0x0;
	s4 =	rddreg [dreg:$0xa]  }
0xa7: {  	s5 =	simm.s32 $0x6A80;
	s1 =	sld [smem:$0x7E7];
	[sflag:s28] =	ssyncadd.s32 $0xFFFFFD80  }
0xa8: {  	[tilespmem:s5], [sflag:$0x1] =	stream.linear.gather [spmem:s4], $0x80, $0x38;
	[tilespmem:$0xBA80] =	vst v63  }
0xa9: {  	s2 =	simm.s32 $0x6E80;
	s4 =	sld [smem:$0x7E8]  }
0xaa: {  	[tilespmem:s2], [sflag:$0x1] =	stream.linear.gather [spmem:s1], $0x80, $0x38;
	[tilespmem:$0xBA80] =	vst v63  }
0xab: {  	s5 =	simm.s32 $0x7280;
	s1 =	sld [smem:$0x7E9]  }
0xac: {  	[tilespmem:s5], [sflag:$0x1] =	stream.linear.gather [spmem:s4], $0x80, $0x38;
	[tilespmem:$0xBA80] =	vst v63  }
0xad: {  	s2 =	simm.s32 $0x7680;
	s4 =	sld [smem:$0x7EA]  }
0xae: {  	[tilespmem:s2], [sflag:$0x1] =	stream.linear.gather [spmem:s1], $0x80, $0x38;
	[tilespmem:$0xBA80] =	vst v63  }
0xaf: {  	s5 =	simm.s32 $0x7A80  }
0xb0: {  	[tilespmem:s5], [sflag:$0x1] =	stream.linear.gather [spmem:s4], $0x80, $0x38;
	[tilespmem:$0xBA80] =	vst v63  }
0xb1: {  	_ =	swait.ge [sflag:s28], $0x280  }
0xb2: {  	[sflag:s28] =	ssyncset.done $0x0;
	s1 =	rddreg [dreg:$0xb]  }
0xb3: {  	s2 =	simm.s32 $0x6B00;
	s4 =	sld [smem:$0x7EB];
	[sflag:s28] =	ssyncadd.s32 $0xFFFFFD80  }
0xb4: {  	[tilespmem:s2], [sflag:$0x1] =	stream.linear.gather [spmem:s1], $0x80, $0x38;
	[tilespmem:$0xBA80] =	vst v63  }
0xb5: {  	s5 =	simm.s32 $0x6F00;
	s1 =	sld [smem:$0x7EC]  }
0xb6: {  	[tilespmem:s5], [sflag:$0x1] =	stream.linear.gather [spmem:s4], $0x80, $0x38;
	[tilespmem:$0xBA80] =	vst v63  }
0xb7: {  	s2 =	simm.s32 $0x7300;
	s4 =	sld [smem:$0x7ED]  }
0xb8: {  	[tilespmem:s2], [sflag:$0x1] =	stream.linear.gather [spmem:s1], $0x80, $0x38;
	[tilespmem:$0xBA80] =	vst v63  }
0xb9: {  	s5 =	simm.s32 $0x7700;
	s1 =	sld [smem:$0x7EE]  }
0xba: {  	[tilespmem:s5], [sflag:$0x1] =	stream.linear.gather [spmem:s4], $0x80, $0x38;
	[tilespmem:$0xBA80] =	vst v63  }
0xbb: {  	s2 =	simm.s32 $0x7B00  }
0xbc: {  	[tilespmem:s2], [sflag:$0x1] =	stream.linear.gather [spmem:s1], $0x80, $0x38;
	[tilespmem:$0xBA80] =	vst v63  }
0xbd: {  	_ =	swait.ge [sflag:s28], $0x280  }
0xbe: {  	[sflag:s28] =	ssyncset.done $0x0;
	s4 =	rddreg [dreg:$0xc]  }
0xbf: {  	s5 =	simm.s32 $0x6B80;
	s1 =	sld [smem:$0x7EF];
	[sflag:s28] =	ssyncadd.s32 $0xFFFFFD80  }
0xc0: {  	[tilespmem:s5], [sflag:$0x1] =	stream.linear.gather [spmem:s4], $0x80, $0x38;
	[tilespmem:$0xBA80] =	vst v63  }
0xc1: {  	s2 =	simm.s32 $0x6F80;
	s4 =	sld [smem:$0x7F0]  }
0xc2: {  	[tilespmem:s2], [sflag:$0x1] =	stream.linear.gather [spmem:s1], $0x80, $0x38;
	[tilespmem:$0xBA80] =	vst v63  }
0xc3: {  	s5 =	simm.s32 $0x7380;
	s1 =	sld [smem:$0x7F1]  }
0xc4: {  	[tilespmem:s5], [sflag:$0x1] =	stream.linear.gather [spmem:s4], $0x80, $0x38;
	[tilespmem:$0xBA80] =	vst v63  }
0xc5: {  	s2 =	simm.s32 $0x7780;
	s4 =	sld [smem:$0x7F2]  }
0xc6: {  	[tilespmem:s2], [sflag:$0x1] =	stream.linear.gather [spmem:s1], $0x80, $0x38;
	[tilespmem:$0xBA80] =	vst v63  }
0xc7: {  	s5 =	simm.s32 $0x7B80  }
0xc8: {  	[tilespmem:s5], [sflag:$0x1] =	stream.linear.gather [spmem:s4], $0x80, $0x38;
	[tilespmem:$0xBA80] =	vst v63  }
0xc9: {  	_ =	swait.ge [sflag:s28], $0x280  }
0xca: {  	[sflag:s28] =	ssyncset.done $0x0;
	s1 =	rddreg [dreg:$0xd]  }
0xcb: {  	s2 =	simm.s32 $0x7C00;
	s4 =	sld [smem:$0x7F3];
	[sflag:s28] =	ssyncadd.s32 $0xFFFFFD80  }
0xcc: {  	[tilespmem:s2], [sflag:$0x1] =	stream.linear.gather [spmem:s1], $0x80, $0x38;
	[tilespmem:$0xBA80] =	vst v63  }
0xcd: {  	s5 =	simm.s32 $0x8000;
	s1 =	sld [smem:$0x7F4]  }
0xce: {  	[tilespmem:s5], [sflag:$0x1] =	stream.linear.gather [spmem:s4], $0x80, $0x38;
	[tilespmem:$0xBA80] =	vst v63  }
0xcf: {  	s2 =	simm.s32 $0x8400;
	s4 =	sld [smem:$0x7F5]  }
0xd0: {  	[tilespmem:s2], [sflag:$0x1] =	stream.linear.gather [spmem:s1], $0x80, $0x38;
	[tilespmem:$0xBA80] =	vst v63  }
0xd1: {  	s5 =	simm.s32 $0x8800;
	s1 =	sld [smem:$0x7F6]  }
0xd2: {  	[tilespmem:s5], [sflag:$0x1] =	stream.linear.gather [spmem:s4], $0x80, $0x38;
	[tilespmem:$0xBA80] =	vst v63  }
0xd3: {  	s2 =	simm.s32 $0x8C00  }
0xd4: {  	[tilespmem:s2], [sflag:$0x1] =	stream.linear.gather [spmem:s1], $0x80, $0x38;
	[tilespmem:$0xBA80] =	vst v63  }
0xd5: {  	_ =	swait.ge [sflag:s28], $0x280  }
0xd6: {  	[sflag:s28] =	ssyncset.done $0x0;
	s4 =	rddreg [dreg:$0xe]  }
0xd7: {  	s5 =	simm.s32 $0x7C80;
	s1 =	sld [smem:$0x7F7];
	[sflag:s28] =	ssyncadd.s32 $0xFFFFFD80  }
0xd8: {  	[tilespmem:s5], [sflag:$0x1] =	stream.linear.gather [spmem:s4], $0x80, $0x38;
	[tilespmem:$0xBA80] =	vst v63  }
0xd9: {  	s2 =	simm.s32 $0x8080;
	s4 =	sld [smem:$0x7F8]  }
0xda: {  	[tilespmem:s2], [sflag:$0x1] =	stream.linear.gather [spmem:s1], $0x80, $0x38;
	[tilespmem:$0xBA80] =	vst v63  }
0xdb: {  	s5 =	simm.s32 $0x8480;
	s1 =	sld [smem:$0x7F9]  }
0xdc: {  	[tilespmem:s5], [sflag:$0x1] =	stream.linear.gather [spmem:s4], $0x80, $0x38;
	[tilespmem:$0xBA80] =	vst v63  }
0xdd: {  	s2 =	simm.s32 $0x8880;
	s4 =	sld [smem:$0x7FA]  }
0xde: {  	[tilespmem:s2], [sflag:$0x1] =	stream.linear.gather [spmem:s1], $0x80, $0x38;
	[tilespmem:$0xBA80] =	vst v63  }
0xdf: {  	s5 =	simm.s32 $0x8C80  }
0xe0: {  	[tilespmem:s5], [sflag:$0x1] =	stream.linear.gather [spmem:s4], $0x80, $0x38;
	[tilespmem:$0xBA80] =	vst v63  }
0xe1: {  	_ =	swait.ge [sflag:s28], $0x280  }
0xe2: {  	[sflag:s28] =	ssyncset.done $0x0;
	s1 =	rddreg [dreg:$0xf]  }
0xe3: {  	s2 =	simm.s32 $0x7D00;
	s4 =	sld [smem:$0x7FB];
	[sflag:s28] =	ssyncadd.s32 $0xFFFFFD80  }
0xe4: {  	[tilespmem:s2], [sflag:$0x1] =	stream.linear.gather [spmem:s1], $0x80, $0x38;
	[tilespmem:$0xBA80] =	vst v63  }
0xe5: {  	s5 =	simm.s32 $0x8100;
	s1 =	sld [smem:$0x7FC]  }
0xe6: {  	[tilespmem:s5], [sflag:$0x1] =	stream.linear.gather [spmem:s4], $0x80, $0x38;
	[tilespmem:$0xBA80] =	vst v63  }
0xe7: {  	s2 =	simm.s32 $0x8500;
	s4 =	sld [smem:$0x7FD]  }
0xe8: {  	[tilespmem:s2], [sflag:$0x1] =	stream.linear.gather [spmem:s1], $0x80, $0x38;
	[tilespmem:$0xBA80] =	vst v63  }
0xe9: {  	s5 =	simm.s32 $0x8900  }
0xea: {  	[tilespmem:s5], [sflag:$0x1] =	stream.linear.gather [spmem:s4], $0x80, $0x38;
	[tilespmem:$0xBA80] =	vst v63  }
0xeb: {  	s2 =	simm.s32 $0x8D00  }
0xec: {  	[tilespmem:s2], [sflag:$0x1] =	stream.linear.gather [spmem:s6], $0x80, $0x38;
	[tilespmem:$0xBA80] =	vst v63  }
0xed: {  	_ =	swait.ge [sflag:s28], $0x280  }
0xee: {  	[sflag:s28] =	ssyncset.done $0x0  }
0xef: {  	s5 =	simm.s32 $0x7D80;
	s4 =	rddreg [dreg:$0x10];
	[sflag:s28] =	ssyncadd.s32 $0xFFFFFD80  }
0xf0: {  	[tilespmem:s5], [sflag:$0x1] =	stream.linear.gather [spmem:s4], $0x80, $0x38;
	[tilespmem:$0xBA80] =	vst v63  }
0xf1: {  	s1 =	simm.s32 $0x8180  }
0xf2: {  	[tilespmem:s1], [sflag:$0x1] =	stream.linear.gather [spmem:s7], $0x80, $0x38;
	[tilespmem:$0xBA80] =	vst v63  }
0xf3: {  	s2 =	simm.s32 $0x8580  }
0xf4: {  	[tilespmem:s2], [sflag:$0x1] =	stream.linear.gather [spmem:s8], $0x80, $0x38;
	[tilespmem:$0xBA80] =	vst v63  }
0xf5: {  	s4 =	simm.s32 $0x8980  }
0xf6: {  	[tilespmem:s4], [sflag:$0x1] =	stream.linear.gather [spmem:s9], $0x80, $0x38;
	[tilespmem:$0xBA80] =	vst v63  }
0xf7: {  	s5 =	simm.s32 $0x8D80  }
0xf8: {  	[tilespmem:s5], [sflag:$0x1] =	stream.linear.gather [spmem:s10], $0x80, $0x38;
	[tilespmem:$0xBA80] =	vst v63  }
0xf9: {  	_ =	swait.ge [sflag:s28], $0x280  }
0xfa: {  	[sflag:s28] =	ssyncset.done $0x0  }
0xfb: {  	s2 =	simm.s32 $0x7E00;
	s1 =	rddreg [dreg:$0x11];
	[sflag:s28] =	ssyncadd.s32 $0xFFFFFD80  }
0xfc: {  	[tilespmem:s2], [sflag:$0x1] =	stream.linear.gather [spmem:s1], $0x80, $0x38;
	[tilespmem:$0xBA80] =	vst v63  }
0xfd: {  	s4 =	simm.s32 $0x8200  }
0xfe: {  	[tilespmem:s4], [sflag:$0x1] =	stream.linear.gather [spmem:s11], $0x80, $0x38;
	[tilespmem:$0xBA80] =	vst v63  }
0xff: {  	s5 =	simm.s32 $0x8600  }
0x100: {  	[tilespmem:s5], [sflag:$0x1] =	stream.linear.gather [spmem:s12], $0x80, $0x38;
	[tilespmem:$0xBA80] =	vst v63  }
0x101: {  	s1 =	simm.s32 $0x8A00  }
0x102: {  	[tilespmem:s1], [sflag:$0x1] =	stream.linear.gather [spmem:s13], $0x80, $0x38;
	[tilespmem:$0xBA80] =	vst v63  }
0x103: {  	s2 =	simm.s32 $0x8E00  }
0x104: {  	[tilespmem:s2], [sflag:$0x1] =	stream.linear.gather [spmem:s14], $0x80, $0x38;
	[tilespmem:$0xBA80] =	vst v63  }
0x105: {  	_ =	swait.ge [sflag:s28], $0x280  }
0x106: {  	[sflag:s28] =	ssyncset.done $0x0  }
0x107: {  	s5 =	simm.s32 $0x7E80;
	s4 =	rddreg [dreg:$0x12];
	[sflag:s28] =	ssyncadd.s32 $0xFFFFFD80  }
0x108: {  	[tilespmem:s5], [sflag:$0x1] =	stream.linear.gather [spmem:s4], $0x80, $0x38;
	[tilespmem:$0xBA80] =	vst v63  }
0x109: {  	s1 =	simm.s32 $0x8280  }
0x10a: {  	[tilespmem:s1], [sflag:$0x1] =	stream.linear.gather [spmem:s15], $0x80, $0x38;
	[tilespmem:$0xBA80] =	vst v63  }
0x10b: {  	s2 =	simm.s32 $0x8680  }
0x10c: {  	[tilespmem:s2], [sflag:$0x1] =	stream.linear.gather [spmem:s16], $0x80, $0x38;
	[tilespmem:$0xBA80] =	vst v63  }
0x10d: {  	s4 =	simm.s32 $0x8A80  }
0x10e: {  	[tilespmem:s4], [sflag:$0x1] =	stream.linear.gather [spmem:s17], $0x80, $0x38;
	[tilespmem:$0xBA80] =	vst v63  }
0x10f: {  	s5 =	simm.s32 $0x8E80  }
0x110: {  	[tilespmem:s5], [sflag:$0x1] =	stream.linear.gather [spmem:s18], $0x80, $0x38;
	[tilespmem:$0xBA80] =	vst v63  }
0x111: {  	_ =	swait.ge [sflag:s28], $0x280  }
0x112: {  	[sflag:s28] =	ssyncset.done $0x0  }
0x113: {  	s2 =	simm.s32 $0x7F00;
	s1 =	rddreg [dreg:$0x13];
	[sflag:s28] =	ssyncadd.s32 $0xFFFFFD80  }
0x114: {  	[tilespmem:s2], [sflag:$0x1] =	stream.linear.gather [spmem:s1], $0x80, $0x38;
	[tilespmem:$0xBA80] =	vst v63  }
0x115: {  	s4 =	simm.s32 $0x8300  }
0x116: {  	[tilespmem:s4], [sflag:$0x1] =	stream.linear.gather [spmem:s19], $0x80, $0x38;
	[tilespmem:$0xBA80] =	vst v63  }
0x117: {  	s5 =	simm.s32 $0x8700  }
0x118: {  	[tilespmem:s5], [sflag:$0x1] =	stream.linear.gather [spmem:s20], $0x80, $0x38;
	[tilespmem:$0xBA80] =	vst v63  }
0x119: {  	s1 =	simm.s32 $0x8B00  }
0x11a: {  	[tilespmem:s1], [sflag:$0x1] =	stream.linear.gather [spmem:s21], $0x80, $0x38;
	[tilespmem:$0xBA80] =	vst v63  }
0x11b: {  	s2 =	simm.s32 $0x8F00  }
0x11c: {  	[tilespmem:s2], [sflag:$0x1] =	stream.linear.gather [spmem:s22], $0x80, $0x38;
	[tilespmem:$0xBA80] =	vst v63  }
0x11d: {  	_ =	swait.ge [sflag:s28], $0x280  }
0x11e: {  	[sflag:s28] =	ssyncset.done $0x0  }
0x11f: {  	s5 =	simm.s32 $0x7F80;
	s4 =	rddreg [dreg:$0x14];
	[sflag:s28] =	ssyncadd.s32 $0xFFFFFD80  }
0x120: {  	[tilespmem:s5], [sflag:$0x1] =	stream.linear.gather [spmem:s4], $0x80, $0x38;
	[tilespmem:$0xBA80] =	vst v63  }
0x121: {  	s2 =	simm.s32 $0x8380  }
0x122: {  	[tilespmem:s2], [sflag:$0x1] =	stream.linear.gather [spmem:s23], $0x80, $0x38;
	[tilespmem:$0xBA80] =	vst v63  }
0x123: {  	s4 =	simm.s32 $0x8780  }
0x124: {  	[tilespmem:s4], [sflag:$0x1] =	stream.linear.gather [spmem:s24], $0x80, $0x38;
	[tilespmem:$0xBA80] =	vst v63  }
0x125: {  	s5 =	simm.s32 $0x8B80  }
0x126: {  	[tilespmem:s5], [sflag:$0x1] =	stream.linear.gather [spmem:s25], $0x80, $0x38;
	[tilespmem:$0xBA80] =	vst v63  }
0x127: {  	s1 =	simm.s32 $0x8F80  }
0x128: {  	[tilespmem:s1], [sflag:$0x1] =	stream.linear.gather [spmem:s26], $0x80, $0x38;
	[tilespmem:$0xBA80] =	vst v63  }
0x129: {  	s2 =	simm.s32 $0x0;
	_ =	swait.ge [sflag:s28], $0x280  }
0x12a: {  	s0 =	sand.u32 $0x1C00, s2;
	s4 =	sand.u32 $0x70, s2;
	[sflag:s28] =	ssyncset.done $0x0  }
0x12b: {  	s0 =	sor.u32 s4, s0;
	[sflag:s28] =	ssyncadd.s32 $0xFFFFFD80  }
0x12c: {  	v2 =	vld [tilespmem:s0+$0x6880]  }
0x12d: {  	v3 =	vld [tilespmem:s0+$0x6800];
	_ =	sdelay $0x1  }
0x12e: {  	v4 =	vld [tilespmem:s0+$0x6900];
	_ =	sdelay $0x1  }
0x12f: {  	v5 =	vld [tilespmem:s0+$0x6980]  }
0x130: {  	v2 =	vadd.f32 v2, v3  }
0x131: {  	v3 =	vld [tilespmem:s0+$0x6A00]  }
0x132: {  	v2 =	vadd.f32 v4, v2  }
0x133: {  	v56 =	vld [tilespmem:s0+$0x6A80]  }
0x134: {  	v2 =	vadd.f32 v5, v2  }
0x135: {  	v57 =	vld [tilespmem:s0+$0x6B00]  }
0x136: {  	v2 =	vadd.f32 v3, v2  }
0x137: {  	v3 =	vld [tilespmem:s0+$0x6B80]  }
0x138: {  	v2 =	vadd.f32 v56, v2  }
0x139: {  	v58 =	vld [tilespmem:s0+$0x7C00]  }
0x13a: {  	v2 =	vadd.f32 v57, v2  }
0x13b: {  	v59 =	vld [tilespmem:s0+$0x7C80]  }
0x13c: {  	v2 =	vadd.f32 v3, v2  }
0x13d: {  	v3 =	vld [tilespmem:s0+$0x7D00]  }
0x13e: {  	v2 =	vadd.f32 v58, v2  }
0x13f: {  	v60 =	vld [tilespmem:s0+$0x7D80]  }
0x140: {  	v2 =	vadd.f32 v59, v2  }
0x141: {  	v61 =	vld [tilespmem:s0+$0x7E00]  }
0x142: {  	v2 =	vadd.f32 v3, v2  }
0x143: {  	v3 =	vld [tilespmem:s0+$0x7E80]  }
0x144: {  	v2 =	vadd.f32 v60, v2  }
0x145: {  	v62 =	vld [tilespmem:s0+$0x7F00]  }
0x146: {  	v2 =	vadd.f32 v61, v2  }
0x147: {  	v63 =	vld [tilespmem:s0+$0x7F80]  }
0x148: {  	v2 =	vadd.f32 v3, v2;
	_ =	sdelay $0x1  }
0x149: {  	v2 =	vadd.f32 v62, v2;
	_ =	sdelay $0x1  }
0x14a: {  	s2 =	simm.s32 $0x80;
	s5 =	simm.s32 $0x10;
	v2 =	vadd.f32 v63, v2  }
0x14b: {  	s4 =	sand.u32 $0x1C00, s2;
	s1 =	sand.u32 $0x70, s5;
	s0 =	simm.s32 $0x9000  }
0x14c: {  	s1 =	sor.u32 s1, s4;
	s4 =	simm.s32 $0x20;
	[tilespmem:s0+$0x0] =	vst v2  }
.LBB2_6:
0x14d: {  	p0 =	sne.s32 s4, $0x270;
	v2 =	vld [tilespmem:s1+$0x6880]  }
0x14e: {  	v3 =	vld [tilespmem:s1+$0x6800];
	_ =	sdelay $0x1  }
0x14f: {  	v4 =	vld [tilespmem:s1+$0x6900];
	_ =	sdelay $0x1  }
0x150: {  	v5 =	vld [tilespmem:s1+$0x6980]  }
0x151: {  	v2 =	vadd.f32 v2, v3  }
0x152: {  	v3 =	vld [tilespmem:s1+$0x6A00]  }
0x153: {  	v2 =	vadd.f32 v4, v2  }
0x154: {  	v4 =	vld [tilespmem:s1+$0x6A80]  }
0x155: {  	v2 =	vadd.f32 v5, v2  }
0x156: {  	v5 =	vld [tilespmem:s1+$0x6B00]  }
0x157: {  	v2 =	vadd.f32 v3, v2  }
0x158: {  	v3 =	vld [tilespmem:s1+$0x6B80]  }
0x159: {  	v2 =	vadd.f32 v4, v2  }
0x15a: {  	v4 =	vld [tilespmem:s1+$0x7C00]  }
0x15b: {  	v2 =	vadd.f32 v5, v2  }
0x15c: {  	v5 =	vld [tilespmem:s1+$0x7C80]  }
0x15d: {  	v2 =	vadd.f32 v3, v2  }
0x15e: {  	v3 =	vld [tilespmem:s1+$0x7D00]  }
0x15f: {  	v2 =	vadd.f32 v4, v2  }
0x160: {  	v4 =	vld [tilespmem:s1+$0x7D80]  }
0x161: {  	v2 =	vadd.f32 v5, v2  }
0x162: {  	v5 =	vld [tilespmem:s1+$0x7E00]  }
0x163: {  	v2 =	vadd.f32 v3, v2  }
0x164: {  	v3 =	vld [tilespmem:s1+$0x7E80]  }
0x165: {  	v2 =	vadd.f32 v4, v2  }
0x166: {  	v4 =	vld [tilespmem:s1+$0x7F00]  }
0x167: {  	v2 =	vadd.f32 v5, v2  }
0x168: {  	v5 =	vld [tilespmem:s1+$0x7F80]  }
0x169: {  	v2 =	vadd.f32 v3, v2;
	_ =	sdelay $0x1  }
.Ltmp2:
0x16a: {  	v2 =	vadd.f32 v4, v2;
	(pc) =	sbr.rel @p0 .LBB2_6-.Ltmp2, $4  }
0x16b: {  	_ = 	snop  }
0x16c: {  	s2 =	sadd.s32 $0x80, s2;
	v2 =	vadd.f32 v5, v2  }
0x16d: {  	s0 =	sadd.s32 $0x10, s0;
	s5 =	sand.u32 $0x1C00, s2;
	s1 =	sand.u32 $0x70, s4  }
0x16e: {  	s4 =	sadd.s32 $0x10, s4;
	s1 =	sor.u32 s1, s5;
	[tilespmem:s0+$0x0] =	vst v2  }
0x16f: {  	v2 =	vld [tilespmem:s1+$0x6880]  }
0x170: {  	v3 =	vld [tilespmem:s1+$0x6800];
	_ =	sdelay $0x1  }
0x171: {  	v4 =	vld [tilespmem:s1+$0x6900];
	_ =	sdelay $0x1  }
0x172: {  	v5 =	vld [tilespmem:s1+$0x6980]  }
0x173: {  	v2 =	vadd.f32 v2, v3  }
0x174: {  	v3 =	vld [tilespmem:s1+$0x6A00]  }
0x175: {  	v2 =	vadd.f32 v4, v2  }
0x176: {  	v56 =	vld [tilespmem:s1+$0x6A80]  }
0x177: {  	v2 =	vadd.f32 v5, v2  }
0x178: {  	v57 =	vld [tilespmem:s1+$0x6B00]  }
0x179: {  	v2 =	vadd.f32 v3, v2  }
0x17a: {  	v3 =	vld [tilespmem:s1+$0x6B80]  }
0x17b: {  	v2 =	vadd.f32 v56, v2  }
0x17c: {  	v58 =	vld [tilespmem:s1+$0x7C00]  }
0x17d: {  	v2 =	vadd.f32 v57, v2  }
0x17e: {  	v59 =	vld [tilespmem:s1+$0x7C80]  }
0x17f: {  	v2 =	vadd.f32 v3, v2  }
0x180: {  	v3 =	vld [tilespmem:s1+$0x7D00]  }
0x181: {  	v2 =	vadd.f32 v58, v2  }
0x182: {  	v60 =	vld [tilespmem:s1+$0x7D80]  }
0x183: {  	v2 =	vadd.f32 v59, v2  }
0x184: {  	v61 =	vld [tilespmem:s1+$0x7E00]  }
0x185: {  	v2 =	vadd.f32 v3, v2  }
0x186: {  	v3 =	vld [tilespmem:s1+$0x7E80]  }
0x187: {  	v2 =	vadd.f32 v60, v2  }
0x188: {  	v62 =	vld [tilespmem:s1+$0x7F00]  }
0x189: {  	v2 =	vadd.f32 v61, v2  }
0x18a: {  	v63 =	vld [tilespmem:s1+$0x7F80]  }
0x18b: {  	v2 =	vadd.f32 v3, v2;
	_ =	sdelay $0x1  }
0x18c: {  	v2 =	vadd.f32 v62, v2;
	_ =	sdelay $0x1  }
0x18d: {  	v2 =	vadd.f32 v63, v2  }
0x18e: {  	s0 =	sadd.s32 $0x10, s0  }
0x18f: {  	s4 =	simm.s32 $0x100;
	s2 =	simm.s32 $0x9000;
	s1 =	rddreg [dreg:$0x15];
	[tilespmem:s0+$0x0] =	vst v2  }
0x190: {  	[hbm4b:s1+s30] =	stream.strided.scatter [tilespmem:s2], [sflag:$0x1], $0x280, s4, s30, $0x38;
	[tilespmem:$0xBA80] =	vst v63  }
0x191: {  	_ =	swait.ge [sflag:s28], $0x280  }
0x192: {  	s31 =	sadd.s32 $0x1, s31;
	s5 =	rddreg [dreg:$0x16]  }
0x193: {  	p0 =	sne.s32 s31, s5  }
.Ltmp3:
0x194: {  	_ = 	snop;
	(pc) =	sbr.rel @p0 .LBB2_1-.Ltmp3, $3  }
0x195: {  	_ =	sdelay $0x1  }
0x196: {  	[sflag:s28] =	ssyncset.done $0x0  }
0x197: {  	[sflag:s28] =	ssyncadd.s32 $0xFFFFFD80  }
0x198: {  	_ =	sfence.sel $0x180000  }
0x199: {  	[bflag:$0x0] =	sbarrier.arrive $0xFFFF  }
0x19a: {  	_ =	strace $0x90000047  }
0x19b: {  	s0 =	stileid.u32;
	[bflag:$0x2] =	sbarrier.arrive $0xFFFF  }
0x19c: {  	p0 =	sne.s32 s0, $0x0;
	s0 =	rddreg [dreg:$0x3]  }
0x19d: {  	s0 =	sadd.s32 @!p0 $0x100000, s0  }
0x19e: {  	[sflag:s0] =	ssyncadd.tile.s32 @!p0 $0x1;
	_ =	shalt  }
.Lfunc_end2:
_tile_overlayer_lowered:
.L_overlay_start_2:
0x19f: {  	(tag) =	ssettag $0x2  }
0x1a0: {  	s0 =	rddreg [dreg:$0x0];
	s2 =	stileid.u32  }
0x1a1: {  	s1 =	rddreg [dreg:$0x1];
	p0 =	sne.s32 s2, $0x0  }
0x1a2: {  	s3 =	rddreg [dreg:$0x2];
	[bflag:$0x3] =	sbarrier.arrive $0xFFFF;
	s2 =	simm.s32 @!p0 $0x1C01  }
0x1a3: {  	[timem:s3], [sflag:s2] =	dma.local @!p0 [hbm:s0], s1  }
0x1a4: {  	s0 =	simm.s32 @!p0 $0x1  }
0x1a5: {  	_ =	swait.ge @!p0 [sflag:s0], s1  }
0x1a6: {  	s1 =	ssub.s32 @!p0 $0x0, s1;
	[sflag:s0] =	ssyncset.done @!p0 $0x0  }
0x1a7: {  	[sflag:s0] =	ssyncadd.s32 @!p0 s1  }
0x1a8: {  	[bflag:$0x3] =	sbarrier.arrive $0xFFFF  }
0x1a9: {  	_ =	shalt  }

// kernel: kernel.13.cloned.1.call-start
scs
__scs_entry_jumppad:
0x0: {  	(pc) =	sbr.rel $0x88, $3  }
0x1: {  	(tag) =	ssettag $0x0;
	lr =	simm.s32 $0x1  }
0x2: {  	[smem:$0x3F95] =	sst lr;
	_ =	strace $0xD0000000  }
0x3: {  	_ = 	snop  }
0x4: {  	_ = 	snop  }
0x5: {  	_ = 	snop  }
0x6: {  	_ = 	snop  }
0x7: {  	_ = 	snop  }
__scs_overlays_trampoline_lowered:
0x8: {  	[smem:$0x3FA4] =	sst s0  }
0x9: {  	[smem:$0x3FA5] =	sst s1  }
0xa: {  	[smem:$0x3FA6] =	sst s2  }
0xb: {  	[smem:$0x3FA7] =	sst s3  }
0xc: {  	[smem:$0x3FA8] =	sst s4  }
0xd: {  	[smem:$0x3FA9] =	sst s5  }
0xe: {  	[smem:$0x3FAA] =	sst s6  }
0xf: {  	[smem:$0x3FAB] =	sst s7  }
0x10: {  	[smem:$0x3FAC] =	sst s8  }
0x11: {  	[smem:$0x3FAD] =	sst s9;
	s0 =	simm.s32 @!p0 $0x0  }
0x12: {  	s1 =	sld [smem:$0x3F93];
	s0 =	simm.s32 @p0 $0x1  }
0x13: {  	[smem:$0x3FAE] =	sst s0;
	s0 =	simm.s32 @!p1 $0x0  }
0x14: {  	s2 =	sld [smem:$0x3F92];
	s0 =	simm.s32 @p1 $0x1  }
0x15: {  	[smem:$0x3FAF] =	sst s0;
	s0 =	simm.s32 @!p2 $0x0  }
0x16: {  	s3 =	sld [smem:$0x3FDB];
	s0 =	simm.s32 @p2 $0x1  }
0x17: {  	s4 =	simm.s32 $0x1BF5;
	[smem:$0x3FB1] =	sst s0  }
0x18: {  	s0 =	sld [smem:$0x3F94];
	_ =	swait.ge [sflag:s4], $0x0  }
0x19: {  	s7 =	sld [smem:$0x3F95]  }
0x1a: {  	s8 =	sadd.s32 $0xFFFFE003, lr  }
0x1b: {  	s9 =	sadd.s32 $0xFFFFFEF7, lr;
	s5 =	simm.s32 $0xFFFFFFFF;
	p2 =	slt.u32 s8, $0xFFFFF086  }
0x1c: {  	p1 =	slt.u32 s9, $0xF7A;
	s5 =	simm.s32 @!p2 $0x0  }
0x1d: {  	s5 =	simm.s32 @p1 $0x1;
	p0 =	seq.s32 s7, s2  }
0x1e: {  	s7 =	smul.u32 @!p0 $0xF7A, s2;
	p2 =	seq.s32 @!p0 s5, $0x0  }
0x1f: {  	s9 =	smul.u32 $0xF7A, s1;
	s8 =	simm.s32 @!p0 $0x1BF5;
	p2 =	por !p2, p0  }
0x20: {  	[sflag:s8] =	ssyncset.s32 @!p0 $0xFFFFF086;
	s6 =	sadd.s32 @!p0 s3, s7;
	s7 =	simm.s32 @!p0 $0x108  }
0x21: {  	s3 =	sadd.s32 s3, s9;
	s6 =	sadd.s32 @!p0 $0x88, s6;
	s7 =	simm.s32 @p2 $0x1082  }
0x22: {  	[simem:s7], [sflag:s8] =	dma.local @!p0 [hbm:s6], $0xF7A  }
0x23: {  	s9 =	sor.u32 $0xD0000000, s2;
	s6 =	simm.s32 $0x108;
	_ =	swait.ge @!p0 [sflag:s8], $0x0  }
0x24: {  	s3 =	sadd.s32 $0x88, s3;
	s6 =	simm.s32 @!p1 $0x1082;
	[sflag:s4] =	ssyncset.s32 $0xFFFFF086  }
0x25: {  	[simem:s6], [sflag:s4] =	dma.local [hbm:s3], $0xF7A  }
0x26: {  	[smem:$0x3F95] =	sst s1;
	(tag) =	ssettag s2;
	_ =	strace s9  }
0x27: {  	s1 =	sld [smem:$0x3FA5]  }
0x28: {  	s2 =	sld [smem:$0x3FA6]  }
0x29: {  	s4 =	sld [smem:$0x3FA8]  }
0x2a: {  	p0 =	seq.s32 s5, $0x0;
	s5 =	sld [smem:$0x3FA9]  }
0x2b: {  	s6 =	sld [smem:$0x3FAA]  }
0x2c: {  	s7 =	sld [smem:$0x3FAB]  }
0x2d: {  	s3 =	simm.s32 $0x108;
	s8 =	sld [smem:$0x3FAC]  }
0x2e: {  	s3 =	simm.s32 @!p0 $0x1082;
	s9 =	sld [smem:$0x3FAD]  }
0x2f: {  	lr =	sadd.s32 s0, s3;
	s0 =	sld [smem:$0x3FA4]  }
0x30: {  	s3 =	sld [smem:$0x3FA7]  }
0x31: {  	[smem:$0x3FB0] =	sst s10  }
0x32: {  	s10 =	sld [smem:$0x3FAE];
	_ =	sdelay $0x3  }
0x33: {  	p0 =	seq.s32 s10, $0x1;
	s10 =	sld [smem:$0x3FB0];
	_ =	sdelay $0x3  }
0x34: {  	[smem:$0x3FB0] =	sst s10  }
0x35: {  	s10 =	sld [smem:$0x3FAF];
	_ =	sdelay $0x3  }
0x36: {  	p1 =	seq.s32 s10, $0x1;
	s10 =	sld [smem:$0x3FB0];
	_ =	sdelay $0x3  }
0x37: {  	[smem:$0x3FB0] =	sst s10  }
0x38: {  	s10 =	sld [smem:$0x3FB1]  }
0x39: {  	_ = 	snop;
	(pc) =	sbr.ind lr, $3  }
0x3a: {  	_ = 	snop  }
0x3b: {  	_ = 	snop  }
0x3c: {  	p2 =	seq.s32 s10, $0x1;
	s10 =	sld [smem:$0x3FB0]  }
0x3d: {  	_ =	shalt  }
0x3e: {  	_ =	shalt  }
0x3f: {  	_ =	shalt  }
0x40: {  	_ =	shalt  }
0x41: {  	_ =	shalt  }
0x42: {  	_ =	shalt  }
0x43: {  	_ =	shalt  }
0x44: {  	_ =	shalt  }
0x45: {  	_ =	shalt  }
0x46: {  	_ =	shalt  }
0x47: {  	_ =	shalt  }
0x48: {  	_ =	shalt  }
0x49: {  	_ =	shalt  }
0x4a: {  	_ =	shalt  }
0x4b: {  	_ =	shalt  }
0x4c: {  	_ =	shalt  }
0x4d: {  	_ =	shalt  }
0x4e: {  	_ =	shalt  }
0x4f: {  	_ =	shalt  }
0x50: {  	_ =	shalt  }
0x51: {  	_ =	shalt  }
0x52: {  	_ =	shalt  }
0x53: {  	_ =	shalt  }
0x54: {  	_ =	shalt  }
0x55: {  	_ =	shalt  }
0x56: {  	_ =	shalt  }
0x57: {  	_ =	shalt  }
0x58: {  	_ =	shalt  }
0x59: {  	_ =	shalt  }
0x5a: {  	_ =	shalt  }
0x5b: {  	_ =	shalt  }
0x5c: {  	_ =	shalt  }
0x5d: {  	_ =	shalt  }
0x5e: {  	_ =	shalt  }
0x5f: {  	_ =	shalt  }
0x60: {  	_ =	shalt  }
0x61: {  	_ =	shalt  }
0x62: {  	_ =	shalt  }
0x63: {  	_ =	shalt  }
0x64: {  	_ =	shalt  }
0x65: {  	_ =	shalt  }
0x66: {  	_ =	shalt  }
0x67: {  	_ =	shalt  }
0x68: {  	_ =	shalt  }
0x69: {  	_ =	shalt  }
0x6a: {  	_ =	shalt  }
0x6b: {  	_ =	shalt  }
0x6c: {  	_ =	shalt  }
0x6d: {  	_ =	shalt  }
0x6e: {  	_ =	shalt  }
0x6f: {  	_ =	shalt  }
0x70: {  	_ =	shalt  }
0x71: {  	_ =	shalt  }
0x72: {  	_ =	shalt  }
0x73: {  	_ =	shalt  }
0x74: {  	_ =	shalt  }
0x75: {  	_ =	shalt  }
0x76: {  	_ =	shalt  }
0x77: {  	_ =	shalt  }
0x78: {  	_ =	shalt  }
0x79: {  	_ =	shalt  }
0x7a: {  	_ =	shalt  }
0x7b: {  	_ =	shalt  }
0x7c: {  	_ =	shalt  }
0x7d: {  	_ =	shalt  }
0x7e: {  	_ =	shalt  }
0x7f: {  	_ =	shalt  }
0x80: {  	_ =	shalt  }
0x81: {  	_ =	shalt  }
0x82: {  	_ =	shalt  }
0x83: {  	_ =	shalt  }
0x84: {  	_ =	shalt  }
0x85: {  	_ =	shalt  }
0x86: {  	_ =	shalt  }
0x87: {  	_ =	shalt  }
.Lfunc_end0:
.L_simem_size_0:
called_computation.1_lowered:
.L_overlay_start_0:
0x88: {  	s2 =	sld [smem:$0x3FD9]  }
0x89: {  	s3 =	sld [smem:$0x3FFE];
	_ =	sdelay $0x1  }
0x8a: {  	s1 =	srdreg.scid  }
0x8b: {  	s0 =	sand.u32 $0x1, s1  }
0x8c: {  	s17 =	sshll.u32 s0, $0xA;
	s2 =	sadd.s32 s3, s2  }
0x8d: {  	s2 =	sadd.s32 s2, s17  }
0x8e: {  	[smem:$0x3FBC] =	sst s2  }
0x8f: {  	_ = 	snop  }
0x90: {  	s2 =	sld [smem:$0x3FD0];
	(tm) =	ssettm $0x1  }
0x91: {  	s18 =	sld [smem:$0x3FFB];
	_ =	sdelay $0x3  }
0x92: {  	_ =	strace s18  }
0x93: {  	s3 =	sld [smem:$0x3FFC];
	_ =	sdelay $0x3  }
0x94: {  	_ =	strace s3  }
0x95: {  	s3 =	sld [smem:$0x3FFD];
	_ =	sdelay $0x3  }
0x96: {  	_ =	strace s3  }
0x97: {  	_ =	strace $0x8FFFFFFF  }
0x98: {  	s19 =	sld [smem:$0x3FDB];
	_ =	sdelay $0x1  }
0x99: {  	s4 =	simm.s32 $_scs_section_size  }
0x9a: {  	s5 =	simm.s32 $_size__tile_overlayer_lowered;
	s6 =	simm.s32 $_tile_overlayer_lowered  }
0x9b: {  	s22 =	simm.s32 $0x1BFF;
	s21 =	sshll.u32 s6, $0x1;
	s3 =	sadd.s32 s4, s19  }
0x9c: {  	s7 =	simm.s32 $0x0;
	s20 =	sshll.u32 s5, $0x1;
	s5 =	sadd.s32 s21, s3  }
0x9d: {  	[timem:s7], [sflag:s22] =	dma.local [hbm:s5], s20  }
0x9e: {  	_ =	swait.ge [sflag:s22], s20  }
0x9f: {  	s4 =	ssub.s32 $0x0, s20;
	[sflag:s22] =	ssyncset.done $0x0  }
0xa0: {  	[sflag:s22] =	ssyncadd.s32 s4;
	_ =	sdelay $0x1  }
0xa1: {  	s23 =	simm.s32 $0x1B8B  }
0xa2: {  	_ =	swait.ge [sflag:s23], $0x1  }
0xa3: {  	[sflag:s23] =	ssyncset.done $0x0  }
0xa4: {  	s25 =	simm.s32 $0x1B8E;
	s24 =	sld [smem:$0x3FFE];
	[sflag:s23] =	ssyncadd.s32 $0xFFFFFFFF  }
0xa5: {  	s26 =	simm.s32 $execute0_lowered;
	[smem:$0x3FD2] =	sst s25  }
0xa6: {  	s5 =	sshll.u32 s26, $0x1;
	_ =	strace $0x80000049;
	[dreg:$0x1] =	wrdreg $0xFFFFFFFF  }
0xa7: {  	s28 =	simm.s32 $_size_execute0_lowered;
	s3 =	sadd.s32 s3, s5;
	[dreg:$0x0] =	wrdreg $0x0  }
0xa8: {  	s5 =	sshll.u32 s28, $0x1;
	[dreg:$0x2] =	wrdreg s3  }
0xa9: {  	[dreg:$0x3] =	wrdreg s5  }
0xaa: {  	[dreg:$0x4] =	wrdreg $0xC0  }
0xab: {  	_ =	task [dreg:s7], $0x5FFFF  }
0xac: {  	[dreg:$0x1] =	wrdreg $0xFFFFFFFF  }
0xad: {  	[dreg:$0x0] =	wrdreg $0x60  }
0xae: {  	[dreg:$0x2] =	wrdreg s2  }
0xaf: {  	[dreg:$0x3] =	wrdreg s24  }
0xb0: {  	[dreg:$0x4] =	wrdreg $0xC3800  }
0xb1: {  	[dreg:$0x5] =	wrdreg $0x9  }
0xb2: {  	_ =	task.clear_ibuf [dreg:s7], $0x6FFFF;
	_ =	strace $0x90000049  }
0xb3: {  	s29 =	simm.s32 $0x9;
	_ =	strace $0x8000004B  }
0xb4: {  	_ =	swait.ge [sflag:s29], $0x1  }
0xb5: {  	[sflag:s29] =	ssyncadd.s32 $0xFFFFFFFF  }
0xb6: {  	_ =	strace $0x9000004B  }
0xb7: {  	_ =	sfence  }
0xb8: {  	s30 =	sld [smem:$0x0];
	_ =	sdelay $0x2  }
0xb9: {  	s31 =	sshll.u32 s1, $0xD;
	s1 =	sshrl.u32 s1, $0x2  }
0xba: {  	s3 =	sand.u32 $0x4000, s31;
	s1 =	sadd.s32 s1, s30  }
0xbb: {  	s0 =	sor.u32 s3, s0;
	s1 =	sshll.u32 s1, $0x11  }
0xbc: {  	s0 =	sor.u32 s1, s0  }
0xbd: {  	s0 =	sadd.s32 $0x8F2B, s0  }
0xbe: {  	[sflag:s0] =	ssyncadd.remote.s32 $0x1  }
0xbf: {  	_ =	sfence.sel $0xFFFF  }
0xc0: {  	[dreg:$0x0] =	wrdreg $0xFFFFFFFF;
	(pc) =	sbr.abs _section_cstart, $3  }
0xc1: {  	[dreg:$0x1] =	wrdreg $0xFFFFFFFF  }
0xc2: {  	_ =	task.clear_ibuf [dreg:s7], $0x2FFFF;
	_ =	strace $0x9FFFFFFF  }
0xc3: {  	(tm) =	ssettm $0x7FFFFFFF  }
tec
execute0_lowered:
.L_overlay_start_1:
0x0: {  	(tag) =	ssettag $0x1  }
0x1: {  	s0 =	rddreg [dreg:$0x0]  }
0x2: {  	s2 =	rddreg [dreg:$0x1]  }
0x3: {  	s1 =	srdreg.scid;
	s3 =	rddreg [dreg:$0x2]  }
0x4: {  	s15 =	stileid.u32;
	s4 =	simm.s32 $0x0;
	s17 =	simm.s32 $0x1  }
0x5: {  	s18 =	simm.s32 $0x2;
	s19 =	simm.s32 $0x50;
	s20 =	simm.s32 $0x4B80  }
0x6: {  	s21 =	simm.s32 $0x7380;
	s31 =	simm.s32 $0x7FFFB9;
	s10 =	smul.u32 $0x13800, s15  }
0x7: {  	s1 =	sand.u32 $0x1, s1;
	[smem:$0x7FF] =	sst s4;
	s9 =	smul.u32 $0x4E000, s15  }
0x8: {  	s12 =	sadd.s32 $0x44400, s2;
	s26 =	sshll.u32 s15, $0x6;
	s16 =	sadd.s32 $0x138000, s3  }
0x9: {  	p0 =	sne.s32 s15, $0xF;
	s5 =	sshll.u32 s1, $0x4;
	_ =	strace $0x8000004A  }
0xa: {  	s22 =	ssub.s32 $0x2, s1;
	s1 =	smul.u32 $0x138800, s1;
	s16 =	sshrl.u32 @!p0 s16, $0x3  }
0xb: {  	[dreg:$0x5] =	wrdreg s31;
	s5 =	sor.u32 s15, s5;
	s7 =	sshrl.u32 s10, $0x3  }
0xc: {  	s8 =	sshrl.u32 s22, $0x1;
	s25 =	sshrl.u32 s9, $0x2;
	s15 =	simm.s32 $0x4  }
0xd: {  	s6 =	smul.u32 $0x4E2, s5;
	s5 =	sshll.u32 s5, $0xB;
	s7 =	sadd.s32 s7, s2  }
0xe: {  	s13 =	ssub.s32 s22, s8;
	s14 =	sadd.s32 s25, s3;
	s8 =	sor.u32 $0x1C04, s26  }
0xf: {  	s29 =	sadd.s32 s10, s1;
	s1 =	sshrl.u32 s1, $0x3;
	s22 =	simm.s32 $0x9B80  }
0x10: {  	s26 =	simm.s32 $0x0;
	s11 =	sadd.s32 s5, s2;
	s28 =	sadd.s32 $0x1D200, s7  }
0x11: {  	s1 =	sadd.s32 s12, s1;
	s24 =	sadd.s32 $0xD200, s11;
	[dreg:$0x8] =	wrdreg s28  }
0x12: {  	s6 =	sadd.s32 s6, s2;
	s2 =	sadd.s32 $0x44200, s2;
	[dreg:$0x7] =	wrdreg s24  }
0x13: {  	s14 =	sshrl.u32 s14, $0x3;
	s30 =	sadd.s32 $0xD680, s11;
	[dreg:$0x9] =	wrdreg s2  }
0x14: {  	s23 =	sadd.s32 $0x3400, s6;
	s2 =	sshrl.u32 s29, $0x3;
	[dreg:$0x4] =	wrdreg s30  }
0x15: {  	s11 =	sadd.s32 $0x27000, s1;
	[dreg:$0x6] =	wrdreg s23;
	s2 =	sadd.s32 s12, s2  }
0x16: {  	s12 =	smax.u32 s13, $0x1;
	s23 =	simm.s32 $0x3;
	[dreg:$0xa] =	wrdreg s2  }
.LBB2_1:
0x17: {  	s1 =	rddreg [dreg:$0x6]  }
0x18: {  	s10 =	rddreg [dreg:$0x7]  }
0x19: {  	[tilespmem:s4], [sflag:$0x1] =	stream.linear.gather [hbm4b:s1+s4], $0x2710, $0x38;
	[tilespmem:$0x1FC00] =	vst v63  }
0x1a: {  	s2 =	simm.s32 $0x2780;
	s13 =	rddreg [dreg:$0x8]  }
0x1b: {  	[tilespmem:s2], [sflag:$0x2] =	stream.linear.gather [hbm4b:s10+s4], $0x2400, $0x38;
	[tilespmem:$0x1FC00] =	vst v63  }
0x1c: {  	[spmem:s14], [sflag:s8] =	dma.local [hbm:s13], $0x2700  }
0x1d: {  	_ =	swait.ge [sflag:s15], $0x2700  }
0x1e: {  	[sflag:s15] =	ssyncset.done $0x0  }
0x1f: {  	s1 =	rddreg [dreg:$0x9];
	[sflag:s15] =	ssyncadd.s32 $0xFFFFD900  }
0x20: {  	[spmem:s16], [sflag:s8] =	dma.local @!p0 [hbm:s1], $0x100  }
0x21: {  	s1 =	simm.s32 @!p0 $0x4  }
0x22: {  	_ =	swait.ge @!p0 [sflag:s1], $0x100  }
0x23: {  	[sflag:s1] =	ssyncset.done @!p0 $0x0  }
0x24: {  	[sflag:s1] =	ssyncadd.s32 @!p0 $0xFFFFFF00  }
0x25: {  	_ =	swait.ge [sflag:s17], $0x2710  }
0x26: {  	[sflag:s17] =	ssyncset.done $0x0  }
0x27: {  	[sflag:s17] =	ssyncadd.s32 $0xFFFFD8F0  }
0x28: {  	_ =	swait.ge [sflag:s18], $0x2400  }
0x29: {  	[sflag:s18] =	ssyncset.done $0x0  }
0x2a: {  	[sflag:s18] =	ssyncadd.s32 $0xFFFFDC00  }
0x2b: {  	p1 =	por $0x1, $0x1;
	[bflag:$0x0] =	sbarrier.arrive $0xFFFF  }
0x2c: {  	[tilespmem:s20], [sflag:$0x1] =	stream.indirect.gather [hbm4b:s0+s19], $0x80, s4, s19, $0xb8;
	[tilespmem:$0x1FC00] =	vst v63  }
0x2d: {  	s24 =	simm.s32 @!p1 $0x4  }
0x2e: {  	[tilespmem:s21], [sflag:$0x2] =	stream.indirect.gather [hbm4b:s0+s19], $0x80, s19, s19, $0xb8;
	[tilespmem:$0x1FC00] =	vst v63  }
0x2f: {  	s2 =	simm.s32 @!p1 $0x0;
	s13 =	simm.s32 @!p1 $0x2780;
	s1 =	rddreg [dreg:$0x4]  }
0x30: {  	[tilespmem:s13], [sflag:$0x4] =	stream.linear.gather @!p1 [hbm4b:s1+s2], $0x1A80, $0x38;
	[tilespmem:$0x1FC00] =	vst v63  }
0x31: {  	_ =	swait.ge @!p1 [sflag:s24], $0x1A80  }
0x32: {  	[sflag:s24] =	ssyncset.done @!p1 $0x0  }
0x33: {  	[sflag:s24] =	ssyncadd.s32 @!p1 $0xFFFFE580  }
0x34: {  	s1 =	simm.s32 $0xFFFFDC00;
	_ =	swait.ge [sflag:s17], $0x2800  }
0x35: {  	s2 =	simm.s32 $0x0;
	p1 =	por $0x0, $0x0;
	[sflag:s17] =	ssyncset.done $0x0  }
0x36: {  	s24 =	simm.s32 $0xA0;
	s2 =	smov.u32 @p1 s1;
	[sflag:s17] =	ssyncadd.s32 $0xFFFFD800  }
0x37: {  	[tilespmem:s22], [sflag:$0x3] =	stream.indirect.gather [hbm4b:s0+s19], $0x80, s24, s19, $0xb8;
	[tilespmem:$0x1FC00] =	vst v63  }
0x38: {  	s1 =	sadd.s32 $0x2780, s2  }
0x39: {  	[spmem:s3] =	stream.indirect.scatter.add.f32 [tilespmem:s20], [sflag:$0x4], $0x80, s1, s19, $0xb8;
	[tilespmem:$0x1FC00] =	vst v63  }
0x3a: {  	_ =	swait.ge [sflag:s15], $0x2800  }
0x3b: {  	[sflag:s15] =	ssyncset.done $0x0  }
0x3c: {  	[sflag:s15] =	ssyncadd.s32 $0xFFFFD800  }
0x3d: {  	_ =	swait.ge [sflag:s18], $0x2800  }
0x3e: {  	[sflag:s18] =	ssyncset.done $0x0;
	s1 =	rddreg [dreg:$0x5]  }
0x3f: {  	s25 =	simm.s32 $0xF0;
	[sflag:s18] =	ssyncadd.s32 $0xFFFFD800;
	s1 =	simm.s32 @!p1 $0x1  }
0x40: {  	[tilespmem:s20], [sflag:$0x1] =	stream.indirect.gather [hbm4b:s0+s19], $0x80, s25, s19, $0xb8;
	[tilespmem:$0x1FC00] =	vst v63  }
0x41: {  	s29 =	simm.s32 $0x140;
	s1 =	sadd.s32 $0x0, s1  }
0x42: {  	s13 =	simm.s32 $0x2;
	s2 =	simm.s32 $0x7FFFBA;
	s1 =	sshll.u32 s1, $0x9  }
0x43: {  	s28 =	simm.s32 $0x3;
	s13 =	smov.u32 @p1 s2;
	s1 =	sshra.s32 s1, $0x2  }
0x44: {  	s30 =	simm.s32 $0x180;
	s2 =	sshll.u32 s13, $0x9;
	s1 =	sadd.s32 $0x2780, s1  }
0x45: {  	[spmem:s3] =	stream.indirect.scatter.add.f32 [tilespmem:s21], [sflag:$0x4], $0x80, s1, s19, $0xb8;
	[tilespmem:$0x1FC00] =	vst v63  }
0x46: {  	s31 =	simm.s32 $0x0;
	s24 =	sshra.s32 s2, $0x2;
	_ =	swait.ge [sflag:s15], $0x2800  }
0x47: {  	s2 =	simm.s32 $0x140;
	s1 =	simm.s32 $0x6;
	[sflag:s15] =	ssyncset.done $0x0  }
.LBB2_2:
0x48: {  	[sflag:s15] =	ssyncadd.s32 $0xFFFFD800  }
0x49: {  	_ =	swait.ge [sflag:s23], $0x2800  }
0x4a: {  	[sflag:s23] =	ssyncset.done $0x0  }
0x4b: {  	[sflag:s23] =	ssyncadd.s32 $0xFFFFD800  }
0x4c: {  	[tilespmem:s21], [sflag:$0x2] =	stream.indirect.gather [hbm4b:s0+s19], $0x80, s2, s19, $0xb8;
	[tilespmem:$0x1FC00] =	vst v63  }
0x4d: {  	s24 =	sadd.s32 $0x2780, s24  }
0x4e: {  	[spmem:s3] =	stream.indirect.scatter.add.f32 [tilespmem:s22], [sflag:$0x4], $0x80, s24, s19, $0xb8;
	[tilespmem:$0x1FC00] =	vst v63  }
0x4f: {  	p3 =	sne.s32 s28, $0x48;
	_ =	swait.ge [sflag:s15], $0x2800  }
0x50: {  	s7 =	simm.s32 @!p3 $0x0;
	s9 =	simm.s32 @!p3 $0x2780;
	[sflag:s15] =	ssyncset.done $0x0  }
0x51: {  	s10 =	simm.s32 @!p3 $0x4;
	s25 =	rddreg [dreg:$0x4];
	[sflag:s15] =	ssyncadd.s32 $0xFFFFD800  }
0x52: {  	[tilespmem:s9], [sflag:$0x4] =	stream.linear.gather @!p3 [hbm4b:s25+s7], $0x1A80, $0x38;
	[tilespmem:$0x1FC00] =	vst v63  }
0x53: {  	_ =	swait.ge @!p3 [sflag:s10], $0x1A80  }
0x54: {  	[sflag:s10] =	ssyncset.done @!p3 $0x0  }
0x55: {  	s31 =	sadd.s32 $0x1, s31;
	[sflag:s10] =	ssyncadd.s32 @!p3 $0xFFFFE580  }
0x56: {  	s29 =	sadd.s32 $0xF0, s29;
	s5 =	sadd.s32 $0xFFFFDC00, s30;
	_ =	swait.ge [sflag:s17], $0x2800  }
0x57: {  	p2 =	sgt.u32 s31, $0x17;
	s9 =	smov.u32 s30;
	[sflag:s17] =	ssyncset.done $0x0  }
0x58: {  	s25 =	sadd.s32 $0xFFFFFF60, s29;
	s9 =	smov.u32 @p2 s5;
	[sflag:s17] =	ssyncadd.s32 $0xFFFFD800  }
0x59: {  	[tilespmem:s22], [sflag:$0x3] =	stream.indirect.gather [hbm4b:s0+s19], $0x80, s25, s19, $0xb8;
	[tilespmem:$0x1FC00] =	vst v63  }
0x5a: {  	s10 =	sadd.s32 $0x2780, s9  }
0x5b: {  	[spmem:s3] =	stream.indirect.scatter.add.f32 [tilespmem:s20], [sflag:$0x4], $0x80, s10, s19, $0xb8;
	[tilespmem:$0x1FC00] =	vst v63  }
0x5c: {  	_ =	swait.ge [sflag:s15], $0x2800  }
0x5d: {  	[sflag:s15] =	ssyncset.done $0x0  }
0x5e: {  	[sflag:s15] =	ssyncadd.s32 $0xFFFFD800  }
0x5f: {  	_ =	swait.ge [sflag:s18], $0x2800  }
0x60: {  	s13 =	smov.u32 s1;
	[sflag:s18] =	ssyncset.done $0x0;
	s5 =	rddreg [dreg:$0x5]  }
0x61: {  	s25 =	sadd.s32 $0xFFFFFFB0, s29;
	[sflag:s18] =	ssyncadd.s32 $0xFFFFD800;
	s5 =	simm.s32 @!p2 $0x1  }
0x62: {  	[tilespmem:s20], [sflag:$0x1] =	stream.indirect.gather [hbm4b:s0+s19], $0x80, s25, s19, $0xb8;
	[tilespmem:$0x1FC00] =	vst v63  }
0x63: {  	s1 =	sadd.s32 $0x3, s1;
	s6 =	sadd.s32 $0x2, s28;
	s5 =	sadd.s32 s28, s5  }
0x64: {  	p1 =	sne.s32 s1, $0x7B;
	s24 =	sadd.s32 $0x7FFFBA, s28;
	s5 =	sshll.u32 s5, $0x9  }
.Ltmp0:
0x65: {  	s6 =	smov.u32 @p2 s24;
	s5 =	sshra.s32 s5, $0x2;
	(pc) =	sbr.rel @p1 .LBB2_2-.Ltmp0, $4  }
0x66: {  	s6 =	sshll.u32 s6, $0x9;
	s5 =	sadd.s32 $0x2780, s5  }
0x67: {  	[spmem:s3] =	stream.indirect.scatter.add.f32 [tilespmem:s21], [sflag:$0x4], $0x80, s5, s19, $0xb8;
	[tilespmem:$0x1FC00] =	vst v63  }
0x68: {  	s2 =	smov.u32 s29;
	s24 =	sshra.s32 s6, $0x2;
	_ =	swait.ge [sflag:s15], $0x2800  }
0x69: {  	s30 =	sadd.s32 $0x180, s30;
	s28 =	smov.u32 s13;
	[sflag:s15] =	ssyncset.done $0x0  }
0x6a: {  	[sflag:s15] =	ssyncadd.s32 $0xFFFFD800  }
0x6b: {  	_ =	swait.ge [sflag:s23], $0x2800  }
0x6c: {  	[sflag:s23] =	ssyncset.done $0x0  }
0x6d: {  	[sflag:s23] =	ssyncadd.s32 $0xFFFFD800  }
0x6e: {  	[tilespmem:s21], [sflag:$0x2] =	stream.indirect.gather [hbm4b:s0+s19], $0x80, s2, s19, $0xb8;
	[tilespmem:$0x1FC00] =	vst v63  }
0x6f: {  	s1 =	sadd.s32 $0x2780, s24  }
0x70: {  	[spmem:s3] =	stream.indirect.scatter.add.f32 [tilespmem:s22], [sflag:$0x4], $0x80, s1, s19, $0xb8;
	[tilespmem:$0x1FC00] =	vst v63  }
0x71: {  	p1 =	sne.s32 s28, $0x48;
	_ =	swait.ge [sflag:s15], $0x2800  }
0x72: {  	s5 =	simm.s32 @!p1 $0x2780;
	[sflag:s15] =	ssyncset.done $0x0  }
0x73: {  	s2 =	simm.s32 @!p1 $0x0;
	s1 =	rddreg [dreg:$0x4];
	[sflag:s15] =	ssyncadd.s32 $0xFFFFD800  }
0x74: {  	[tilespmem:s5], [sflag:$0x4] =	stream.linear.gather @!p1 [hbm4b:s1+s2], $0x1A80, $0x38;
	[tilespmem:$0x1FC00] =	vst v63  }
0x75: {  	s1 =	simm.s32 @!p1 $0x4  }
0x76: {  	_ =	swait.ge @!p1 [sflag:s1], $0x1A80  }
0x77: {  	[sflag:s1] =	ssyncset.done @!p1 $0x0  }
0x78: {  	[sflag:s1] =	ssyncadd.s32 @!p1 $0xFFFFE580  }
0x79: {  	s9 =	sadd.s32 $0x1, s31;
	s10 =	sadd.s32 $0xF0, s29;
	_ =	swait.ge [sflag:s17], $0x2800  }
0x7a: {  	p1 =	sgt.u32 s9, $0x17;
	s1 =	sadd.s32 $0xFFFFDC00, s30;
	[sflag:s17] =	ssyncset.done $0x0  }
0x7b: {  	s13 =	sadd.s32 $0xFFFFFF60, s10;
	s30 =	smov.u32 @p1 s1;
	[sflag:s17] =	ssyncadd.s32 $0xFFFFD800  }
0x7c: {  	[tilespmem:s22], [sflag:$0x3] =	stream.indirect.gather [hbm4b:s0+s19], $0x80, s13, s19, $0xb8;
	[tilespmem:$0x1FC00] =	vst v63  }
0x7d: {  	s24 =	sadd.s32 $0x2780, s30  }
0x7e: {  	[spmem:s3] =	stream.indirect.scatter.add.f32 [tilespmem:s20], [sflag:$0x4], $0x80, s24, s19, $0xb8;
	[tilespmem:$0x1FC00] =	vst v63  }
0x7f: {  	_ =	swait.ge [sflag:s15], $0x2800  }
0x80: {  	[sflag:s15] =	ssyncset.done $0x0  }
0x81: {  	[sflag:s15] =	ssyncadd.s32 $0xFFFFD800  }
0x82: {  	_ =	swait.ge [sflag:s18], $0x2800  }
0x83: {  	[sflag:s18] =	ssyncset.done $0x0;
	s1 =	rddreg [dreg:$0x5]  }
0x84: {  	s25 =	sadd.s32 $0xFFFFFFB0, s10;
	[sflag:s18] =	ssyncadd.s32 $0xFFFFD800;
	s1 =	simm.s32 @!p1 $0x1  }
0x85: {  	[tilespmem:s20], [sflag:$0x1] =	stream.indirect.gather [hbm4b:s0+s19], $0x80, s25, s19, $0xb8;
	[tilespmem:$0x1FC00] =	vst v63  }
0x86: {  	s1 =	sadd.s32 s28, s1  }
0x87: {  	s1 =	sshll.u32 s1, $0x9  }
0x88: {  	s1 =	sshra.s32 s1, $0x2  }
0x89: {  	s1 =	sadd.s32 $0x2780, s1  }
0x8a: {  	[spmem:s3] =	stream.indirect.scatter.add.f32 [tilespmem:s21], [sflag:$0x4], $0x80, s1, s19, $0xb8;
	[tilespmem:$0x1FC00] =	vst v63  }
0x8b: {  	_ =	swait.ge [sflag:s15], $0x2800  }
0x8c: {  	[sflag:s15] =	ssyncset.done $0x0  }
0x8d: {  	s5 =	sadd.s32 $0x2, s28;
	s1 =	sadd.s32 $0x7FFFBA, s28;
	[sflag:s15] =	ssyncadd.s32 $0xFFFFD800  }
0x8e: {  	s5 =	smov.u32 @p1 s1;
	_ =	swait.ge [sflag:s23], $0x2800  }
0x8f: {  	s1 =	sshll.u32 s5, $0x9;
	[sflag:s23] =	ssyncset.done $0x0  }
0x90: {  	s1 =	sshra.s32 s1, $0x2;
	[sflag:s23] =	ssyncadd.s32 $0xFFFFD800  }
0x91: {  	[tilespmem:s21], [sflag:$0x2] =	stream.indirect.gather [hbm4b:s0+s19], $0x80, s10, s19, $0xb8;
	[tilespmem:$0x1FC00] =	vst v63  }
0x92: {  	s1 =	sadd.s32 $0x2780, s1  }
0x93: {  	[spmem:s3] =	stream.indirect.scatter.add.f32 [tilespmem:s22], [sflag:$0x4], $0x80, s1, s19, $0xb8;
	[tilespmem:$0x1FC00] =	vst v63  }
0x94: {  	_ =	swait.ge [sflag:s15], $0x2800  }
0x95: {  	[sflag:s15] =	ssyncset.done $0x0  }
0x96: {  	[sflag:s15] =	ssyncadd.s32 $0xFFFFD800  }
0x97: {  	_ =	swait.ge [sflag:s17], $0x2800  }
0x98: {  	[sflag:s17] =	ssyncset.done $0x0  }
0x99: {  	s29 =	simm.s32 $0x4100;
	[sflag:s17] =	ssyncadd.s32 $0xFFFFD800  }
0x9a: {  	[spmem:s3] =	stream.indirect.scatter.add.f32 [tilespmem:s20], [sflag:$0x4], $0x80, s29, s19, $0xb8;
	[tilespmem:$0x1FC00] =	vst v63  }
0x9b: {  	_ =	swait.ge [sflag:s15], $0x2800  }
0x9c: {  	[sflag:s15] =	ssyncset.done $0x0  }
0x9d: {  	[sflag:s15] =	ssyncadd.s32 $0xFFFFD800  }
0x9e: {  	_ =	swait.ge [sflag:s18], $0x2800  }
0x9f: {  	[sflag:s18] =	ssyncset.done $0x0  }
0xa0: {  	s30 =	simm.s32 $0x4180;
	[sflag:s18] =	ssyncadd.s32 $0xFFFFD800  }
0xa1: {  	[spmem:s3] =	stream.indirect.scatter.add.f32 [tilespmem:s21], [sflag:$0x4], $0x80, s30, s19, $0xb8;
	[tilespmem:$0x1FC00] =	vst v63  }
0xa2: {  	_ =	swait.ge [sflag:s15], $0x2800  }
0xa3: {  	[sflag:s15] =	ssyncset.done $0x0  }
0xa4: {  	[sflag:s15] =	ssyncadd.s32 $0xFFFFD800  }
0xa5: {  	[bflag:$0x0] =	sbarrier.arrive $0xFFFF  }
0xa6: {  	s31 =	rddreg [dreg:$0xa]  }
0xa7: {  	[hbm:s31], [sflag:s8] =	dma.local [spmem:s14], $0x2700  }
0xa8: {  	s26 =	sadd.s32 $0x1, s26;
	_ =	swait.ge [sflag:s15], $0x2700  }
0xa9: {  	p1 =	sne.s32 s26, s12;
	[sflag:s15] =	ssyncset.done $0x0  }
.Ltmp1:
0xaa: {  	s1 =	simm.s32 @!p0 $0x4;
	[sflag:s15] =	ssyncadd.s32 $0xFFFFD900;
	(pc) =	sbr.rel @p1 .LBB2_1-.Ltmp1, $4  }
0xab: {  	[hbm:s11], [sflag:s8] =	dma.local @!p0 [spmem:s16], $0x100  }
0xac: {  	_ =	swait.ge @!p0 [sflag:s1], $0x100  }
0xad: {  	[sflag:s1] =	ssyncset.done @!p0 $0x0  }
0xae: {  	[sflag:s1] =	ssyncadd.s32 @!p0 $0xFFFFFF00  }
0xaf: {  	_ =	sfence.sel $0x180000  }
0xb0: {  	[bflag:$0x0] =	sbarrier.arrive $0xFFFF  }
0xb1: {  	_ =	strace $0x9000004A  }
0xb2: {  	s0 =	stileid.u32;
	[bflag:$0x2] =	sbarrier.arrive $0xFFFF  }
0xb3: {  	p0 =	sne.s32 s0, $0x0;
	s0 =	rddreg [dreg:$0x3]  }
0xb4: {  	s0 =	sadd.s32 @!p0 $0x100000, s0  }
0xb5: {  	[sflag:s0] =	ssyncadd.tile.s32 @!p0 $0x1;
	_ =	shalt  }
.Lfunc_end2:
_tile_overlayer_lowered:
.L_overlay_start_2:
0xb6: {  	(tag) =	ssettag $0x2  }
0xb7: {  	s0 =	rddreg [dreg:$0x0];
	s2 =	stileid.u32  }
0xb8: {  	s1 =	rddreg [dreg:$0x1];
	p0 =	sne.s32 s2, $0x0  }
0xb9: {  	s3 =	rddreg [dreg:$0x2];
	[bflag:$0x3] =	sbarrier.arrive $0xFFFF;
	s2 =	simm.s32 @!p0 $0x1C04  }
0xba: {  	[timem:s3], [sflag:s2] =	dma.local @!p0 [hbm:s0], s1  }
0xbb: {  	s0 =	simm.s32 @!p0 $0x4  }
0xbc: {  	_ =	swait.ge @!p0 [sflag:s0], s1  }
0xbd: {  	s1 =	ssub.s32 @!p0 $0x0, s1;
	[sflag:s0] =	ssyncset.done @!p0 $0x0  }
0xbe: {  	[sflag:s0] =	ssyncadd.s32 @!p0 s1  }
0xbf: {  	[bflag:$0x3] =	sbarrier.arrive $0xFFFF  }
0xc0: {  	_ =	shalt  }

// kernel: kernel.16.cloned.1.call-start
scs
__scs_entry_jumppad:
0x0: {  	(pc) =	sbr.rel $0x88, $3  }
0x1: {  	(tag) =	ssettag $0x0;
	lr =	simm.s32 $0x1  }
0x2: {  	[smem:$0x3F95] =	sst lr;
	_ =	strace $0xD0000000  }
0x3: {  	_ = 	snop  }
0x4: {  	_ = 	snop  }
0x5: {  	_ = 	snop  }
0x6: {  	_ = 	snop  }
0x7: {  	_ = 	snop  }
__scs_overlays_trampoline_lowered:
0x8: {  	[smem:$0x3FA4] =	sst s0  }
0x9: {  	[smem:$0x3FA5] =	sst s1  }
0xa: {  	[smem:$0x3FA6] =	sst s2  }
0xb: {  	[smem:$0x3FA7] =	sst s3  }
0xc: {  	[smem:$0x3FA8] =	sst s4  }
0xd: {  	[smem:$0x3FA9] =	sst s5  }
0xe: {  	[smem:$0x3FAA] =	sst s6  }
0xf: {  	[smem:$0x3FAB] =	sst s7  }
0x10: {  	[smem:$0x3FAC] =	sst s8  }
0x11: {  	[smem:$0x3FAD] =	sst s9;
	s0 =	simm.s32 @!p0 $0x0  }
0x12: {  	s1 =	sld [smem:$0x3F93];
	s0 =	simm.s32 @p0 $0x1  }
0x13: {  	[smem:$0x3FAE] =	sst s0;
	s0 =	simm.s32 @!p1 $0x0  }
0x14: {  	s2 =	sld [smem:$0x3F92];
	s0 =	simm.s32 @p1 $0x1  }
0x15: {  	[smem:$0x3FAF] =	sst s0;
	s0 =	simm.s32 @!p2 $0x0  }
0x16: {  	s3 =	sld [smem:$0x3FDB];
	s0 =	simm.s32 @p2 $0x1  }
0x17: {  	s4 =	simm.s32 $0x1BF5;
	[smem:$0x3FB1] =	sst s0  }
0x18: {  	s0 =	sld [smem:$0x3F94];
	_ =	swait.ge [sflag:s4], $0x0  }
0x19: {  	s7 =	sld [smem:$0x3F95]  }
0x1a: {  	s8 =	sadd.s32 $0xFFFFE003, lr  }
0x1b: {  	s9 =	sadd.s32 $0xFFFFFEF7, lr;
	s5 =	simm.s32 $0xFFFFFFFF;
	p2 =	slt.u32 s8, $0xFFFFF086  }
0x1c: {  	p1 =	slt.u32 s9, $0xF7A;
	s5 =	simm.s32 @!p2 $0x0  }
0x1d: {  	s5 =	simm.s32 @p1 $0x1;
	p0 =	seq.s32 s7, s2  }
0x1e: {  	s7 =	smul.u32 @!p0 $0xF7A, s2;
	p2 =	seq.s32 @!p0 s5, $0x0  }
0x1f: {  	s9 =	smul.u32 $0xF7A, s1;
	s8 =	simm.s32 @!p0 $0x1BF5;
	p2 =	por !p2, p0  }
0x20: {  	[sflag:s8] =	ssyncset.s32 @!p0 $0xFFFFF086;
	s6 =	sadd.s32 @!p0 s3, s7;
	s7 =	simm.s32 @!p0 $0x108  }
0x21: {  	s3 =	sadd.s32 s3, s9;
	s6 =	sadd.s32 @!p0 $0x88, s6;
	s7 =	simm.s32 @p2 $0x1082  }
0x22: {  	[simem:s7], [sflag:s8] =	dma.local @!p0 [hbm:s6], $0xF7A  }
0x23: {  	s9 =	sor.u32 $0xD0000000, s2;
	s6 =	simm.s32 $0x108;
	_ =	swait.ge @!p0 [sflag:s8], $0x0  }
0x24: {  	s3 =	sadd.s32 $0x88, s3;
	s6 =	simm.s32 @!p1 $0x1082;
	[sflag:s4] =	ssyncset.s32 $0xFFFFF086  }
0x25: {  	[simem:s6], [sflag:s4] =	dma.local [hbm:s3], $0xF7A  }
0x26: {  	[smem:$0x3F95] =	sst s1;
	(tag) =	ssettag s2;
	_ =	strace s9  }
0x27: {  	s1 =	sld [smem:$0x3FA5]  }
0x28: {  	s2 =	sld [smem:$0x3FA6]  }
0x29: {  	s4 =	sld [smem:$0x3FA8]  }
0x2a: {  	p0 =	seq.s32 s5, $0x0;
	s5 =	sld [smem:$0x3FA9]  }
0x2b: {  	s6 =	sld [smem:$0x3FAA]  }
0x2c: {  	s7 =	sld [smem:$0x3FAB]  }
0x2d: {  	s3 =	simm.s32 $0x108;
	s8 =	sld [smem:$0x3FAC]  }
0x2e: {  	s3 =	simm.s32 @!p0 $0x1082;
	s9 =	sld [smem:$0x3FAD]  }
0x2f: {  	lr =	sadd.s32 s0, s3;
	s0 =	sld [smem:$0x3FA4]  }
0x30: {  	s3 =	sld [smem:$0x3FA7]  }
0x31: {  	[smem:$0x3FB0] =	sst s10  }
0x32: {  	s10 =	sld [smem:$0x3FAE];
	_ =	sdelay $0x3  }
0x33: {  	p0 =	seq.s32 s10, $0x1;
	s10 =	sld [smem:$0x3FB0];
	_ =	sdelay $0x3  }
0x34: {  	[smem:$0x3FB0] =	sst s10  }
0x35: {  	s10 =	sld [smem:$0x3FAF];
	_ =	sdelay $0x3  }
0x36: {  	p1 =	seq.s32 s10, $0x1;
	s10 =	sld [smem:$0x3FB0];
	_ =	sdelay $0x3  }
0x37: {  	[smem:$0x3FB0] =	sst s10  }
0x38: {  	s10 =	sld [smem:$0x3FB1]  }
0x39: {  	_ = 	snop;
	(pc) =	sbr.ind lr, $3  }
0x3a: {  	_ = 	snop  }
0x3b: {  	_ = 	snop  }
0x3c: {  	p2 =	seq.s32 s10, $0x1;
	s10 =	sld [smem:$0x3FB0]  }
0x3d: {  	_ =	shalt  }
0x3e: {  	_ =	shalt  }
0x3f: {  	_ =	shalt  }
0x40: {  	_ =	shalt  }
0x41: {  	_ =	shalt  }
0x42: {  	_ =	shalt  }
0x43: {  	_ =	shalt  }
0x44: {  	_ =	shalt  }
0x45: {  	_ =	shalt  }
0x46: {  	_ =	shalt  }
0x47: {  	_ =	shalt  }
0x48: {  	_ =	shalt  }
0x49: {  	_ =	shalt  }
0x4a: {  	_ =	shalt  }
0x4b: {  	_ =	shalt  }
0x4c: {  	_ =	shalt  }
0x4d: {  	_ =	shalt  }
0x4e: {  	_ =	shalt  }
0x4f: {  	_ =	shalt  }
0x50: {  	_ =	shalt  }
0x51: {  	_ =	shalt  }
0x52: {  	_ =	shalt  }
0x53: {  	_ =	shalt  }
0x54: {  	_ =	shalt  }
0x55: {  	_ =	shalt  }
0x56: {  	_ =	shalt  }
0x57: {  	_ =	shalt  }
0x58: {  	_ =	shalt  }
0x59: {  	_ =	shalt  }
0x5a: {  	_ =	shalt  }
0x5b: {  	_ =	shalt  }
0x5c: {  	_ =	shalt  }
0x5d: {  	_ =	shalt  }
0x5e: {  	_ =	shalt  }
0x5f: {  	_ =	shalt  }
0x60: {  	_ =	shalt  }
0x61: {  	_ =	shalt  }
0x62: {  	_ =	shalt  }
0x63: {  	_ =	shalt  }
0x64: {  	_ =	shalt  }
0x65: {  	_ =	shalt  }
0x66: {  	_ =	shalt  }
0x67: {  	_ =	shalt  }
0x68: {  	_ =	shalt  }
0x69: {  	_ =	shalt  }
0x6a: {  	_ =	shalt  }
0x6b: {  	_ =	shalt  }
0x6c: {  	_ =	shalt  }
0x6d: {  	_ =	shalt  }
0x6e: {  	_ =	shalt  }
0x6f: {  	_ =	shalt  }
0x70: {  	_ =	shalt  }
0x71: {  	_ =	shalt  }
0x72: {  	_ =	shalt  }
0x73: {  	_ =	shalt  }
0x74: {  	_ =	shalt  }
0x75: {  	_ =	shalt  }
0x76: {  	_ =	shalt  }
0x77: {  	_ =	shalt  }
0x78: {  	_ =	shalt  }
0x79: {  	_ =	shalt  }
0x7a: {  	_ =	shalt  }
0x7b: {  	_ =	shalt  }
0x7c: {  	_ =	shalt  }
0x7d: {  	_ =	shalt  }
0x7e: {  	_ =	shalt  }
0x7f: {  	_ =	shalt  }
0x80: {  	_ =	shalt  }
0x81: {  	_ =	shalt  }
0x82: {  	_ =	shalt  }
0x83: {  	_ =	shalt  }
0x84: {  	_ =	shalt  }
0x85: {  	_ =	shalt  }
0x86: {  	_ =	shalt  }
0x87: {  	_ =	shalt  }
.Lfunc_end0:
.L_simem_size_0:
called_computation.2_lowered:
.L_overlay_start_0:
0x88: {  	s2 =	sld [smem:$0x3FD9]  }
0x89: {  	s3 =	sld [smem:$0x3FFE];
	_ =	sdelay $0x1  }
0x8a: {  	s1 =	srdreg.scid  }
0x8b: {  	s0 =	sand.u32 $0x1, s1  }
0x8c: {  	s17 =	sshll.u32 s0, $0xA;
	s2 =	sadd.s32 s3, s2  }
0x8d: {  	s2 =	sadd.s32 s2, s17  }
0x8e: {  	[smem:$0x3FBC] =	sst s2  }
0x8f: {  	_ = 	snop  }
0x90: {  	s2 =	sld [smem:$0x3FD0];
	(tm) =	ssettm $0x1  }
0x91: {  	s18 =	sld [smem:$0x3FFB];
	_ =	sdelay $0x3  }
0x92: {  	_ =	strace s18  }
0x93: {  	s3 =	sld [smem:$0x3FFC];
	_ =	sdelay $0x3  }
0x94: {  	_ =	strace s3  }
0x95: {  	s3 =	sld [smem:$0x3FFD];
	_ =	sdelay $0x3  }
0x96: {  	_ =	strace s3  }
0x97: {  	_ =	strace $0x8FFFFFFF  }
0x98: {  	s19 =	sld [smem:$0x3FDB];
	_ =	sdelay $0x1  }
0x99: {  	s4 =	simm.s32 $_scs_section_size  }
0x9a: {  	s5 =	simm.s32 $_size__tile_overlayer_lowered;
	s6 =	simm.s32 $_tile_overlayer_lowered  }
0x9b: {  	s22 =	simm.s32 $0x1BFF;
	s21 =	sshll.u32 s6, $0x1;
	s3 =	sadd.s32 s4, s19  }
0x9c: {  	s7 =	simm.s32 $0x0;
	s20 =	sshll.u32 s5, $0x1;
	s5 =	sadd.s32 s21, s3  }
0x9d: {  	[timem:s7], [sflag:s22] =	dma.local [hbm:s5], s20  }
0x9e: {  	_ =	swait.ge [sflag:s22], s20  }
0x9f: {  	s4 =	ssub.s32 $0x0, s20;
	[sflag:s22] =	ssyncset.done $0x0  }
0xa0: {  	[sflag:s22] =	ssyncadd.s32 s4;
	_ =	sdelay $0x1  }
0xa1: {  	s23 =	simm.s32 $0x1B8B  }
0xa2: {  	_ =	swait.ge [sflag:s23], $0x1  }
0xa3: {  	[sflag:s23] =	ssyncset.done $0x0  }
0xa4: {  	s25 =	simm.s32 $0x1B8E;
	s24 =	sld [smem:$0x3FFE];
	[sflag:s23] =	ssyncadd.s32 $0xFFFFFFFF  }
0xa5: {  	s26 =	simm.s32 $execute0_lowered;
	[smem:$0x3FD2] =	sst s25  }
0xa6: {  	s5 =	sshll.u32 s26, $0x1;
	_ =	strace $0x8000004C;
	[dreg:$0x1] =	wrdreg $0xFFFFFFFF  }
0xa7: {  	s28 =	simm.s32 $_size_execute0_lowered;
	s3 =	sadd.s32 s3, s5;
	[dreg:$0x0] =	wrdreg $0x0  }
0xa8: {  	s5 =	sshll.u32 s28, $0x1;
	[dreg:$0x2] =	wrdreg s3  }
0xa9: {  	[dreg:$0x3] =	wrdreg s5  }
0xaa: {  	[dreg:$0x4] =	wrdreg $0xC0  }
0xab: {  	_ =	task [dreg:s7], $0x5FFFF  }
0xac: {  	[dreg:$0x1] =	wrdreg $0xFFFFFFFF  }
0xad: {  	[dreg:$0x0] =	wrdreg $0x60  }
0xae: {  	[dreg:$0x2] =	wrdreg s2  }
0xaf: {  	[dreg:$0x3] =	wrdreg s24  }
0xb0: {  	[dreg:$0x4] =	wrdreg $0xC3800  }
0xb1: {  	[dreg:$0x5] =	wrdreg $0x9  }
0xb2: {  	_ =	task.clear_ibuf [dreg:s7], $0x6FFFF;
	_ =	strace $0x9000004C  }
0xb3: {  	s29 =	simm.s32 $0x9;
	_ =	strace $0x8000004E  }
0xb4: {  	_ =	swait.ge [sflag:s29], $0x1  }
0xb5: {  	[sflag:s29] =	ssyncadd.s32 $0xFFFFFFFF  }
0xb6: {  	_ =	strace $0x9000004E  }
0xb7: {  	_ =	sfence  }
0xb8: {  	s30 =	sld [smem:$0x0];
	_ =	sdelay $0x2  }
0xb9: {  	s31 =	sshll.u32 s1, $0xD;
	s1 =	sshrl.u32 s1, $0x2  }
0xba: {  	s3 =	sand.u32 $0x4000, s31;
	s1 =	sadd.s32 s1, s30  }
0xbb: {  	s0 =	sor.u32 s3, s0;
	s1 =	sshll.u32 s1, $0x11  }
0xbc: {  	s0 =	sor.u32 s1, s0  }
0xbd: {  	s0 =	sadd.s32 $0x8F2B, s0  }
0xbe: {  	[sflag:s0] =	ssyncadd.remote.s32 $0x1  }
0xbf: {  	_ =	sfence.sel $0xFFFF  }
0xc0: {  	[dreg:$0x0] =	wrdreg $0xFFFFFFFF;
	(pc) =	sbr.abs _section_cstart, $3  }
0xc1: {  	[dreg:$0x1] =	wrdreg $0xFFFFFFFF  }
0xc2: {  	_ =	task.clear_ibuf [dreg:s7], $0x2FFFF;
	_ =	strace $0x9FFFFFFF  }
0xc3: {  	(tm) =	ssettm $0x7FFFFFFF  }
tec
execute0_lowered:
.L_overlay_start_1:
0x0: {  	(tag) =	ssettag $0x1  }
0x1: {  	s0 =	rddreg [dreg:$0x0]  }
0x2: {  	s2 =	rddreg [dreg:$0x1]  }
0x3: {  	s1 =	srdreg.scid;
	s3 =	rddreg [dreg:$0x2]  }
0x4: {  	s15 =	stileid.u32;
	s4 =	simm.s32 $0x0;
	s17 =	simm.s32 $0x1  }
0x5: {  	s18 =	simm.s32 $0x2;
	s19 =	simm.s32 $0x50;
	s20 =	simm.s32 $0x4B80  }
0x6: {  	s21 =	simm.s32 $0x7380;
	s31 =	simm.s32 $0x7FFFB9;
	s10 =	smul.u32 $0x13800, s15  }
0x7: {  	s1 =	sand.u32 $0x1, s1;
	[smem:$0x7FF] =	sst s4;
	s9 =	smul.u32 $0x4E000, s15  }
0x8: {  	s12 =	sadd.s32 $0x44400, s2;
	s26 =	sshll.u32 s15, $0x6;
	s16 =	sadd.s32 $0x138000, s3  }
0x9: {  	p0 =	sne.s32 s15, $0xF;
	s5 =	sshll.u32 s1, $0x4;
	_ =	strace $0x8000004D  }
0xa: {  	s22 =	ssub.s32 $0x2, s1;
	s1 =	smul.u32 $0x138800, s1;
	s16 =	sshrl.u32 @!p0 s16, $0x3  }
0xb: {  	[dreg:$0x5] =	wrdreg s31;
	s5 =	sor.u32 s15, s5;
	s7 =	sshrl.u32 s10, $0x3  }
0xc: {  	s8 =	sshrl.u32 s22, $0x1;
	s25 =	sshrl.u32 s9, $0x2;
	s15 =	simm.s32 $0x4  }
0xd: {  	s6 =	smul.u32 $0x4E2, s5;
	s5 =	sshll.u32 s5, $0xB;
	s7 =	sadd.s32 s7, s2  }
0xe: {  	s13 =	ssub.s32 s22, s8;
	s14 =	sadd.s32 s25, s3;
	s8 =	sor.u32 $0x1C04, s26  }
0xf: {  	s29 =	sadd.s32 s10, s1;
	s1 =	sshrl.u32 s1, $0x3;
	s22 =	simm.s32 $0x9B80  }
0x10: {  	s26 =	simm.s32 $0x0;
	s11 =	sadd.s32 s5, s2;
	s28 =	sadd.s32 $0x1D200, s7  }
0x11: {  	s1 =	sadd.s32 s12, s1;
	s24 =	sadd.s32 $0xD200, s11;
	[dreg:$0x8] =	wrdreg s28  }
0x12: {  	s6 =	sadd.s32 s6, s2;
	s2 =	sadd.s32 $0x44200, s2;
	[dreg:$0x7] =	wrdreg s24  }
0x13: {  	s14 =	sshrl.u32 s14, $0x3;
	s30 =	sadd.s32 $0xD680, s11;
	[dreg:$0x9] =	wrdreg s2  }
0x14: {  	s23 =	sadd.s32 $0x3400, s6;
	s2 =	sshrl.u32 s29, $0x3;
	[dreg:$0x4] =	wrdreg s30  }
0x15: {  	s11 =	sadd.s32 $0x27000, s1;
	[dreg:$0x6] =	wrdreg s23;
	s2 =	sadd.s32 s12, s2  }
0x16: {  	s12 =	smax.u32 s13, $0x1;
	s23 =	simm.s32 $0x3;
	[dreg:$0xa] =	wrdreg s2  }
.LBB2_1:
0x17: {  	s1 =	rddreg [dreg:$0x6]  }
0x18: {  	s10 =	rddreg [dreg:$0x7]  }
0x19: {  	[tilespmem:s4], [sflag:$0x1] =	stream.linear.gather [hbm4b:s1+s4], $0x2710, $0x38;
	[tilespmem:$0x1FC00] =	vst v63  }
0x1a: {  	s2 =	simm.s32 $0x2780;
	s13 =	rddreg [dreg:$0x8]  }
0x1b: {  	[tilespmem:s2], [sflag:$0x2] =	stream.linear.gather [hbm4b:s10+s4], $0x2400, $0x38;
	[tilespmem:$0x1FC00] =	vst v63  }
0x1c: {  	[spmem:s14], [sflag:s8] =	dma.local [hbm:s13], $0x2700  }
0x1d: {  	_ =	swait.ge [sflag:s15], $0x2700  }
0x1e: {  	[sflag:s15] =	ssyncset.done $0x0  }
0x1f: {  	s1 =	rddreg [dreg:$0x9];
	[sflag:s15] =	ssyncadd.s32 $0xFFFFD900  }
0x20: {  	[spmem:s16], [sflag:s8] =	dma.local @!p0 [hbm:s1], $0x100  }
0x21: {  	s1 =	simm.s32 @!p0 $0x4  }
0x22: {  	_ =	swait.ge @!p0 [sflag:s1], $0x100  }
0x23: {  	[sflag:s1] =	ssyncset.done @!p0 $0x0  }
0x24: {  	[sflag:s1] =	ssyncadd.s32 @!p0 $0xFFFFFF00  }
0x25: {  	_ =	swait.ge [sflag:s17], $0x2710  }
0x26: {  	[sflag:s17] =	ssyncset.done $0x0  }
0x27: {  	[sflag:s17] =	ssyncadd.s32 $0xFFFFD8F0  }
0x28: {  	_ =	swait.ge [sflag:s18], $0x2400  }
0x29: {  	[sflag:s18] =	ssyncset.done $0x0  }
0x2a: {  	[sflag:s18] =	ssyncadd.s32 $0xFFFFDC00  }
0x2b: {  	p1 =	por $0x1, $0x1;
	[bflag:$0x0] =	sbarrier.arrive $0xFFFF  }
0x2c: {  	[tilespmem:s20], [sflag:$0x1] =	stream.indirect.gather [hbm4b:s0+s19], $0x80, s4, s19, $0xb8;
	[tilespmem:$0x1FC00] =	vst v63  }
0x2d: {  	s24 =	simm.s32 @!p1 $0x4  }
0x2e: {  	[tilespmem:s21], [sflag:$0x2] =	stream.indirect.gather [hbm4b:s0+s19], $0x80, s19, s19, $0xb8;
	[tilespmem:$0x1FC00] =	vst v63  }
0x2f: {  	s2 =	simm.s32 @!p1 $0x0;
	s13 =	simm.s32 @!p1 $0x2780;
	s1 =	rddreg [dreg:$0x4]  }
0x30: {  	[tilespmem:s13], [sflag:$0x4] =	stream.linear.gather @!p1 [hbm4b:s1+s2], $0x1A80, $0x38;
	[tilespmem:$0x1FC00] =	vst v63  }
0x31: {  	_ =	swait.ge @!p1 [sflag:s24], $0x1A80  }
0x32: {  	[sflag:s24] =	ssyncset.done @!p1 $0x0  }
0x33: {  	[sflag:s24] =	ssyncadd.s32 @!p1 $0xFFFFE580  }
0x34: {  	s1 =	simm.s32 $0xFFFFDC00;
	_ =	swait.ge [sflag:s17], $0x2800  }
0x35: {  	s2 =	simm.s32 $0x0;
	p1 =	por $0x0, $0x0;
	[sflag:s17] =	ssyncset.done $0x0  }
0x36: {  	s24 =	simm.s32 $0xA0;
	s2 =	smov.u32 @p1 s1;
	[sflag:s17] =	ssyncadd.s32 $0xFFFFD800  }
0x37: {  	[tilespmem:s22], [sflag:$0x3] =	stream.indirect.gather [hbm4b:s0+s19], $0x80, s24, s19, $0xb8;
	[tilespmem:$0x1FC00] =	vst v63  }
0x38: {  	s1 =	sadd.s32 $0x2780, s2  }
0x39: {  	[spmem:s3] =	stream.indirect.scatter.add.f32 [tilespmem:s20], [sflag:$0x4], $0x80, s1, s19, $0xb8;
	[tilespmem:$0x1FC00] =	vst v63  }
0x3a: {  	_ =	swait.ge [sflag:s15], $0x2800  }
0x3b: {  	[sflag:s15] =	ssyncset.done $0x0  }
0x3c: {  	[sflag:s15] =	ssyncadd.s32 $0xFFFFD800  }
0x3d: {  	_ =	swait.ge [sflag:s18], $0x2800  }
0x3e: {  	[sflag:s18] =	ssyncset.done $0x0;
	s1 =	rddreg [dreg:$0x5]  }
0x3f: {  	s25 =	simm.s32 $0xF0;
	[sflag:s18] =	ssyncadd.s32 $0xFFFFD800;
	s1 =	simm.s32 @!p1 $0x1  }
0x40: {  	[tilespmem:s20], [sflag:$0x1] =	stream.indirect.gather [hbm4b:s0+s19], $0x80, s25, s19, $0xb8;
	[tilespmem:$0x1FC00] =	vst v63  }
0x41: {  	s29 =	simm.s32 $0x140;
	s1 =	sadd.s32 $0x0, s1  }
0x42: {  	s13 =	simm.s32 $0x2;
	s2 =	simm.s32 $0x7FFFBA;
	s1 =	sshll.u32 s1, $0x9  }
0x43: {  	s28 =	simm.s32 $0x3;
	s13 =	smov.u32 @p1 s2;
	s1 =	sshra.s32 s1, $0x2  }
0x44: {  	s30 =	simm.s32 $0x180;
	s2 =	sshll.u32 s13, $0x9;
	s1 =	sadd.s32 $0x2780, s1  }
0x45: {  	[spmem:s3] =	stream.indirect.scatter.add.f32 [tilespmem:s21], [sflag:$0x4], $0x80, s1, s19, $0xb8;
	[tilespmem:$0x1FC00] =	vst v63  }
0x46: {  	s31 =	simm.s32 $0x0;
	s24 =	sshra.s32 s2, $0x2;
	_ =	swait.ge [sflag:s15], $0x2800  }
0x47: {  	s2 =	simm.s32 $0x140;
	s1 =	simm.s32 $0x6;
	[sflag:s15] =	ssyncset.done $0x0  }
.LBB2_2:
0x48: {  	[sflag:s15] =	ssyncadd.s32 $0xFFFFD800  }
0x49: {  	_ =	swait.ge [sflag:s23], $0x2800  }
0x4a: {  	[sflag:s23] =	ssyncset.done $0x0  }
0x4b: {  	[sflag:s23] =	ssyncadd.s32 $0xFFFFD800  }
0x4c: {  	[tilespmem:s21], [sflag:$0x2] =	stream.indirect.gather [hbm4b:s0+s19], $0x80, s2, s19, $0xb8;
	[tilespmem:$0x1FC00] =	vst v63  }
0x4d: {  	s24 =	sadd.s32 $0x2780, s24  }
0x4e: {  	[spmem:s3] =	stream.indirect.scatter.add.f32 [tilespmem:s22], [sflag:$0x4], $0x80, s24, s19, $0xb8;
	[tilespmem:$0x1FC00] =	vst v63  }
0x4f: {  	p3 =	sne.s32 s28, $0x48;
	_ =	swait.ge [sflag:s15], $0x2800  }
0x50: {  	s7 =	simm.s32 @!p3 $0x0;
	s9 =	simm.s32 @!p3 $0x2780;
	[sflag:s15] =	ssyncset.done $0x0  }
0x51: {  	s10 =	simm.s32 @!p3 $0x4;
	s25 =	rddreg [dreg:$0x4];
	[sflag:s15] =	ssyncadd.s32 $0xFFFFD800  }
0x52: {  	[tilespmem:s9], [sflag:$0x4] =	stream.linear.gather @!p3 [hbm4b:s25+s7], $0x1A80, $0x38;
	[tilespmem:$0x1FC00] =	vst v63  }
0x53: {  	_ =	swait.ge @!p3 [sflag:s10], $0x1A80  }
0x54: {  	[sflag:s10] =	ssyncset.done @!p3 $0x0  }
0x55: {  	s31 =	sadd.s32 $0x1, s31;
	[sflag:s10] =	ssyncadd.s32 @!p3 $0xFFFFE580  }
0x56: {  	s29 =	sadd.s32 $0xF0, s29;
	s5 =	sadd.s32 $0xFFFFDC00, s30;
	_ =	swait.ge [sflag:s17], $0x2800  }
0x57: {  	p2 =	sgt.u32 s31, $0x17;
	s9 =	smov.u32 s30;
	[sflag:s17] =	ssyncset.done $0x0  }
0x58: {  	s25 =	sadd.s32 $0xFFFFFF60, s29;
	s9 =	smov.u32 @p2 s5;
	[sflag:s17] =	ssyncadd.s32 $0xFFFFD800  }
0x59: {  	[tilespmem:s22], [sflag:$0x3] =	stream.indirect.gather [hbm4b:s0+s19], $0x80, s25, s19, $0xb8;
	[tilespmem:$0x1FC00] =	vst v63  }
0x5a: {  	s10 =	sadd.s32 $0x2780, s9  }
0x5b: {  	[spmem:s3] =	stream.indirect.scatter.add.f32 [tilespmem:s20], [sflag:$0x4], $0x80, s10, s19, $0xb8;
	[tilespmem:$0x1FC00] =	vst v63  }
0x5c: {  	_ =	swait.ge [sflag:s15], $0x2800  }
0x5d: {  	[sflag:s15] =	ssyncset.done $0x0  }
0x5e: {  	[sflag:s15] =	ssyncadd.s32 $0xFFFFD800  }
0x5f: {  	_ =	swait.ge [sflag:s18], $0x2800  }
0x60: {  	s13 =	smov.u32 s1;
	[sflag:s18] =	ssyncset.done $0x0;
	s5 =	rddreg [dreg:$0x5]  }
0x61: {  	s25 =	sadd.s32 $0xFFFFFFB0, s29;
	[sflag:s18] =	ssyncadd.s32 $0xFFFFD800;
	s5 =	simm.s32 @!p2 $0x1  }
0x62: {  	[tilespmem:s20], [sflag:$0x1] =	stream.indirect.gather [hbm4b:s0+s19], $0x80, s25, s19, $0xb8;
	[tilespmem:$0x1FC00] =	vst v63  }
0x63: {  	s1 =	sadd.s32 $0x3, s1;
	s6 =	sadd.s32 $0x2, s28;
	s5 =	sadd.s32 s28, s5  }
0x64: {  	p1 =	sne.s32 s1, $0x7B;
	s24 =	sadd.s32 $0x7FFFBA, s28;
	s5 =	sshll.u32 s5, $0x9  }
.Ltmp0:
0x65: {  	s6 =	smov.u32 @p2 s24;
	s5 =	sshra.s32 s5, $0x2;
	(pc) =	sbr.rel @p1 .LBB2_2-.Ltmp0, $4  }
0x66: {  	s6 =	sshll.u32 s6, $0x9;
	s5 =	sadd.s32 $0x2780, s5  }
0x67: {  	[spmem:s3] =	stream.indirect.scatter.add.f32 [tilespmem:s21], [sflag:$0x4], $0x80, s5, s19, $0xb8;
	[tilespmem:$0x1FC00] =	vst v63  }
0x68: {  	s2 =	smov.u32 s29;
	s24 =	sshra.s32 s6, $0x2;
	_ =	swait.ge [sflag:s15], $0x2800  }
0x69: {  	s30 =	sadd.s32 $0x180, s30;
	s28 =	smov.u32 s13;
	[sflag:s15] =	ssyncset.done $0x0  }
0x6a: {  	[sflag:s15] =	ssyncadd.s32 $0xFFFFD800  }
0x6b: {  	_ =	swait.ge [sflag:s23], $0x2800  }
0x6c: {  	[sflag:s23] =	ssyncset.done $0x0  }
0x6d: {  	[sflag:s23] =	ssyncadd.s32 $0xFFFFD800  }
0x6e: {  	[tilespmem:s21], [sflag:$0x2] =	stream.indirect.gather [hbm4b:s0+s19], $0x80, s2, s19, $0xb8;
	[tilespmem:$0x1FC00] =	vst v63  }
0x6f: {  	s1 =	sadd.s32 $0x2780, s24  }
0x70: {  	[spmem:s3] =	stream.indirect.scatter.add.f32 [tilespmem:s22], [sflag:$0x4], $0x80, s1, s19, $0xb8;
	[tilespmem:$0x1FC00] =	vst v63  }
0x71: {  	p1 =	sne.s32 s28, $0x48;
	_ =	swait.ge [sflag:s15], $0x2800  }
0x72: {  	s5 =	simm.s32 @!p1 $0x2780;
	[sflag:s15] =	ssyncset.done $0x0  }
0x73: {  	s2 =	simm.s32 @!p1 $0x0;
	s1 =	rddreg [dreg:$0x4];
	[sflag:s15] =	ssyncadd.s32 $0xFFFFD800  }
0x74: {  	[tilespmem:s5], [sflag:$0x4] =	stream.linear.gather @!p1 [hbm4b:s1+s2], $0x1A80, $0x38;
	[tilespmem:$0x1FC00] =	vst v63  }
0x75: {  	s1 =	simm.s32 @!p1 $0x4  }
0x76: {  	_ =	swait.ge @!p1 [sflag:s1], $0x1A80  }
0x77: {  	[sflag:s1] =	ssyncset.done @!p1 $0x0  }
0x78: {  	[sflag:s1] =	ssyncadd.s32 @!p1 $0xFFFFE580  }
0x79: {  	s9 =	sadd.s32 $0x1, s31;
	s10 =	sadd.s32 $0xF0, s29;
	_ =	swait.ge [sflag:s17], $0x2800  }
0x7a: {  	p1 =	sgt.u32 s9, $0x17;
	s1 =	sadd.s32 $0xFFFFDC00, s30;
	[sflag:s17] =	ssyncset.done $0x0  }
0x7b: {  	s13 =	sadd.s32 $0xFFFFFF60, s10;
	s30 =	smov.u32 @p1 s1;
	[sflag:s17] =	ssyncadd.s32 $0xFFFFD800  }
0x7c: {  	[tilespmem:s22], [sflag:$0x3] =	stream.indirect.gather [hbm4b:s0+s19], $0x80, s13, s19, $0xb8;
	[tilespmem:$0x1FC00] =	vst v63  }
0x7d: {  	s24 =	sadd.s32 $0x2780, s30  }
0x7e: {  	[spmem:s3] =	stream.indirect.scatter.add.f32 [tilespmem:s20], [sflag:$0x4], $0x80, s24, s19, $0xb8;
	[tilespmem:$0x1FC00] =	vst v63  }
0x7f: {  	_ =	swait.ge [sflag:s15], $0x2800  }
0x80: {  	[sflag:s15] =	ssyncset.done $0x0  }
0x81: {  	[sflag:s15] =	ssyncadd.s32 $0xFFFFD800  }
0x82: {  	_ =	swait.ge [sflag:s18], $0x2800  }
0x83: {  	[sflag:s18] =	ssyncset.done $0x0;
	s1 =	rddreg [dreg:$0x5]  }
0x84: {  	s25 =	sadd.s32 $0xFFFFFFB0, s10;
	[sflag:s18] =	ssyncadd.s32 $0xFFFFD800;
	s1 =	simm.s32 @!p1 $0x1  }
0x85: {  	[tilespmem:s20], [sflag:$0x1] =	stream.indirect.gather [hbm4b:s0+s19], $0x80, s25, s19, $0xb8;
	[tilespmem:$0x1FC00] =	vst v63  }
0x86: {  	s1 =	sadd.s32 s28, s1  }
0x87: {  	s1 =	sshll.u32 s1, $0x9  }
0x88: {  	s1 =	sshra.s32 s1, $0x2  }
0x89: {  	s1 =	sadd.s32 $0x2780, s1  }
0x8a: {  	[spmem:s3] =	stream.indirect.scatter.add.f32 [tilespmem:s21], [sflag:$0x4], $0x80, s1, s19, $0xb8;
	[tilespmem:$0x1FC00] =	vst v63  }
0x8b: {  	_ =	swait.ge [sflag:s15], $0x2800  }
0x8c: {  	[sflag:s15] =	ssyncset.done $0x0  }
0x8d: {  	s5 =	sadd.s32 $0x2, s28;
	s1 =	sadd.s32 $0x7FFFBA, s28;
	[sflag:s15] =	ssyncadd.s32 $0xFFFFD800  }
0x8e: {  	s5 =	smov.u32 @p1 s1;
	_ =	swait.ge [sflag:s23], $0x2800  }
0x8f: {  	s1 =	sshll.u32 s5, $0x9;
	[sflag:s23] =	ssyncset.done $0x0  }
0x90: {  	s1 =	sshra.s32 s1, $0x2;
	[sflag:s23] =	ssyncadd.s32 $0xFFFFD800  }
0x91: {  	[tilespmem:s21], [sflag:$0x2] =	stream.indirect.gather [hbm4b:s0+s19], $0x80, s10, s19, $0xb8;
	[tilespmem:$0x1FC00] =	vst v63  }
0x92: {  	s1 =	sadd.s32 $0x2780, s1  }
0x93: {  	[spmem:s3] =	stream.indirect.scatter.add.f32 [tilespmem:s22], [sflag:$0x4], $0x80, s1, s19, $0xb8;
	[tilespmem:$0x1FC00] =	vst v63  }
0x94: {  	_ =	swait.ge [sflag:s15], $0x2800  }
0x95: {  	[sflag:s15] =	ssyncset.done $0x0  }
0x96: {  	[sflag:s15] =	ssyncadd.s32 $0xFFFFD800  }
0x97: {  	_ =	swait.ge [sflag:s17], $0x2800  }
0x98: {  	[sflag:s17] =	ssyncset.done $0x0  }
0x99: {  	s29 =	simm.s32 $0x4100;
	[sflag:s17] =	ssyncadd.s32 $0xFFFFD800  }
0x9a: {  	[spmem:s3] =	stream.indirect.scatter.add.f32 [tilespmem:s20], [sflag:$0x4], $0x80, s29, s19, $0xb8;
	[tilespmem:$0x1FC00] =	vst v63  }
0x9b: {  	_ =	swait.ge [sflag:s15], $0x2800  }
0x9c: {  	[sflag:s15] =	ssyncset.done $0x0  }
0x9d: {  	[sflag:s15] =	ssyncadd.s32 $0xFFFFD800  }
0x9e: {  	_ =	swait.ge [sflag:s18], $0x2800  }
0x9f: {  	[sflag:s18] =	ssyncset.done $0x0  }
0xa0: {  	s30 =	simm.s32 $0x4180;
	[sflag:s18] =	ssyncadd.s32 $0xFFFFD800  }
0xa1: {  	[spmem:s3] =	stream.indirect.scatter.add.f32 [tilespmem:s21], [sflag:$0x4], $0x80, s30, s19, $0xb8;
	[tilespmem:$0x1FC00] =	vst v63  }
0xa2: {  	_ =	swait.ge [sflag:s15], $0x2800  }
0xa3: {  	[sflag:s15] =	ssyncset.done $0x0  }
0xa4: {  	[sflag:s15] =	ssyncadd.s32 $0xFFFFD800  }
0xa5: {  	[bflag:$0x0] =	sbarrier.arrive $0xFFFF  }
0xa6: {  	s31 =	rddreg [dreg:$0xa]  }
0xa7: {  	[hbm:s31], [sflag:s8] =	dma.local [spmem:s14], $0x2700  }
0xa8: {  	s26 =	sadd.s32 $0x1, s26;
	_ =	swait.ge [sflag:s15], $0x2700  }
0xa9: {  	p1 =	sne.s32 s26, s12;
	[sflag:s15] =	ssyncset.done $0x0  }
.Ltmp1:
0xaa: {  	s1 =	simm.s32 @!p0 $0x4;
	[sflag:s15] =	ssyncadd.s32 $0xFFFFD900;
	(pc) =	sbr.rel @p1 .LBB2_1-.Ltmp1, $4  }
0xab: {  	[hbm:s11], [sflag:s8] =	dma.local @!p0 [spmem:s16], $0x100  }
0xac: {  	_ =	swait.ge @!p0 [sflag:s1], $0x100  }
0xad: {  	[sflag:s1] =	ssyncset.done @!p0 $0x0  }
0xae: {  	[sflag:s1] =	ssyncadd.s32 @!p0 $0xFFFFFF00  }
0xaf: {  	_ =	sfence.sel $0x180000  }
0xb0: {  	[bflag:$0x0] =	sbarrier.arrive $0xFFFF  }
0xb1: {  	_ =	strace $0x9000004D  }
0xb2: {  	s0 =	stileid.u32;
	[bflag:$0x2] =	sbarrier.arrive $0xFFFF  }
0xb3: {  	p0 =	sne.s32 s0, $0x0;
	s0 =	rddreg [dreg:$0x3]  }
0xb4: {  	s0 =	sadd.s32 @!p0 $0x100000, s0  }
0xb5: {  	[sflag:s0] =	ssyncadd.tile.s32 @!p0 $0x1;
	_ =	shalt  }
.Lfunc_end2:
_tile_overlayer_lowered:
.L_overlay_start_2:
0xb6: {  	(tag) =	ssettag $0x2  }
0xb7: {  	s0 =	rddreg [dreg:$0x0];
	s2 =	stileid.u32  }
0xb8: {  	s1 =	rddreg [dreg:$0x1];
	p0 =	sne.s32 s2, $0x0  }
0xb9: {  	s3 =	rddreg [dreg:$0x2];
	[bflag:$0x3] =	sbarrier.arrive $0xFFFF;
	s2 =	simm.s32 @!p0 $0x1C04  }
0xba: {  	[timem:s3], [sflag:s2] =	dma.local @!p0 [hbm:s0], s1  }
0xbb: {  	s0 =	simm.s32 @!p0 $0x4  }
0xbc: {  	_ =	swait.ge @!p0 [sflag:s0], s1  }
0xbd: {  	s1 =	ssub.s32 @!p0 $0x0, s1;
	[sflag:s0] =	ssyncset.done @!p0 $0x0  }
0xbe: {  	[sflag:s0] =	ssyncadd.s32 @!p0 s1  }
0xbf: {  	[bflag:$0x3] =	sbarrier.arrive $0xFFFF  }
0xc0: {  	_ =	shalt  }

// kernel: kernel.19.cloned.1.call-start
scs
__scs_entry_jumppad:
0x0: {  	(pc) =	sbr.rel $0x88, $3  }
0x1: {  	(tag) =	ssettag $0x0;
	lr =	simm.s32 $0x1  }
0x2: {  	[smem:$0x3F95] =	sst lr;
	_ =	strace $0xD0000000  }
0x3: {  	_ = 	snop  }
0x4: {  	_ = 	snop  }
0x5: {  	_ = 	snop  }
0x6: {  	_ = 	snop  }
0x7: {  	_ = 	snop  }
__scs_overlays_trampoline_lowered:
0x8: {  	[smem:$0x3FA4] =	sst s0  }
0x9: {  	[smem:$0x3FA5] =	sst s1  }
0xa: {  	[smem:$0x3FA6] =	sst s2  }
0xb: {  	[smem:$0x3FA7] =	sst s3  }
0xc: {  	[smem:$0x3FA8] =	sst s4  }
0xd: {  	[smem:$0x3FA9] =	sst s5  }
0xe: {  	[smem:$0x3FAA] =	sst s6  }
0xf: {  	[smem:$0x3FAB] =	sst s7  }
0x10: {  	[smem:$0x3FAC] =	sst s8  }
0x11: {  	[smem:$0x3FAD] =	sst s9;
	s0 =	simm.s32 @!p0 $0x0  }
0x12: {  	s1 =	sld [smem:$0x3F93];
	s0 =	simm.s32 @p0 $0x1  }
0x13: {  	[smem:$0x3FAE] =	sst s0;
	s0 =	simm.s32 @!p1 $0x0  }
0x14: {  	s2 =	sld [smem:$0x3F92];
	s0 =	simm.s32 @p1 $0x1  }
0x15: {  	[smem:$0x3FAF] =	sst s0;
	s0 =	simm.s32 @!p2 $0x0  }
0x16: {  	s3 =	sld [smem:$0x3FDB];
	s0 =	simm.s32 @p2 $0x1  }
0x17: {  	s4 =	simm.s32 $0x1BF5;
	[smem:$0x3FB1] =	sst s0  }
0x18: {  	s0 =	sld [smem:$0x3F94];
	_ =	swait.ge [sflag:s4], $0x0  }
0x19: {  	s7 =	sld [smem:$0x3F95]  }
0x1a: {  	s8 =	sadd.s32 $0xFFFFE003, lr  }
0x1b: {  	s9 =	sadd.s32 $0xFFFFFEF7, lr;
	s5 =	simm.s32 $0xFFFFFFFF;
	p2 =	slt.u32 s8, $0xFFFFF086  }
0x1c: {  	p1 =	slt.u32 s9, $0xF7A;
	s5 =	simm.s32 @!p2 $0x0  }
0x1d: {  	s5 =	simm.s32 @p1 $0x1;
	p0 =	seq.s32 s7, s2  }
0x1e: {  	s7 =	smul.u32 @!p0 $0xF7A, s2;
	p2 =	seq.s32 @!p0 s5, $0x0  }
0x1f: {  	s9 =	smul.u32 $0xF7A, s1;
	s8 =	simm.s32 @!p0 $0x1BF5;
	p2 =	por !p2, p0  }
0x20: {  	[sflag:s8] =	ssyncset.s32 @!p0 $0xFFFFF086;
	s6 =	sadd.s32 @!p0 s3, s7;
	s7 =	simm.s32 @!p0 $0x108  }
0x21: {  	s3 =	sadd.s32 s3, s9;
	s6 =	sadd.s32 @!p0 $0x88, s6;
	s7 =	simm.s32 @p2 $0x1082  }
0x22: {  	[simem:s7], [sflag:s8] =	dma.local @!p0 [hbm:s6], $0xF7A  }
0x23: {  	s9 =	sor.u32 $0xD0000000, s2;
	s6 =	simm.s32 $0x108;
	_ =	swait.ge @!p0 [sflag:s8], $0x0  }
0x24: {  	s3 =	sadd.s32 $0x88, s3;
	s6 =	simm.s32 @!p1 $0x1082;
	[sflag:s4] =	ssyncset.s32 $0xFFFFF086  }
0x25: {  	[simem:s6], [sflag:s4] =	dma.local [hbm:s3], $0xF7A  }
0x26: {  	[smem:$0x3F95] =	sst s1;
	(tag) =	ssettag s2;
	_ =	strace s9  }
0x27: {  	s1 =	sld [smem:$0x3FA5]  }
0x28: {  	s2 =	sld [smem:$0x3FA6]  }
0x29: {  	s4 =	sld [smem:$0x3FA8]  }
0x2a: {  	p0 =	seq.s32 s5, $0x0;
	s5 =	sld [smem:$0x3FA9]  }
0x2b: {  	s6 =	sld [smem:$0x3FAA]  }
0x2c: {  	s7 =	sld [smem:$0x3FAB]  }
0x2d: {  	s3 =	simm.s32 $0x108;
	s8 =	sld [smem:$0x3FAC]  }
0x2e: {  	s3 =	simm.s32 @!p0 $0x1082;
	s9 =	sld [smem:$0x3FAD]  }
0x2f: {  	lr =	sadd.s32 s0, s3;
	s0 =	sld [smem:$0x3FA4]  }
0x30: {  	s3 =	sld [smem:$0x3FA7]  }
0x31: {  	[smem:$0x3FB0] =	sst s10  }
0x32: {  	s10 =	sld [smem:$0x3FAE];
	_ =	sdelay $0x3  }
0x33: {  	p0 =	seq.s32 s10, $0x1;
	s10 =	sld [smem:$0x3FB0];
	_ =	sdelay $0x3  }
0x34: {  	[smem:$0x3FB0] =	sst s10  }
0x35: {  	s10 =	sld [smem:$0x3FAF];
	_ =	sdelay $0x3  }
0x36: {  	p1 =	seq.s32 s10, $0x1;
	s10 =	sld [smem:$0x3FB0];
	_ =	sdelay $0x3  }
0x37: {  	[smem:$0x3FB0] =	sst s10  }
0x38: {  	s10 =	sld [smem:$0x3FB1]  }
0x39: {  	_ = 	snop;
	(pc) =	sbr.ind lr, $3  }
0x3a: {  	_ = 	snop  }
0x3b: {  	_ = 	snop  }
0x3c: {  	p2 =	seq.s32 s10, $0x1;
	s10 =	sld [smem:$0x3FB0]  }
0x3d: {  	_ =	shalt  }
0x3e: {  	_ =	shalt  }
0x3f: {  	_ =	shalt  }
0x40: {  	_ =	shalt  }
0x41: {  	_ =	shalt  }
0x42: {  	_ =	shalt  }
0x43: {  	_ =	shalt  }
0x44: {  	_ =	shalt  }
0x45: {  	_ =	shalt  }
0x46: {  	_ =	shalt  }
0x47: {  	_ =	shalt  }
0x48: {  	_ =	shalt  }
0x49: {  	_ =	shalt  }
0x4a: {  	_ =	shalt  }
0x4b: {  	_ =	shalt  }
0x4c: {  	_ =	shalt  }
0x4d: {  	_ =	shalt  }
0x4e: {  	_ =	shalt  }
0x4f: {  	_ =	shalt  }
0x50: {  	_ =	shalt  }
0x51: {  	_ =	shalt  }
0x52: {  	_ =	shalt  }
0x53: {  	_ =	shalt  }
0x54: {  	_ =	shalt  }
0x55: {  	_ =	shalt  }
0x56: {  	_ =	shalt  }
0x57: {  	_ =	shalt  }
0x58: {  	_ =	shalt  }
0x59: {  	_ =	shalt  }
0x5a: {  	_ =	shalt  }
0x5b: {  	_ =	shalt  }
0x5c: {  	_ =	shalt  }
0x5d: {  	_ =	shalt  }
0x5e: {  	_ =	shalt  }
0x5f: {  	_ =	shalt  }
0x60: {  	_ =	shalt  }
0x61: {  	_ =	shalt  }
0x62: {  	_ =	shalt  }
0x63: {  	_ =	shalt  }
0x64: {  	_ =	shalt  }
0x65: {  	_ =	shalt  }
0x66: {  	_ =	shalt  }
0x67: {  	_ =	shalt  }
0x68: {  	_ =	shalt  }
0x69: {  	_ =	shalt  }
0x6a: {  	_ =	shalt  }
0x6b: {  	_ =	shalt  }
0x6c: {  	_ =	shalt  }
0x6d: {  	_ =	shalt  }
0x6e: {  	_ =	shalt  }
0x6f: {  	_ =	shalt  }
0x70: {  	_ =	shalt  }
0x71: {  	_ =	shalt  }
0x72: {  	_ =	shalt  }
0x73: {  	_ =	shalt  }
0x74: {  	_ =	shalt  }
0x75: {  	_ =	shalt  }
0x76: {  	_ =	shalt  }
0x77: {  	_ =	shalt  }
0x78: {  	_ =	shalt  }
0x79: {  	_ =	shalt  }
0x7a: {  	_ =	shalt  }
0x7b: {  	_ =	shalt  }
0x7c: {  	_ =	shalt  }
0x7d: {  	_ =	shalt  }
0x7e: {  	_ =	shalt  }
0x7f: {  	_ =	shalt  }
0x80: {  	_ =	shalt  }
0x81: {  	_ =	shalt  }
0x82: {  	_ =	shalt  }
0x83: {  	_ =	shalt  }
0x84: {  	_ =	shalt  }
0x85: {  	_ =	shalt  }
0x86: {  	_ =	shalt  }
0x87: {  	_ =	shalt  }
.Lfunc_end0:
.L_simem_size_0:
called_computation.3_lowered:
.L_overlay_start_0:
0x88: {  	s2 =	sld [smem:$0x3FD9]  }
0x89: {  	s3 =	sld [smem:$0x3FFE];
	_ =	sdelay $0x1  }
0x8a: {  	s1 =	srdreg.scid  }
0x8b: {  	s0 =	sand.u32 $0x1, s1  }
0x8c: {  	s17 =	sshll.u32 s0, $0xA;
	s2 =	sadd.s32 s3, s2  }
0x8d: {  	s2 =	sadd.s32 s2, s17  }
0x8e: {  	[smem:$0x3FBC] =	sst s2  }
0x8f: {  	_ = 	snop  }
0x90: {  	s2 =	sld [smem:$0x3FD0];
	(tm) =	ssettm $0x1  }
0x91: {  	s18 =	sld [smem:$0x3FFB];
	_ =	sdelay $0x3  }
0x92: {  	_ =	strace s18  }
0x93: {  	s3 =	sld [smem:$0x3FFC];
	_ =	sdelay $0x3  }
0x94: {  	_ =	strace s3  }
0x95: {  	s3 =	sld [smem:$0x3FFD];
	_ =	sdelay $0x3  }
0x96: {  	_ =	strace s3  }
0x97: {  	_ =	strace $0x8FFFFFFF  }
0x98: {  	s19 =	sld [smem:$0x3FDB];
	_ =	sdelay $0x1  }
0x99: {  	s4 =	simm.s32 $_scs_section_size  }
0x9a: {  	s5 =	simm.s32 $_size__tile_overlayer_lowered;
	s6 =	simm.s32 $_tile_overlayer_lowered  }
0x9b: {  	s22 =	simm.s32 $0x1BFF;
	s21 =	sshll.u32 s6, $0x1;
	s3 =	sadd.s32 s4, s19  }
0x9c: {  	s7 =	simm.s32 $0x0;
	s20 =	sshll.u32 s5, $0x1;
	s5 =	sadd.s32 s21, s3  }
0x9d: {  	[timem:s7], [sflag:s22] =	dma.local [hbm:s5], s20  }
0x9e: {  	_ =	swait.ge [sflag:s22], s20  }
0x9f: {  	s4 =	ssub.s32 $0x0, s20;
	[sflag:s22] =	ssyncset.done $0x0  }
0xa0: {  	[sflag:s22] =	ssyncadd.s32 s4;
	_ =	sdelay $0x1  }
0xa1: {  	s23 =	simm.s32 $0x1B8B  }
0xa2: {  	_ =	swait.ge [sflag:s23], $0x1  }
0xa3: {  	[sflag:s23] =	ssyncset.done $0x0  }
0xa4: {  	s25 =	simm.s32 $0x1B8E;
	s24 =	sld [smem:$0x3FFE];
	[sflag:s23] =	ssyncadd.s32 $0xFFFFFFFF  }
0xa5: {  	s26 =	simm.s32 $execute0_lowered;
	[smem:$0x3FD2] =	sst s25  }
0xa6: {  	s5 =	sshll.u32 s26, $0x1;
	_ =	strace $0x8000004F;
	[dreg:$0x1] =	wrdreg $0xFFFFFFFF  }
0xa7: {  	s28 =	simm.s32 $_size_execute0_lowered;
	s3 =	sadd.s32 s3, s5;
	[dreg:$0x0] =	wrdreg $0x0  }
0xa8: {  	s5 =	sshll.u32 s28, $0x1;
	[dreg:$0x2] =	wrdreg s3  }
0xa9: {  	[dreg:$0x3] =	wrdreg s5  }
0xaa: {  	[dreg:$0x4] =	wrdreg $0xC0  }
0xab: {  	_ =	task [dreg:s7], $0x5FFFF  }
0xac: {  	[dreg:$0x1] =	wrdreg $0xFFFFFFFF  }
0xad: {  	[dreg:$0x0] =	wrdreg $0x60  }
0xae: {  	[dreg:$0x2] =	wrdreg s2  }
0xaf: {  	[dreg:$0x3] =	wrdreg s24  }
0xb0: {  	[dreg:$0x4] =	wrdreg $0xC3800  }
0xb1: {  	[dreg:$0x5] =	wrdreg $0x9  }
0xb2: {  	_ =	task.clear_ibuf [dreg:s7], $0x6FFFF;
	_ =	strace $0x9000004F  }
0xb3: {  	s29 =	simm.s32 $0x9;
	_ =	strace $0x80000051  }
0xb4: {  	_ =	swait.ge [sflag:s29], $0x1  }
0xb5: {  	[sflag:s29] =	ssyncadd.s32 $0xFFFFFFFF  }
0xb6: {  	_ =	strace $0x90000051  }
0xb7: {  	_ =	sfence  }
0xb8: {  	s30 =	sld [smem:$0x0];
	_ =	sdelay $0x2  }
0xb9: {  	s31 =	sshll.u32 s1, $0xD;
	s1 =	sshrl.u32 s1, $0x2  }
0xba: {  	s3 =	sand.u32 $0x4000, s31;
	s1 =	sadd.s32 s1, s30  }
0xbb: {  	s0 =	sor.u32 s3, s0;
	s1 =	sshll.u32 s1, $0x11  }
0xbc: {  	s0 =	sor.u32 s1, s0  }
0xbd: {  	s0 =	sadd.s32 $0x8F2B, s0  }
0xbe: {  	[sflag:s0] =	ssyncadd.remote.s32 $0x1  }
0xbf: {  	_ =	sfence.sel $0xFFFF  }
0xc0: {  	[dreg:$0x0] =	wrdreg $0xFFFFFFFF;
	(pc) =	sbr.abs _section_cstart, $3  }
0xc1: {  	[dreg:$0x1] =	wrdreg $0xFFFFFFFF  }
0xc2: {  	_ =	task.clear_ibuf [dreg:s7], $0x2FFFF;
	_ =	strace $0x9FFFFFFF  }
0xc3: {  	(tm) =	ssettm $0x7FFFFFFF  }
tec
execute0_lowered:
.L_overlay_start_1:
0x0: {  	(tag) =	ssettag $0x1  }
0x1: {  	s0 =	rddreg [dreg:$0x0]  }
0x2: {  	s2 =	rddreg [dreg:$0x1]  }
0x3: {  	s1 =	srdreg.scid;
	s3 =	rddreg [dreg:$0x2]  }
0x4: {  	s15 =	stileid.u32;
	s4 =	simm.s32 $0x0;
	s17 =	simm.s32 $0x1  }
0x5: {  	s18 =	simm.s32 $0x2;
	s19 =	simm.s32 $0x50;
	s20 =	simm.s32 $0x4B80  }
0x6: {  	s21 =	simm.s32 $0x7380;
	s31 =	simm.s32 $0x7FFFB9;
	s10 =	smul.u32 $0x13800, s15  }
0x7: {  	s1 =	sand.u32 $0x1, s1;
	[smem:$0x7FF] =	sst s4;
	s9 =	smul.u32 $0x4E000, s15  }
0x8: {  	s12 =	sadd.s32 $0x44400, s2;
	s26 =	sshll.u32 s15, $0x6;
	s16 =	sadd.s32 $0x138000, s3  }
0x9: {  	p0 =	sne.s32 s15, $0xF;
	s5 =	sshll.u32 s1, $0x4;
	_ =	strace $0x80000050  }
0xa: {  	s22 =	ssub.s32 $0x2, s1;
	s1 =	smul.u32 $0x138800, s1;
	s16 =	sshrl.u32 @!p0 s16, $0x3  }
0xb: {  	[dreg:$0x5] =	wrdreg s31;
	s5 =	sor.u32 s15, s5;
	s7 =	sshrl.u32 s10, $0x3  }
0xc: {  	s8 =	sshrl.u32 s22, $0x1;
	s25 =	sshrl.u32 s9, $0x2;
	s15 =	simm.s32 $0x4  }
0xd: {  	s6 =	smul.u32 $0x4E2, s5;
	s5 =	sshll.u32 s5, $0xB;
	s7 =	sadd.s32 s7, s2  }
0xe: {  	s13 =	ssub.s32 s22, s8;
	s14 =	sadd.s32 s25, s3;
	s8 =	sor.u32 $0x1C04, s26  }
0xf: {  	s29 =	sadd.s32 s10, s1;
	s1 =	sshrl.u32 s1, $0x3;
	s22 =	simm.s32 $0x9B80  }
0x10: {  	s26 =	simm.s32 $0x0;
	s11 =	sadd.s32 s5, s2;
	s28 =	sadd.s32 $0x1D200, s7  }
0x11: {  	s1 =	sadd.s32 s12, s1;
	s24 =	sadd.s32 $0xD200, s11;
	[dreg:$0x8] =	wrdreg s28  }
0x12: {  	s6 =	sadd.s32 s6, s2;
	s2 =	sadd.s32 $0x44200, s2;
	[dreg:$0x7] =	wrdreg s24  }
0x13: {  	s14 =	sshrl.u32 s14, $0x3;
	s30 =	sadd.s32 $0xD680, s11;
	[dreg:$0x9] =	wrdreg s2  }
0x14: {  	s23 =	sadd.s32 $0x3400, s6;
	s2 =	sshrl.u32 s29, $0x3;
	[dreg:$0x4] =	wrdreg s30  }
0x15: {  	s11 =	sadd.s32 $0x27000, s1;
	[dreg:$0x6] =	wrdreg s23;
	s2 =	sadd.s32 s12, s2  }
0x16: {  	s12 =	smax.u32 s13, $0x1;
	s23 =	simm.s32 $0x3;
	[dreg:$0xa] =	wrdreg s2  }
.LBB2_1:
0x17: {  	s1 =	rddreg [dreg:$0x6]  }
0x18: {  	s10 =	rddreg [dreg:$0x7]  }
0x19: {  	[tilespmem:s4], [sflag:$0x1] =	stream.linear.gather [hbm4b:s1+s4], $0x2710, $0x38;
	[tilespmem:$0x1FC00] =	vst v63  }
0x1a: {  	s2 =	simm.s32 $0x2780;
	s13 =	rddreg [dreg:$0x8]  }
0x1b: {  	[tilespmem:s2], [sflag:$0x2] =	stream.linear.gather [hbm4b:s10+s4], $0x2400, $0x38;
	[tilespmem:$0x1FC00] =	vst v63  }
0x1c: {  	[spmem:s14], [sflag:s8] =	dma.local [hbm:s13], $0x2700  }
0x1d: {  	_ =	swait.ge [sflag:s15], $0x2700  }
0x1e: {  	[sflag:s15] =	ssyncset.done $0x0  }
0x1f: {  	s1 =	rddreg [dreg:$0x9];
	[sflag:s15] =	ssyncadd.s32 $0xFFFFD900  }
0x20: {  	[spmem:s16], [sflag:s8] =	dma.local @!p0 [hbm:s1], $0x100  }
0x21: {  	s1 =	simm.s32 @!p0 $0x4  }
0x22: {  	_ =	swait.ge @!p0 [sflag:s1], $0x100  }
0x23: {  	[sflag:s1] =	ssyncset.done @!p0 $0x0  }
0x24: {  	[sflag:s1] =	ssyncadd.s32 @!p0 $0xFFFFFF00  }
0x25: {  	_ =	swait.ge [sflag:s17], $0x2710  }
0x26: {  	[sflag:s17] =	ssyncset.done $0x0  }
0x27: {  	[sflag:s17] =	ssyncadd.s32 $0xFFFFD8F0  }
0x28: {  	_ =	swait.ge [sflag:s18], $0x2400  }
0x29: {  	[sflag:s18] =	ssyncset.done $0x0  }
0x2a: {  	[sflag:s18] =	ssyncadd.s32 $0xFFFFDC00  }
0x2b: {  	p1 =	por $0x1, $0x1;
	[bflag:$0x0] =	sbarrier.arrive $0xFFFF  }
0x2c: {  	[tilespmem:s20], [sflag:$0x1] =	stream.indirect.gather [hbm4b:s0+s19], $0x80, s4, s19, $0xb8;
	[tilespmem:$0x1FC00] =	vst v63  }
0x2d: {  	s24 =	simm.s32 @!p1 $0x4  }
0x2e: {  	[tilespmem:s21], [sflag:$0x2] =	stream.indirect.gather [hbm4b:s0+s19], $0x80, s19, s19, $0xb8;
	[tilespmem:$0x1FC00] =	vst v63  }
0x2f: {  	s2 =	simm.s32 @!p1 $0x0;
	s13 =	simm.s32 @!p1 $0x2780;
	s1 =	rddreg [dreg:$0x4]  }
0x30: {  	[tilespmem:s13], [sflag:$0x4] =	stream.linear.gather @!p1 [hbm4b:s1+s2], $0x1A80, $0x38;
	[tilespmem:$0x1FC00] =	vst v63  }
0x31: {  	_ =	swait.ge @!p1 [sflag:s24], $0x1A80  }
0x32: {  	[sflag:s24] =	ssyncset.done @!p1 $0x0  }
0x33: {  	[sflag:s24] =	ssyncadd.s32 @!p1 $0xFFFFE580  }
0x34: {  	s1 =	simm.s32 $0xFFFFDC00;
	_ =	swait.ge [sflag:s17], $0x2800  }
0x35: {  	s2 =	simm.s32 $0x0;
	p1 =	por $0x0, $0x0;
	[sflag:s17] =	ssyncset.done $0x0  }
0x36: {  	s24 =	simm.s32 $0xA0;
	s2 =	smov.u32 @p1 s1;
	[sflag:s17] =	ssyncadd.s32 $0xFFFFD800  }
0x37: {  	[tilespmem:s22], [sflag:$0x3] =	stream.indirect.gather [hbm4b:s0+s19], $0x80, s24, s19, $0xb8;
	[tilespmem:$0x1FC00] =	vst v63  }
0x38: {  	s1 =	sadd.s32 $0x2780, s2  }
0x39: {  	[spmem:s3] =	stream.indirect.scatter.add.f32 [tilespmem:s20], [sflag:$0x4], $0x80, s1, s19, $0xb8;
	[tilespmem:$0x1FC00] =	vst v63  }
0x3a: {  	_ =	swait.ge [sflag:s15], $0x2800  }
0x3b: {  	[sflag:s15] =	ssyncset.done $0x0  }
0x3c: {  	[sflag:s15] =	ssyncadd.s32 $0xFFFFD800  }
0x3d: {  	_ =	swait.ge [sflag:s18], $0x2800  }
0x3e: {  	[sflag:s18] =	ssyncset.done $0x0;
	s1 =	rddreg [dreg:$0x5]  }
0x3f: {  	s25 =	simm.s32 $0xF0;
	[sflag:s18] =	ssyncadd.s32 $0xFFFFD800;
	s1 =	simm.s32 @!p1 $0x1  }
0x40: {  	[tilespmem:s20], [sflag:$0x1] =	stream.indirect.gather [hbm4b:s0+s19], $0x80, s25, s19, $0xb8;
	[tilespmem:$0x1FC00] =	vst v63  }
0x41: {  	s29 =	simm.s32 $0x140;
	s1 =	sadd.s32 $0x0, s1  }
0x42: {  	s13 =	simm.s32 $0x2;
	s2 =	simm.s32 $0x7FFFBA;
	s1 =	sshll.u32 s1, $0x9  }
0x43: {  	s28 =	simm.s32 $0x3;
	s13 =	smov.u32 @p1 s2;
	s1 =	sshra.s32 s1, $0x2  }
0x44: {  	s30 =	simm.s32 $0x180;
	s2 =	sshll.u32 s13, $0x9;
	s1 =	sadd.s32 $0x2780, s1  }
0x45: {  	[spmem:s3] =	stream.indirect.scatter.add.f32 [tilespmem:s21], [sflag:$0x4], $0x80, s1, s19, $0xb8;
	[tilespmem:$0x1FC00] =	vst v63  }
0x46: {  	s31 =	simm.s32 $0x0;
	s24 =	sshra.s32 s2, $0x2;
	_ =	swait.ge [sflag:s15], $0x2800  }
0x47: {  	s2 =	simm.s32 $0x140;
	s1 =	simm.s32 $0x6;
	[sflag:s15] =	ssyncset.done $0x0  }
.LBB2_2:
0x48: {  	[sflag:s15] =	ssyncadd.s32 $0xFFFFD800  }
0x49: {  	_ =	swait.ge [sflag:s23], $0x2800  }
0x4a: {  	[sflag:s23] =	ssyncset.done $0x0  }
0x4b: {  	[sflag:s23] =	ssyncadd.s32 $0xFFFFD800  }
0x4c: {  	[tilespmem:s21], [sflag:$0x2] =	stream.indirect.gather [hbm4b:s0+s19], $0x80, s2, s19, $0xb8;
	[tilespmem:$0x1FC00] =	vst v63  }
0x4d: {  	s24 =	sadd.s32 $0x2780, s24  }
0x4e: {  	[spmem:s3] =	stream.indirect.scatter.add.f32 [tilespmem:s22], [sflag:$0x4], $0x80, s24, s19, $0xb8;
	[tilespmem:$0x1FC00] =	vst v63  }
0x4f: {  	p3 =	sne.s32 s28, $0x48;
	_ =	swait.ge [sflag:s15], $0x2800  }
0x50: {  	s7 =	simm.s32 @!p3 $0x0;
	s9 =	simm.s32 @!p3 $0x2780;
	[sflag:s15] =	ssyncset.done $0x0  }
0x51: {  	s10 =	simm.s32 @!p3 $0x4;
	s25 =	rddreg [dreg:$0x4];
	[sflag:s15] =	ssyncadd.s32 $0xFFFFD800  }
0x52: {  	[tilespmem:s9], [sflag:$0x4] =	stream.linear.gather @!p3 [hbm4b:s25+s7], $0x1A80, $0x38;
	[tilespmem:$0x1FC00] =	vst v63  }
0x53: {  	_ =	swait.ge @!p3 [sflag:s10], $0x1A80  }
0x54: {  	[sflag:s10] =	ssyncset.done @!p3 $0x0  }
0x55: {  	s31 =	sadd.s32 $0x1, s31;
	[sflag:s10] =	ssyncadd.s32 @!p3 $0xFFFFE580  }
0x56: {  	s29 =	sadd.s32 $0xF0, s29;
	s5 =	sadd.s32 $0xFFFFDC00, s30;
	_ =	swait.ge [sflag:s17], $0x2800  }
0x57: {  	p2 =	sgt.u32 s31, $0x17;
	s9 =	smov.u32 s30;
	[sflag:s17] =	ssyncset.done $0x0  }
0x58: {  	s25 =	sadd.s32 $0xFFFFFF60, s29;
	s9 =	smov.u32 @p2 s5;
	[sflag:s17] =	ssyncadd.s32 $0xFFFFD800  }
0x59: {  	[tilespmem:s22], [sflag:$0x3] =	stream.indirect.gather [hbm4b:s0+s19], $0x80, s25, s19, $0xb8;
	[tilespmem:$0x1FC00] =	vst v63  }
0x5a: {  	s10 =	sadd.s32 $0x2780, s9  }
0x5b: {  	[spmem:s3] =	stream.indirect.scatter.add.f32 [tilespmem:s20], [sflag:$0x4], $0x80, s10, s19, $0xb8;
	[tilespmem:$0x1FC00] =	vst v63  }
0x5c: {  	_ =	swait.ge [sflag:s15], $0x2800  }
0x5d: {  	[sflag:s15] =	ssyncset.done $0x0  }
0x5e: {  	[sflag:s15] =	ssyncadd.s32 $0xFFFFD800  }
0x5f: {  	_ =	swait.ge [sflag:s18], $0x2800  }
0x60: {  	s13 =	smov.u32 s1;
	[sflag:s18] =	ssyncset.done $0x0;
	s5 =	rddreg [dreg:$0x5]  }
0x61: {  	s25 =	sadd.s32 $0xFFFFFFB0, s29;
	[sflag:s18] =	ssyncadd.s32 $0xFFFFD800;
	s5 =	simm.s32 @!p2 $0x1  }
0x62: {  	[tilespmem:s20], [sflag:$0x1] =	stream.indirect.gather [hbm4b:s0+s19], $0x80, s25, s19, $0xb8;
	[tilespmem:$0x1FC00] =	vst v63  }
0x63: {  	s1 =	sadd.s32 $0x3, s1;
	s6 =	sadd.s32 $0x2, s28;
	s5 =	sadd.s32 s28, s5  }
0x64: {  	p1 =	sne.s32 s1, $0x7B;
	s24 =	sadd.s32 $0x7FFFBA, s28;
	s5 =	sshll.u32 s5, $0x9  }
.Ltmp0:
0x65: {  	s6 =	smov.u32 @p2 s24;
	s5 =	sshra.s32 s5, $0x2;
	(pc) =	sbr.rel @p1 .LBB2_2-.Ltmp0, $4  }
0x66: {  	s6 =	sshll.u32 s6, $0x9;
	s5 =	sadd.s32 $0x2780, s5  }
0x67: {  	[spmem:s3] =	stream.indirect.scatter.add.f32 [tilespmem:s21], [sflag:$0x4], $0x80, s5, s19, $0xb8;
	[tilespmem:$0x1FC00] =	vst v63  }
0x68: {  	s2 =	smov.u32 s29;
	s24 =	sshra.s32 s6, $0x2;
	_ =	swait.ge [sflag:s15], $0x2800  }
0x69: {  	s30 =	sadd.s32 $0x180, s30;
	s28 =	smov.u32 s13;
	[sflag:s15] =	ssyncset.done $0x0  }
0x6a: {  	[sflag:s15] =	ssyncadd.s32 $0xFFFFD800  }
0x6b: {  	_ =	swait.ge [sflag:s23], $0x2800  }
0x6c: {  	[sflag:s23] =	ssyncset.done $0x0  }
0x6d: {  	[sflag:s23] =	ssyncadd.s32 $0xFFFFD800  }
0x6e: {  	[tilespmem:s21], [sflag:$0x2] =	stream.indirect.gather [hbm4b:s0+s19], $0x80, s2, s19, $0xb8;
	[tilespmem:$0x1FC00] =	vst v63  }
0x6f: {  	s1 =	sadd.s32 $0x2780, s24  }
0x70: {  	[spmem:s3] =	stream.indirect.scatter.add.f32 [tilespmem:s22], [sflag:$0x4], $0x80, s1, s19, $0xb8;
	[tilespmem:$0x1FC00] =	vst v63  }
0x71: {  	p1 =	sne.s32 s28, $0x48;
	_ =	swait.ge [sflag:s15], $0x2800  }
0x72: {  	s5 =	simm.s32 @!p1 $0x2780;
	[sflag:s15] =	ssyncset.done $0x0  }
0x73: {  	s2 =	simm.s32 @!p1 $0x0;
	s1 =	rddreg [dreg:$0x4];
	[sflag:s15] =	ssyncadd.s32 $0xFFFFD800  }
0x74: {  	[tilespmem:s5], [sflag:$0x4] =	stream.linear.gather @!p1 [hbm4b:s1+s2], $0x1A80, $0x38;
	[tilespmem:$0x1FC00] =	vst v63  }
0x75: {  	s1 =	simm.s32 @!p1 $0x4  }
0x76: {  	_ =	swait.ge @!p1 [sflag:s1], $0x1A80  }
0x77: {  	[sflag:s1] =	ssyncset.done @!p1 $0x0  }
0x78: {  	[sflag:s1] =	ssyncadd.s32 @!p1 $0xFFFFE580  }
0x79: {  	s9 =	sadd.s32 $0x1, s31;
	s10 =	sadd.s32 $0xF0, s29;
	_ =	swait.ge [sflag:s17], $0x2800  }
0x7a: {  	p1 =	sgt.u32 s9, $0x17;
	s1 =	sadd.s32 $0xFFFFDC00, s30;
	[sflag:s17] =	ssyncset.done $0x0  }
0x7b: {  	s13 =	sadd.s32 $0xFFFFFF60, s10;
	s30 =	smov.u32 @p1 s1;
	[sflag:s17] =	ssyncadd.s32 $0xFFFFD800  }
0x7c: {  	[tilespmem:s22], [sflag:$0x3] =	stream.indirect.gather [hbm4b:s0+s19], $0x80, s13, s19, $0xb8;
	[tilespmem:$0x1FC00] =	vst v63  }
0x7d: {  	s24 =	sadd.s32 $0x2780, s30  }
0x7e: {  	[spmem:s3] =	stream.indirect.scatter.add.f32 [tilespmem:s20], [sflag:$0x4], $0x80, s24, s19, $0xb8;
	[tilespmem:$0x1FC00] =	vst v63  }
0x7f: {  	_ =	swait.ge [sflag:s15], $0x2800  }
0x80: {  	[sflag:s15] =	ssyncset.done $0x0  }
0x81: {  	[sflag:s15] =	ssyncadd.s32 $0xFFFFD800  }
0x82: {  	_ =	swait.ge [sflag:s18], $0x2800  }
0x83: {  	[sflag:s18] =	ssyncset.done $0x0;
	s1 =	rddreg [dreg:$0x5]  }
0x84: {  	s25 =	sadd.s32 $0xFFFFFFB0, s10;
	[sflag:s18] =	ssyncadd.s32 $0xFFFFD800;
	s1 =	simm.s32 @!p1 $0x1  }
0x85: {  	[tilespmem:s20], [sflag:$0x1] =	stream.indirect.gather [hbm4b:s0+s19], $0x80, s25, s19, $0xb8;
	[tilespmem:$0x1FC00] =	vst v63  }
0x86: {  	s1 =	sadd.s32 s28, s1  }
0x87: {  	s1 =	sshll.u32 s1, $0x9  }
0x88: {  	s1 =	sshra.s32 s1, $0x2  }
0x89: {  	s1 =	sadd.s32 $0x2780, s1  }
0x8a: {  	[spmem:s3] =	stream.indirect.scatter.add.f32 [tilespmem:s21], [sflag:$0x4], $0x80, s1, s19, $0xb8;
	[tilespmem:$0x1FC00] =	vst v63  }
0x8b: {  	_ =	swait.ge [sflag:s15], $0x2800  }
0x8c: {  	[sflag:s15] =	ssyncset.done $0x0  }
0x8d: {  	s5 =	sadd.s32 $0x2, s28;
	s1 =	sadd.s32 $0x7FFFBA, s28;
	[sflag:s15] =	ssyncadd.s32 $0xFFFFD800  }
0x8e: {  	s5 =	smov.u32 @p1 s1;
	_ =	swait.ge [sflag:s23], $0x2800  }
0x8f: {  	s1 =	sshll.u32 s5, $0x9;
	[sflag:s23] =	ssyncset.done $0x0  }
0x90: {  	s1 =	sshra.s32 s1, $0x2;
	[sflag:s23] =	ssyncadd.s32 $0xFFFFD800  }
0x91: {  	[tilespmem:s21], [sflag:$0x2] =	stream.indirect.gather [hbm4b:s0+s19], $0x80, s10, s19, $0xb8;
	[tilespmem:$0x1FC00] =	vst v63  }
0x92: {  	s1 =	sadd.s32 $0x2780, s1  }
0x93: {  	[spmem:s3] =	stream.indirect.scatter.add.f32 [tilespmem:s22], [sflag:$0x4], $0x80, s1, s19, $0xb8;
	[tilespmem:$0x1FC00] =	vst v63  }
0x94: {  	_ =	swait.ge [sflag:s15], $0x2800  }
0x95: {  	[sflag:s15] =	ssyncset.done $0x0  }
0x96: {  	[sflag:s15] =	ssyncadd.s32 $0xFFFFD800  }
0x97: {  	_ =	swait.ge [sflag:s17], $0x2800  }
0x98: {  	[sflag:s17] =	ssyncset.done $0x0  }
0x99: {  	s29 =	simm.s32 $0x4100;
	[sflag:s17] =	ssyncadd.s32 $0xFFFFD800  }
0x9a: {  	[spmem:s3] =	stream.indirect.scatter.add.f32 [tilespmem:s20], [sflag:$0x4], $0x80, s29, s19, $0xb8;
	[tilespmem:$0x1FC00] =	vst v63  }
0x9b: {  	_ =	swait.ge [sflag:s15], $0x2800  }
0x9c: {  	[sflag:s15] =	ssyncset.done $0x0  }
0x9d: {  	[sflag:s15] =	ssyncadd.s32 $0xFFFFD800  }
0x9e: {  	_ =	swait.ge [sflag:s18], $0x2800  }
0x9f: {  	[sflag:s18] =	ssyncset.done $0x0  }
0xa0: {  	s30 =	simm.s32 $0x4180;
	[sflag:s18] =	ssyncadd.s32 $0xFFFFD800  }
0xa1: {  	[spmem:s3] =	stream.indirect.scatter.add.f32 [tilespmem:s21], [sflag:$0x4], $0x80, s30, s19, $0xb8;
	[tilespmem:$0x1FC00] =	vst v63  }
0xa2: {  	_ =	swait.ge [sflag:s15], $0x2800  }
0xa3: {  	[sflag:s15] =	ssyncset.done $0x0  }
0xa4: {  	[sflag:s15] =	ssyncadd.s32 $0xFFFFD800  }
0xa5: {  	[bflag:$0x0] =	sbarrier.arrive $0xFFFF  }
0xa6: {  	s31 =	rddreg [dreg:$0xa]  }
0xa7: {  	[hbm:s31], [sflag:s8] =	dma.local [spmem:s14], $0x2700  }
0xa8: {  	s26 =	sadd.s32 $0x1, s26;
	_ =	swait.ge [sflag:s15], $0x2700  }
0xa9: {  	p1 =	sne.s32 s26, s12;
	[sflag:s15] =	ssyncset.done $0x0  }
.Ltmp1:
0xaa: {  	s1 =	simm.s32 @!p0 $0x4;
	[sflag:s15] =	ssyncadd.s32 $0xFFFFD900;
	(pc) =	sbr.rel @p1 .LBB2_1-.Ltmp1, $4  }
0xab: {  	[hbm:s11], [sflag:s8] =	dma.local @!p0 [spmem:s16], $0x100  }
0xac: {  	_ =	swait.ge @!p0 [sflag:s1], $0x100  }
0xad: {  	[sflag:s1] =	ssyncset.done @!p0 $0x0  }
0xae: {  	[sflag:s1] =	ssyncadd.s32 @!p0 $0xFFFFFF00  }
0xaf: {  	_ =	sfence.sel $0x180000  }
0xb0: {  	[bflag:$0x0] =	sbarrier.arrive $0xFFFF  }
0xb1: {  	_ =	strace $0x90000050  }
0xb2: {  	s0 =	stileid.u32;
	[bflag:$0x2] =	sbarrier.arrive $0xFFFF  }
0xb3: {  	p0 =	sne.s32 s0, $0x0;
	s0 =	rddreg [dreg:$0x3]  }
0xb4: {  	s0 =	sadd.s32 @!p0 $0x100000, s0  }
0xb5: {  	[sflag:s0] =	ssyncadd.tile.s32 @!p0 $0x1;
	_ =	shalt  }
.Lfunc_end2:
_tile_overlayer_lowered:
.L_overlay_start_2:
0xb6: {  	(tag) =	ssettag $0x2  }
0xb7: {  	s0 =	rddreg [dreg:$0x0];
	s2 =	stileid.u32  }
0xb8: {  	s1 =	rddreg [dreg:$0x1];
	p0 =	sne.s32 s2, $0x0  }
0xb9: {  	s3 =	rddreg [dreg:$0x2];
	[bflag:$0x3] =	sbarrier.arrive $0xFFFF;
	s2 =	simm.s32 @!p0 $0x1C04  }
0xba: {  	[timem:s3], [sflag:s2] =	dma.local @!p0 [hbm:s0], s1  }
0xbb: {  	s0 =	simm.s32 @!p0 $0x4  }
0xbc: {  	_ =	swait.ge @!p0 [sflag:s0], s1  }
0xbd: {  	s1 =	ssub.s32 @!p0 $0x0, s1;
	[sflag:s0] =	ssyncset.done @!p0 $0x0  }
0xbe: {  	[sflag:s0] =	ssyncadd.s32 @!p0 s1  }
0xbf: {  	[bflag:$0x3] =	sbarrier.arrive $0xFFFF  }
0xc0: {  	_ =	shalt  }

</sc_bundles>
